<compile_context>
chip_gen: v7x
topology: tpu7x:2x2x1
jax: 0.10.2.dev20260603
libtpu: 0.0.44.dev20260713+nightly
codegen_flags: <defaults>
</compile_context>

<pallas_src>
import jax
import jax.numpy as jnp
from jax import lax
from jax.experimental import pallas as pl
from jax.experimental.pallas import tpu as pltpu
from jax.experimental.pallas import tpu_sc as plsc

_NC = 2
_NS = 16
_L = 16
_NW = _NC * _NS

_B, _S, _D = 4096, 200, 64
_R = _S * _D
_RPW = _R // _NW
_CR = 8
_NCOL = 1
_CB = _B // _NCOL
_G = (_RPW // _CR) * _NCOL
_NBUF = 3
_GMAIN = (_G // _NBUF) * _NBUF
_PREF = 2


def _body(x_hbm, pos_hbm, out_hbm, pos_v, *scr):
    wid = lax.axis_index("s") * _NC + lax.axis_index("c")
    base = wid * _RPW

    bufs = scr[:_NBUF]
    sis = scr[_NBUF:2 * _NBUF]
    sos = scr[2 * _NBUF:3 * _NBUF]
    sp = scr[3 * _NBUF]

    def chunk_slice(ref, c):
        row0 = base + (c // _NCOL) * _CR
        col0 = (c % _NCOL) * _CB
        return ref.at[pl.ds(row0, _CR), pl.ds(col0, _CB)]

    pltpu.async_copy(pos_hbm, pos_v.at[pl.ds(0, _R)], sp).wait()
    for k in range(_PREF):
        pltpu.async_copy(chunk_slice(x_hbm, k), bufs[k], sis[k])

    def process(c, b, in_main_loop):
        buf, si, so = bufs[b], sis[b], sos[b]

        pltpu.make_async_copy(chunk_slice(x_hbm, c), buf, si).wait()

        pv = pos_v[pl.ds(base + (c // _NCOL) * _CR, _L)]
        for r in range(_CR):
            p = jnp.broadcast_to(pv[r], (_L,))

            @plsc.parallel_loop(0, _CB, step=_L, unroll=16)
            def _add(off):
                buf[r, pl.ds(off, _L)] = buf[r, pl.ds(off, _L)] + p

        pltpu.async_copy(buf, chunk_slice(out_hbm, c), so)

        if in_main_loop:
            nb = (b + _PREF) % _NBUF

            @pl.when(c + _PREF < _G)
            def _start_next_in():
                @pl.when(c >= _NBUF - _PREF)
                def _wait_prev_out():
                    pltpu.make_async_copy(
                        bufs[nb], chunk_slice(out_hbm, c), sos[nb]).wait()

                pltpu.async_copy(
                    chunk_slice(x_hbm, c + _PREF), bufs[nb], sis[nb])

    def step(c6, carry):
        for b in range(_NBUF):
            process(c6 * _NBUF + b, b, True)
        return carry

    lax.fori_loop(0, _GMAIN // _NBUF, step, 0)

    for c in range(_GMAIN, _G):
        process(c, c % _NBUF, False)

    for k in range(_G - _NBUF, _G):
        pltpu.make_async_copy(
            bufs[k % _NBUF], chunk_slice(out_hbm, k), sos[k % _NBUF]).wait()


def kernel(x, pos_embedding):
    xp = x.transpose(1, 2, 0).reshape(_R, _B)
    posf = pos_embedding.reshape(_R)
    mesh = plsc.VectorSubcoreMesh(core_axis_name="c", subcore_axis_name="s")
    out = pl.kernel(
        _body,
        out_type=jax.ShapeDtypeStruct((_R, _B), jnp.float32),
        mesh=mesh,
        scratch_types=(
            [pltpu.VMEM((_R + _L,), jnp.float32)]
            + [pltpu.VMEM((_CR, _CB), jnp.float32) for _ in range(_NBUF)]
            + [pltpu.SemaphoreType.DMA for _ in range(2 * _NBUF + 1)]
        ),
    )(xp, posf)
    return out.reshape(_S, _D, _B).transpose(2, 0, 1)

# --- scband reference (transcript-rebuilt; emitter-appended) ---
"""Pipeline reference for scband-learned-positional-encoding-75694503624923 (READ-ONLY COPY).

The authoritative reference and input builder live on the scoring server;
editing this copy changes nothing except your own understanding.
"""

import jax, jax.numpy as jnp
import numpy as np


def setup_inputs(seed: int = 0) -> dict:
    key = jax.random.key(seed)
    k1, k2 = jax.random.split(key)
    x = jax.random.normal(k1, (4096, 200, 64), dtype=jnp.float32)
    # learned positional embedding table, nn.Embedding(max_len=200, d_model=64)
    pos_embedding = jax.random.normal(k2, (200, 64), dtype=jnp.float32)
    return {"x": x, "pos_embedding": pos_embedding}


def reference(x, pos_embedding):
    seq_len = x.shape[1]
    positions = jnp.arange(seq_len)
    pos_emb = jnp.take(pos_embedding, positions, axis=0)  # (seq_len, d_model)
    return x + pos_emb[None, :, :]

if __name__ == "__main__":
    import jax
    _d = setup_inputs()
    print(jax.jit(kernel)(*tuple(_d.values())))

</pallas_src>

<mosaic_0001>
#map = affine_map<(d0, d1) -> (0, 0)>
#map1 = affine_map<(d0, d1) -> (0)>
module attributes {stable_mosaic.version = 14 : i64} {
  func.func @_body(%arg0: i32, %arg1: i32, %arg2: memref<12800x4096xf32, #tpu.memory_space<hbm>>, %arg3: memref<12800xf32, #tpu.memory_space<hbm>>, %arg4: memref<12800x4096xf32, #tpu.memory_space<hbm>>, %arg5: memref<12816xf32, #tpu.memory_space<vmem>>, %arg6: memref<8x4096xf32, #tpu.memory_space<vmem>>, %arg7: memref<8x4096xf32, #tpu.memory_space<vmem>>, %arg8: memref<8x4096xf32, #tpu.memory_space<vmem>>, %arg9: memref<!tpu.dma_semaphore, #tpu.memory_space<semaphore_mem>>, %arg10: memref<!tpu.dma_semaphore, #tpu.memory_space<semaphore_mem>>, %arg11: memref<!tpu.dma_semaphore, #tpu.memory_space<semaphore_mem>>, %arg12: memref<!tpu.dma_semaphore, #tpu.memory_space<semaphore_mem>>, %arg13: memref<!tpu.dma_semaphore, #tpu.memory_space<semaphore_mem>>, %arg14: memref<!tpu.dma_semaphore, #tpu.memory_space<semaphore_mem>>, %arg15: memref<!tpu.dma_semaphore, #tpu.memory_space<semaphore_mem>>) attributes {dimension_semantics = [#tpu.dimension_semantics<core_parallel>, #tpu.dimension_semantics<subcore_parallel>], iteration_bounds = array<i64: 2, 16>, scalar_prefetch = 0 : i64, scratch_operands = 11 : i64, tpu.core_type = #tpu.core_type<sc_vector_subcore>, window_params = [{transform_indices = #map}, {transform_indices = #map1}, {transform_indices = #map}]} {
    %mul3A = arith.constant 2 : i32
    %mul3A_0 = arith.muli %arg1, %mul3A : i32
    %add3A = arith.addi %mul3A_0, %arg0 : i32
    %mul3A_1 = arith.constant 400 : i32
    %mul3A_2 = arith.muli %add3A, %mul3A_1 : i32
    %dma_start3A = arith.constant 0 : i32
    %dma_start3A_3 = tpu.memref_slice %arg5[%dma_start3A] : memref<12816xf32, #tpu.memory_space<vmem>> -> memref<12800xf32, #tpu.memory_space<vmem>>
    %dma_start3A_4 = arith.constant 0 : i32
    %dma_start3A_5 = tpu.memref_slice %arg5[%dma_start3A_4] : memref<12816xf32, #tpu.memory_space<vmem>> -> memref<12800xf32, #tpu.memory_space<vmem>>
    tpu.enqueue_dma source(%arg3 : memref<12800xf32, #tpu.memory_space<hbm>>) target(%dma_start3A_5 : memref<12800xf32, #tpu.memory_space<vmem>>) target_semaphore(%arg15 : memref<!tpu.dma_semaphore, #tpu.memory_space<semaphore_mem>>)
    %dma_wait3A = arith.constant 0 : i32
    %dma_wait3A_6 = tpu.memref_slice %arg5[%dma_wait3A] : memref<12816xf32, #tpu.memory_space<vmem>> -> memref<12800xf32, #tpu.memory_space<vmem>>
    %dma_wait3A_7 = arith.constant 0 : i32
    %dma_wait3A_8 = tpu.memref_slice %arg5[%dma_wait3A_7] : memref<12816xf32, #tpu.memory_space<vmem>> -> memref<12800xf32, #tpu.memory_space<vmem>>
    tpu.wait_dma2 semaphore(%arg15 : memref<!tpu.dma_semaphore, #tpu.memory_space<semaphore_mem>>) src(%arg3 : memref<12800xf32, #tpu.memory_space<hbm>>) dst(%dma_wait3A_8 : memref<12800xf32, #tpu.memory_space<vmem>>)
    %add3A_9 = arith.constant 0 : i32
    %add3A_10 = arith.addi %mul3A_2, %add3A_9 : i32
    %dma_start3A_11 = arith.constant 0 : i32
    %dma_start3A_12 = tpu.memref_slice %arg2[%add3A_10, %dma_start3A_11] : memref<12800x4096xf32, #tpu.memory_space<hbm>> -> memref<8x4096xf32, #tpu.memory_space<hbm>>
    %dma_start3A_13 = arith.constant 0 : i32
    %dma_start3A_14 = tpu.memref_slice %arg2[%add3A_10, %dma_start3A_13] : memref<12800x4096xf32, #tpu.memory_space<hbm>> -> memref<8x4096xf32, #tpu.memory_space<hbm>>
    tpu.enqueue_dma source(%dma_start3A_14 : memref<8x4096xf32, #tpu.memory_space<hbm>>) target(%arg6 : memref<8x4096xf32, #tpu.memory_space<vmem>>) target_semaphore(%arg9 : memref<!tpu.dma_semaphore, #tpu.memory_space<semaphore_mem>>)
    %add3A_15 = arith.constant 8 : i32
    %add3A_16 = arith.addi %mul3A_2, %add3A_15 : i32
    %dma_start3A_17 = arith.constant 0 : i32
    %dma_start3A_18 = tpu.memref_slice %arg2[%add3A_16, %dma_start3A_17] : memref<12800x4096xf32, #tpu.memory_space<hbm>> -> memref<8x4096xf32, #tpu.memory_space<hbm>>
    %dma_start3A_19 = arith.constant 0 : i32
    %dma_start3A_20 = tpu.memref_slice %arg2[%add3A_16, %dma_start3A_19] : memref<12800x4096xf32, #tpu.memory_space<hbm>> -> memref<8x4096xf32, #tpu.memory_space<hbm>>
    tpu.enqueue_dma source(%dma_start3A_20 : memref<8x4096xf32, #tpu.memory_space<hbm>>) target(%arg7 : memref<8x4096xf32, #tpu.memory_space<vmem>>) target_semaphore(%arg10 : memref<!tpu.dma_semaphore, #tpu.memory_space<semaphore_mem>>)
    %scan3A = arith.constant 0 : i32
    %scan3A_21 = arith.constant 0 : i32
    %scan3A_22 = arith.constant 16 : i32
    %scan3A_23 = arith.addi %scan3A_21, %scan3A_22 : i32
    %scan3A_24 = arith.constant 1 : i32
    scf.for %scan3A_169 = %scan3A_21 to %scan3A_23 step %scan3A_24  : i32 {
      %mul3A_170 = arith.constant 3 : i32
      %mul3A_171 = arith.muli %scan3A_169, %mul3A_170 : i32
      %add3A_172 = arith.constant 0 : i32
      %add3A_173 = arith.addi %mul3A_171, %add3A_172 : i32
      %jit3A = arith.constant 1 : i32
      %div3A = arith.divsi %add3A_173, %jit3A : i32
      %sign3A = arith.constant 0 : i32
      %sign3A_174 = arith.cmpi sgt, %add3A_173, %sign3A : i32
      %sign3A_175 = arith.extui %sign3A_174 : i1 to i32
      %sign3A_176 = arith.constant 0 : i32
      %sign3A_177 = arith.cmpi slt, %add3A_173, %sign3A_176 : i32
      %sign3A_178 = arith.extui %sign3A_177 : i1 to i32
      %sign3A_179 = arith.subi %sign3A_175, %sign3A_178 : i32
      %sign3A_180 = arith.constant 0 : i32
      %sign3A_181 = arith.cmpi sgt, %jit3A, %sign3A_180 : i32
      %sign3A_182 = arith.extui %sign3A_181 : i1 to i32
      %sign3A_183 = arith.constant 0 : i32
      %sign3A_184 = arith.cmpi slt, %jit3A, %sign3A_183 : i32
      %sign3A_185 = arith.extui %sign3A_184 : i1 to i32
      %sign3A_186 = arith.subi %sign3A_182, %sign3A_185 : i32
      %ne3A = arith.cmpi ne, %sign3A_179, %sign3A_186 : i32
      %rem3A = arith.remsi %add3A_173, %jit3A : i32
      %ne3A_187 = arith.constant 0 : i32
      %ne3A_188 = arith.cmpi ne, %rem3A, %ne3A_187 : i32
      %and3A = arith.andi %ne3A, %ne3A_188 : i1
      %sub3A = arith.constant 1 : i32
      %sub3A_189 = arith.subi %div3A, %sub3A : i32
      %select_n3A = arith.select %and3A, %sub3A_189, %div3A : i32
      %mul3A_190 = arith.constant 8 : i32
      %mul3A_191 = arith.muli %select_n3A, %mul3A_190 : i32
      %add3A_192 = arith.addi %mul3A_2, %mul3A_191 : i32
      %jit3A_193 = arith.constant 1 : i32
      %eq3A = arith.constant 0 : i32
      %eq3A_194 = arith.cmpi eq, %jit3A_193, %eq3A : i32
      %jit3A_195 = arith.constant 1 : i32
      %select_n3A_196 = arith.select %eq3A_194, %jit3A_195, %jit3A_193 : i32
      %rem3A_197 = arith.remsi %add3A_173, %select_n3A_196 : i32
      %ne3A_198 = arith.constant 0 : i32
      %ne3A_199 = arith.cmpi ne, %rem3A_197, %ne3A_198 : i32
      %lt3A = arith.constant 0 : i32
      %lt3A_200 = arith.cmpi slt, %rem3A_197, %lt3A : i32
      %lt3A_201 = arith.constant 0 : i32
      %lt3A_202 = arith.cmpi slt, %select_n3A_196, %lt3A_201 : i32
      %ne3A_203 = arith.xori %lt3A_200, %lt3A_202 : i1
      %and3A_204 = arith.andi %ne3A_203, %ne3A_199 : i1
      %add3A_205 = arith.addi %rem3A_197, %select_n3A_196 : i32
      %select_n3A_206 = arith.select %and3A_204, %add3A_205, %rem3A_197 : i32
      %mul3A_207 = arith.constant 4096 : i32
      %mul3A_208 = arith.muli %select_n3A_206, %mul3A_207 : i32
      %dma_wait3A_209 = tpu.memref_slice %arg2[%add3A_192, %mul3A_208] : memref<12800x4096xf32, #tpu.memory_space<hbm>> -> memref<8x4096xf32, #tpu.memory_space<hbm>>
      %dma_wait3A_210 = tpu.memref_slice %arg2[%add3A_192, %mul3A_208] : memref<12800x4096xf32, #tpu.memory_space<hbm>> -> memref<8x4096xf32, #tpu.memory_space<hbm>>
      tpu.wait_dma2 semaphore(%arg9 : memref<!tpu.dma_semaphore, #tpu.memory_space<semaphore_mem>>) src(%dma_wait3A_210 : memref<8x4096xf32, #tpu.memory_space<hbm>>) dst(%arg6 : memref<8x4096xf32, #tpu.memory_space<vmem>>)
      %jit3A_211 = arith.constant 1 : i32
      %div3A_212 = arith.divsi %add3A_173, %jit3A_211 : i32
      %sign3A_213 = arith.constant 0 : i32
      %sign3A_214 = arith.cmpi sgt, %add3A_173, %sign3A_213 : i32
      %sign3A_215 = arith.extui %sign3A_214 : i1 to i32
      %sign3A_216 = arith.constant 0 : i32
      %sign3A_217 = arith.cmpi slt, %add3A_173, %sign3A_216 : i32
      %sign3A_218 = arith.extui %sign3A_217 : i1 to i32
      %sign3A_219 = arith.subi %sign3A_215, %sign3A_218 : i32
      %sign3A_220 = arith.constant 0 : i32
      %sign3A_221 = arith.cmpi sgt, %jit3A_211, %sign3A_220 : i32
      %sign3A_222 = arith.extui %sign3A_221 : i1 to i32
      %sign3A_223 = arith.constant 0 : i32
      %sign3A_224 = arith.cmpi slt, %jit3A_211, %sign3A_223 : i32
      %sign3A_225 = arith.extui %sign3A_224 : i1 to i32
      %sign3A_226 = arith.subi %sign3A_222, %sign3A_225 : i32
      %ne3A_227 = arith.cmpi ne, %sign3A_219, %sign3A_226 : i32
      %rem3A_228 = arith.remsi %add3A_173, %jit3A_211 : i32
      %ne3A_229 = arith.constant 0 : i32
      %ne3A_230 = arith.cmpi ne, %rem3A_228, %ne3A_229 : i32
      %and3A_231 = arith.andi %ne3A_227, %ne3A_230 : i1
      %sub3A_232 = arith.constant 1 : i32
      %sub3A_233 = arith.subi %div3A_212, %sub3A_232 : i32
      %select_n3A_234 = arith.select %and3A_231, %sub3A_233, %div3A_212 : i32
      %mul3A_235 = arith.constant 8 : i32
      %mul3A_236 = arith.muli %select_n3A_234, %mul3A_235 : i32
      %add3A_237 = arith.addi %mul3A_2, %mul3A_236 : i32
      %get3A_238 = arith.index_cast %add3A_237 : i32 to index
      %get3A_239 = tpu.vector_load %arg5[%get3A_238] {strides = array<i32>} : memref<12816xf32, #tpu.memory_space<vmem>>, vector<16xf32>,
      %get3A_240 = vector.shape_cast %get3A_239 : vector<16xf32> to vector<16xf32>
      %slice3A_241 = vector.extract_strided_slice %get3A_240 {offsets = [0], sizes = [1], strides = [1]} : vector<16xf32> to vector<1xf32>
      %squeeze3A_242 = vector.extract %slice3A_241[0] : f32 from vector<1xf32>
      %broadcast_in_dim3A_243 = vector.broadcast %squeeze3A_242 : f32 to vector<16xf32>
      %parallel_loop3A_244 = arith.constant 0 : i32
      %parallel_loop3A_245 = arith.constant 4096 : i32
      %parallel_loop3A_246 = arith.constant 16 : i32
      scf.for %parallel_loop3A_707 = %parallel_loop3A_244 to %parallel_loop3A_245 step %parallel_loop3A_246  : i32 {
        %parallel_loop3A_708 = arith.constant 0 : i32
        %parallel_loop3A_709 = arith.index_cast %parallel_loop3A_708 : i32 to index
        %parallel_loop3A_710 = arith.index_cast %parallel_loop3A_707 : i32 to index
        %parallel_loop3A_711 = tpu.vector_load %arg6[%parallel_loop3A_709, %parallel_loop3A_710] {strides = array<i32>} : memref<8x4096xf32, #tpu.memory_space<vmem>>, vector<1x16xf32>,
        %parallel_loop3A_712 = vector.shape_cast %parallel_loop3A_711 : vector<1x16xf32> to vector<16xf32>
        %parallel_loop3A_713 = arith.addf %parallel_loop3A_712, %broadcast_in_dim3A_243 : vector<16xf32>
        %parallel_loop3A_714 = arith.constant 0 : i32
        %parallel_loop3A_715 = arith.index_cast %parallel_loop3A_714 : i32 to index
        %parallel_loop3A_716 = arith.index_cast %parallel_loop3A_707 : i32 to index
        %parallel_loop3A_717 = tpu.vector_load %arg6[%parallel_loop3A_715, %parallel_loop3A_716] {strides = array<i32>} : memref<8x4096xf32, #tpu.memory_space<vmem>>, vector<1x16xf32>,
        %parallel_loop3A_718 = vector.shape_cast %parallel_loop3A_717 : vector<1x16xf32> to vector<16xf32>
        %parallel_loop3A_719 = vector.shape_cast %parallel_loop3A_713 : vector<16xf32> to vector<1x16xf32>
        tpu.vector_store %arg6[%parallel_loop3A_715, %parallel_loop3A_716], %parallel_loop3A_719 {strides = array<i32>} : memref<8x4096xf32, #tpu.memory_space<vmem>>, vector<1x16xf32>,
      } {sc.loop_unroll_factor = 16 : i64, sc.parallel_access}
      %slice3A_247 = vector.extract_strided_slice %get3A_240 {offsets = [1], sizes = [1], strides = [1]} : vector<16xf32> to vector<1xf32>
      %squeeze3A_248 = vector.extract %slice3A_247[0] : f32 from vector<1xf32>
      %broadcast_in_dim3A_249 = vector.broadcast %squeeze3A_248 : f32 to vector<16xf32>
      %parallel_loop3A_250 = arith.constant 0 : i32
      %parallel_loop3A_251 = arith.constant 4096 : i32
      %parallel_loop3A_252 = arith.constant 16 : i32
      scf.for %parallel_loop3A_707 = %parallel_loop3A_250 to %parallel_loop3A_251 step %parallel_loop3A_252  : i32 {
        %parallel_loop3A_708 = arith.constant 1 : i32
        %parallel_loop3A_709 = arith.index_cast %parallel_loop3A_708 : i32 to index
        %parallel_loop3A_710 = arith.index_cast %parallel_loop3A_707 : i32 to index
        %parallel_loop3A_711 = tpu.vector_load %arg6[%parallel_loop3A_709, %parallel_loop3A_710] {strides = array<i32>} : memref<8x4096xf32, #tpu.memory_space<vmem>>, vector<1x16xf32>,
        %parallel_loop3A_712 = vector.shape_cast %parallel_loop3A_711 : vector<1x16xf32> to vector<16xf32>
        %parallel_loop3A_713 = arith.addf %parallel_loop3A_712, %broadcast_in_dim3A_249 : vector<16xf32>
        %parallel_loop3A_714 = arith.constant 1 : i32
        %parallel_loop3A_715 = arith.index_cast %parallel_loop3A_714 : i32 to index
        %parallel_loop3A_716 = arith.index_cast %parallel_loop3A_707 : i32 to index
        %parallel_loop3A_717 = tpu.vector_load %arg6[%parallel_loop3A_715, %parallel_loop3A_716] {strides = array<i32>} : memref<8x4096xf32, #tpu.memory_space<vmem>>, vector<1x16xf32>,
        %parallel_loop3A_718 = vector.shape_cast %parallel_loop3A_717 : vector<1x16xf32> to vector<16xf32>
        %parallel_loop3A_719 = vector.shape_cast %parallel_loop3A_713 : vector<16xf32> to vector<1x16xf32>
        tpu.vector_store %arg6[%parallel_loop3A_715, %parallel_loop3A_716], %parallel_loop3A_719 {strides = array<i32>} : memref<8x4096xf32, #tpu.memory_space<vmem>>, vector<1x16xf32>,
      } {sc.loop_unroll_factor = 16 : i64, sc.parallel_access}
      %slice3A_253 = vector.extract_strided_slice %get3A_240 {offsets = [2], sizes = [1], strides = [1]} : vector<16xf32> to vector<1xf32>
      %squeeze3A_254 = vector.extract %slice3A_253[0] : f32 from vector<1xf32>
      %broadcast_in_dim3A_255 = vector.broadcast %squeeze3A_254 : f32 to vector<16xf32>
      %parallel_loop3A_256 = arith.constant 0 : i32
      %parallel_loop3A_257 = arith.constant 4096 : i32
      %parallel_loop3A_258 = arith.constant 16 : i32
      scf.for %parallel_loop3A_707 = %parallel_loop3A_256 to %parallel_loop3A_257 step %parallel_loop3A_258  : i32 {
        %parallel_loop3A_708 = arith.constant 2 : i32
        %parallel_loop3A_709 = arith.index_cast %parallel_loop3A_708 : i32 to index
        %parallel_loop3A_710 = arith.index_cast %parallel_loop3A_707 : i32 to index
        %parallel_loop3A_711 = tpu.vector_load %arg6[%parallel_loop3A_709, %parallel_loop3A_710] {strides = array<i32>} : memref<8x4096xf32, #tpu.memory_space<vmem>>, vector<1x16xf32>,
        %parallel_loop3A_712 = vector.shape_cast %parallel_loop3A_711 : vector<1x16xf32> to vector<16xf32>
        %parallel_loop3A_713 = arith.addf %parallel_loop3A_712, %broadcast_in_dim3A_255 : vector<16xf32>
        %parallel_loop3A_714 = arith.constant 2 : i32
        %parallel_loop3A_715 = arith.index_cast %parallel_loop3A_714 : i32 to index
        %parallel_loop3A_716 = arith.index_cast %parallel_loop3A_707 : i32 to index
        %parallel_loop3A_717 = tpu.vector_load %arg6[%parallel_loop3A_715, %parallel_loop3A_716] {strides = array<i32>} : memref<8x4096xf32, #tpu.memory_space<vmem>>, vector<1x16xf32>,
        %parallel_loop3A_718 = vector.shape_cast %parallel_loop3A_717 : vector<1x16xf32> to vector<16xf32>
        %parallel_loop3A_719 = vector.shape_cast %parallel_loop3A_713 : vector<16xf32> to vector<1x16xf32>
        tpu.vector_store %arg6[%parallel_loop3A_715, %parallel_loop3A_716], %parallel_loop3A_719 {strides = array<i32>} : memref<8x4096xf32, #tpu.memory_space<vmem>>, vector<1x16xf32>,
      } {sc.loop_unroll_factor = 16 : i64, sc.parallel_access}
      %slice3A_259 = vector.extract_strided_slice %get3A_240 {offsets = [3], sizes = [1], strides = [1]} : vector<16xf32> to vector<1xf32>
      %squeeze3A_260 = vector.extract %slice3A_259[0] : f32 from vector<1xf32>
      %broadcast_in_dim3A_261 = vector.broadcast %squeeze3A_260 : f32 to vector<16xf32>
      %parallel_loop3A_262 = arith.constant 0 : i32
      %parallel_loop3A_263 = arith.constant 4096 : i32
      %parallel_loop3A_264 = arith.constant 16 : i32
      scf.for %parallel_loop3A_707 = %parallel_loop3A_262 to %parallel_loop3A_263 step %parallel_loop3A_264  : i32 {
        %parallel_loop3A_708 = arith.constant 3 : i32
        %parallel_loop3A_709 = arith.index_cast %parallel_loop3A_708 : i32 to index
        %parallel_loop3A_710 = arith.index_cast %parallel_loop3A_707 : i32 to index
        %parallel_loop3A_711 = tpu.vector_load %arg6[%parallel_loop3A_709, %parallel_loop3A_710] {strides = array<i32>} : memref<8x4096xf32, #tpu.memory_space<vmem>>, vector<1x16xf32>,
        %parallel_loop3A_712 = vector.shape_cast %parallel_loop3A_711 : vector<1x16xf32> to vector<16xf32>
        %parallel_loop3A_713 = arith.addf %parallel_loop3A_712, %broadcast_in_dim3A_261 : vector<16xf32>
        %parallel_loop3A_714 = arith.constant 3 : i32
        %parallel_loop3A_715 = arith.index_cast %parallel_loop3A_714 : i32 to index
        %parallel_loop3A_716 = arith.index_cast %parallel_loop3A_707 : i32 to index
        %parallel_loop3A_717 = tpu.vector_load %arg6[%parallel_loop3A_715, %parallel_loop3A_716] {strides = array<i32>} : memref<8x4096xf32, #tpu.memory_space<vmem>>, vector<1x16xf32>,
        %parallel_loop3A_718 = vector.shape_cast %parallel_loop3A_717 : vector<1x16xf32> to vector<16xf32>
        %parallel_loop3A_719 = vector.shape_cast %parallel_loop3A_713 : vector<16xf32> to vector<1x16xf32>
        tpu.vector_store %arg6[%parallel_loop3A_715, %parallel_loop3A_716], %parallel_loop3A_719 {strides = array<i32>} : memref<8x4096xf32, #tpu.memory_space<vmem>>, vector<1x16xf32>,
      } {sc.loop_unroll_factor = 16 : i64, sc.parallel_access}
      %slice3A_265 = vector.extract_strided_slice %get3A_240 {offsets = [4], sizes = [1], strides = [1]} : vector<16xf32> to vector<1xf32>
      %squeeze3A_266 = vector.extract %slice3A_265[0] : f32 from vector<1xf32>
      %broadcast_in_dim3A_267 = vector.broadcast %squeeze3A_266 : f32 to vector<16xf32>
      %parallel_loop3A_268 = arith.constant 0 : i32
      %parallel_loop3A_269 = arith.constant 4096 : i32
      %parallel_loop3A_270 = arith.constant 16 : i32
      scf.for %parallel_loop3A_707 = %parallel_loop3A_268 to %parallel_loop3A_269 step %parallel_loop3A_270  : i32 {
        %parallel_loop3A_708 = arith.constant 4 : i32
        %parallel_loop3A_709 = arith.index_cast %parallel_loop3A_708 : i32 to index
        %parallel_loop3A_710 = arith.index_cast %parallel_loop3A_707 : i32 to index
        %parallel_loop3A_711 = tpu.vector_load %arg6[%parallel_loop3A_709, %parallel_loop3A_710] {strides = array<i32>} : memref<8x4096xf32, #tpu.memory_space<vmem>>, vector<1x16xf32>,
        %parallel_loop3A_712 = vector.shape_cast %parallel_loop3A_711 : vector<1x16xf32> to vector<16xf32>
        %parallel_loop3A_713 = arith.addf %parallel_loop3A_712, %broadcast_in_dim3A_267 : vector<16xf32>
        %parallel_loop3A_714 = arith.constant 4 : i32
        %parallel_loop3A_715 = arith.index_cast %parallel_loop3A_714 : i32 to index
        %parallel_loop3A_716 = arith.index_cast %parallel_loop3A_707 : i32 to index
        %parallel_loop3A_717 = tpu.vector_load %arg6[%parallel_loop3A_715, %parallel_loop3A_716] {strides = array<i32>} : memref<8x4096xf32, #tpu.memory_space<vmem>>, vector<1x16xf32>,
        %parallel_loop3A_718 = vector.shape_cast %parallel_loop3A_717 : vector<1x16xf32> to vector<16xf32>
        %parallel_loop3A_719 = vector.shape_cast %parallel_loop3A_713 : vector<16xf32> to vector<1x16xf32>
        tpu.vector_store %arg6[%parallel_loop3A_715, %parallel_loop3A_716], %parallel_loop3A_719 {strides = array<i32>} : memref<8x4096xf32, #tpu.memory_space<vmem>>, vector<1x16xf32>,
      } {sc.loop_unroll_factor = 16 : i64, sc.parallel_access}
      %slice3A_271 = vector.extract_strided_slice %get3A_240 {offsets = [5], sizes = [1], strides = [1]} : vector<16xf32> to vector<1xf32>
      %squeeze3A_272 = vector.extract %slice3A_271[0] : f32 from vector<1xf32>
      %broadcast_in_dim3A_273 = vector.broadcast %squeeze3A_272 : f32 to vector<16xf32>
      %parallel_loop3A_274 = arith.constant 0 : i32
      %parallel_loop3A_275 = arith.constant 4096 : i32
      %parallel_loop3A_276 = arith.constant 16 : i32
      scf.for %parallel_loop3A_707 = %parallel_loop3A_274 to %parallel_loop3A_275 step %parallel_loop3A_276  : i32 {
        %parallel_loop3A_708 = arith.constant 5 : i32
        %parallel_loop3A_709 = arith.index_cast %parallel_loop3A_708 : i32 to index
        %parallel_loop3A_710 = arith.index_cast %parallel_loop3A_707 : i32 to index
        %parallel_loop3A_711 = tpu.vector_load %arg6[%parallel_loop3A_709, %parallel_loop3A_710] {strides = array<i32>} : memref<8x4096xf32, #tpu.memory_space<vmem>>, vector<1x16xf32>,
        %parallel_loop3A_712 = vector.shape_cast %parallel_loop3A_711 : vector<1x16xf32> to vector<16xf32>
        %parallel_loop3A_713 = arith.addf %parallel_loop3A_712, %broadcast_in_dim3A_273 : vector<16xf32>
        %parallel_loop3A_714 = arith.constant 5 : i32
        %parallel_loop3A_715 = arith.index_cast %parallel_loop3A_714 : i32 to index
        %parallel_loop3A_716 = arith.index_cast %parallel_loop3A_707 : i32 to index
        %parallel_loop3A_717 = tpu.vector_load %arg6[%parallel_loop3A_715, %parallel_loop3A_716] {strides = array<i32>} : memref<8x4096xf32, #tpu.memory_space<vmem>>, vector<1x16xf32>,
        %parallel_loop3A_718 = vector.shape_cast %parallel_loop3A_717 : vector<1x16xf32> to vector<16xf32>
        %parallel_loop3A_719 = vector.shape_cast %parallel_loop3A_713 : vector<16xf32> to vector<1x16xf32>
        tpu.vector_store %arg6[%parallel_loop3A_715, %parallel_loop3A_716], %parallel_loop3A_719 {strides = array<i32>} : memref<8x4096xf32, #tpu.memory_space<vmem>>, vector<1x16xf32>,
      } {sc.loop_unroll_factor = 16 : i64, sc.parallel_access}
      %slice3A_277 = vector.extract_strided_slice %get3A_240 {offsets = [6], sizes = [1], strides = [1]} : vector<16xf32> to vector<1xf32>
      %squeeze3A_278 = vector.extract %slice3A_277[0] : f32 from vector<1xf32>
      %broadcast_in_dim3A_279 = vector.broadcast %squeeze3A_278 : f32 to vector<16xf32>
      %parallel_loop3A_280 = arith.constant 0 : i32
      %parallel_loop3A_281 = arith.constant 4096 : i32
      %parallel_loop3A_282 = arith.constant 16 : i32
      scf.for %parallel_loop3A_707 = %parallel_loop3A_280 to %parallel_loop3A_281 step %parallel_loop3A_282  : i32 {
        %parallel_loop3A_708 = arith.constant 6 : i32
        %parallel_loop3A_709 = arith.index_cast %parallel_loop3A_708 : i32 to index
        %parallel_loop3A_710 = arith.index_cast %parallel_loop3A_707 : i32 to index
        %parallel_loop3A_711 = tpu.vector_load %arg6[%parallel_loop3A_709, %parallel_loop3A_710] {strides = array<i32>} : memref<8x4096xf32, #tpu.memory_space<vmem>>, vector<1x16xf32>,
        %parallel_loop3A_712 = vector.shape_cast %parallel_loop3A_711 : vector<1x16xf32> to vector<16xf32>
        %parallel_loop3A_713 = arith.addf %parallel_loop3A_712, %broadcast_in_dim3A_279 : vector<16xf32>
        %parallel_loop3A_714 = arith.constant 6 : i32
        %parallel_loop3A_715 = arith.index_cast %parallel_loop3A_714 : i32 to index
        %parallel_loop3A_716 = arith.index_cast %parallel_loop3A_707 : i32 to index
        %parallel_loop3A_717 = tpu.vector_load %arg6[%parallel_loop3A_715, %parallel_loop3A_716] {strides = array<i32>} : memref<8x4096xf32, #tpu.memory_space<vmem>>, vector<1x16xf32>,
        %parallel_loop3A_718 = vector.shape_cast %parallel_loop3A_717 : vector<1x16xf32> to vector<16xf32>
        %parallel_loop3A_719 = vector.shape_cast %parallel_loop3A_713 : vector<16xf32> to vector<1x16xf32>
        tpu.vector_store %arg6[%parallel_loop3A_715, %parallel_loop3A_716], %parallel_loop3A_719 {strides = array<i32>} : memref<8x4096xf32, #tpu.memory_space<vmem>>, vector<1x16xf32>,
      } {sc.loop_unroll_factor = 16 : i64, sc.parallel_access}
      %slice3A_283 = vector.extract_strided_slice %get3A_240 {offsets = [7], sizes = [1], strides = [1]} : vector<16xf32> to vector<1xf32>
      %squeeze3A_284 = vector.extract %slice3A_283[0] : f32 from vector<1xf32>
      %broadcast_in_dim3A_285 = vector.broadcast %squeeze3A_284 : f32 to vector<16xf32>
      %parallel_loop3A_286 = arith.constant 0 : i32
      %parallel_loop3A_287 = arith.constant 4096 : i32
      %parallel_loop3A_288 = arith.constant 16 : i32
      scf.for %parallel_loop3A_707 = %parallel_loop3A_286 to %parallel_loop3A_287 step %parallel_loop3A_288  : i32 {
        %parallel_loop3A_708 = arith.constant 7 : i32
        %parallel_loop3A_709 = arith.index_cast %parallel_loop3A_708 : i32 to index
        %parallel_loop3A_710 = arith.index_cast %parallel_loop3A_707 : i32 to index
        %parallel_loop3A_711 = tpu.vector_load %arg6[%parallel_loop3A_709, %parallel_loop3A_710] {strides = array<i32>} : memref<8x4096xf32, #tpu.memory_space<vmem>>, vector<1x16xf32>,
        %parallel_loop3A_712 = vector.shape_cast %parallel_loop3A_711 : vector<1x16xf32> to vector<16xf32>
        %parallel_loop3A_713 = arith.addf %parallel_loop3A_712, %broadcast_in_dim3A_285 : vector<16xf32>
        %parallel_loop3A_714 = arith.constant 7 : i32
        %parallel_loop3A_715 = arith.index_cast %parallel_loop3A_714 : i32 to index
        %parallel_loop3A_716 = arith.index_cast %parallel_loop3A_707 : i32 to index
        %parallel_loop3A_717 = tpu.vector_load %arg6[%parallel_loop3A_715, %parallel_loop3A_716] {strides = array<i32>} : memref<8x4096xf32, #tpu.memory_space<vmem>>, vector<1x16xf32>,
        %parallel_loop3A_718 = vector.shape_cast %parallel_loop3A_717 : vector<1x16xf32> to vector<16xf32>
        %parallel_loop3A_719 = vector.shape_cast %parallel_loop3A_713 : vector<16xf32> to vector<1x16xf32>
        tpu.vector_store %arg6[%parallel_loop3A_715, %parallel_loop3A_716], %parallel_loop3A_719 {strides = array<i32>} : memref<8x4096xf32, #tpu.memory_space<vmem>>, vector<1x16xf32>,
      } {sc.loop_unroll_factor = 16 : i64, sc.parallel_access}
      %jit3A_289 = arith.constant 1 : i32
      %div3A_290 = arith.divsi %add3A_173, %jit3A_289 : i32
      %sign3A_291 = arith.constant 0 : i32
      %sign3A_292 = arith.cmpi sgt, %add3A_173, %sign3A_291 : i32
      %sign3A_293 = arith.extui %sign3A_292 : i1 to i32
      %sign3A_294 = arith.constant 0 : i32
      %sign3A_295 = arith.cmpi slt, %add3A_173, %sign3A_294 : i32
      %sign3A_296 = arith.extui %sign3A_295 : i1 to i32
      %sign3A_297 = arith.subi %sign3A_293, %sign3A_296 : i32
      %sign3A_298 = arith.constant 0 : i32
      %sign3A_299 = arith.cmpi sgt, %jit3A_289, %sign3A_298 : i32
      %sign3A_300 = arith.extui %sign3A_299 : i1 to i32
      %sign3A_301 = arith.constant 0 : i32
      %sign3A_302 = arith.cmpi slt, %jit3A_289, %sign3A_301 : i32
      %sign3A_303 = arith.extui %sign3A_302 : i1 to i32
      %sign3A_304 = arith.subi %sign3A_300, %sign3A_303 : i32
      %ne3A_305 = arith.cmpi ne, %sign3A_297, %sign3A_304 : i32
      %rem3A_306 = arith.remsi %add3A_173, %jit3A_289 : i32
      %ne3A_307 = arith.constant 0 : i32
      %ne3A_308 = arith.cmpi ne, %rem3A_306, %ne3A_307 : i32
      %and3A_309 = arith.andi %ne3A_305, %ne3A_308 : i1
      %sub3A_310 = arith.constant 1 : i32
      %sub3A_311 = arith.subi %div3A_290, %sub3A_310 : i32
      %select_n3A_312 = arith.select %and3A_309, %sub3A_311, %div3A_290 : i32
      %mul3A_313 = arith.constant 8 : i32
      %mul3A_314 = arith.muli %select_n3A_312, %mul3A_313 : i32
      %add3A_315 = arith.addi %mul3A_2, %mul3A_314 : i32
      %jit3A_316 = arith.constant 1 : i32
      %eq3A_317 = arith.constant 0 : i32
      %eq3A_318 = arith.cmpi eq, %jit3A_316, %eq3A_317 : i32
      %jit3A_319 = arith.constant 1 : i32
      %select_n3A_320 = arith.select %eq3A_318, %jit3A_319, %jit3A_316 : i32
      %rem3A_321 = arith.remsi %add3A_173, %select_n3A_320 : i32
      %ne3A_322 = arith.constant 0 : i32
      %ne3A_323 = arith.cmpi ne, %rem3A_321, %ne3A_322 : i32
      %lt3A_324 = arith.constant 0 : i32
      %lt3A_325 = arith.cmpi slt, %rem3A_321, %lt3A_324 : i32
      %lt3A_326 = arith.constant 0 : i32
      %lt3A_327 = arith.cmpi slt, %select_n3A_320, %lt3A_326 : i32
      %ne3A_328 = arith.xori %lt3A_325, %lt3A_327 : i1
      %and3A_329 = arith.andi %ne3A_328, %ne3A_323 : i1
      %add3A_330 = arith.addi %rem3A_321, %select_n3A_320 : i32
      %select_n3A_331 = arith.select %and3A_329, %add3A_330, %rem3A_321 : i32
      %mul3A_332 = arith.constant 4096 : i32
      %mul3A_333 = arith.muli %select_n3A_331, %mul3A_332 : i32
      %dma_start3A_334 = tpu.memref_slice %arg4[%add3A_315, %mul3A_333] : memref<12800x4096xf32, #tpu.memory_space<hbm>> -> memref<8x4096xf32, #tpu.memory_space<hbm>>
      %dma_start3A_335 = tpu.memref_slice %arg4[%add3A_315, %mul3A_333] : memref<12800x4096xf32, #tpu.memory_space<hbm>> -> memref<8x4096xf32, #tpu.memory_space<hbm>>
      tpu.enqueue_dma source(%arg6 : memref<8x4096xf32, #tpu.memory_space<vmem>>) target(%dma_start3A_335 : memref<8x4096xf32, #tpu.memory_space<hbm>>) target_semaphore(%arg12 : memref<!tpu.dma_semaphore, #tpu.memory_space<semaphore_mem>>)
      %add3A_336 = arith.constant 2 : i32
      %add3A_337 = arith.addi %add3A_173, %add3A_336 : i32
      %lt3A_338 = arith.constant 50 : i32
      %lt3A_339 = arith.cmpi slt, %add3A_337, %lt3A_338 : i32
      %convert_element_type3A = arith.extui %lt3A_339 : i1 to i32
      %cond3A = arith.constant 0 : i32
      %cond3A_340 = arith.cmpi ne, %convert_element_type3A, %cond3A : i32
      scf.if %cond3A_340 {
        %ge3A = arith.constant 1 : i32
        %ge3A_707 = arith.cmpi sge, %add3A_173, %ge3A : i32
        %convert_element_type3A_708 = arith.extui %ge3A_707 : i1 to i32
        %cond3A_709 = arith.constant 0 : i32
        %cond3A_710 = arith.cmpi ne, %convert_element_type3A_708, %cond3A_709 : i32
        scf.if %cond3A_710 {
          %jit3A_760 = arith.constant 1 : i32
          %div3A_761 = arith.divsi %add3A_173, %jit3A_760 : i32
          %sign3A_762 = arith.constant 0 : i32
          %sign3A_763 = arith.cmpi sgt, %add3A_173, %sign3A_762 : i32
          %sign3A_764 = arith.extui %sign3A_763 : i1 to i32
          %sign3A_765 = arith.constant 0 : i32
          %sign3A_766 = arith.cmpi slt, %add3A_173, %sign3A_765 : i32
          %sign3A_767 = arith.extui %sign3A_766 : i1 to i32
          %sign3A_768 = arith.subi %sign3A_764, %sign3A_767 : i32
          %sign3A_769 = arith.constant 0 : i32
          %sign3A_770 = arith.cmpi sgt, %jit3A_760, %sign3A_769 : i32
          %sign3A_771 = arith.extui %sign3A_770 : i1 to i32
          %sign3A_772 = arith.constant 0 : i32
          %sign3A_773 = arith.cmpi slt, %jit3A_760, %sign3A_772 : i32
          %sign3A_774 = arith.extui %sign3A_773 : i1 to i32
          %sign3A_775 = arith.subi %sign3A_771, %sign3A_774 : i32
          %ne3A_776 = arith.cmpi ne, %sign3A_768, %sign3A_775 : i32
          %rem3A_777 = arith.remsi %add3A_173, %jit3A_760 : i32
          %ne3A_778 = arith.constant 0 : i32
          %ne3A_779 = arith.cmpi ne, %rem3A_777, %ne3A_778 : i32
          %and3A_780 = arith.andi %ne3A_776, %ne3A_779 : i1
          %sub3A_781 = arith.constant 1 : i32
          %sub3A_782 = arith.subi %div3A_761, %sub3A_781 : i32
          %select_n3A_783 = arith.select %and3A_780, %sub3A_782, %div3A_761 : i32
          %mul3A_784 = arith.constant 8 : i32
          %mul3A_785 = arith.muli %select_n3A_783, %mul3A_784 : i32
          %add3A_786 = arith.addi %mul3A_2, %mul3A_785 : i32
          %jit3A_787 = arith.constant 1 : i32
          %eq3A_788 = arith.constant 0 : i32
          %eq3A_789 = arith.cmpi eq, %jit3A_787, %eq3A_788 : i32
          %jit3A_790 = arith.constant 1 : i32
          %select_n3A_791 = arith.select %eq3A_789, %jit3A_790, %jit3A_787 : i32
          %rem3A_792 = arith.remsi %add3A_173, %select_n3A_791 : i32
          %ne3A_793 = arith.constant 0 : i32
          %ne3A_794 = arith.cmpi ne, %rem3A_792, %ne3A_793 : i32
          %lt3A_795 = arith.constant 0 : i32
          %lt3A_796 = arith.cmpi slt, %rem3A_792, %lt3A_795 : i32
          %lt3A_797 = arith.constant 0 : i32
          %lt3A_798 = arith.cmpi slt, %select_n3A_791, %lt3A_797 : i32
          %ne3A_799 = arith.xori %lt3A_796, %lt3A_798 : i1
          %and3A_800 = arith.andi %ne3A_799, %ne3A_794 : i1
          %add3A_801 = arith.addi %rem3A_792, %select_n3A_791 : i32
          %select_n3A_802 = arith.select %and3A_800, %add3A_801, %rem3A_792 : i32
          %mul3A_803 = arith.constant 4096 : i32
          %mul3A_804 = arith.muli %select_n3A_802, %mul3A_803 : i32
          %dma_wait3A_805 = tpu.memref_slice %arg4[%add3A_786, %mul3A_804] : memref<12800x4096xf32, #tpu.memory_space<hbm>> -> memref<8x4096xf32, #tpu.memory_space<hbm>>
          %dma_wait3A_806 = tpu.memref_slice %arg4[%add3A_786, %mul3A_804] : memref<12800x4096xf32, #tpu.memory_space<hbm>> -> memref<8x4096xf32, #tpu.memory_space<hbm>>
          tpu.wait_dma2 semaphore(%arg14 : memref<!tpu.dma_semaphore, #tpu.memory_space<semaphore_mem>>) src(%arg8 : memref<8x4096xf32, #tpu.memory_space<vmem>>) dst(%dma_wait3A_806 : memref<8x4096xf32, #tpu.memory_space<hbm>>)
        } else {
        }
        %add3A_711 = arith.constant 2 : i32
        %add3A_712 = arith.addi %add3A_173, %add3A_711 : i32
        %jit3A_713 = arith.constant 1 : i32
        %div3A_714 = arith.divsi %add3A_712, %jit3A_713 : i32
        %sign3A_715 = arith.constant 0 : i32
        %sign3A_716 = arith.cmpi sgt, %add3A_712, %sign3A_715 : i32
        %sign3A_717 = arith.extui %sign3A_716 : i1 to i32
        %sign3A_718 = arith.constant 0 : i32
        %sign3A_719 = arith.cmpi slt, %add3A_712, %sign3A_718 : i32
        %sign3A_720 = arith.extui %sign3A_719 : i1 to i32
        %sign3A_721 = arith.subi %sign3A_717, %sign3A_720 : i32
        %sign3A_722 = arith.constant 0 : i32
        %sign3A_723 = arith.cmpi sgt, %jit3A_713, %sign3A_722 : i32
        %sign3A_724 = arith.extui %sign3A_723 : i1 to i32
        %sign3A_725 = arith.constant 0 : i32
        %sign3A_726 = arith.cmpi slt, %jit3A_713, %sign3A_725 : i32
        %sign3A_727 = arith.extui %sign3A_726 : i1 to i32
        %sign3A_728 = arith.subi %sign3A_724, %sign3A_727 : i32
        %ne3A_729 = arith.cmpi ne, %sign3A_721, %sign3A_728 : i32
        %rem3A_730 = arith.remsi %add3A_712, %jit3A_713 : i32
        %ne3A_731 = arith.constant 0 : i32
        %ne3A_732 = arith.cmpi ne, %rem3A_730, %ne3A_731 : i32
        %and3A_733 = arith.andi %ne3A_729, %ne3A_732 : i1
        %sub3A_734 = arith.constant 1 : i32
        %sub3A_735 = arith.subi %div3A_714, %sub3A_734 : i32
        %select_n3A_736 = arith.select %and3A_733, %sub3A_735, %div3A_714 : i32
        %mul3A_737 = arith.constant 8 : i32
        %mul3A_738 = arith.muli %select_n3A_736, %mul3A_737 : i32
        %add3A_739 = arith.addi %mul3A_2, %mul3A_738 : i32
        %jit3A_740 = arith.constant 1 : i32
        %eq3A_741 = arith.constant 0 : i32
        %eq3A_742 = arith.cmpi eq, %jit3A_740, %eq3A_741 : i32
        %jit3A_743 = arith.constant 1 : i32
        %select_n3A_744 = arith.select %eq3A_742, %jit3A_743, %jit3A_740 : i32
        %rem3A_745 = arith.remsi %add3A_712, %select_n3A_744 : i32
        %ne3A_746 = arith.constant 0 : i32
        %ne3A_747 = arith.cmpi ne, %rem3A_745, %ne3A_746 : i32
        %lt3A_748 = arith.constant 0 : i32
        %lt3A_749 = arith.cmpi slt, %rem3A_745, %lt3A_748 : i32
        %lt3A_750 = arith.constant 0 : i32
        %lt3A_751 = arith.cmpi slt, %select_n3A_744, %lt3A_750 : i32
        %ne3A_752 = arith.xori %lt3A_749, %lt3A_751 : i1
        %and3A_753 = arith.andi %ne3A_752, %ne3A_747 : i1
        %add3A_754 = arith.addi %rem3A_745, %select_n3A_744 : i32
        %select_n3A_755 = arith.select %and3A_753, %add3A_754, %rem3A_745 : i32
        %mul3A_756 = arith.constant 4096 : i32
        %mul3A_757 = arith.muli %select_n3A_755, %mul3A_756 : i32
        %dma_start3A_758 = tpu.memref_slice %arg2[%add3A_739, %mul3A_757] : memref<12800x4096xf32, #tpu.memory_space<hbm>> -> memref<8x4096xf32, #tpu.memory_space<hbm>>
        %dma_start3A_759 = tpu.memref_slice %arg2[%add3A_739, %mul3A_757] : memref<12800x4096xf32, #tpu.memory_space<hbm>> -> memref<8x4096xf32, #tpu.memory_space<hbm>>
        tpu.enqueue_dma source(%dma_start3A_759 : memref<8x4096xf32, #tpu.memory_space<hbm>>) target(%arg8 : memref<8x4096xf32, #tpu.memory_space<vmem>>) target_semaphore(%arg11 : memref<!tpu.dma_semaphore, #tpu.memory_space<semaphore_mem>>)
      } else {
      }
      %mul3A_341 = arith.constant 3 : i32
      %mul3A_342 = arith.muli %scan3A_169, %mul3A_341 : i32
      %add3A_343 = arith.constant 1 : i32
      %add3A_344 = arith.addi %mul3A_342, %add3A_343 : i32
      %jit3A_345 = arith.constant 1 : i32
      %div3A_346 = arith.divsi %add3A_344, %jit3A_345 : i32
      %sign3A_347 = arith.constant 0 : i32
      %sign3A_348 = arith.cmpi sgt, %add3A_344, %sign3A_347 : i32
      %sign3A_349 = arith.extui %sign3A_348 : i1 to i32
      %sign3A_350 = arith.constant 0 : i32
      %sign3A_351 = arith.cmpi slt, %add3A_344, %sign3A_350 : i32
      %sign3A_352 = arith.extui %sign3A_351 : i1 to i32
      %sign3A_353 = arith.subi %sign3A_349, %sign3A_352 : i32
      %sign3A_354 = arith.constant 0 : i32
      %sign3A_355 = arith.cmpi sgt, %jit3A_345, %sign3A_354 : i32
      %sign3A_356 = arith.extui %sign3A_355 : i1 to i32
      %sign3A_357 = arith.constant 0 : i32
      %sign3A_358 = arith.cmpi slt, %jit3A_345, %sign3A_357 : i32
      %sign3A_359 = arith.extui %sign3A_358 : i1 to i32
      %sign3A_360 = arith.subi %sign3A_356, %sign3A_359 : i32
      %ne3A_361 = arith.cmpi ne, %sign3A_353, %sign3A_360 : i32
      %rem3A_362 = arith.remsi %add3A_344, %jit3A_345 : i32
      %ne3A_363 = arith.constant 0 : i32
      %ne3A_364 = arith.cmpi ne, %rem3A_362, %ne3A_363 : i32
      %and3A_365 = arith.andi %ne3A_361, %ne3A_364 : i1
      %sub3A_366 = arith.constant 1 : i32
      %sub3A_367 = arith.subi %div3A_346, %sub3A_366 : i32
      %select_n3A_368 = arith.select %and3A_365, %sub3A_367, %div3A_346 : i32
      %mul3A_369 = arith.constant 8 : i32
      %mul3A_370 = arith.muli %select_n3A_368, %mul3A_369 : i32
      %add3A_371 = arith.addi %mul3A_2, %mul3A_370 : i32
      %jit3A_372 = arith.constant 1 : i32
      %eq3A_373 = arith.constant 0 : i32
      %eq3A_374 = arith.cmpi eq, %jit3A_372, %eq3A_373 : i32
      %jit3A_375 = arith.constant 1 : i32
      %select_n3A_376 = arith.select %eq3A_374, %jit3A_375, %jit3A_372 : i32
      %rem3A_377 = arith.remsi %add3A_344, %select_n3A_376 : i32
      %ne3A_378 = arith.constant 0 : i32
      %ne3A_379 = arith.cmpi ne, %rem3A_377, %ne3A_378 : i32
      %lt3A_380 = arith.constant 0 : i32
      %lt3A_381 = arith.cmpi slt, %rem3A_377, %lt3A_380 : i32
      %lt3A_382 = arith.constant 0 : i32
      %lt3A_383 = arith.cmpi slt, %select_n3A_376, %lt3A_382 : i32
      %ne3A_384 = arith.xori %lt3A_381, %lt3A_383 : i1
      %and3A_385 = arith.andi %ne3A_384, %ne3A_379 : i1
      %add3A_386 = arith.addi %rem3A_377, %select_n3A_376 : i32
      %select_n3A_387 = arith.select %and3A_385, %add3A_386, %rem3A_377 : i32
      %mul3A_388 = arith.constant 4096 : i32
      %mul3A_389 = arith.muli %select_n3A_387, %mul3A_388 : i32
      %dma_wait3A_390 = tpu.memref_slice %arg2[%add3A_371, %mul3A_389] : memref<12800x4096xf32, #tpu.memory_space<hbm>> -> memref<8x4096xf32, #tpu.memory_space<hbm>>
      %dma_wait3A_391 = tpu.memref_slice %arg2[%add3A_371, %mul3A_389] : memref<12800x4096xf32, #tpu.memory_space<hbm>> -> memref<8x4096xf32, #tpu.memory_space<hbm>>
      tpu.wait_dma2 semaphore(%arg10 : memref<!tpu.dma_semaphore, #tpu.memory_space<semaphore_mem>>) src(%dma_wait3A_391 : memref<8x4096xf32, #tpu.memory_space<hbm>>) dst(%arg7 : memref<8x4096xf32, #tpu.memory_space<vmem>>)
      %jit3A_392 = arith.constant 1 : i32
      %div3A_393 = arith.divsi %add3A_344, %jit3A_392 : i32
      %sign3A_394 = arith.constant 0 : i32
      %sign3A_395 = arith.cmpi sgt, %add3A_344, %sign3A_394 : i32
      %sign3A_396 = arith.extui %sign3A_395 : i1 to i32
      %sign3A_397 = arith.constant 0 : i32
      %sign3A_398 = arith.cmpi slt, %add3A_344, %sign3A_397 : i32
      %sign3A_399 = arith.extui %sign3A_398 : i1 to i32
      %sign3A_400 = arith.subi %sign3A_396, %sign3A_399 : i32
      %sign3A_401 = arith.constant 0 : i32
      %sign3A_402 = arith.cmpi sgt, %jit3A_392, %sign3A_401 : i32
      %sign3A_403 = arith.extui %sign3A_402 : i1 to i32
      %sign3A_404 = arith.constant 0 : i32
      %sign3A_405 = arith.cmpi slt, %jit3A_392, %sign3A_404 : i32
      %sign3A_406 = arith.extui %sign3A_405 : i1 to i32
      %sign3A_407 = arith.subi %sign3A_403, %sign3A_406 : i32
      %ne3A_408 = arith.cmpi ne, %sign3A_400, %sign3A_407 : i32
      %rem3A_409 = arith.remsi %add3A_344, %jit3A_392 : i32
      %ne3A_410 = arith.constant 0 : i32
      %ne3A_411 = arith.cmpi ne, %rem3A_409, %ne3A_410 : i32
      %and3A_412 = arith.andi %ne3A_408, %ne3A_411 : i1
      %sub3A_413 = arith.constant 1 : i32
      %sub3A_414 = arith.subi %div3A_393, %sub3A_413 : i32
      %select_n3A_415 = arith.select %and3A_412, %sub3A_414, %div3A_393 : i32
      %mul3A_416 = arith.constant 8 : i32
      %mul3A_417 = arith.muli %select_n3A_415, %mul3A_416 : i32
      %add3A_418 = arith.addi %mul3A_2, %mul3A_417 : i32
      %get3A_419 = arith.index_cast %add3A_418 : i32 to index
      %get3A_420 = tpu.vector_load %arg5[%get3A_419] {strides = array<i32>} : memref<12816xf32, #tpu.memory_space<vmem>>, vector<16xf32>,
      %get3A_421 = vector.shape_cast %get3A_420 : vector<16xf32> to vector<16xf32>
      %slice3A_422 = vector.extract_strided_slice %get3A_421 {offsets = [0], sizes = [1], strides = [1]} : vector<16xf32> to vector<1xf32>
      %squeeze3A_423 = vector.extract %slice3A_422[0] : f32 from vector<1xf32>
      %broadcast_in_dim3A_424 = vector.broadcast %squeeze3A_423 : f32 to vector<16xf32>
      %parallel_loop3A_425 = arith.constant 0 : i32
      %parallel_loop3A_426 = arith.constant 4096 : i32
      %parallel_loop3A_427 = arith.constant 16 : i32
      scf.for %parallel_loop3A_707 = %parallel_loop3A_425 to %parallel_loop3A_426 step %parallel_loop3A_427  : i32 {
        %parallel_loop3A_708 = arith.constant 0 : i32
        %parallel_loop3A_709 = arith.index_cast %parallel_loop3A_708 : i32 to index
        %parallel_loop3A_710 = arith.index_cast %parallel_loop3A_707 : i32 to index
        %parallel_loop3A_711 = tpu.vector_load %arg7[%parallel_loop3A_709, %parallel_loop3A_710] {strides = array<i32>} : memref<8x4096xf32, #tpu.memory_space<vmem>>, vector<1x16xf32>,
        %parallel_loop3A_712 = vector.shape_cast %parallel_loop3A_711 : vector<1x16xf32> to vector<16xf32>
        %parallel_loop3A_713 = arith.addf %parallel_loop3A_712, %broadcast_in_dim3A_424 : vector<16xf32>
        %parallel_loop3A_714 = arith.constant 0 : i32
        %parallel_loop3A_715 = arith.index_cast %parallel_loop3A_714 : i32 to index
        %parallel_loop3A_716 = arith.index_cast %parallel_loop3A_707 : i32 to index
        %parallel_loop3A_717 = tpu.vector_load %arg7[%parallel_loop3A_715, %parallel_loop3A_716] {strides = array<i32>} : memref<8x4096xf32, #tpu.memory_space<vmem>>, vector<1x16xf32>,
        %parallel_loop3A_718 = vector.shape_cast %parallel_loop3A_717 : vector<1x16xf32> to vector<16xf32>
        %parallel_loop3A_719 = vector.shape_cast %parallel_loop3A_713 : vector<16xf32> to vector<1x16xf32>
        tpu.vector_store %arg7[%parallel_loop3A_715, %parallel_loop3A_716], %parallel_loop3A_719 {strides = array<i32>} : memref<8x4096xf32, #tpu.memory_space<vmem>>, vector<1x16xf32>,
      } {sc.loop_unroll_factor = 16 : i64, sc.parallel_access}
      %slice3A_428 = vector.extract_strided_slice %get3A_421 {offsets = [1], sizes = [1], strides = [1]} : vector<16xf32> to vector<1xf32>
      %squeeze3A_429 = vector.extract %slice3A_428[0] : f32 from vector<1xf32>
      %broadcast_in_dim3A_430 = vector.broadcast %squeeze3A_429 : f32 to vector<16xf32>
      %parallel_loop3A_431 = arith.constant 0 : i32
      %parallel_loop3A_432 = arith.constant 4096 : i32
      %parallel_loop3A_433 = arith.constant 16 : i32
      scf.for %parallel_loop3A_707 = %parallel_loop3A_431 to %parallel_loop3A_432 step %parallel_loop3A_433  : i32 {
        %parallel_loop3A_708 = arith.constant 1 : i32
        %parallel_loop3A_709 = arith.index_cast %parallel_loop3A_708 : i32 to index
        %parallel_loop3A_710 = arith.index_cast %parallel_loop3A_707 : i32 to index
        %parallel_loop3A_711 = tpu.vector_load %arg7[%parallel_loop3A_709, %parallel_loop3A_710] {strides = array<i32>} : memref<8x4096xf32, #tpu.memory_space<vmem>>, vector<1x16xf32>,
        %parallel_loop3A_712 = vector.shape_cast %parallel_loop3A_711 : vector<1x16xf32> to vector<16xf32>
        %parallel_loop3A_713 = arith.addf %parallel_loop3A_712, %broadcast_in_dim3A_430 : vector<16xf32>
        %parallel_loop3A_714 = arith.constant 1 : i32
        %parallel_loop3A_715 = arith.index_cast %parallel_loop3A_714 : i32 to index
        %parallel_loop3A_716 = arith.index_cast %parallel_loop3A_707 : i32 to index
        %parallel_loop3A_717 = tpu.vector_load %arg7[%parallel_loop3A_715, %parallel_loop3A_716] {strides = array<i32>} : memref<8x4096xf32, #tpu.memory_space<vmem>>, vector<1x16xf32>,
        %parallel_loop3A_718 = vector.shape_cast %parallel_loop3A_717 : vector<1x16xf32> to vector<16xf32>
        %parallel_loop3A_719 = vector.shape_cast %parallel_loop3A_713 : vector<16xf32> to vector<1x16xf32>
        tpu.vector_store %arg7[%parallel_loop3A_715, %parallel_loop3A_716], %parallel_loop3A_719 {strides = array<i32>} : memref<8x4096xf32, #tpu.memory_space<vmem>>, vector<1x16xf32>,
      } {sc.loop_unroll_factor = 16 : i64, sc.parallel_access}
      %slice3A_434 = vector.extract_strided_slice %get3A_421 {offsets = [2], sizes = [1], strides = [1]} : vector<16xf32> to vector<1xf32>
      %squeeze3A_435 = vector.extract %slice3A_434[0] : f32 from vector<1xf32>
      %broadcast_in_dim3A_436 = vector.broadcast %squeeze3A_435 : f32 to vector<16xf32>
      %parallel_loop3A_437 = arith.constant 0 : i32
      %parallel_loop3A_438 = arith.constant 4096 : i32
      %parallel_loop3A_439 = arith.constant 16 : i32
      scf.for %parallel_loop3A_707 = %parallel_loop3A_437 to %parallel_loop3A_438 step %parallel_loop3A_439  : i32 {
        %parallel_loop3A_708 = arith.constant 2 : i32
        %parallel_loop3A_709 = arith.index_cast %parallel_loop3A_708 : i32 to index
        %parallel_loop3A_710 = arith.index_cast %parallel_loop3A_707 : i32 to index
        %parallel_loop3A_711 = tpu.vector_load %arg7[%parallel_loop3A_709, %parallel_loop3A_710] {strides = array<i32>} : memref<8x4096xf32, #tpu.memory_space<vmem>>, vector<1x16xf32>,
        %parallel_loop3A_712 = vector.shape_cast %parallel_loop3A_711 : vector<1x16xf32> to vector<16xf32>
        %parallel_loop3A_713 = arith.addf %parallel_loop3A_712, %broadcast_in_dim3A_436 : vector<16xf32>
        %parallel_loop3A_714 = arith.constant 2 : i32
        %parallel_loop3A_715 = arith.index_cast %parallel_loop3A_714 : i32 to index
        %parallel_loop3A_716 = arith.index_cast %parallel_loop3A_707 : i32 to index
        %parallel_loop3A_717 = tpu.vector_load %arg7[%parallel_loop3A_715, %parallel_loop3A_716] {strides = array<i32>} : memref<8x4096xf32, #tpu.memory_space<vmem>>, vector<1x16xf32>,
        %parallel_loop3A_718 = vector.shape_cast %parallel_loop3A_717 : vector<1x16xf32> to vector<16xf32>
        %parallel_loop3A_719 = vector.shape_cast %parallel_loop3A_713 : vector<16xf32> to vector<1x16xf32>
        tpu.vector_store %arg7[%parallel_loop3A_715, %parallel_loop3A_716], %parallel_loop3A_719 {strides = array<i32>} : memref<8x4096xf32, #tpu.memory_space<vmem>>, vector<1x16xf32>,
      } {sc.loop_unroll_factor = 16 : i64, sc.parallel_access}
      %slice3A_440 = vector.extract_strided_slice %get3A_421 {offsets = [3], sizes = [1], strides = [1]} : vector<16xf32> to vector<1xf32>
      %squeeze3A_441 = vector.extract %slice3A_440[0] : f32 from vector<1xf32>
      %broadcast_in_dim3A_442 = vector.broadcast %squeeze3A_441 : f32 to vector<16xf32>
      %parallel_loop3A_443 = arith.constant 0 : i32
      %parallel_loop3A_444 = arith.constant 4096 : i32
      %parallel_loop3A_445 = arith.constant 16 : i32
      scf.for %parallel_loop3A_707 = %parallel_loop3A_443 to %parallel_loop3A_444 step %parallel_loop3A_445  : i32 {
        %parallel_loop3A_708 = arith.constant 3 : i32
        %parallel_loop3A_709 = arith.index_cast %parallel_loop3A_708 : i32 to index
        %parallel_loop3A_710 = arith.index_cast %parallel_loop3A_707 : i32 to index
        %parallel_loop3A_711 = tpu.vector_load %arg7[%parallel_loop3A_709, %parallel_loop3A_710] {strides = array<i32>} : memref<8x4096xf32, #tpu.memory_space<vmem>>, vector<1x16xf32>,
        %parallel_loop3A_712 = vector.shape_cast %parallel_loop3A_711 : vector<1x16xf32> to vector<16xf32>
        %parallel_loop3A_713 = arith.addf %parallel_loop3A_712, %broadcast_in_dim3A_442 : vector<16xf32>
        %parallel_loop3A_714 = arith.constant 3 : i32
        %parallel_loop3A_715 = arith.index_cast %parallel_loop3A_714 : i32 to index
        %parallel_loop3A_716 = arith.index_cast %parallel_loop3A_707 : i32 to index
        %parallel_loop3A_717 = tpu.vector_load %arg7[%parallel_loop3A_715, %parallel_loop3A_716] {strides = array<i32>} : memref<8x4096xf32, #tpu.memory_space<vmem>>, vector<1x16xf32>,
        %parallel_loop3A_718 = vector.shape_cast %parallel_loop3A_717 : vector<1x16xf32> to vector<16xf32>
        %parallel_loop3A_719 = vector.shape_cast %parallel_loop3A_713 : vector<16xf32> to vector<1x16xf32>
        tpu.vector_store %arg7[%parallel_loop3A_715, %parallel_loop3A_716], %parallel_loop3A_719 {strides = array<i32>} : memref<8x4096xf32, #tpu.memory_space<vmem>>, vector<1x16xf32>,
      } {sc.loop_unroll_factor = 16 : i64, sc.parallel_access}
      %slice3A_446 = vector.extract_strided_slice %get3A_421 {offsets = [4], sizes = [1], strides = [1]} : vector<16xf32> to vector<1xf32>
      %squeeze3A_447 = vector.extract %slice3A_446[0] : f32 from vector<1xf32>
      %broadcast_in_dim3A_448 = vector.broadcast %squeeze3A_447 : f32 to vector<16xf32>
      %parallel_loop3A_449 = arith.constant 0 : i32
      %parallel_loop3A_450 = arith.constant 4096 : i32
      %parallel_loop3A_451 = arith.constant 16 : i32
      scf.for %parallel_loop3A_707 = %parallel_loop3A_449 to %parallel_loop3A_450 step %parallel_loop3A_451  : i32 {
        %parallel_loop3A_708 = arith.constant 4 : i32
        %parallel_loop3A_709 = arith.index_cast %parallel_loop3A_708 : i32 to index
        %parallel_loop3A_710 = arith.index_cast %parallel_loop3A_707 : i32 to index
        %parallel_loop3A_711 = tpu.vector_load %arg7[%parallel_loop3A_709, %parallel_loop3A_710] {strides = array<i32>} : memref<8x4096xf32, #tpu.memory_space<vmem>>, vector<1x16xf32>,
        %parallel_loop3A_712 = vector.shape_cast %parallel_loop3A_711 : vector<1x16xf32> to vector<16xf32>
        %parallel_loop3A_713 = arith.addf %parallel_loop3A_712, %broadcast_in_dim3A_448 : vector<16xf32>
        %parallel_loop3A_714 = arith.constant 4 : i32
        %parallel_loop3A_715 = arith.index_cast %parallel_loop3A_714 : i32 to index
        %parallel_loop3A_716 = arith.index_cast %parallel_loop3A_707 : i32 to index
        %parallel_loop3A_717 = tpu.vector_load %arg7[%parallel_loop3A_715, %parallel_loop3A_716] {strides = array<i32>} : memref<8x4096xf32, #tpu.memory_space<vmem>>, vector<1x16xf32>,
        %parallel_loop3A_718 = vector.shape_cast %parallel_loop3A_717 : vector<1x16xf32> to vector<16xf32>
        %parallel_loop3A_719 = vector.shape_cast %parallel_loop3A_713 : vector<16xf32> to vector<1x16xf32>
        tpu.vector_store %arg7[%parallel_loop3A_715, %parallel_loop3A_716], %parallel_loop3A_719 {strides = array<i32>} : memref<8x4096xf32, #tpu.memory_space<vmem>>, vector<1x16xf32>,
      } {sc.loop_unroll_factor = 16 : i64, sc.parallel_access}
      %slice3A_452 = vector.extract_strided_slice %get3A_421 {offsets = [5], sizes = [1], strides = [1]} : vector<16xf32> to vector<1xf32>
      %squeeze3A_453 = vector.extract %slice3A_452[0] : f32 from vector<1xf32>
      %broadcast_in_dim3A_454 = vector.broadcast %squeeze3A_453 : f32 to vector<16xf32>
      %parallel_loop3A_455 = arith.constant 0 : i32
      %parallel_loop3A_456 = arith.constant 4096 : i32
      %parallel_loop3A_457 = arith.constant 16 : i32
      scf.for %parallel_loop3A_707 = %parallel_loop3A_455 to %parallel_loop3A_456 step %parallel_loop3A_457  : i32 {
        %parallel_loop3A_708 = arith.constant 5 : i32
        %parallel_loop3A_709 = arith.index_cast %parallel_loop3A_708 : i32 to index
        %parallel_loop3A_710 = arith.index_cast %parallel_loop3A_707 : i32 to index
        %parallel_loop3A_711 = tpu.vector_load %arg7[%parallel_loop3A_709, %parallel_loop3A_710] {strides = array<i32>} : memref<8x4096xf32, #tpu.memory_space<vmem>>, vector<1x16xf32>,
        %parallel_loop3A_712 = vector.shape_cast %parallel_loop3A_711 : vector<1x16xf32> to vector<16xf32>
        %parallel_loop3A_713 = arith.addf %parallel_loop3A_712, %broadcast_in_dim3A_454 : vector<16xf32>
        %parallel_loop3A_714 = arith.constant 5 : i32
        %parallel_loop3A_715 = arith.index_cast %parallel_loop3A_714 : i32 to index
        %parallel_loop3A_716 = arith.index_cast %parallel_loop3A_707 : i32 to index
        %parallel_loop3A_717 = tpu.vector_load %arg7[%parallel_loop3A_715, %parallel_loop3A_716] {strides = array<i32>} : memref<8x4096xf32, #tpu.memory_space<vmem>>, vector<1x16xf32>,
        %parallel_loop3A_718 = vector.shape_cast %parallel_loop3A_717 : vector<1x16xf32> to vector<16xf32>
        %parallel_loop3A_719 = vector.shape_cast %parallel_loop3A_713 : vector<16xf32> to vector<1x16xf32>
        tpu.vector_store %arg7[%parallel_loop3A_715, %parallel_loop3A_716], %parallel_loop3A_719 {strides = array<i32>} : memref<8x4096xf32, #tpu.memory_space<vmem>>, vector<1x16xf32>,
      } {sc.loop_unroll_factor = 16 : i64, sc.parallel_access}
      %slice3A_458 = vector.extract_strided_slice %get3A_421 {offsets = [6], sizes = [1], strides = [1]} : vector<16xf32> to vector<1xf32>
      %squeeze3A_459 = vector.extract %slice3A_458[0] : f32 from vector<1xf32>
      %broadcast_in_dim3A_460 = vector.broadcast %squeeze3A_459 : f32 to vector<16xf32>
      %parallel_loop3A_461 = arith.constant 0 : i32
      %parallel_loop3A_462 = arith.constant 4096 : i32
      %parallel_loop3A_463 = arith.constant 16 : i32
      scf.for %parallel_loop3A_707 = %parallel_loop3A_461 to %parallel_loop3A_462 step %parallel_loop3A_463  : i32 {
        %parallel_loop3A_708 = arith.constant 6 : i32
        %parallel_loop3A_709 = arith.index_cast %parallel_loop3A_708 : i32 to index
        %parallel_loop3A_710 = arith.index_cast %parallel_loop3A_707 : i32 to index
        %parallel_loop3A_711 = tpu.vector_load %arg7[%parallel_loop3A_709, %parallel_loop3A_710] {strides = array<i32>} : memref<8x4096xf32, #tpu.memory_space<vmem>>, vector<1x16xf32>,
        %parallel_loop3A_712 = vector.shape_cast %parallel_loop3A_711 : vector<1x16xf32> to vector<16xf32>
        %parallel_loop3A_713 = arith.addf %parallel_loop3A_712, %broadcast_in_dim3A_460 : vector<16xf32>
        %parallel_loop3A_714 = arith.constant 6 : i32
        %parallel_loop3A_715 = arith.index_cast %parallel_loop3A_714 : i32 to index
        %parallel_loop3A_716 = arith.index_cast %parallel_loop3A_707 : i32 to index
        %parallel_loop3A_717 = tpu.vector_load %arg7[%parallel_loop3A_715, %parallel_loop3A_716] {strides = array<i32>} : memref<8x4096xf32, #tpu.memory_space<vmem>>, vector<1x16xf32>,
        %parallel_loop3A_718 = vector.shape_cast %parallel_loop3A_717 : vector<1x16xf32> to vector<16xf32>
        %parallel_loop3A_719 = vector.shape_cast %parallel_loop3A_713 : vector<16xf32> to vector<1x16xf32>
        tpu.vector_store %arg7[%parallel_loop3A_715, %parallel_loop3A_716], %parallel_loop3A_719 {strides = array<i32>} : memref<8x4096xf32, #tpu.memory_space<vmem>>, vector<1x16xf32>,
      } {sc.loop_unroll_factor = 16 : i64, sc.parallel_access}
      %slice3A_464 = vector.extract_strided_slice %get3A_421 {offsets = [7], sizes = [1], strides = [1]} : vector<16xf32> to vector<1xf32>
      %squeeze3A_465 = vector.extract %slice3A_464[0] : f32 from vector<1xf32>
      %broadcast_in_dim3A_466 = vector.broadcast %squeeze3A_465 : f32 to vector<16xf32>
      %parallel_loop3A_467 = arith.constant 0 : i32
      %parallel_loop3A_468 = arith.constant 4096 : i32
      %parallel_loop3A_469 = arith.constant 16 : i32
      scf.for %parallel_loop3A_707 = %parallel_loop3A_467 to %parallel_loop3A_468 step %parallel_loop3A_469  : i32 {
        %parallel_loop3A_708 = arith.constant 7 : i32
        %parallel_loop3A_709 = arith.index_cast %parallel_loop3A_708 : i32 to index
        %parallel_loop3A_710 = arith.index_cast %parallel_loop3A_707 : i32 to index
        %parallel_loop3A_711 = tpu.vector_load %arg7[%parallel_loop3A_709, %parallel_loop3A_710] {strides = array<i32>} : memref<8x4096xf32, #tpu.memory_space<vmem>>, vector<1x16xf32>,
        %parallel_loop3A_712 = vector.shape_cast %parallel_loop3A_711 : vector<1x16xf32> to vector<16xf32>
        %parallel_loop3A_713 = arith.addf %parallel_loop3A_712, %broadcast_in_dim3A_466 : vector<16xf32>
        %parallel_loop3A_714 = arith.constant 7 : i32
        %parallel_loop3A_715 = arith.index_cast %parallel_loop3A_714 : i32 to index
        %parallel_loop3A_716 = arith.index_cast %parallel_loop3A_707 : i32 to index
        %parallel_loop3A_717 = tpu.vector_load %arg7[%parallel_loop3A_715, %parallel_loop3A_716] {strides = array<i32>} : memref<8x4096xf32, #tpu.memory_space<vmem>>, vector<1x16xf32>,
        %parallel_loop3A_718 = vector.shape_cast %parallel_loop3A_717 : vector<1x16xf32> to vector<16xf32>
        %parallel_loop3A_719 = vector.shape_cast %parallel_loop3A_713 : vector<16xf32> to vector<1x16xf32>
        tpu.vector_store %arg7[%parallel_loop3A_715, %parallel_loop3A_716], %parallel_loop3A_719 {strides = array<i32>} : memref<8x4096xf32, #tpu.memory_space<vmem>>, vector<1x16xf32>,
      } {sc.loop_unroll_factor = 16 : i64, sc.parallel_access}
      %jit3A_470 = arith.constant 1 : i32
      %div3A_471 = arith.divsi %add3A_344, %jit3A_470 : i32
      %sign3A_472 = arith.constant 0 : i32
      %sign3A_473 = arith.cmpi sgt, %add3A_344, %sign3A_472 : i32
      %sign3A_474 = arith.extui %sign3A_473 : i1 to i32
      %sign3A_475 = arith.constant 0 : i32
      %sign3A_476 = arith.cmpi slt, %add3A_344, %sign3A_475 : i32
      %sign3A_477 = arith.extui %sign3A_476 : i1 to i32
      %sign3A_478 = arith.subi %sign3A_474, %sign3A_477 : i32
      %sign3A_479 = arith.constant 0 : i32
      %sign3A_480 = arith.cmpi sgt, %jit3A_470, %sign3A_479 : i32
      %sign3A_481 = arith.extui %sign3A_480 : i1 to i32
      %sign3A_482 = arith.constant 0 : i32
      %sign3A_483 = arith.cmpi slt, %jit3A_470, %sign3A_482 : i32
      %sign3A_484 = arith.extui %sign3A_483 : i1 to i32
      %sign3A_485 = arith.subi %sign3A_481, %sign3A_484 : i32
      %ne3A_486 = arith.cmpi ne, %sign3A_478, %sign3A_485 : i32
      %rem3A_487 = arith.remsi %add3A_344, %jit3A_470 : i32
      %ne3A_488 = arith.constant 0 : i32
      %ne3A_489 = arith.cmpi ne, %rem3A_487, %ne3A_488 : i32
      %and3A_490 = arith.andi %ne3A_486, %ne3A_489 : i1
      %sub3A_491 = arith.constant 1 : i32
      %sub3A_492 = arith.subi %div3A_471, %sub3A_491 : i32
      %select_n3A_493 = arith.select %and3A_490, %sub3A_492, %div3A_471 : i32
      %mul3A_494 = arith.constant 8 : i32
      %mul3A_495 = arith.muli %select_n3A_493, %mul3A_494 : i32
      %add3A_496 = arith.addi %mul3A_2, %mul3A_495 : i32
      %jit3A_497 = arith.constant 1 : i32
      %eq3A_498 = arith.constant 0 : i32
      %eq3A_499 = arith.cmpi eq, %jit3A_497, %eq3A_498 : i32
      %jit3A_500 = arith.constant 1 : i32
      %select_n3A_501 = arith.select %eq3A_499, %jit3A_500, %jit3A_497 : i32
      %rem3A_502 = arith.remsi %add3A_344, %select_n3A_501 : i32
      %ne3A_503 = arith.constant 0 : i32
      %ne3A_504 = arith.cmpi ne, %rem3A_502, %ne3A_503 : i32
      %lt3A_505 = arith.constant 0 : i32
      %lt3A_506 = arith.cmpi slt, %rem3A_502, %lt3A_505 : i32
      %lt3A_507 = arith.constant 0 : i32
      %lt3A_508 = arith.cmpi slt, %select_n3A_501, %lt3A_507 : i32
      %ne3A_509 = arith.xori %lt3A_506, %lt3A_508 : i1
      %and3A_510 = arith.andi %ne3A_509, %ne3A_504 : i1
      %add3A_511 = arith.addi %rem3A_502, %select_n3A_501 : i32
      %select_n3A_512 = arith.select %and3A_510, %add3A_511, %rem3A_502 : i32
      %mul3A_513 = arith.constant 4096 : i32
      %mul3A_514 = arith.muli %select_n3A_512, %mul3A_513 : i32
      %dma_start3A_515 = tpu.memref_slice %arg4[%add3A_496, %mul3A_514] : memref<12800x4096xf32, #tpu.memory_space<hbm>> -> memref<8x4096xf32, #tpu.memory_space<hbm>>
      %dma_start3A_516 = tpu.memref_slice %arg4[%add3A_496, %mul3A_514] : memref<12800x4096xf32, #tpu.memory_space<hbm>> -> memref<8x4096xf32, #tpu.memory_space<hbm>>
      tpu.enqueue_dma source(%arg7 : memref<8x4096xf32, #tpu.memory_space<vmem>>) target(%dma_start3A_516 : memref<8x4096xf32, #tpu.memory_space<hbm>>) target_semaphore(%arg13 : memref<!tpu.dma_semaphore, #tpu.memory_space<semaphore_mem>>)
      %add3A_517 = arith.constant 2 : i32
      %add3A_518 = arith.addi %add3A_344, %add3A_517 : i32
      %lt3A_519 = arith.constant 50 : i32
      %lt3A_520 = arith.cmpi slt, %add3A_518, %lt3A_519 : i32
      %convert_element_type3A_521 = arith.extui %lt3A_520 : i1 to i32
      %cond3A_522 = arith.constant 0 : i32
      %cond3A_523 = arith.cmpi ne, %convert_element_type3A_521, %cond3A_522 : i32
      scf.if %cond3A_523 {
        %ge3A = arith.constant 1 : i32
        %ge3A_707 = arith.cmpi sge, %add3A_344, %ge3A : i32
        %convert_element_type3A_708 = arith.extui %ge3A_707 : i1 to i32
        %cond3A_709 = arith.constant 0 : i32
        %cond3A_710 = arith.cmpi ne, %convert_element_type3A_708, %cond3A_709 : i32
        scf.if %cond3A_710 {
          %jit3A_760 = arith.constant 1 : i32
          %div3A_761 = arith.divsi %add3A_344, %jit3A_760 : i32
          %sign3A_762 = arith.constant 0 : i32
          %sign3A_763 = arith.cmpi sgt, %add3A_344, %sign3A_762 : i32
          %sign3A_764 = arith.extui %sign3A_763 : i1 to i32
          %sign3A_765 = arith.constant 0 : i32
          %sign3A_766 = arith.cmpi slt, %add3A_344, %sign3A_765 : i32
          %sign3A_767 = arith.extui %sign3A_766 : i1 to i32
          %sign3A_768 = arith.subi %sign3A_764, %sign3A_767 : i32
          %sign3A_769 = arith.constant 0 : i32
          %sign3A_770 = arith.cmpi sgt, %jit3A_760, %sign3A_769 : i32
          %sign3A_771 = arith.extui %sign3A_770 : i1 to i32
          %sign3A_772 = arith.constant 0 : i32
          %sign3A_773 = arith.cmpi slt, %jit3A_760, %sign3A_772 : i32
          %sign3A_774 = arith.extui %sign3A_773 : i1 to i32
          %sign3A_775 = arith.subi %sign3A_771, %sign3A_774 : i32
          %ne3A_776 = arith.cmpi ne, %sign3A_768, %sign3A_775 : i32
          %rem3A_777 = arith.remsi %add3A_344, %jit3A_760 : i32
          %ne3A_778 = arith.constant 0 : i32
          %ne3A_779 = arith.cmpi ne, %rem3A_777, %ne3A_778 : i32
          %and3A_780 = arith.andi %ne3A_776, %ne3A_779 : i1
          %sub3A_781 = arith.constant 1 : i32
          %sub3A_782 = arith.subi %div3A_761, %sub3A_781 : i32
          %select_n3A_783 = arith.select %and3A_780, %sub3A_782, %div3A_761 : i32
          %mul3A_784 = arith.constant 8 : i32
          %mul3A_785 = arith.muli %select_n3A_783, %mul3A_784 : i32
          %add3A_786 = arith.addi %mul3A_2, %mul3A_785 : i32
          %jit3A_787 = arith.constant 1 : i32
          %eq3A_788 = arith.constant 0 : i32
          %eq3A_789 = arith.cmpi eq, %jit3A_787, %eq3A_788 : i32
          %jit3A_790 = arith.constant 1 : i32
          %select_n3A_791 = arith.select %eq3A_789, %jit3A_790, %jit3A_787 : i32
          %rem3A_792 = arith.remsi %add3A_344, %select_n3A_791 : i32
          %ne3A_793 = arith.constant 0 : i32
          %ne3A_794 = arith.cmpi ne, %rem3A_792, %ne3A_793 : i32
          %lt3A_795 = arith.constant 0 : i32
          %lt3A_796 = arith.cmpi slt, %rem3A_792, %lt3A_795 : i32
          %lt3A_797 = arith.constant 0 : i32
          %lt3A_798 = arith.cmpi slt, %select_n3A_791, %lt3A_797 : i32
          %ne3A_799 = arith.xori %lt3A_796, %lt3A_798 : i1
          %and3A_800 = arith.andi %ne3A_799, %ne3A_794 : i1
          %add3A_801 = arith.addi %rem3A_792, %select_n3A_791 : i32
          %select_n3A_802 = arith.select %and3A_800, %add3A_801, %rem3A_792 : i32
          %mul3A_803 = arith.constant 4096 : i32
          %mul3A_804 = arith.muli %select_n3A_802, %mul3A_803 : i32
          %dma_wait3A_805 = tpu.memref_slice %arg4[%add3A_786, %mul3A_804] : memref<12800x4096xf32, #tpu.memory_space<hbm>> -> memref<8x4096xf32, #tpu.memory_space<hbm>>
          %dma_wait3A_806 = tpu.memref_slice %arg4[%add3A_786, %mul3A_804] : memref<12800x4096xf32, #tpu.memory_space<hbm>> -> memref<8x4096xf32, #tpu.memory_space<hbm>>
          tpu.wait_dma2 semaphore(%arg12 : memref<!tpu.dma_semaphore, #tpu.memory_space<semaphore_mem>>) src(%arg6 : memref<8x4096xf32, #tpu.memory_space<vmem>>) dst(%dma_wait3A_806 : memref<8x4096xf32, #tpu.memory_space<hbm>>)
        } else {
        }
        %add3A_711 = arith.constant 2 : i32
        %add3A_712 = arith.addi %add3A_344, %add3A_711 : i32
        %jit3A_713 = arith.constant 1 : i32
        %div3A_714 = arith.divsi %add3A_712, %jit3A_713 : i32
        %sign3A_715 = arith.constant 0 : i32
        %sign3A_716 = arith.cmpi sgt, %add3A_712, %sign3A_715 : i32
        %sign3A_717 = arith.extui %sign3A_716 : i1 to i32
        %sign3A_718 = arith.constant 0 : i32
        %sign3A_719 = arith.cmpi slt, %add3A_712, %sign3A_718 : i32
        %sign3A_720 = arith.extui %sign3A_719 : i1 to i32
        %sign3A_721 = arith.subi %sign3A_717, %sign3A_720 : i32
        %sign3A_722 = arith.constant 0 : i32
        %sign3A_723 = arith.cmpi sgt, %jit3A_713, %sign3A_722 : i32
        %sign3A_724 = arith.extui %sign3A_723 : i1 to i32
        %sign3A_725 = arith.constant 0 : i32
        %sign3A_726 = arith.cmpi slt, %jit3A_713, %sign3A_725 : i32
        %sign3A_727 = arith.extui %sign3A_726 : i1 to i32
        %sign3A_728 = arith.subi %sign3A_724, %sign3A_727 : i32
        %ne3A_729 = arith.cmpi ne, %sign3A_721, %sign3A_728 : i32
        %rem3A_730 = arith.remsi %add3A_712, %jit3A_713 : i32
        %ne3A_731 = arith.constant 0 : i32
        %ne3A_732 = arith.cmpi ne, %rem3A_730, %ne3A_731 : i32
        %and3A_733 = arith.andi %ne3A_729, %ne3A_732 : i1
        %sub3A_734 = arith.constant 1 : i32
        %sub3A_735 = arith.subi %div3A_714, %sub3A_734 : i32
        %select_n3A_736 = arith.select %and3A_733, %sub3A_735, %div3A_714 : i32
        %mul3A_737 = arith.constant 8 : i32
        %mul3A_738 = arith.muli %select_n3A_736, %mul3A_737 : i32
        %add3A_739 = arith.addi %mul3A_2, %mul3A_738 : i32
        %jit3A_740 = arith.constant 1 : i32
        %eq3A_741 = arith.constant 0 : i32
        %eq3A_742 = arith.cmpi eq, %jit3A_740, %eq3A_741 : i32
        %jit3A_743 = arith.constant 1 : i32
        %select_n3A_744 = arith.select %eq3A_742, %jit3A_743, %jit3A_740 : i32
        %rem3A_745 = arith.remsi %add3A_712, %select_n3A_744 : i32
        %ne3A_746 = arith.constant 0 : i32
        %ne3A_747 = arith.cmpi ne, %rem3A_745, %ne3A_746 : i32
        %lt3A_748 = arith.constant 0 : i32
        %lt3A_749 = arith.cmpi slt, %rem3A_745, %lt3A_748 : i32
        %lt3A_750 = arith.constant 0 : i32
        %lt3A_751 = arith.cmpi slt, %select_n3A_744, %lt3A_750 : i32
        %ne3A_752 = arith.xori %lt3A_749, %lt3A_751 : i1
        %and3A_753 = arith.andi %ne3A_752, %ne3A_747 : i1
        %add3A_754 = arith.addi %rem3A_745, %select_n3A_744 : i32
        %select_n3A_755 = arith.select %and3A_753, %add3A_754, %rem3A_745 : i32
        %mul3A_756 = arith.constant 4096 : i32
        %mul3A_757 = arith.muli %select_n3A_755, %mul3A_756 : i32
        %dma_start3A_758 = tpu.memref_slice %arg2[%add3A_739, %mul3A_757] : memref<12800x4096xf32, #tpu.memory_space<hbm>> -> memref<8x4096xf32, #tpu.memory_space<hbm>>
        %dma_start3A_759 = tpu.memref_slice %arg2[%add3A_739, %mul3A_757] : memref<12800x4096xf32, #tpu.memory_space<hbm>> -> memref<8x4096xf32, #tpu.memory_space<hbm>>
        tpu.enqueue_dma source(%dma_start3A_759 : memref<8x4096xf32, #tpu.memory_space<hbm>>) target(%arg6 : memref<8x4096xf32, #tpu.memory_space<vmem>>) target_semaphore(%arg9 : memref<!tpu.dma_semaphore, #tpu.memory_space<semaphore_mem>>)
      } else {
      }
      %mul3A_524 = arith.constant 3 : i32
      %mul3A_525 = arith.muli %scan3A_169, %mul3A_524 : i32
      %add3A_526 = arith.constant 2 : i32
      %add3A_527 = arith.addi %mul3A_525, %add3A_526 : i32
      %jit3A_528 = arith.constant 1 : i32
      %div3A_529 = arith.divsi %add3A_527, %jit3A_528 : i32
      %sign3A_530 = arith.constant 0 : i32
      %sign3A_531 = arith.cmpi sgt, %add3A_527, %sign3A_530 : i32
      %sign3A_532 = arith.extui %sign3A_531 : i1 to i32
      %sign3A_533 = arith.constant 0 : i32
      %sign3A_534 = arith.cmpi slt, %add3A_527, %sign3A_533 : i32
      %sign3A_535 = arith.extui %sign3A_534 : i1 to i32
      %sign3A_536 = arith.subi %sign3A_532, %sign3A_535 : i32
      %sign3A_537 = arith.constant 0 : i32
      %sign3A_538 = arith.cmpi sgt, %jit3A_528, %sign3A_537 : i32
      %sign3A_539 = arith.extui %sign3A_538 : i1 to i32
      %sign3A_540 = arith.constant 0 : i32
      %sign3A_541 = arith.cmpi slt, %jit3A_528, %sign3A_540 : i32
      %sign3A_542 = arith.extui %sign3A_541 : i1 to i32
      %sign3A_543 = arith.subi %sign3A_539, %sign3A_542 : i32
      %ne3A_544 = arith.cmpi ne, %sign3A_536, %sign3A_543 : i32
      %rem3A_545 = arith.remsi %add3A_527, %jit3A_528 : i32
      %ne3A_546 = arith.constant 0 : i32
      %ne3A_547 = arith.cmpi ne, %rem3A_545, %ne3A_546 : i32
      %and3A_548 = arith.andi %ne3A_544, %ne3A_547 : i1
      %sub3A_549 = arith.constant 1 : i32
      %sub3A_550 = arith.subi %div3A_529, %sub3A_549 : i32
      %select_n3A_551 = arith.select %and3A_548, %sub3A_550, %div3A_529 : i32
      %mul3A_552 = arith.constant 8 : i32
      %mul3A_553 = arith.muli %select_n3A_551, %mul3A_552 : i32
      %add3A_554 = arith.addi %mul3A_2, %mul3A_553 : i32
      %jit3A_555 = arith.constant 1 : i32
      %eq3A_556 = arith.constant 0 : i32
      %eq3A_557 = arith.cmpi eq, %jit3A_555, %eq3A_556 : i32
      %jit3A_558 = arith.constant 1 : i32
      %select_n3A_559 = arith.select %eq3A_557, %jit3A_558, %jit3A_555 : i32
      %rem3A_560 = arith.remsi %add3A_527, %select_n3A_559 : i32
      %ne3A_561 = arith.constant 0 : i32
      %ne3A_562 = arith.cmpi ne, %rem3A_560, %ne3A_561 : i32
      %lt3A_563 = arith.constant 0 : i32
      %lt3A_564 = arith.cmpi slt, %rem3A_560, %lt3A_563 : i32
      %lt3A_565 = arith.constant 0 : i32
      %lt3A_566 = arith.cmpi slt, %select_n3A_559, %lt3A_565 : i32
      %ne3A_567 = arith.xori %lt3A_564, %lt3A_566 : i1
      %and3A_568 = arith.andi %ne3A_567, %ne3A_562 : i1
      %add3A_569 = arith.addi %rem3A_560, %select_n3A_559 : i32
      %select_n3A_570 = arith.select %and3A_568, %add3A_569, %rem3A_560 : i32
      %mul3A_571 = arith.constant 4096 : i32
      %mul3A_572 = arith.muli %select_n3A_570, %mul3A_571 : i32
      %dma_wait3A_573 = tpu.memref_slice %arg2[%add3A_554, %mul3A_572] : memref<12800x4096xf32, #tpu.memory_space<hbm>> -> memref<8x4096xf32, #tpu.memory_space<hbm>>
      %dma_wait3A_574 = tpu.memref_slice %arg2[%add3A_554, %mul3A_572] : memref<12800x4096xf32, #tpu.memory_space<hbm>> -> memref<8x4096xf32, #tpu.memory_space<hbm>>
      tpu.wait_dma2 semaphore(%arg11 : memref<!tpu.dma_semaphore, #tpu.memory_space<semaphore_mem>>) src(%dma_wait3A_574 : memref<8x4096xf32, #tpu.memory_space<hbm>>) dst(%arg8 : memref<8x4096xf32, #tpu.memory_space<vmem>>)
      %jit3A_575 = arith.constant 1 : i32
      %div3A_576 = arith.divsi %add3A_527, %jit3A_575 : i32
      %sign3A_577 = arith.constant 0 : i32
      %sign3A_578 = arith.cmpi sgt, %add3A_527, %sign3A_577 : i32
      %sign3A_579 = arith.extui %sign3A_578 : i1 to i32
      %sign3A_580 = arith.constant 0 : i32
      %sign3A_581 = arith.cmpi slt, %add3A_527, %sign3A_580 : i32
      %sign3A_582 = arith.extui %sign3A_581 : i1 to i32
      %sign3A_583 = arith.subi %sign3A_579, %sign3A_582 : i32
      %sign3A_584 = arith.constant 0 : i32
      %sign3A_585 = arith.cmpi sgt, %jit3A_575, %sign3A_584 : i32
      %sign3A_586 = arith.extui %sign3A_585 : i1 to i32
      %sign3A_587 = arith.constant 0 : i32
      %sign3A_588 = arith.cmpi slt, %jit3A_575, %sign3A_587 : i32
      %sign3A_589 = arith.extui %sign3A_588 : i1 to i32
      %sign3A_590 = arith.subi %sign3A_586, %sign3A_589 : i32
      %ne3A_591 = arith.cmpi ne, %sign3A_583, %sign3A_590 : i32
      %rem3A_592 = arith.remsi %add3A_527, %jit3A_575 : i32
      %ne3A_593 = arith.constant 0 : i32
      %ne3A_594 = arith.cmpi ne, %rem3A_592, %ne3A_593 : i32
      %and3A_595 = arith.andi %ne3A_591, %ne3A_594 : i1
      %sub3A_596 = arith.constant 1 : i32
      %sub3A_597 = arith.subi %div3A_576, %sub3A_596 : i32
      %select_n3A_598 = arith.select %and3A_595, %sub3A_597, %div3A_576 : i32
      %mul3A_599 = arith.constant 8 : i32
      %mul3A_600 = arith.muli %select_n3A_598, %mul3A_599 : i32
      %add3A_601 = arith.addi %mul3A_2, %mul3A_600 : i32
      %get3A_602 = arith.index_cast %add3A_601 : i32 to index
      %get3A_603 = tpu.vector_load %arg5[%get3A_602] {strides = array<i32>} : memref<12816xf32, #tpu.memory_space<vmem>>, vector<16xf32>,
      %get3A_604 = vector.shape_cast %get3A_603 : vector<16xf32> to vector<16xf32>
      %slice3A_605 = vector.extract_strided_slice %get3A_604 {offsets = [0], sizes = [1], strides = [1]} : vector<16xf32> to vector<1xf32>
      %squeeze3A_606 = vector.extract %slice3A_605[0] : f32 from vector<1xf32>
      %broadcast_in_dim3A_607 = vector.broadcast %squeeze3A_606 : f32 to vector<16xf32>
      %parallel_loop3A_608 = arith.constant 0 : i32
      %parallel_loop3A_609 = arith.constant 4096 : i32
      %parallel_loop3A_610 = arith.constant 16 : i32
      scf.for %parallel_loop3A_707 = %parallel_loop3A_608 to %parallel_loop3A_609 step %parallel_loop3A_610  : i32 {
        %parallel_loop3A_708 = arith.constant 0 : i32
        %parallel_loop3A_709 = arith.index_cast %parallel_loop3A_708 : i32 to index
        %parallel_loop3A_710 = arith.index_cast %parallel_loop3A_707 : i32 to index
        %parallel_loop3A_711 = tpu.vector_load %arg8[%parallel_loop3A_709, %parallel_loop3A_710] {strides = array<i32>} : memref<8x4096xf32, #tpu.memory_space<vmem>>, vector<1x16xf32>,
        %parallel_loop3A_712 = vector.shape_cast %parallel_loop3A_711 : vector<1x16xf32> to vector<16xf32>
        %parallel_loop3A_713 = arith.addf %parallel_loop3A_712, %broadcast_in_dim3A_607 : vector<16xf32>
        %parallel_loop3A_714 = arith.constant 0 : i32
        %parallel_loop3A_715 = arith.index_cast %parallel_loop3A_714 : i32 to index
        %parallel_loop3A_716 = arith.index_cast %parallel_loop3A_707 : i32 to index
        %parallel_loop3A_717 = tpu.vector_load %arg8[%parallel_loop3A_715, %parallel_loop3A_716] {strides = array<i32>} : memref<8x4096xf32, #tpu.memory_space<vmem>>, vector<1x16xf32>,
        %parallel_loop3A_718 = vector.shape_cast %parallel_loop3A_717 : vector<1x16xf32> to vector<16xf32>
        %parallel_loop3A_719 = vector.shape_cast %parallel_loop3A_713 : vector<16xf32> to vector<1x16xf32>
        tpu.vector_store %arg8[%parallel_loop3A_715, %parallel_loop3A_716], %parallel_loop3A_719 {strides = array<i32>} : memref<8x4096xf32, #tpu.memory_space<vmem>>, vector<1x16xf32>,
      } {sc.loop_unroll_factor = 16 : i64, sc.parallel_access}
      %slice3A_611 = vector.extract_strided_slice %get3A_604 {offsets = [1], sizes = [1], strides = [1]} : vector<16xf32> to vector<1xf32>
      %squeeze3A_612 = vector.extract %slice3A_611[0] : f32 from vector<1xf32>
      %broadcast_in_dim3A_613 = vector.broadcast %squeeze3A_612 : f32 to vector<16xf32>
      %parallel_loop3A_614 = arith.constant 0 : i32
      %parallel_loop3A_615 = arith.constant 4096 : i32
      %parallel_loop3A_616 = arith.constant 16 : i32
      scf.for %parallel_loop3A_707 = %parallel_loop3A_614 to %parallel_loop3A_615 step %parallel_loop3A_616  : i32 {
        %parallel_loop3A_708 = arith.constant 1 : i32
        %parallel_loop3A_709 = arith.index_cast %parallel_loop3A_708 : i32 to index
        %parallel_loop3A_710 = arith.index_cast %parallel_loop3A_707 : i32 to index
        %parallel_loop3A_711 = tpu.vector_load %arg8[%parallel_loop3A_709, %parallel_loop3A_710] {strides = array<i32>} : memref<8x4096xf32, #tpu.memory_space<vmem>>, vector<1x16xf32>,
        %parallel_loop3A_712 = vector.shape_cast %parallel_loop3A_711 : vector<1x16xf32> to vector<16xf32>
        %parallel_loop3A_713 = arith.addf %parallel_loop3A_712, %broadcast_in_dim3A_613 : vector<16xf32>
        %parallel_loop3A_714 = arith.constant 1 : i32
        %parallel_loop3A_715 = arith.index_cast %parallel_loop3A_714 : i32 to index
        %parallel_loop3A_716 = arith.index_cast %parallel_loop3A_707 : i32 to index
        %parallel_loop3A_717 = tpu.vector_load %arg8[%parallel_loop3A_715, %parallel_loop3A_716] {strides = array<i32>} : memref<8x4096xf32, #tpu.memory_space<vmem>>, vector<1x16xf32>,
        %parallel_loop3A_718 = vector.shape_cast %parallel_loop3A_717 : vector<1x16xf32> to vector<16xf32>
        %parallel_loop3A_719 = vector.shape_cast %parallel_loop3A_713 : vector<16xf32> to vector<1x16xf32>
        tpu.vector_store %arg8[%parallel_loop3A_715, %parallel_loop3A_716], %parallel_loop3A_719 {strides = array<i32>} : memref<8x4096xf32, #tpu.memory_space<vmem>>, vector<1x16xf32>,
      } {sc.loop_unroll_factor = 16 : i64, sc.parallel_access}
      %slice3A_617 = vector.extract_strided_slice %get3A_604 {offsets = [2], sizes = [1], strides = [1]} : vector<16xf32> to vector<1xf32>
      %squeeze3A_618 = vector.extract %slice3A_617[0] : f32 from vector<1xf32>
      %broadcast_in_dim3A_619 = vector.broadcast %squeeze3A_618 : f32 to vector<16xf32>
      %parallel_loop3A_620 = arith.constant 0 : i32
      %parallel_loop3A_621 = arith.constant 4096 : i32
      %parallel_loop3A_622 = arith.constant 16 : i32
      scf.for %parallel_loop3A_707 = %parallel_loop3A_620 to %parallel_loop3A_621 step %parallel_loop3A_622  : i32 {
        %parallel_loop3A_708 = arith.constant 2 : i32
        %parallel_loop3A_709 = arith.index_cast %parallel_loop3A_708 : i32 to index
        %parallel_loop3A_710 = arith.index_cast %parallel_loop3A_707 : i32 to index
        %parallel_loop3A_711 = tpu.vector_load %arg8[%parallel_loop3A_709, %parallel_loop3A_710] {strides = array<i32>} : memref<8x4096xf32, #tpu.memory_space<vmem>>, vector<1x16xf32>,
        %parallel_loop3A_712 = vector.shape_cast %parallel_loop3A_711 : vector<1x16xf32> to vector<16xf32>
        %parallel_loop3A_713 = arith.addf %parallel_loop3A_712, %broadcast_in_dim3A_619 : vector<16xf32>
        %parallel_loop3A_714 = arith.constant 2 : i32
        %parallel_loop3A_715 = arith.index_cast %parallel_loop3A_714 : i32 to index
        %parallel_loop3A_716 = arith.index_cast %parallel_loop3A_707 : i32 to index
        %parallel_loop3A_717 = tpu.vector_load %arg8[%parallel_loop3A_715, %parallel_loop3A_716] {strides = array<i32>} : memref<8x4096xf32, #tpu.memory_space<vmem>>, vector<1x16xf32>,
        %parallel_loop3A_718 = vector.shape_cast %parallel_loop3A_717 : vector<1x16xf32> to vector<16xf32>
        %parallel_loop3A_719 = vector.shape_cast %parallel_loop3A_713 : vector<16xf32> to vector<1x16xf32>
        tpu.vector_store %arg8[%parallel_loop3A_715, %parallel_loop3A_716], %parallel_loop3A_719 {strides = array<i32>} : memref<8x4096xf32, #tpu.memory_space<vmem>>, vector<1x16xf32>,
      } {sc.loop_unroll_factor = 16 : i64, sc.parallel_access}
      %slice3A_623 = vector.extract_strided_slice %get3A_604 {offsets = [3], sizes = [1], strides = [1]} : vector<16xf32> to vector<1xf32>
      %squeeze3A_624 = vector.extract %slice3A_623[0] : f32 from vector<1xf32>
      %broadcast_in_dim3A_625 = vector.broadcast %squeeze3A_624 : f32 to vector<16xf32>
      %parallel_loop3A_626 = arith.constant 0 : i32
      %parallel_loop3A_627 = arith.constant 4096 : i32
      %parallel_loop3A_628 = arith.constant 16 : i32
      scf.for %parallel_loop3A_707 = %parallel_loop3A_626 to %parallel_loop3A_627 step %parallel_loop3A_628  : i32 {
        %parallel_loop3A_708 = arith.constant 3 : i32
        %parallel_loop3A_709 = arith.index_cast %parallel_loop3A_708 : i32 to index
        %parallel_loop3A_710 = arith.index_cast %parallel_loop3A_707 : i32 to index
        %parallel_loop3A_711 = tpu.vector_load %arg8[%parallel_loop3A_709, %parallel_loop3A_710] {strides = array<i32>} : memref<8x4096xf32, #tpu.memory_space<vmem>>, vector<1x16xf32>,
        %parallel_loop3A_712 = vector.shape_cast %parallel_loop3A_711 : vector<1x16xf32> to vector<16xf32>
        %parallel_loop3A_713 = arith.addf %parallel_loop3A_712, %broadcast_in_dim3A_625 : vector<16xf32>
        %parallel_loop3A_714 = arith.constant 3 : i32
        %parallel_loop3A_715 = arith.index_cast %parallel_loop3A_714 : i32 to index
        %parallel_loop3A_716 = arith.index_cast %parallel_loop3A_707 : i32 to index
        %parallel_loop3A_717 = tpu.vector_load %arg8[%parallel_loop3A_715, %parallel_loop3A_716] {strides = array<i32>} : memref<8x4096xf32, #tpu.memory_space<vmem>>, vector<1x16xf32>,
        %parallel_loop3A_718 = vector.shape_cast %parallel_loop3A_717 : vector<1x16xf32> to vector<16xf32>
        %parallel_loop3A_719 = vector.shape_cast %parallel_loop3A_713 : vector<16xf32> to vector<1x16xf32>
        tpu.vector_store %arg8[%parallel_loop3A_715, %parallel_loop3A_716], %parallel_loop3A_719 {strides = array<i32>} : memref<8x4096xf32, #tpu.memory_space<vmem>>, vector<1x16xf32>,
      } {sc.loop_unroll_factor = 16 : i64, sc.parallel_access}
      %slice3A_629 = vector.extract_strided_slice %get3A_604 {offsets = [4], sizes = [1], strides = [1]} : vector<16xf32> to vector<1xf32>
      %squeeze3A_630 = vector.extract %slice3A_629[0] : f32 from vector<1xf32>
      %broadcast_in_dim3A_631 = vector.broadcast %squeeze3A_630 : f32 to vector<16xf32>
      %parallel_loop3A_632 = arith.constant 0 : i32
      %parallel_loop3A_633 = arith.constant 4096 : i32
      %parallel_loop3A_634 = arith.constant 16 : i32
      scf.for %parallel_loop3A_707 = %parallel_loop3A_632 to %parallel_loop3A_633 step %parallel_loop3A_634  : i32 {
        %parallel_loop3A_708 = arith.constant 4 : i32
        %parallel_loop3A_709 = arith.index_cast %parallel_loop3A_708 : i32 to index
        %parallel_loop3A_710 = arith.index_cast %parallel_loop3A_707 : i32 to index
        %parallel_loop3A_711 = tpu.vector_load %arg8[%parallel_loop3A_709, %parallel_loop3A_710] {strides = array<i32>} : memref<8x4096xf32, #tpu.memory_space<vmem>>, vector<1x16xf32>,
        %parallel_loop3A_712 = vector.shape_cast %parallel_loop3A_711 : vector<1x16xf32> to vector<16xf32>
        %parallel_loop3A_713 = arith.addf %parallel_loop3A_712, %broadcast_in_dim3A_631 : vector<16xf32>
        %parallel_loop3A_714 = arith.constant 4 : i32
        %parallel_loop3A_715 = arith.index_cast %parallel_loop3A_714 : i32 to index
        %parallel_loop3A_716 = arith.index_cast %parallel_loop3A_707 : i32 to index
        %parallel_loop3A_717 = tpu.vector_load %arg8[%parallel_loop3A_715, %parallel_loop3A_716] {strides = array<i32>} : memref<8x4096xf32, #tpu.memory_space<vmem>>, vector<1x16xf32>,
        %parallel_loop3A_718 = vector.shape_cast %parallel_loop3A_717 : vector<1x16xf32> to vector<16xf32>
        %parallel_loop3A_719 = vector.shape_cast %parallel_loop3A_713 : vector<16xf32> to vector<1x16xf32>
        tpu.vector_store %arg8[%parallel_loop3A_715, %parallel_loop3A_716], %parallel_loop3A_719 {strides = array<i32>} : memref<8x4096xf32, #tpu.memory_space<vmem>>, vector<1x16xf32>,
      } {sc.loop_unroll_factor = 16 : i64, sc.parallel_access}
      %slice3A_635 = vector.extract_strided_slice %get3A_604 {offsets = [5], sizes = [1], strides = [1]} : vector<16xf32> to vector<1xf32>
      %squeeze3A_636 = vector.extract %slice3A_635[0] : f32 from vector<1xf32>
      %broadcast_in_dim3A_637 = vector.broadcast %squeeze3A_636 : f32 to vector<16xf32>
      %parallel_loop3A_638 = arith.constant 0 : i32
      %parallel_loop3A_639 = arith.constant 4096 : i32
      %parallel_loop3A_640 = arith.constant 16 : i32
      scf.for %parallel_loop3A_707 = %parallel_loop3A_638 to %parallel_loop3A_639 step %parallel_loop3A_640  : i32 {
        %parallel_loop3A_708 = arith.constant 5 : i32
        %parallel_loop3A_709 = arith.index_cast %parallel_loop3A_708 : i32 to index
        %parallel_loop3A_710 = arith.index_cast %parallel_loop3A_707 : i32 to index
        %parallel_loop3A_711 = tpu.vector_load %arg8[%parallel_loop3A_709, %parallel_loop3A_710] {strides = array<i32>} : memref<8x4096xf32, #tpu.memory_space<vmem>>, vector<1x16xf32>,
        %parallel_loop3A_712 = vector.shape_cast %parallel_loop3A_711 : vector<1x16xf32> to vector<16xf32>
        %parallel_loop3A_713 = arith.addf %parallel_loop3A_712, %broadcast_in_dim3A_637 : vector<16xf32>
        %parallel_loop3A_714 = arith.constant 5 : i32
        %parallel_loop3A_715 = arith.index_cast %parallel_loop3A_714 : i32 to index
        %parallel_loop3A_716 = arith.index_cast %parallel_loop3A_707 : i32 to index
        %parallel_loop3A_717 = tpu.vector_load %arg8[%parallel_loop3A_715, %parallel_loop3A_716] {strides = array<i32>} : memref<8x4096xf32, #tpu.memory_space<vmem>>, vector<1x16xf32>,
        %parallel_loop3A_718 = vector.shape_cast %parallel_loop3A_717 : vector<1x16xf32> to vector<16xf32>
        %parallel_loop3A_719 = vector.shape_cast %parallel_loop3A_713 : vector<16xf32> to vector<1x16xf32>
        tpu.vector_store %arg8[%parallel_loop3A_715, %parallel_loop3A_716], %parallel_loop3A_719 {strides = array<i32>} : memref<8x4096xf32, #tpu.memory_space<vmem>>, vector<1x16xf32>,
      } {sc.loop_unroll_factor = 16 : i64, sc.parallel_access}
      %slice3A_641 = vector.extract_strided_slice %get3A_604 {offsets = [6], sizes = [1], strides = [1]} : vector<16xf32> to vector<1xf32>
      %squeeze3A_642 = vector.extract %slice3A_641[0] : f32 from vector<1xf32>
      %broadcast_in_dim3A_643 = vector.broadcast %squeeze3A_642 : f32 to vector<16xf32>
      %parallel_loop3A_644 = arith.constant 0 : i32
      %parallel_loop3A_645 = arith.constant 4096 : i32
      %parallel_loop3A_646 = arith.constant 16 : i32
      scf.for %parallel_loop3A_707 = %parallel_loop3A_644 to %parallel_loop3A_645 step %parallel_loop3A_646  : i32 {
        %parallel_loop3A_708 = arith.constant 6 : i32
        %parallel_loop3A_709 = arith.index_cast %parallel_loop3A_708 : i32 to index
        %parallel_loop3A_710 = arith.index_cast %parallel_loop3A_707 : i32 to index
        %parallel_loop3A_711 = tpu.vector_load %arg8[%parallel_loop3A_709, %parallel_loop3A_710] {strides = array<i32>} : memref<8x4096xf32, #tpu.memory_space<vmem>>, vector<1x16xf32>,
        %parallel_loop3A_712 = vector.shape_cast %parallel_loop3A_711 : vector<1x16xf32> to vector<16xf32>
        %parallel_loop3A_713 = arith.addf %parallel_loop3A_712, %broadcast_in_dim3A_643 : vector<16xf32>
        %parallel_loop3A_714 = arith.constant 6 : i32
        %parallel_loop3A_715 = arith.index_cast %parallel_loop3A_714 : i32 to index
        %parallel_loop3A_716 = arith.index_cast %parallel_loop3A_707 : i32 to index
        %parallel_loop3A_717 = tpu.vector_load %arg8[%parallel_loop3A_715, %parallel_loop3A_716] {strides = array<i32>} : memref<8x4096xf32, #tpu.memory_space<vmem>>, vector<1x16xf32>,
        %parallel_loop3A_718 = vector.shape_cast %parallel_loop3A_717 : vector<1x16xf32> to vector<16xf32>
        %parallel_loop3A_719 = vector.shape_cast %parallel_loop3A_713 : vector<16xf32> to vector<1x16xf32>
        tpu.vector_store %arg8[%parallel_loop3A_715, %parallel_loop3A_716], %parallel_loop3A_719 {strides = array<i32>} : memref<8x4096xf32, #tpu.memory_space<vmem>>, vector<1x16xf32>,
      } {sc.loop_unroll_factor = 16 : i64, sc.parallel_access}
      %slice3A_647 = vector.extract_strided_slice %get3A_604 {offsets = [7], sizes = [1], strides = [1]} : vector<16xf32> to vector<1xf32>
      %squeeze3A_648 = vector.extract %slice3A_647[0] : f32 from vector<1xf32>
      %broadcast_in_dim3A_649 = vector.broadcast %squeeze3A_648 : f32 to vector<16xf32>
      %parallel_loop3A_650 = arith.constant 0 : i32
      %parallel_loop3A_651 = arith.constant 4096 : i32
      %parallel_loop3A_652 = arith.constant 16 : i32
      scf.for %parallel_loop3A_707 = %parallel_loop3A_650 to %parallel_loop3A_651 step %parallel_loop3A_652  : i32 {
        %parallel_loop3A_708 = arith.constant 7 : i32
        %parallel_loop3A_709 = arith.index_cast %parallel_loop3A_708 : i32 to index
        %parallel_loop3A_710 = arith.index_cast %parallel_loop3A_707 : i32 to index
        %parallel_loop3A_711 = tpu.vector_load %arg8[%parallel_loop3A_709, %parallel_loop3A_710] {strides = array<i32>} : memref<8x4096xf32, #tpu.memory_space<vmem>>, vector<1x16xf32>,
        %parallel_loop3A_712 = vector.shape_cast %parallel_loop3A_711 : vector<1x16xf32> to vector<16xf32>
        %parallel_loop3A_713 = arith.addf %parallel_loop3A_712, %broadcast_in_dim3A_649 : vector<16xf32>
        %parallel_loop3A_714 = arith.constant 7 : i32
        %parallel_loop3A_715 = arith.index_cast %parallel_loop3A_714 : i32 to index
        %parallel_loop3A_716 = arith.index_cast %parallel_loop3A_707 : i32 to index
        %parallel_loop3A_717 = tpu.vector_load %arg8[%parallel_loop3A_715, %parallel_loop3A_716] {strides = array<i32>} : memref<8x4096xf32, #tpu.memory_space<vmem>>, vector<1x16xf32>,
        %parallel_loop3A_718 = vector.shape_cast %parallel_loop3A_717 : vector<1x16xf32> to vector<16xf32>
        %parallel_loop3A_719 = vector.shape_cast %parallel_loop3A_713 : vector<16xf32> to vector<1x16xf32>
        tpu.vector_store %arg8[%parallel_loop3A_715, %parallel_loop3A_716], %parallel_loop3A_719 {strides = array<i32>} : memref<8x4096xf32, #tpu.memory_space<vmem>>, vector<1x16xf32>,
      } {sc.loop_unroll_factor = 16 : i64, sc.parallel_access}
      %jit3A_653 = arith.constant 1 : i32
      %div3A_654 = arith.divsi %add3A_527, %jit3A_653 : i32
      %sign3A_655 = arith.constant 0 : i32
      %sign3A_656 = arith.cmpi sgt, %add3A_527, %sign3A_655 : i32
      %sign3A_657 = arith.extui %sign3A_656 : i1 to i32
      %sign3A_658 = arith.constant 0 : i32
      %sign3A_659 = arith.cmpi slt, %add3A_527, %sign3A_658 : i32
      %sign3A_660 = arith.extui %sign3A_659 : i1 to i32
      %sign3A_661 = arith.subi %sign3A_657, %sign3A_660 : i32
      %sign3A_662 = arith.constant 0 : i32
      %sign3A_663 = arith.cmpi sgt, %jit3A_653, %sign3A_662 : i32
      %sign3A_664 = arith.extui %sign3A_663 : i1 to i32
      %sign3A_665 = arith.constant 0 : i32
      %sign3A_666 = arith.cmpi slt, %jit3A_653, %sign3A_665 : i32
      %sign3A_667 = arith.extui %sign3A_666 : i1 to i32
      %sign3A_668 = arith.subi %sign3A_664, %sign3A_667 : i32
      %ne3A_669 = arith.cmpi ne, %sign3A_661, %sign3A_668 : i32
      %rem3A_670 = arith.remsi %add3A_527, %jit3A_653 : i32
      %ne3A_671 = arith.constant 0 : i32
      %ne3A_672 = arith.cmpi ne, %rem3A_670, %ne3A_671 : i32
      %and3A_673 = arith.andi %ne3A_669, %ne3A_672 : i1
      %sub3A_674 = arith.constant 1 : i32
      %sub3A_675 = arith.subi %div3A_654, %sub3A_674 : i32
      %select_n3A_676 = arith.select %and3A_673, %sub3A_675, %div3A_654 : i32
      %mul3A_677 = arith.constant 8 : i32
      %mul3A_678 = arith.muli %select_n3A_676, %mul3A_677 : i32
      %add3A_679 = arith.addi %mul3A_2, %mul3A_678 : i32
      %jit3A_680 = arith.constant 1 : i32
      %eq3A_681 = arith.constant 0 : i32
      %eq3A_682 = arith.cmpi eq, %jit3A_680, %eq3A_681 : i32
      %jit3A_683 = arith.constant 1 : i32
      %select_n3A_684 = arith.select %eq3A_682, %jit3A_683, %jit3A_680 : i32
      %rem3A_685 = arith.remsi %add3A_527, %select_n3A_684 : i32
      %ne3A_686 = arith.constant 0 : i32
      %ne3A_687 = arith.cmpi ne, %rem3A_685, %ne3A_686 : i32
      %lt3A_688 = arith.constant 0 : i32
      %lt3A_689 = arith.cmpi slt, %rem3A_685, %lt3A_688 : i32
      %lt3A_690 = arith.constant 0 : i32
      %lt3A_691 = arith.cmpi slt, %select_n3A_684, %lt3A_690 : i32
      %ne3A_692 = arith.xori %lt3A_689, %lt3A_691 : i1
      %and3A_693 = arith.andi %ne3A_692, %ne3A_687 : i1
      %add3A_694 = arith.addi %rem3A_685, %select_n3A_684 : i32
      %select_n3A_695 = arith.select %and3A_693, %add3A_694, %rem3A_685 : i32
      %mul3A_696 = arith.constant 4096 : i32
      %mul3A_697 = arith.muli %select_n3A_695, %mul3A_696 : i32
      %dma_start3A_698 = tpu.memref_slice %arg4[%add3A_679, %mul3A_697] : memref<12800x4096xf32, #tpu.memory_space<hbm>> -> memref<8x4096xf32, #tpu.memory_space<hbm>>
      %dma_start3A_699 = tpu.memref_slice %arg4[%add3A_679, %mul3A_697] : memref<12800x4096xf32, #tpu.memory_space<hbm>> -> memref<8x4096xf32, #tpu.memory_space<hbm>>
      tpu.enqueue_dma source(%arg8 : memref<8x4096xf32, #tpu.memory_space<vmem>>) target(%dma_start3A_699 : memref<8x4096xf32, #tpu.memory_space<hbm>>) target_semaphore(%arg14 : memref<!tpu.dma_semaphore, #tpu.memory_space<semaphore_mem>>)
      %add3A_700 = arith.constant 2 : i32
      %add3A_701 = arith.addi %add3A_527, %add3A_700 : i32
      %lt3A_702 = arith.constant 50 : i32
      %lt3A_703 = arith.cmpi slt, %add3A_701, %lt3A_702 : i32
      %convert_element_type3A_704 = arith.extui %lt3A_703 : i1 to i32
      %cond3A_705 = arith.constant 0 : i32
      %cond3A_706 = arith.cmpi ne, %convert_element_type3A_704, %cond3A_705 : i32
      scf.if %cond3A_706 {
        %ge3A = arith.constant 1 : i32
        %ge3A_707 = arith.cmpi sge, %add3A_527, %ge3A : i32
        %convert_element_type3A_708 = arith.extui %ge3A_707 : i1 to i32
        %cond3A_709 = arith.constant 0 : i32
        %cond3A_710 = arith.cmpi ne, %convert_element_type3A_708, %cond3A_709 : i32
        scf.if %cond3A_710 {
          %jit3A_760 = arith.constant 1 : i32
          %div3A_761 = arith.divsi %add3A_527, %jit3A_760 : i32
          %sign3A_762 = arith.constant 0 : i32
          %sign3A_763 = arith.cmpi sgt, %add3A_527, %sign3A_762 : i32
          %sign3A_764 = arith.extui %sign3A_763 : i1 to i32
          %sign3A_765 = arith.constant 0 : i32
          %sign3A_766 = arith.cmpi slt, %add3A_527, %sign3A_765 : i32
          %sign3A_767 = arith.extui %sign3A_766 : i1 to i32
          %sign3A_768 = arith.subi %sign3A_764, %sign3A_767 : i32
          %sign3A_769 = arith.constant 0 : i32
          %sign3A_770 = arith.cmpi sgt, %jit3A_760, %sign3A_769 : i32
          %sign3A_771 = arith.extui %sign3A_770 : i1 to i32
          %sign3A_772 = arith.constant 0 : i32
          %sign3A_773 = arith.cmpi slt, %jit3A_760, %sign3A_772 : i32
          %sign3A_774 = arith.extui %sign3A_773 : i1 to i32
          %sign3A_775 = arith.subi %sign3A_771, %sign3A_774 : i32
          %ne3A_776 = arith.cmpi ne, %sign3A_768, %sign3A_775 : i32
          %rem3A_777 = arith.remsi %add3A_527, %jit3A_760 : i32
          %ne3A_778 = arith.constant 0 : i32
          %ne3A_779 = arith.cmpi ne, %rem3A_777, %ne3A_778 : i32
          %and3A_780 = arith.andi %ne3A_776, %ne3A_779 : i1
          %sub3A_781 = arith.constant 1 : i32
          %sub3A_782 = arith.subi %div3A_761, %sub3A_781 : i32
          %select_n3A_783 = arith.select %and3A_780, %sub3A_782, %div3A_761 : i32
          %mul3A_784 = arith.constant 8 : i32
          %mul3A_785 = arith.muli %select_n3A_783, %mul3A_784 : i32
          %add3A_786 = arith.addi %mul3A_2, %mul3A_785 : i32
          %jit3A_787 = arith.constant 1 : i32
          %eq3A_788 = arith.constant 0 : i32
          %eq3A_789 = arith.cmpi eq, %jit3A_787, %eq3A_788 : i32
          %jit3A_790 = arith.constant 1 : i32
          %select_n3A_791 = arith.select %eq3A_789, %jit3A_790, %jit3A_787 : i32
          %rem3A_792 = arith.remsi %add3A_527, %select_n3A_791 : i32
          %ne3A_793 = arith.constant 0 : i32
          %ne3A_794 = arith.cmpi ne, %rem3A_792, %ne3A_793 : i32
          %lt3A_795 = arith.constant 0 : i32
          %lt3A_796 = arith.cmpi slt, %rem3A_792, %lt3A_795 : i32
          %lt3A_797 = arith.constant 0 : i32
          %lt3A_798 = arith.cmpi slt, %select_n3A_791, %lt3A_797 : i32
          %ne3A_799 = arith.xori %lt3A_796, %lt3A_798 : i1
          %and3A_800 = arith.andi %ne3A_799, %ne3A_794 : i1
          %add3A_801 = arith.addi %rem3A_792, %select_n3A_791 : i32
          %select_n3A_802 = arith.select %and3A_800, %add3A_801, %rem3A_792 : i32
          %mul3A_803 = arith.constant 4096 : i32
          %mul3A_804 = arith.muli %select_n3A_802, %mul3A_803 : i32
          %dma_wait3A_805 = tpu.memref_slice %arg4[%add3A_786, %mul3A_804] : memref<12800x4096xf32, #tpu.memory_space<hbm>> -> memref<8x4096xf32, #tpu.memory_space<hbm>>
          %dma_wait3A_806 = tpu.memref_slice %arg4[%add3A_786, %mul3A_804] : memref<12800x4096xf32, #tpu.memory_space<hbm>> -> memref<8x4096xf32, #tpu.memory_space<hbm>>
          tpu.wait_dma2 semaphore(%arg13 : memref<!tpu.dma_semaphore, #tpu.memory_space<semaphore_mem>>) src(%arg7 : memref<8x4096xf32, #tpu.memory_space<vmem>>) dst(%dma_wait3A_806 : memref<8x4096xf32, #tpu.memory_space<hbm>>)
        } else {
        }
        %add3A_711 = arith.constant 2 : i32
        %add3A_712 = arith.addi %add3A_527, %add3A_711 : i32
        %jit3A_713 = arith.constant 1 : i32
        %div3A_714 = arith.divsi %add3A_712, %jit3A_713 : i32
        %sign3A_715 = arith.constant 0 : i32
        %sign3A_716 = arith.cmpi sgt, %add3A_712, %sign3A_715 : i32
        %sign3A_717 = arith.extui %sign3A_716 : i1 to i32
        %sign3A_718 = arith.constant 0 : i32
        %sign3A_719 = arith.cmpi slt, %add3A_712, %sign3A_718 : i32
        %sign3A_720 = arith.extui %sign3A_719 : i1 to i32
        %sign3A_721 = arith.subi %sign3A_717, %sign3A_720 : i32
        %sign3A_722 = arith.constant 0 : i32
        %sign3A_723 = arith.cmpi sgt, %jit3A_713, %sign3A_722 : i32
        %sign3A_724 = arith.extui %sign3A_723 : i1 to i32
        %sign3A_725 = arith.constant 0 : i32
        %sign3A_726 = arith.cmpi slt, %jit3A_713, %sign3A_725 : i32
        %sign3A_727 = arith.extui %sign3A_726 : i1 to i32
        %sign3A_728 = arith.subi %sign3A_724, %sign3A_727 : i32
        %ne3A_729 = arith.cmpi ne, %sign3A_721, %sign3A_728 : i32
        %rem3A_730 = arith.remsi %add3A_712, %jit3A_713 : i32
        %ne3A_731 = arith.constant 0 : i32
        %ne3A_732 = arith.cmpi ne, %rem3A_730, %ne3A_731 : i32
        %and3A_733 = arith.andi %ne3A_729, %ne3A_732 : i1
        %sub3A_734 = arith.constant 1 : i32
        %sub3A_735 = arith.subi %div3A_714, %sub3A_734 : i32
        %select_n3A_736 = arith.select %and3A_733, %sub3A_735, %div3A_714 : i32
        %mul3A_737 = arith.constant 8 : i32
        %mul3A_738 = arith.muli %select_n3A_736, %mul3A_737 : i32
        %add3A_739 = arith.addi %mul3A_2, %mul3A_738 : i32
        %jit3A_740 = arith.constant 1 : i32
        %eq3A_741 = arith.constant 0 : i32
        %eq3A_742 = arith.cmpi eq, %jit3A_740, %eq3A_741 : i32
        %jit3A_743 = arith.constant 1 : i32
        %select_n3A_744 = arith.select %eq3A_742, %jit3A_743, %jit3A_740 : i32
        %rem3A_745 = arith.remsi %add3A_712, %select_n3A_744 : i32
        %ne3A_746 = arith.constant 0 : i32
        %ne3A_747 = arith.cmpi ne, %rem3A_745, %ne3A_746 : i32
        %lt3A_748 = arith.constant 0 : i32
        %lt3A_749 = arith.cmpi slt, %rem3A_745, %lt3A_748 : i32
        %lt3A_750 = arith.constant 0 : i32
        %lt3A_751 = arith.cmpi slt, %select_n3A_744, %lt3A_750 : i32
        %ne3A_752 = arith.xori %lt3A_749, %lt3A_751 : i1
        %and3A_753 = arith.andi %ne3A_752, %ne3A_747 : i1
        %add3A_754 = arith.addi %rem3A_745, %select_n3A_744 : i32
        %select_n3A_755 = arith.select %and3A_753, %add3A_754, %rem3A_745 : i32
        %mul3A_756 = arith.constant 4096 : i32
        %mul3A_757 = arith.muli %select_n3A_755, %mul3A_756 : i32
        %dma_start3A_758 = tpu.memref_slice %arg2[%add3A_739, %mul3A_757] : memref<12800x4096xf32, #tpu.memory_space<hbm>> -> memref<8x4096xf32, #tpu.memory_space<hbm>>
        %dma_start3A_759 = tpu.memref_slice %arg2[%add3A_739, %mul3A_757] : memref<12800x4096xf32, #tpu.memory_space<hbm>> -> memref<8x4096xf32, #tpu.memory_space<hbm>>
        tpu.enqueue_dma source(%dma_start3A_759 : memref<8x4096xf32, #tpu.memory_space<hbm>>) target(%arg7 : memref<8x4096xf32, #tpu.memory_space<vmem>>) target_semaphore(%arg10 : memref<!tpu.dma_semaphore, #tpu.memory_space<semaphore_mem>>)
      } else {
      }
    }
    %scan3A_25 = arith.constant 16 : i32
    %add3A_26 = arith.constant 384 : i32
    %add3A_27 = arith.addi %mul3A_2, %add3A_26 : i32
    %dma_wait3A_28 = arith.constant 0 : i32
    %dma_wait3A_29 = tpu.memref_slice %arg2[%add3A_27, %dma_wait3A_28] : memref<12800x4096xf32, #tpu.memory_space<hbm>> -> memref<8x4096xf32, #tpu.memory_space<hbm>>
    %dma_wait3A_30 = arith.constant 0 : i32
    %dma_wait3A_31 = tpu.memref_slice %arg2[%add3A_27, %dma_wait3A_30] : memref<12800x4096xf32, #tpu.memory_space<hbm>> -> memref<8x4096xf32, #tpu.memory_space<hbm>>
    tpu.wait_dma2 semaphore(%arg9 : memref<!tpu.dma_semaphore, #tpu.memory_space<semaphore_mem>>) src(%dma_wait3A_31 : memref<8x4096xf32, #tpu.memory_space<hbm>>) dst(%arg6 : memref<8x4096xf32, #tpu.memory_space<vmem>>)
    %add3A_32 = arith.constant 384 : i32
    %add3A_33 = arith.addi %mul3A_2, %add3A_32 : i32
    %get3A = arith.index_cast %add3A_33 : i32 to index
    %get3A_34 = tpu.vector_load %arg5[%get3A] {strides = array<i32>} : memref<12816xf32, #tpu.memory_space<vmem>>, vector<16xf32>,
    %get3A_35 = vector.shape_cast %get3A_34 : vector<16xf32> to vector<16xf32>
    %slice3A = vector.extract_strided_slice %get3A_35 {offsets = [0], sizes = [1], strides = [1]} : vector<16xf32> to vector<1xf32>
    %squeeze3A = vector.extract %slice3A[0] : f32 from vector<1xf32>
    %broadcast_in_dim3A = vector.broadcast %squeeze3A : f32 to vector<16xf32>
    %parallel_loop3A = arith.constant 0 : i32
    %parallel_loop3A_36 = arith.constant 4096 : i32
    %parallel_loop3A_37 = arith.constant 16 : i32
    scf.for %parallel_loop3A_169 = %parallel_loop3A to %parallel_loop3A_36 step %parallel_loop3A_37  : i32 {
      %parallel_loop3A_170 = arith.constant 0 : i32
      %parallel_loop3A_171 = arith.index_cast %parallel_loop3A_170 : i32 to index
      %parallel_loop3A_172 = arith.index_cast %parallel_loop3A_169 : i32 to index
      %parallel_loop3A_173 = tpu.vector_load %arg6[%parallel_loop3A_171, %parallel_loop3A_172] {strides = array<i32>} : memref<8x4096xf32, #tpu.memory_space<vmem>>, vector<1x16xf32>,
      %parallel_loop3A_174 = vector.shape_cast %parallel_loop3A_173 : vector<1x16xf32> to vector<16xf32>
      %parallel_loop3A_175 = arith.addf %parallel_loop3A_174, %broadcast_in_dim3A : vector<16xf32>
      %parallel_loop3A_176 = arith.constant 0 : i32
      %parallel_loop3A_177 = arith.index_cast %parallel_loop3A_176 : i32 to index
      %parallel_loop3A_178 = arith.index_cast %parallel_loop3A_169 : i32 to index
      %parallel_loop3A_179 = tpu.vector_load %arg6[%parallel_loop3A_177, %parallel_loop3A_178] {strides = array<i32>} : memref<8x4096xf32, #tpu.memory_space<vmem>>, vector<1x16xf32>,
      %parallel_loop3A_180 = vector.shape_cast %parallel_loop3A_179 : vector<1x16xf32> to vector<16xf32>
      %parallel_loop3A_181 = vector.shape_cast %parallel_loop3A_175 : vector<16xf32> to vector<1x16xf32>
      tpu.vector_store %arg6[%parallel_loop3A_177, %parallel_loop3A_178], %parallel_loop3A_181 {strides = array<i32>} : memref<8x4096xf32, #tpu.memory_space<vmem>>, vector<1x16xf32>,
    } {sc.loop_unroll_factor = 16 : i64, sc.parallel_access}
    %slice3A_38 = vector.extract_strided_slice %get3A_35 {offsets = [1], sizes = [1], strides = [1]} : vector<16xf32> to vector<1xf32>
    %squeeze3A_39 = vector.extract %slice3A_38[0] : f32 from vector<1xf32>
    %broadcast_in_dim3A_40 = vector.broadcast %squeeze3A_39 : f32 to vector<16xf32>
    %parallel_loop3A_41 = arith.constant 0 : i32
    %parallel_loop3A_42 = arith.constant 4096 : i32
    %parallel_loop3A_43 = arith.constant 16 : i32
    scf.for %parallel_loop3A_169 = %parallel_loop3A_41 to %parallel_loop3A_42 step %parallel_loop3A_43  : i32 {
      %parallel_loop3A_170 = arith.constant 1 : i32
      %parallel_loop3A_171 = arith.index_cast %parallel_loop3A_170 : i32 to index
      %parallel_loop3A_172 = arith.index_cast %parallel_loop3A_169 : i32 to index
      %parallel_loop3A_173 = tpu.vector_load %arg6[%parallel_loop3A_171, %parallel_loop3A_172] {strides = array<i32>} : memref<8x4096xf32, #tpu.memory_space<vmem>>, vector<1x16xf32>,
      %parallel_loop3A_174 = vector.shape_cast %parallel_loop3A_173 : vector<1x16xf32> to vector<16xf32>
      %parallel_loop3A_175 = arith.addf %parallel_loop3A_174, %broadcast_in_dim3A_40 : vector<16xf32>
      %parallel_loop3A_176 = arith.constant 1 : i32
      %parallel_loop3A_177 = arith.index_cast %parallel_loop3A_176 : i32 to index
      %parallel_loop3A_178 = arith.index_cast %parallel_loop3A_169 : i32 to index
      %parallel_loop3A_179 = tpu.vector_load %arg6[%parallel_loop3A_177, %parallel_loop3A_178] {strides = array<i32>} : memref<8x4096xf32, #tpu.memory_space<vmem>>, vector<1x16xf32>,
      %parallel_loop3A_180 = vector.shape_cast %parallel_loop3A_179 : vector<1x16xf32> to vector<16xf32>
      %parallel_loop3A_181 = vector.shape_cast %parallel_loop3A_175 : vector<16xf32> to vector<1x16xf32>
      tpu.vector_store %arg6[%parallel_loop3A_177, %parallel_loop3A_178], %parallel_loop3A_181 {strides = array<i32>} : memref<8x4096xf32, #tpu.memory_space<vmem>>, vector<1x16xf32>,
    } {sc.loop_unroll_factor = 16 : i64, sc.parallel_access}
    %slice3A_44 = vector.extract_strided_slice %get3A_35 {offsets = [2], sizes = [1], strides = [1]} : vector<16xf32> to vector<1xf32>
    %squeeze3A_45 = vector.extract %slice3A_44[0] : f32 from vector<1xf32>
    %broadcast_in_dim3A_46 = vector.broadcast %squeeze3A_45 : f32 to vector<16xf32>
    %parallel_loop3A_47 = arith.constant 0 : i32
    %parallel_loop3A_48 = arith.constant 4096 : i32
    %parallel_loop3A_49 = arith.constant 16 : i32
    scf.for %parallel_loop3A_169 = %parallel_loop3A_47 to %parallel_loop3A_48 step %parallel_loop3A_49  : i32 {
      %parallel_loop3A_170 = arith.constant 2 : i32
      %parallel_loop3A_171 = arith.index_cast %parallel_loop3A_170 : i32 to index
      %parallel_loop3A_172 = arith.index_cast %parallel_loop3A_169 : i32 to index
      %parallel_loop3A_173 = tpu.vector_load %arg6[%parallel_loop3A_171, %parallel_loop3A_172] {strides = array<i32>} : memref<8x4096xf32, #tpu.memory_space<vmem>>, vector<1x16xf32>,
      %parallel_loop3A_174 = vector.shape_cast %parallel_loop3A_173 : vector<1x16xf32> to vector<16xf32>
      %parallel_loop3A_175 = arith.addf %parallel_loop3A_174, %broadcast_in_dim3A_46 : vector<16xf32>
      %parallel_loop3A_176 = arith.constant 2 : i32
      %parallel_loop3A_177 = arith.index_cast %parallel_loop3A_176 : i32 to index
      %parallel_loop3A_178 = arith.index_cast %parallel_loop3A_169 : i32 to index
      %parallel_loop3A_179 = tpu.vector_load %arg6[%parallel_loop3A_177, %parallel_loop3A_178] {strides = array<i32>} : memref<8x4096xf32, #tpu.memory_space<vmem>>, vector<1x16xf32>,
      %parallel_loop3A_180 = vector.shape_cast %parallel_loop3A_179 : vector<1x16xf32> to vector<16xf32>
      %parallel_loop3A_181 = vector.shape_cast %parallel_loop3A_175 : vector<16xf32> to vector<1x16xf32>
      tpu.vector_store %arg6[%parallel_loop3A_177, %parallel_loop3A_178], %parallel_loop3A_181 {strides = array<i32>} : memref<8x4096xf32, #tpu.memory_space<vmem>>, vector<1x16xf32>,
    } {sc.loop_unroll_factor = 16 : i64, sc.parallel_access}
    %slice3A_50 = vector.extract_strided_slice %get3A_35 {offsets = [3], sizes = [1], strides = [1]} : vector<16xf32> to vector<1xf32>
    %squeeze3A_51 = vector.extract %slice3A_50[0] : f32 from vector<1xf32>
    %broadcast_in_dim3A_52 = vector.broadcast %squeeze3A_51 : f32 to vector<16xf32>
    %parallel_loop3A_53 = arith.constant 0 : i32
    %parallel_loop3A_54 = arith.constant 4096 : i32
    %parallel_loop3A_55 = arith.constant 16 : i32
    scf.for %parallel_loop3A_169 = %parallel_loop3A_53 to %parallel_loop3A_54 step %parallel_loop3A_55  : i32 {
      %parallel_loop3A_170 = arith.constant 3 : i32
      %parallel_loop3A_171 = arith.index_cast %parallel_loop3A_170 : i32 to index
      %parallel_loop3A_172 = arith.index_cast %parallel_loop3A_169 : i32 to index
      %parallel_loop3A_173 = tpu.vector_load %arg6[%parallel_loop3A_171, %parallel_loop3A_172] {strides = array<i32>} : memref<8x4096xf32, #tpu.memory_space<vmem>>, vector<1x16xf32>,
      %parallel_loop3A_174 = vector.shape_cast %parallel_loop3A_173 : vector<1x16xf32> to vector<16xf32>
      %parallel_loop3A_175 = arith.addf %parallel_loop3A_174, %broadcast_in_dim3A_52 : vector<16xf32>
      %parallel_loop3A_176 = arith.constant 3 : i32
      %parallel_loop3A_177 = arith.index_cast %parallel_loop3A_176 : i32 to index
      %parallel_loop3A_178 = arith.index_cast %parallel_loop3A_169 : i32 to index
      %parallel_loop3A_179 = tpu.vector_load %arg6[%parallel_loop3A_177, %parallel_loop3A_178] {strides = array<i32>} : memref<8x4096xf32, #tpu.memory_space<vmem>>, vector<1x16xf32>,
      %parallel_loop3A_180 = vector.shape_cast %parallel_loop3A_179 : vector<1x16xf32> to vector<16xf32>
      %parallel_loop3A_181 = vector.shape_cast %parallel_loop3A_175 : vector<16xf32> to vector<1x16xf32>
      tpu.vector_store %arg6[%parallel_loop3A_177, %parallel_loop3A_178], %parallel_loop3A_181 {strides = array<i32>} : memref<8x4096xf32, #tpu.memory_space<vmem>>, vector<1x16xf32>,
    } {sc.loop_unroll_factor = 16 : i64, sc.parallel_access}
    %slice3A_56 = vector.extract_strided_slice %get3A_35 {offsets = [4], sizes = [1], strides = [1]} : vector<16xf32> to vector<1xf32>
    %squeeze3A_57 = vector.extract %slice3A_56[0] : f32 from vector<1xf32>
    %broadcast_in_dim3A_58 = vector.broadcast %squeeze3A_57 : f32 to vector<16xf32>
    %parallel_loop3A_59 = arith.constant 0 : i32
    %parallel_loop3A_60 = arith.constant 4096 : i32
    %parallel_loop3A_61 = arith.constant 16 : i32
    scf.for %parallel_loop3A_169 = %parallel_loop3A_59 to %parallel_loop3A_60 step %parallel_loop3A_61  : i32 {
      %parallel_loop3A_170 = arith.constant 4 : i32
      %parallel_loop3A_171 = arith.index_cast %parallel_loop3A_170 : i32 to index
      %parallel_loop3A_172 = arith.index_cast %parallel_loop3A_169 : i32 to index
      %parallel_loop3A_173 = tpu.vector_load %arg6[%parallel_loop3A_171, %parallel_loop3A_172] {strides = array<i32>} : memref<8x4096xf32, #tpu.memory_space<vmem>>, vector<1x16xf32>,
      %parallel_loop3A_174 = vector.shape_cast %parallel_loop3A_173 : vector<1x16xf32> to vector<16xf32>
      %parallel_loop3A_175 = arith.addf %parallel_loop3A_174, %broadcast_in_dim3A_58 : vector<16xf32>
      %parallel_loop3A_176 = arith.constant 4 : i32
      %parallel_loop3A_177 = arith.index_cast %parallel_loop3A_176 : i32 to index
      %parallel_loop3A_178 = arith.index_cast %parallel_loop3A_169 : i32 to index
      %parallel_loop3A_179 = tpu.vector_load %arg6[%parallel_loop3A_177, %parallel_loop3A_178] {strides = array<i32>} : memref<8x4096xf32, #tpu.memory_space<vmem>>, vector<1x16xf32>,
      %parallel_loop3A_180 = vector.shape_cast %parallel_loop3A_179 : vector<1x16xf32> to vector<16xf32>
      %parallel_loop3A_181 = vector.shape_cast %parallel_loop3A_175 : vector<16xf32> to vector<1x16xf32>
      tpu.vector_store %arg6[%parallel_loop3A_177, %parallel_loop3A_178], %parallel_loop3A_181 {strides = array<i32>} : memref<8x4096xf32, #tpu.memory_space<vmem>>, vector<1x16xf32>,
    } {sc.loop_unroll_factor = 16 : i64, sc.parallel_access}
    %slice3A_62 = vector.extract_strided_slice %get3A_35 {offsets = [5], sizes = [1], strides = [1]} : vector<16xf32> to vector<1xf32>
    %squeeze3A_63 = vector.extract %slice3A_62[0] : f32 from vector<1xf32>
    %broadcast_in_dim3A_64 = vector.broadcast %squeeze3A_63 : f32 to vector<16xf32>
    %parallel_loop3A_65 = arith.constant 0 : i32
    %parallel_loop3A_66 = arith.constant 4096 : i32
    %parallel_loop3A_67 = arith.constant 16 : i32
    scf.for %parallel_loop3A_169 = %parallel_loop3A_65 to %parallel_loop3A_66 step %parallel_loop3A_67  : i32 {
      %parallel_loop3A_170 = arith.constant 5 : i32
      %parallel_loop3A_171 = arith.index_cast %parallel_loop3A_170 : i32 to index
      %parallel_loop3A_172 = arith.index_cast %parallel_loop3A_169 : i32 to index
      %parallel_loop3A_173 = tpu.vector_load %arg6[%parallel_loop3A_171, %parallel_loop3A_172] {strides = array<i32>} : memref<8x4096xf32, #tpu.memory_space<vmem>>, vector<1x16xf32>,
      %parallel_loop3A_174 = vector.shape_cast %parallel_loop3A_173 : vector<1x16xf32> to vector<16xf32>
      %parallel_loop3A_175 = arith.addf %parallel_loop3A_174, %broadcast_in_dim3A_64 : vector<16xf32>
      %parallel_loop3A_176 = arith.constant 5 : i32
      %parallel_loop3A_177 = arith.index_cast %parallel_loop3A_176 : i32 to index
      %parallel_loop3A_178 = arith.index_cast %parallel_loop3A_169 : i32 to index
      %parallel_loop3A_179 = tpu.vector_load %arg6[%parallel_loop3A_177, %parallel_loop3A_178] {strides = array<i32>} : memref<8x4096xf32, #tpu.memory_space<vmem>>, vector<1x16xf32>,
      %parallel_loop3A_180 = vector.shape_cast %parallel_loop3A_179 : vector<1x16xf32> to vector<16xf32>
      %parallel_loop3A_181 = vector.shape_cast %parallel_loop3A_175 : vector<16xf32> to vector<1x16xf32>
      tpu.vector_store %arg6[%parallel_loop3A_177, %parallel_loop3A_178], %parallel_loop3A_181 {strides = array<i32>} : memref<8x4096xf32, #tpu.memory_space<vmem>>, vector<1x16xf32>,
    } {sc.loop_unroll_factor = 16 : i64, sc.parallel_access}
    %slice3A_68 = vector.extract_strided_slice %get3A_35 {offsets = [6], sizes = [1], strides = [1]} : vector<16xf32> to vector<1xf32>
    %squeeze3A_69 = vector.extract %slice3A_68[0] : f32 from vector<1xf32>
    %broadcast_in_dim3A_70 = vector.broadcast %squeeze3A_69 : f32 to vector<16xf32>
    %parallel_loop3A_71 = arith.constant 0 : i32
    %parallel_loop3A_72 = arith.constant 4096 : i32
    %parallel_loop3A_73 = arith.constant 16 : i32
    scf.for %parallel_loop3A_169 = %parallel_loop3A_71 to %parallel_loop3A_72 step %parallel_loop3A_73  : i32 {
      %parallel_loop3A_170 = arith.constant 6 : i32
      %parallel_loop3A_171 = arith.index_cast %parallel_loop3A_170 : i32 to index
      %parallel_loop3A_172 = arith.index_cast %parallel_loop3A_169 : i32 to index
      %parallel_loop3A_173 = tpu.vector_load %arg6[%parallel_loop3A_171, %parallel_loop3A_172] {strides = array<i32>} : memref<8x4096xf32, #tpu.memory_space<vmem>>, vector<1x16xf32>,
      %parallel_loop3A_174 = vector.shape_cast %parallel_loop3A_173 : vector<1x16xf32> to vector<16xf32>
      %parallel_loop3A_175 = arith.addf %parallel_loop3A_174, %broadcast_in_dim3A_70 : vector<16xf32>
      %parallel_loop3A_176 = arith.constant 6 : i32
      %parallel_loop3A_177 = arith.index_cast %parallel_loop3A_176 : i32 to index
      %parallel_loop3A_178 = arith.index_cast %parallel_loop3A_169 : i32 to index
      %parallel_loop3A_179 = tpu.vector_load %arg6[%parallel_loop3A_177, %parallel_loop3A_178] {strides = array<i32>} : memref<8x4096xf32, #tpu.memory_space<vmem>>, vector<1x16xf32>,
      %parallel_loop3A_180 = vector.shape_cast %parallel_loop3A_179 : vector<1x16xf32> to vector<16xf32>
      %parallel_loop3A_181 = vector.shape_cast %parallel_loop3A_175 : vector<16xf32> to vector<1x16xf32>
      tpu.vector_store %arg6[%parallel_loop3A_177, %parallel_loop3A_178], %parallel_loop3A_181 {strides = array<i32>} : memref<8x4096xf32, #tpu.memory_space<vmem>>, vector<1x16xf32>,
    } {sc.loop_unroll_factor = 16 : i64, sc.parallel_access}
    %slice3A_74 = vector.extract_strided_slice %get3A_35 {offsets = [7], sizes = [1], strides = [1]} : vector<16xf32> to vector<1xf32>
    %squeeze3A_75 = vector.extract %slice3A_74[0] : f32 from vector<1xf32>
    %broadcast_in_dim3A_76 = vector.broadcast %squeeze3A_75 : f32 to vector<16xf32>
    %parallel_loop3A_77 = arith.constant 0 : i32
    %parallel_loop3A_78 = arith.constant 4096 : i32
    %parallel_loop3A_79 = arith.constant 16 : i32
    scf.for %parallel_loop3A_169 = %parallel_loop3A_77 to %parallel_loop3A_78 step %parallel_loop3A_79  : i32 {
      %parallel_loop3A_170 = arith.constant 7 : i32
      %parallel_loop3A_171 = arith.index_cast %parallel_loop3A_170 : i32 to index
      %parallel_loop3A_172 = arith.index_cast %parallel_loop3A_169 : i32 to index
      %parallel_loop3A_173 = tpu.vector_load %arg6[%parallel_loop3A_171, %parallel_loop3A_172] {strides = array<i32>} : memref<8x4096xf32, #tpu.memory_space<vmem>>, vector<1x16xf32>,
      %parallel_loop3A_174 = vector.shape_cast %parallel_loop3A_173 : vector<1x16xf32> to vector<16xf32>
      %parallel_loop3A_175 = arith.addf %parallel_loop3A_174, %broadcast_in_dim3A_76 : vector<16xf32>
      %parallel_loop3A_176 = arith.constant 7 : i32
      %parallel_loop3A_177 = arith.index_cast %parallel_loop3A_176 : i32 to index
      %parallel_loop3A_178 = arith.index_cast %parallel_loop3A_169 : i32 to index
      %parallel_loop3A_179 = tpu.vector_load %arg6[%parallel_loop3A_177, %parallel_loop3A_178] {strides = array<i32>} : memref<8x4096xf32, #tpu.memory_space<vmem>>, vector<1x16xf32>,
      %parallel_loop3A_180 = vector.shape_cast %parallel_loop3A_179 : vector<1x16xf32> to vector<16xf32>
      %parallel_loop3A_181 = vector.shape_cast %parallel_loop3A_175 : vector<16xf32> to vector<1x16xf32>
      tpu.vector_store %arg6[%parallel_loop3A_177, %parallel_loop3A_178], %parallel_loop3A_181 {strides = array<i32>} : memref<8x4096xf32, #tpu.memory_space<vmem>>, vector<1x16xf32>,
    } {sc.loop_unroll_factor = 16 : i64, sc.parallel_access}
    %add3A_80 = arith.constant 384 : i32
    %add3A_81 = arith.addi %mul3A_2, %add3A_80 : i32
    %dma_start3A_82 = arith.constant 0 : i32
    %dma_start3A_83 = tpu.memref_slice %arg4[%add3A_81, %dma_start3A_82] : memref<12800x4096xf32, #tpu.memory_space<hbm>> -> memref<8x4096xf32, #tpu.memory_space<hbm>>
    %dma_start3A_84 = arith.constant 0 : i32
    %dma_start3A_85 = tpu.memref_slice %arg4[%add3A_81, %dma_start3A_84] : memref<12800x4096xf32, #tpu.memory_space<hbm>> -> memref<8x4096xf32, #tpu.memory_space<hbm>>
    tpu.enqueue_dma source(%arg6 : memref<8x4096xf32, #tpu.memory_space<vmem>>) target(%dma_start3A_85 : memref<8x4096xf32, #tpu.memory_space<hbm>>) target_semaphore(%arg12 : memref<!tpu.dma_semaphore, #tpu.memory_space<semaphore_mem>>)
    %add3A_86 = arith.constant 392 : i32
    %add3A_87 = arith.addi %mul3A_2, %add3A_86 : i32
    %dma_wait3A_88 = arith.constant 0 : i32
    %dma_wait3A_89 = tpu.memref_slice %arg2[%add3A_87, %dma_wait3A_88] : memref<12800x4096xf32, #tpu.memory_space<hbm>> -> memref<8x4096xf32, #tpu.memory_space<hbm>>
    %dma_wait3A_90 = arith.constant 0 : i32
    %dma_wait3A_91 = tpu.memref_slice %arg2[%add3A_87, %dma_wait3A_90] : memref<12800x4096xf32, #tpu.memory_space<hbm>> -> memref<8x4096xf32, #tpu.memory_space<hbm>>
    tpu.wait_dma2 semaphore(%arg10 : memref<!tpu.dma_semaphore, #tpu.memory_space<semaphore_mem>>) src(%dma_wait3A_91 : memref<8x4096xf32, #tpu.memory_space<hbm>>) dst(%arg7 : memref<8x4096xf32, #tpu.memory_space<vmem>>)
    %add3A_92 = arith.constant 392 : i32
    %add3A_93 = arith.addi %mul3A_2, %add3A_92 : i32
    %get3A_94 = arith.index_cast %add3A_93 : i32 to index
    %get3A_95 = tpu.vector_load %arg5[%get3A_94] {strides = array<i32>} : memref<12816xf32, #tpu.memory_space<vmem>>, vector<16xf32>,
    %get3A_96 = vector.shape_cast %get3A_95 : vector<16xf32> to vector<16xf32>
    %slice3A_97 = vector.extract_strided_slice %get3A_96 {offsets = [0], sizes = [1], strides = [1]} : vector<16xf32> to vector<1xf32>
    %squeeze3A_98 = vector.extract %slice3A_97[0] : f32 from vector<1xf32>
    %broadcast_in_dim3A_99 = vector.broadcast %squeeze3A_98 : f32 to vector<16xf32>
    %parallel_loop3A_100 = arith.constant 0 : i32
    %parallel_loop3A_101 = arith.constant 4096 : i32
    %parallel_loop3A_102 = arith.constant 16 : i32
    scf.for %parallel_loop3A_169 = %parallel_loop3A_100 to %parallel_loop3A_101 step %parallel_loop3A_102  : i32 {
      %parallel_loop3A_170 = arith.constant 0 : i32
      %parallel_loop3A_171 = arith.index_cast %parallel_loop3A_170 : i32 to index
      %parallel_loop3A_172 = arith.index_cast %parallel_loop3A_169 : i32 to index
      %parallel_loop3A_173 = tpu.vector_load %arg7[%parallel_loop3A_171, %parallel_loop3A_172] {strides = array<i32>} : memref<8x4096xf32, #tpu.memory_space<vmem>>, vector<1x16xf32>,
      %parallel_loop3A_174 = vector.shape_cast %parallel_loop3A_173 : vector<1x16xf32> to vector<16xf32>
      %parallel_loop3A_175 = arith.addf %parallel_loop3A_174, %broadcast_in_dim3A_99 : vector<16xf32>
      %parallel_loop3A_176 = arith.constant 0 : i32
      %parallel_loop3A_177 = arith.index_cast %parallel_loop3A_176 : i32 to index
      %parallel_loop3A_178 = arith.index_cast %parallel_loop3A_169 : i32 to index
      %parallel_loop3A_179 = tpu.vector_load %arg7[%parallel_loop3A_177, %parallel_loop3A_178] {strides = array<i32>} : memref<8x4096xf32, #tpu.memory_space<vmem>>, vector<1x16xf32>,
      %parallel_loop3A_180 = vector.shape_cast %parallel_loop3A_179 : vector<1x16xf32> to vector<16xf32>
      %parallel_loop3A_181 = vector.shape_cast %parallel_loop3A_175 : vector<16xf32> to vector<1x16xf32>
      tpu.vector_store %arg7[%parallel_loop3A_177, %parallel_loop3A_178], %parallel_loop3A_181 {strides = array<i32>} : memref<8x4096xf32, #tpu.memory_space<vmem>>, vector<1x16xf32>,
    } {sc.loop_unroll_factor = 16 : i64, sc.parallel_access}
    %slice3A_103 = vector.extract_strided_slice %get3A_96 {offsets = [1], sizes = [1], strides = [1]} : vector<16xf32> to vector<1xf32>
    %squeeze3A_104 = vector.extract %slice3A_103[0] : f32 from vector<1xf32>
    %broadcast_in_dim3A_105 = vector.broadcast %squeeze3A_104 : f32 to vector<16xf32>
    %parallel_loop3A_106 = arith.constant 0 : i32
    %parallel_loop3A_107 = arith.constant 4096 : i32
    %parallel_loop3A_108 = arith.constant 16 : i32
    scf.for %parallel_loop3A_169 = %parallel_loop3A_106 to %parallel_loop3A_107 step %parallel_loop3A_108  : i32 {
      %parallel_loop3A_170 = arith.constant 1 : i32
      %parallel_loop3A_171 = arith.index_cast %parallel_loop3A_170 : i32 to index
      %parallel_loop3A_172 = arith.index_cast %parallel_loop3A_169 : i32 to index
      %parallel_loop3A_173 = tpu.vector_load %arg7[%parallel_loop3A_171, %parallel_loop3A_172] {strides = array<i32>} : memref<8x4096xf32, #tpu.memory_space<vmem>>, vector<1x16xf32>,
      %parallel_loop3A_174 = vector.shape_cast %parallel_loop3A_173 : vector<1x16xf32> to vector<16xf32>
      %parallel_loop3A_175 = arith.addf %parallel_loop3A_174, %broadcast_in_dim3A_105 : vector<16xf32>
      %parallel_loop3A_176 = arith.constant 1 : i32
      %parallel_loop3A_177 = arith.index_cast %parallel_loop3A_176 : i32 to index
      %parallel_loop3A_178 = arith.index_cast %parallel_loop3A_169 : i32 to index
      %parallel_loop3A_179 = tpu.vector_load %arg7[%parallel_loop3A_177, %parallel_loop3A_178] {strides = array<i32>} : memref<8x4096xf32, #tpu.memory_space<vmem>>, vector<1x16xf32>,
      %parallel_loop3A_180 = vector.shape_cast %parallel_loop3A_179 : vector<1x16xf32> to vector<16xf32>
      %parallel_loop3A_181 = vector.shape_cast %parallel_loop3A_175 : vector<16xf32> to vector<1x16xf32>
      tpu.vector_store %arg7[%parallel_loop3A_177, %parallel_loop3A_178], %parallel_loop3A_181 {strides = array<i32>} : memref<8x4096xf32, #tpu.memory_space<vmem>>, vector<1x16xf32>,
    } {sc.loop_unroll_factor = 16 : i64, sc.parallel_access}
    %slice3A_109 = vector.extract_strided_slice %get3A_96 {offsets = [2], sizes = [1], strides = [1]} : vector<16xf32> to vector<1xf32>
    %squeeze3A_110 = vector.extract %slice3A_109[0] : f32 from vector<1xf32>
    %broadcast_in_dim3A_111 = vector.broadcast %squeeze3A_110 : f32 to vector<16xf32>
    %parallel_loop3A_112 = arith.constant 0 : i32
    %parallel_loop3A_113 = arith.constant 4096 : i32
    %parallel_loop3A_114 = arith.constant 16 : i32
    scf.for %parallel_loop3A_169 = %parallel_loop3A_112 to %parallel_loop3A_113 step %parallel_loop3A_114  : i32 {
      %parallel_loop3A_170 = arith.constant 2 : i32
      %parallel_loop3A_171 = arith.index_cast %parallel_loop3A_170 : i32 to index
      %parallel_loop3A_172 = arith.index_cast %parallel_loop3A_169 : i32 to index
      %parallel_loop3A_173 = tpu.vector_load %arg7[%parallel_loop3A_171, %parallel_loop3A_172] {strides = array<i32>} : memref<8x4096xf32, #tpu.memory_space<vmem>>, vector<1x16xf32>,
      %parallel_loop3A_174 = vector.shape_cast %parallel_loop3A_173 : vector<1x16xf32> to vector<16xf32>
      %parallel_loop3A_175 = arith.addf %parallel_loop3A_174, %broadcast_in_dim3A_111 : vector<16xf32>
      %parallel_loop3A_176 = arith.constant 2 : i32
      %parallel_loop3A_177 = arith.index_cast %parallel_loop3A_176 : i32 to index
      %parallel_loop3A_178 = arith.index_cast %parallel_loop3A_169 : i32 to index
      %parallel_loop3A_179 = tpu.vector_load %arg7[%parallel_loop3A_177, %parallel_loop3A_178] {strides = array<i32>} : memref<8x4096xf32, #tpu.memory_space<vmem>>, vector<1x16xf32>,
      %parallel_loop3A_180 = vector.shape_cast %parallel_loop3A_179 : vector<1x16xf32> to vector<16xf32>
      %parallel_loop3A_181 = vector.shape_cast %parallel_loop3A_175 : vector<16xf32> to vector<1x16xf32>
      tpu.vector_store %arg7[%parallel_loop3A_177, %parallel_loop3A_178], %parallel_loop3A_181 {strides = array<i32>} : memref<8x4096xf32, #tpu.memory_space<vmem>>, vector<1x16xf32>,
    } {sc.loop_unroll_factor = 16 : i64, sc.parallel_access}
    %slice3A_115 = vector.extract_strided_slice %get3A_96 {offsets = [3], sizes = [1], strides = [1]} : vector<16xf32> to vector<1xf32>
    %squeeze3A_116 = vector.extract %slice3A_115[0] : f32 from vector<1xf32>
    %broadcast_in_dim3A_117 = vector.broadcast %squeeze3A_116 : f32 to vector<16xf32>
    %parallel_loop3A_118 = arith.constant 0 : i32
    %parallel_loop3A_119 = arith.constant 4096 : i32
    %parallel_loop3A_120 = arith.constant 16 : i32
    scf.for %parallel_loop3A_169 = %parallel_loop3A_118 to %parallel_loop3A_119 step %parallel_loop3A_120  : i32 {
      %parallel_loop3A_170 = arith.constant 3 : i32
      %parallel_loop3A_171 = arith.index_cast %parallel_loop3A_170 : i32 to index
      %parallel_loop3A_172 = arith.index_cast %parallel_loop3A_169 : i32 to index
      %parallel_loop3A_173 = tpu.vector_load %arg7[%parallel_loop3A_171, %parallel_loop3A_172] {strides = array<i32>} : memref<8x4096xf32, #tpu.memory_space<vmem>>, vector<1x16xf32>,
      %parallel_loop3A_174 = vector.shape_cast %parallel_loop3A_173 : vector<1x16xf32> to vector<16xf32>
      %parallel_loop3A_175 = arith.addf %parallel_loop3A_174, %broadcast_in_dim3A_117 : vector<16xf32>
      %parallel_loop3A_176 = arith.constant 3 : i32
      %parallel_loop3A_177 = arith.index_cast %parallel_loop3A_176 : i32 to index
      %parallel_loop3A_178 = arith.index_cast %parallel_loop3A_169 : i32 to index
      %parallel_loop3A_179 = tpu.vector_load %arg7[%parallel_loop3A_177, %parallel_loop3A_178] {strides = array<i32>} : memref<8x4096xf32, #tpu.memory_space<vmem>>, vector<1x16xf32>,
      %parallel_loop3A_180 = vector.shape_cast %parallel_loop3A_179 : vector<1x16xf32> to vector<16xf32>
      %parallel_loop3A_181 = vector.shape_cast %parallel_loop3A_175 : vector<16xf32> to vector<1x16xf32>
      tpu.vector_store %arg7[%parallel_loop3A_177, %parallel_loop3A_178], %parallel_loop3A_181 {strides = array<i32>} : memref<8x4096xf32, #tpu.memory_space<vmem>>, vector<1x16xf32>,
    } {sc.loop_unroll_factor = 16 : i64, sc.parallel_access}
    %slice3A_121 = vector.extract_strided_slice %get3A_96 {offsets = [4], sizes = [1], strides = [1]} : vector<16xf32> to vector<1xf32>
    %squeeze3A_122 = vector.extract %slice3A_121[0] : f32 from vector<1xf32>
    %broadcast_in_dim3A_123 = vector.broadcast %squeeze3A_122 : f32 to vector<16xf32>
    %parallel_loop3A_124 = arith.constant 0 : i32
    %parallel_loop3A_125 = arith.constant 4096 : i32
    %parallel_loop3A_126 = arith.constant 16 : i32
    scf.for %parallel_loop3A_169 = %parallel_loop3A_124 to %parallel_loop3A_125 step %parallel_loop3A_126  : i32 {
      %parallel_loop3A_170 = arith.constant 4 : i32
      %parallel_loop3A_171 = arith.index_cast %parallel_loop3A_170 : i32 to index
      %parallel_loop3A_172 = arith.index_cast %parallel_loop3A_169 : i32 to index
      %parallel_loop3A_173 = tpu.vector_load %arg7[%parallel_loop3A_171, %parallel_loop3A_172] {strides = array<i32>} : memref<8x4096xf32, #tpu.memory_space<vmem>>, vector<1x16xf32>,
      %parallel_loop3A_174 = vector.shape_cast %parallel_loop3A_173 : vector<1x16xf32> to vector<16xf32>
      %parallel_loop3A_175 = arith.addf %parallel_loop3A_174, %broadcast_in_dim3A_123 : vector<16xf32>
      %parallel_loop3A_176 = arith.constant 4 : i32
      %parallel_loop3A_177 = arith.index_cast %parallel_loop3A_176 : i32 to index
      %parallel_loop3A_178 = arith.index_cast %parallel_loop3A_169 : i32 to index
      %parallel_loop3A_179 = tpu.vector_load %arg7[%parallel_loop3A_177, %parallel_loop3A_178] {strides = array<i32>} : memref<8x4096xf32, #tpu.memory_space<vmem>>, vector<1x16xf32>,
      %parallel_loop3A_180 = vector.shape_cast %parallel_loop3A_179 : vector<1x16xf32> to vector<16xf32>
      %parallel_loop3A_181 = vector.shape_cast %parallel_loop3A_175 : vector<16xf32> to vector<1x16xf32>
      tpu.vector_store %arg7[%parallel_loop3A_177, %parallel_loop3A_178], %parallel_loop3A_181 {strides = array<i32>} : memref<8x4096xf32, #tpu.memory_space<vmem>>, vector<1x16xf32>,
    } {sc.loop_unroll_factor = 16 : i64, sc.parallel_access}
    %slice3A_127 = vector.extract_strided_slice %get3A_96 {offsets = [5], sizes = [1], strides = [1]} : vector<16xf32> to vector<1xf32>
    %squeeze3A_128 = vector.extract %slice3A_127[0] : f32 from vector<1xf32>
    %broadcast_in_dim3A_129 = vector.broadcast %squeeze3A_128 : f32 to vector<16xf32>
    %parallel_loop3A_130 = arith.constant 0 : i32
    %parallel_loop3A_131 = arith.constant 4096 : i32
    %parallel_loop3A_132 = arith.constant 16 : i32
    scf.for %parallel_loop3A_169 = %parallel_loop3A_130 to %parallel_loop3A_131 step %parallel_loop3A_132  : i32 {
      %parallel_loop3A_170 = arith.constant 5 : i32
      %parallel_loop3A_171 = arith.index_cast %parallel_loop3A_170 : i32 to index
      %parallel_loop3A_172 = arith.index_cast %parallel_loop3A_169 : i32 to index
      %parallel_loop3A_173 = tpu.vector_load %arg7[%parallel_loop3A_171, %parallel_loop3A_172] {strides = array<i32>} : memref<8x4096xf32, #tpu.memory_space<vmem>>, vector<1x16xf32>,
      %parallel_loop3A_174 = vector.shape_cast %parallel_loop3A_173 : vector<1x16xf32> to vector<16xf32>
      %parallel_loop3A_175 = arith.addf %parallel_loop3A_174, %broadcast_in_dim3A_129 : vector<16xf32>
      %parallel_loop3A_176 = arith.constant 5 : i32
      %parallel_loop3A_177 = arith.index_cast %parallel_loop3A_176 : i32 to index
      %parallel_loop3A_178 = arith.index_cast %parallel_loop3A_169 : i32 to index
      %parallel_loop3A_179 = tpu.vector_load %arg7[%parallel_loop3A_177, %parallel_loop3A_178] {strides = array<i32>} : memref<8x4096xf32, #tpu.memory_space<vmem>>, vector<1x16xf32>,
      %parallel_loop3A_180 = vector.shape_cast %parallel_loop3A_179 : vector<1x16xf32> to vector<16xf32>
      %parallel_loop3A_181 = vector.shape_cast %parallel_loop3A_175 : vector<16xf32> to vector<1x16xf32>
      tpu.vector_store %arg7[%parallel_loop3A_177, %parallel_loop3A_178], %parallel_loop3A_181 {strides = array<i32>} : memref<8x4096xf32, #tpu.memory_space<vmem>>, vector<1x16xf32>,
    } {sc.loop_unroll_factor = 16 : i64, sc.parallel_access}
    %slice3A_133 = vector.extract_strided_slice %get3A_96 {offsets = [6], sizes = [1], strides = [1]} : vector<16xf32> to vector<1xf32>
    %squeeze3A_134 = vector.extract %slice3A_133[0] : f32 from vector<1xf32>
    %broadcast_in_dim3A_135 = vector.broadcast %squeeze3A_134 : f32 to vector<16xf32>
    %parallel_loop3A_136 = arith.constant 0 : i32
    %parallel_loop3A_137 = arith.constant 4096 : i32
    %parallel_loop3A_138 = arith.constant 16 : i32
    scf.for %parallel_loop3A_169 = %parallel_loop3A_136 to %parallel_loop3A_137 step %parallel_loop3A_138  : i32 {
      %parallel_loop3A_170 = arith.constant 6 : i32
      %parallel_loop3A_171 = arith.index_cast %parallel_loop3A_170 : i32 to index
      %parallel_loop3A_172 = arith.index_cast %parallel_loop3A_169 : i32 to index
      %parallel_loop3A_173 = tpu.vector_load %arg7[%parallel_loop3A_171, %parallel_loop3A_172] {strides = array<i32>} : memref<8x4096xf32, #tpu.memory_space<vmem>>, vector<1x16xf32>,
      %parallel_loop3A_174 = vector.shape_cast %parallel_loop3A_173 : vector<1x16xf32> to vector<16xf32>
      %parallel_loop3A_175 = arith.addf %parallel_loop3A_174, %broadcast_in_dim3A_135 : vector<16xf32>
      %parallel_loop3A_176 = arith.constant 6 : i32
      %parallel_loop3A_177 = arith.index_cast %parallel_loop3A_176 : i32 to index
      %parallel_loop3A_178 = arith.index_cast %parallel_loop3A_169 : i32 to index
      %parallel_loop3A_179 = tpu.vector_load %arg7[%parallel_loop3A_177, %parallel_loop3A_178] {strides = array<i32>} : memref<8x4096xf32, #tpu.memory_space<vmem>>, vector<1x16xf32>,
      %parallel_loop3A_180 = vector.shape_cast %parallel_loop3A_179 : vector<1x16xf32> to vector<16xf32>
      %parallel_loop3A_181 = vector.shape_cast %parallel_loop3A_175 : vector<16xf32> to vector<1x16xf32>
      tpu.vector_store %arg7[%parallel_loop3A_177, %parallel_loop3A_178], %parallel_loop3A_181 {strides = array<i32>} : memref<8x4096xf32, #tpu.memory_space<vmem>>, vector<1x16xf32>,
    } {sc.loop_unroll_factor = 16 : i64, sc.parallel_access}
    %slice3A_139 = vector.extract_strided_slice %get3A_96 {offsets = [7], sizes = [1], strides = [1]} : vector<16xf32> to vector<1xf32>
    %squeeze3A_140 = vector.extract %slice3A_139[0] : f32 from vector<1xf32>
    %broadcast_in_dim3A_141 = vector.broadcast %squeeze3A_140 : f32 to vector<16xf32>
    %parallel_loop3A_142 = arith.constant 0 : i32
    %parallel_loop3A_143 = arith.constant 4096 : i32
    %parallel_loop3A_144 = arith.constant 16 : i32
    scf.for %parallel_loop3A_169 = %parallel_loop3A_142 to %parallel_loop3A_143 step %parallel_loop3A_144  : i32 {
      %parallel_loop3A_170 = arith.constant 7 : i32
      %parallel_loop3A_171 = arith.index_cast %parallel_loop3A_170 : i32 to index
      %parallel_loop3A_172 = arith.index_cast %parallel_loop3A_169 : i32 to index
      %parallel_loop3A_173 = tpu.vector_load %arg7[%parallel_loop3A_171, %parallel_loop3A_172] {strides = array<i32>} : memref<8x4096xf32, #tpu.memory_space<vmem>>, vector<1x16xf32>,
      %parallel_loop3A_174 = vector.shape_cast %parallel_loop3A_173 : vector<1x16xf32> to vector<16xf32>
      %parallel_loop3A_175 = arith.addf %parallel_loop3A_174, %broadcast_in_dim3A_141 : vector<16xf32>
      %parallel_loop3A_176 = arith.constant 7 : i32
      %parallel_loop3A_177 = arith.index_cast %parallel_loop3A_176 : i32 to index
      %parallel_loop3A_178 = arith.index_cast %parallel_loop3A_169 : i32 to index
      %parallel_loop3A_179 = tpu.vector_load %arg7[%parallel_loop3A_177, %parallel_loop3A_178] {strides = array<i32>} : memref<8x4096xf32, #tpu.memory_space<vmem>>, vector<1x16xf32>,
      %parallel_loop3A_180 = vector.shape_cast %parallel_loop3A_179 : vector<1x16xf32> to vector<16xf32>
      %parallel_loop3A_181 = vector.shape_cast %parallel_loop3A_175 : vector<16xf32> to vector<1x16xf32>
      tpu.vector_store %arg7[%parallel_loop3A_177, %parallel_loop3A_178], %parallel_loop3A_181 {strides = array<i32>} : memref<8x4096xf32, #tpu.memory_space<vmem>>, vector<1x16xf32>,
    } {sc.loop_unroll_factor = 16 : i64, sc.parallel_access}
    %add3A_145 = arith.constant 392 : i32
    %add3A_146 = arith.addi %mul3A_2, %add3A_145 : i32
    %dma_start3A_147 = arith.constant 0 : i32
    %dma_start3A_148 = tpu.memref_slice %arg4[%add3A_146, %dma_start3A_147] : memref<12800x4096xf32, #tpu.memory_space<hbm>> -> memref<8x4096xf32, #tpu.memory_space<hbm>>
    %dma_start3A_149 = arith.constant 0 : i32
    %dma_start3A_150 = tpu.memref_slice %arg4[%add3A_146, %dma_start3A_149] : memref<12800x4096xf32, #tpu.memory_space<hbm>> -> memref<8x4096xf32, #tpu.memory_space<hbm>>
    tpu.enqueue_dma source(%arg7 : memref<8x4096xf32, #tpu.memory_space<vmem>>) target(%dma_start3A_150 : memref<8x4096xf32, #tpu.memory_space<hbm>>) target_semaphore(%arg13 : memref<!tpu.dma_semaphore, #tpu.memory_space<semaphore_mem>>)
    %add3A_151 = arith.constant 376 : i32
    %add3A_152 = arith.addi %mul3A_2, %add3A_151 : i32
    %dma_wait3A_153 = arith.constant 0 : i32
    %dma_wait3A_154 = tpu.memref_slice %arg4[%add3A_152, %dma_wait3A_153] : memref<12800x4096xf32, #tpu.memory_space<hbm>> -> memref<8x4096xf32, #tpu.memory_space<hbm>>
    %dma_wait3A_155 = arith.constant 0 : i32
    %dma_wait3A_156 = tpu.memref_slice %arg4[%add3A_152, %dma_wait3A_155] : memref<12800x4096xf32, #tpu.memory_space<hbm>> -> memref<8x4096xf32, #tpu.memory_space<hbm>>
    tpu.wait_dma2 semaphore(%arg14 : memref<!tpu.dma_semaphore, #tpu.memory_space<semaphore_mem>>) src(%arg8 : memref<8x4096xf32, #tpu.memory_space<vmem>>) dst(%dma_wait3A_156 : memref<8x4096xf32, #tpu.memory_space<hbm>>)
    %add3A_157 = arith.constant 384 : i32
    %add3A_158 = arith.addi %mul3A_2, %add3A_157 : i32
    %dma_wait3A_159 = arith.constant 0 : i32
    %dma_wait3A_160 = tpu.memref_slice %arg4[%add3A_158, %dma_wait3A_159] : memref<12800x4096xf32, #tpu.memory_space<hbm>> -> memref<8x4096xf32, #tpu.memory_space<hbm>>
    %dma_wait3A_161 = arith.constant 0 : i32
    %dma_wait3A_162 = tpu.memref_slice %arg4[%add3A_158, %dma_wait3A_161] : memref<12800x4096xf32, #tpu.memory_space<hbm>> -> memref<8x4096xf32, #tpu.memory_space<hbm>>
    tpu.wait_dma2 semaphore(%arg12 : memref<!tpu.dma_semaphore, #tpu.memory_space<semaphore_mem>>) src(%arg6 : memref<8x4096xf32, #tpu.memory_space<vmem>>) dst(%dma_wait3A_162 : memref<8x4096xf32, #tpu.memory_space<hbm>>)
    %add3A_163 = arith.constant 392 : i32
    %add3A_164 = arith.addi %mul3A_2, %add3A_163 : i32
    %dma_wait3A_165 = arith.constant 0 : i32
    %dma_wait3A_166 = tpu.memref_slice %arg4[%add3A_164, %dma_wait3A_165] : memref<12800x4096xf32, #tpu.memory_space<hbm>> -> memref<8x4096xf32, #tpu.memory_space<hbm>>
    %dma_wait3A_167 = arith.constant 0 : i32
    %dma_wait3A_168 = tpu.memref_slice %arg4[%add3A_164, %dma_wait3A_167] : memref<12800x4096xf32, #tpu.memory_space<hbm>> -> memref<8x4096xf32, #tpu.memory_space<hbm>>
    tpu.wait_dma2 semaphore(%arg13 : memref<!tpu.dma_semaphore, #tpu.memory_space<semaphore_mem>>) src(%arg7 : memref<8x4096xf32, #tpu.memory_space<vmem>>) dst(%dma_wait3A_168 : memref<8x4096xf32, #tpu.memory_space<hbm>>)
    return
  }
}

</mosaic_0001>

<sc_bundles>
// kernel: kernel.3.cloned.1.call-start
scs
__scs_entry_jumppad:
0x0: {  	(pc) =	sbr.rel $0x88, $3  }
0x1: {  	(tag) =	ssettag $0x0;
	lr =	simm.s32 $0x1  }
0x2: {  	[smem:$0x3F9F] =	sst lr;
	_ =	strace $0xD0000000  }
0x3: {  	_ = 	snop  }
0x4: {  	_ = 	snop  }
0x5: {  	_ = 	snop  }
0x6: {  	_ = 	snop  }
0x7: {  	_ = 	snop  }
__scs_overlays_trampoline_lowered:
0x8: {  	[smem:$0x3FAE] =	sst s0  }
0x9: {  	[smem:$0x3FAF] =	sst s1  }
0xa: {  	[smem:$0x3FB0] =	sst s2  }
0xb: {  	[smem:$0x3FB1] =	sst s3  }
0xc: {  	[smem:$0x3FB2] =	sst s4  }
0xd: {  	[smem:$0x3FB3] =	sst s5  }
0xe: {  	[smem:$0x3FB4] =	sst s6  }
0xf: {  	[smem:$0x3FB5] =	sst s7  }
0x10: {  	[smem:$0x3FB6] =	sst s8  }
0x11: {  	[smem:$0x3FB7] =	sst s9;
	s0 =	simm.s32 @!p0 $0x0  }
0x12: {  	s1 =	sld [smem:$0x3F9D];
	s0 =	simm.s32 @p0 $0x1  }
0x13: {  	[smem:$0x3FB8] =	sst s0;
	s0 =	simm.s32 @!p1 $0x0  }
0x14: {  	s2 =	sld [smem:$0x3F9C];
	s0 =	simm.s32 @p1 $0x1  }
0x15: {  	[smem:$0x3FB9] =	sst s0;
	s0 =	simm.s32 @!p2 $0x0  }
0x16: {  	s3 =	sld [smem:$0x3FDB];
	s0 =	simm.s32 @p2 $0x1  }
0x17: {  	s4 =	simm.s32 $0x1BF5;
	[smem:$0x3FBB] =	sst s0  }
0x18: {  	s0 =	sld [smem:$0x3F9E];
	_ =	swait.ge [sflag:s4], $0x0  }
0x19: {  	s7 =	sld [smem:$0x3F9F]  }
0x1a: {  	s8 =	sadd.s32 $0xFFFFE003, lr  }
0x1b: {  	s9 =	sadd.s32 $0xFFFFFEF7, lr;
	s5 =	simm.s32 $0xFFFFFFFF;
	p2 =	slt.u32 s8, $0xFFFFF086  }
0x1c: {  	p1 =	slt.u32 s9, $0xF7A;
	s5 =	simm.s32 @!p2 $0x0  }
0x1d: {  	s5 =	simm.s32 @p1 $0x1;
	p0 =	seq.s32 s7, s2  }
0x1e: {  	s7 =	smul.u32 @!p0 $0xF7A, s2;
	p2 =	seq.s32 @!p0 s5, $0x0  }
0x1f: {  	s9 =	smul.u32 $0xF7A, s1;
	s8 =	simm.s32 @!p0 $0x1BF5;
	p2 =	por !p2, p0  }
0x20: {  	[sflag:s8] =	ssyncset.s32 @!p0 $0xFFFFF086;
	s6 =	sadd.s32 @!p0 s3, s7;
	s7 =	simm.s32 @!p0 $0x108  }
0x21: {  	s3 =	sadd.s32 s3, s9;
	s6 =	sadd.s32 @!p0 $0x88, s6;
	s7 =	simm.s32 @p2 $0x1082  }
0x22: {  	[simem:s7], [sflag:s8] =	dma.local @!p0 [hbm:s6], $0xF7A  }
0x23: {  	s9 =	sor.u32 $0xD0000000, s2;
	s6 =	simm.s32 $0x108;
	_ =	swait.ge @!p0 [sflag:s8], $0x0  }
0x24: {  	s3 =	sadd.s32 $0x88, s3;
	s6 =	simm.s32 @!p1 $0x1082;
	[sflag:s4] =	ssyncset.s32 $0xFFFFF086  }
0x25: {  	[simem:s6], [sflag:s4] =	dma.local [hbm:s3], $0xF7A  }
0x26: {  	[smem:$0x3F9F] =	sst s1;
	(tag) =	ssettag s2;
	_ =	strace s9  }
0x27: {  	s1 =	sld [smem:$0x3FAF]  }
0x28: {  	s2 =	sld [smem:$0x3FB0]  }
0x29: {  	s4 =	sld [smem:$0x3FB2]  }
0x2a: {  	p0 =	seq.s32 s5, $0x0;
	s5 =	sld [smem:$0x3FB3]  }
0x2b: {  	s6 =	sld [smem:$0x3FB4]  }
0x2c: {  	s7 =	sld [smem:$0x3FB5]  }
0x2d: {  	s3 =	simm.s32 $0x108;
	s8 =	sld [smem:$0x3FB6]  }
0x2e: {  	s3 =	simm.s32 @!p0 $0x1082;
	s9 =	sld [smem:$0x3FB7]  }
0x2f: {  	lr =	sadd.s32 s0, s3;
	s0 =	sld [smem:$0x3FAE]  }
0x30: {  	s3 =	sld [smem:$0x3FB1]  }
0x31: {  	[smem:$0x3FBA] =	sst s10  }
0x32: {  	s10 =	sld [smem:$0x3FB8];
	_ =	sdelay $0x3  }
0x33: {  	p0 =	seq.s32 s10, $0x1;
	s10 =	sld [smem:$0x3FBA];
	_ =	sdelay $0x3  }
0x34: {  	[smem:$0x3FBA] =	sst s10  }
0x35: {  	s10 =	sld [smem:$0x3FB9];
	_ =	sdelay $0x3  }
0x36: {  	p1 =	seq.s32 s10, $0x1;
	s10 =	sld [smem:$0x3FBA];
	_ =	sdelay $0x3  }
0x37: {  	[smem:$0x3FBA] =	sst s10  }
0x38: {  	s10 =	sld [smem:$0x3FBB]  }
0x39: {  	_ = 	snop;
	(pc) =	sbr.ind lr, $3  }
0x3a: {  	_ = 	snop  }
0x3b: {  	_ = 	snop  }
0x3c: {  	p2 =	seq.s32 s10, $0x1;
	s10 =	sld [smem:$0x3FBA]  }
0x3d: {  	_ =	shalt  }
0x3e: {  	_ =	shalt  }
0x3f: {  	_ =	shalt  }
0x40: {  	_ =	shalt  }
0x41: {  	_ =	shalt  }
0x42: {  	_ =	shalt  }
0x43: {  	_ =	shalt  }
0x44: {  	_ =	shalt  }
0x45: {  	_ =	shalt  }
0x46: {  	_ =	shalt  }
0x47: {  	_ =	shalt  }
0x48: {  	_ =	shalt  }
0x49: {  	_ =	shalt  }
0x4a: {  	_ =	shalt  }
0x4b: {  	_ =	shalt  }
0x4c: {  	_ =	shalt  }
0x4d: {  	_ =	shalt  }
0x4e: {  	_ =	shalt  }
0x4f: {  	_ =	shalt  }
0x50: {  	_ =	shalt  }
0x51: {  	_ =	shalt  }
0x52: {  	_ =	shalt  }
0x53: {  	_ =	shalt  }
0x54: {  	_ =	shalt  }
0x55: {  	_ =	shalt  }
0x56: {  	_ =	shalt  }
0x57: {  	_ =	shalt  }
0x58: {  	_ =	shalt  }
0x59: {  	_ =	shalt  }
0x5a: {  	_ =	shalt  }
0x5b: {  	_ =	shalt  }
0x5c: {  	_ =	shalt  }
0x5d: {  	_ =	shalt  }
0x5e: {  	_ =	shalt  }
0x5f: {  	_ =	shalt  }
0x60: {  	_ =	shalt  }
0x61: {  	_ =	shalt  }
0x62: {  	_ =	shalt  }
0x63: {  	_ =	shalt  }
0x64: {  	_ =	shalt  }
0x65: {  	_ =	shalt  }
0x66: {  	_ =	shalt  }
0x67: {  	_ =	shalt  }
0x68: {  	_ =	shalt  }
0x69: {  	_ =	shalt  }
0x6a: {  	_ =	shalt  }
0x6b: {  	_ =	shalt  }
0x6c: {  	_ =	shalt  }
0x6d: {  	_ =	shalt  }
0x6e: {  	_ =	shalt  }
0x6f: {  	_ =	shalt  }
0x70: {  	_ =	shalt  }
0x71: {  	_ =	shalt  }
0x72: {  	_ =	shalt  }
0x73: {  	_ =	shalt  }
0x74: {  	_ =	shalt  }
0x75: {  	_ =	shalt  }
0x76: {  	_ =	shalt  }
0x77: {  	_ =	shalt  }
0x78: {  	_ =	shalt  }
0x79: {  	_ =	shalt  }
0x7a: {  	_ =	shalt  }
0x7b: {  	_ =	shalt  }
0x7c: {  	_ =	shalt  }
0x7d: {  	_ =	shalt  }
0x7e: {  	_ =	shalt  }
0x7f: {  	_ =	shalt  }
0x80: {  	_ =	shalt  }
0x81: {  	_ =	shalt  }
0x82: {  	_ =	shalt  }
0x83: {  	_ =	shalt  }
0x84: {  	_ =	shalt  }
0x85: {  	_ =	shalt  }
0x86: {  	_ =	shalt  }
0x87: {  	_ =	shalt  }
.Lfunc_end0:
.L_simem_size_0:
called_computation_lowered:
.L_overlay_start_0:
0x88: {  	s2 =	sld [smem:$0x3FD9]  }
0x89: {  	s3 =	sld [smem:$0x3FFE];
	_ =	sdelay $0x1  }
0x8a: {  	s1 =	srdreg.scid  }
0x8b: {  	s0 =	sand.u32 $0x1, s1  }
0x8c: {  	s17 =	sshll.u32 s0, $0xA;
	s2 =	sadd.s32 s3, s2  }
0x8d: {  	s2 =	sadd.s32 s2, s17  }
0x8e: {  	[smem:$0x3FC6] =	sst s2  }
0x8f: {  	_ = 	snop  }
0x90: {  	s2 =	sld [smem:$0x3FC9]  }
0x91: {  	s18 =	sld [smem:$0x3FD0];
	(tm) =	ssettm $0x1  }
0x92: {  	s4 =	sld [smem:$0x3FFB];
	_ =	sdelay $0x3  }
0x93: {  	_ =	strace s4  }
0x94: {  	s4 =	sld [smem:$0x3FFC];
	_ =	sdelay $0x3  }
0x95: {  	_ =	strace s4  }
0x96: {  	s4 =	sld [smem:$0x3FFD];
	_ =	sdelay $0x3  }
0x97: {  	_ =	strace s4  }
0x98: {  	_ =	strace $0x8FFFFFFF  }
0x99: {  	s19 =	sld [smem:$0x3FDB];
	_ =	sdelay $0x1  }
0x9a: {  	s5 =	simm.s32 $_scs_section_size  }
0x9b: {  	s6 =	simm.s32 $_size__tile_overlayer_lowered;
	s7 =	simm.s32 $_tile_overlayer_lowered  }
0x9c: {  	s22 =	simm.s32 $0x1BFF;
	s21 =	sshll.u32 s7, $0x1;
	s4 =	sadd.s32 s5, s19  }
0x9d: {  	s8 =	simm.s32 $0x0;
	s20 =	sshll.u32 s6, $0x1;
	s6 =	sadd.s32 s21, s4  }
0x9e: {  	[timem:s8], [sflag:s22] =	dma.local [hbm:s6], s20  }
0x9f: {  	_ =	swait.ge [sflag:s22], s20  }
0xa0: {  	s5 =	ssub.s32 $0x0, s20;
	[sflag:s22] =	ssyncset.done $0x0  }
0xa1: {  	[sflag:s22] =	ssyncadd.s32 s5;
	_ =	sdelay $0x1  }
0xa2: {  	s23 =	simm.s32 $0x1B8B  }
0xa3: {  	_ =	swait.ge [sflag:s23], $0x1  }
0xa4: {  	[sflag:s23] =	ssyncset.done $0x0  }
0xa5: {  	s25 =	simm.s32 $0x1B8E;
	s24 =	sld [smem:$0x3FFE];
	[sflag:s23] =	ssyncadd.s32 $0xFFFFFFFF  }
0xa6: {  	s26 =	simm.s32 $execute0_lowered;
	[smem:$0x3FD2] =	sst s25  }
0xa7: {  	s6 =	sshll.u32 s26, $0x1;
	_ =	strace $0x80000046;
	[dreg:$0x1] =	wrdreg $0xFFFFFFFF  }
0xa8: {  	s28 =	simm.s32 $_size_execute0_lowered;
	s4 =	sadd.s32 s4, s6;
	[dreg:$0x0] =	wrdreg $0x0  }
0xa9: {  	s6 =	sshll.u32 s28, $0x1;
	[dreg:$0x2] =	wrdreg s4  }
0xaa: {  	[dreg:$0x3] =	wrdreg s6  }
0xab: {  	[dreg:$0x4] =	wrdreg $0xC0  }
0xac: {  	_ =	task [dreg:s8], $0x5FFFF  }
0xad: {  	[dreg:$0x1] =	wrdreg $0xFFFFFFFF  }
0xae: {  	[dreg:$0x0] =	wrdreg $0x60  }
0xaf: {  	[dreg:$0x2] =	wrdreg s2  }
0xb0: {  	[dreg:$0x3] =	wrdreg s24  }
0xb1: {  	[dreg:$0x4] =	wrdreg s18  }
0xb2: {  	[dreg:$0x5] =	wrdreg $0x9  }
0xb3: {  	_ =	task.clear_ibuf [dreg:s8], $0x6FFFF;
	_ =	strace $0x90000046  }
0xb4: {  	s29 =	simm.s32 $0x9;
	_ =	strace $0x80000048  }
0xb5: {  	_ =	swait.ge [sflag:s29], $0x1  }
0xb6: {  	[sflag:s29] =	ssyncadd.s32 $0xFFFFFFFF  }
0xb7: {  	_ =	strace $0x90000048  }
0xb8: {  	_ =	sfence  }
0xb9: {  	s30 =	sld [smem:$0x0];
	_ =	sdelay $0x2  }
0xba: {  	s31 =	sshll.u32 s1, $0xD;
	s1 =	sshrl.u32 s1, $0x2  }
0xbb: {  	s3 =	sand.u32 $0x4000, s31;
	s1 =	sadd.s32 s1, s30  }
0xbc: {  	s0 =	sor.u32 s3, s0;
	s1 =	sshll.u32 s1, $0x11  }
0xbd: {  	s0 =	sor.u32 s1, s0  }
0xbe: {  	s0 =	sadd.s32 $0x8F2B, s0  }
0xbf: {  	[sflag:s0] =	ssyncadd.remote.s32 $0x1  }
0xc0: {  	_ =	sfence.sel $0xFFFF  }
0xc1: {  	[dreg:$0x0] =	wrdreg $0xFFFFFFFF;
	(pc) =	sbr.abs _section_cstart, $3  }
0xc2: {  	[dreg:$0x1] =	wrdreg $0xFFFFFFFF  }
0xc3: {  	_ =	task.clear_ibuf [dreg:s8], $0x2FFFF;
	_ =	strace $0x9FFFFFFF  }
0xc4: {  	(tm) =	ssettm $0x7FFFFFFF  }
0xc5: {  	_ =	shalt  }
tec
execute0_lowered:
.L_overlay_start_1:
0x0: {  	(tag) =	ssettag $0x1  }
0x1: {  	s1 =	rddreg [dreg:$0x0]  }
0x2: {  	s0 =	rddreg [dreg:$0x1]  }
0x3: {  	s2 =	srdreg.scid;
	s4 =	stileid.u32  }
0x4: {  	s3 =	rddreg [dreg:$0x2];
	s17 =	simm.s32 $0x7;
	s18 =	simm.s32 $0x3280  }
0x5: {  	s19 =	simm.s32 $0xB280;
	s20 =	simm.s32 $0x1;
	s21 =	simm.s32 $0x13280  }
0x6: {  	s22 =	simm.s32 $0x2;
	s23 =	simm.s32 $0x4;
	s24 =	simm.s32 $0x3  }
0x7: {  	s25 =	simm.s32 $0x5;
	s2 =	sand.u32 $0x1, s2;
	s5 =	sshll.u32 s4, $0x1  }
0x8: {  	s28 =	simm.s32 $0x0;
	s4 =	simm.s32 $0x0;
	s5 =	sor.u32 s2, s5  }
0x9: {  	s0 =	sadd.s32 $0x400, s0;
	s2 =	ssub.s32 $0x2, s2;
	s6 =	smul.u32 $0x32000, s5  }
0xa: {  	[smem:$0x7FF] =	sst s4;
	s5 =	smul.u32 $0x190, s5;
	s26 =	sshrl.u32 s2, $0x1  }
0xb: {  	_ =	strace $0x80000047;
	[dreg:$0x4] =	wrdreg s0;
	s0 =	ssub.s32 s2, s26  }
0xc: {  	s26 =	simm.s32 $0x6;
	s7 =	sadd.s32 s1, s6;
	s9 =	sshrl.u32 s5, $0x3  }
0xd: {  	s10 =	sor.u32 $0x8, s5;
	s30 =	sadd.s32 $0x180, s5;
	s8 =	sadd.s32 $0x188, s5  }
0xe: {  	s13 =	sand.u32 $0x70, s5;
	s16 =	smax.u32 s0, $0x1;
	s29 =	sadd.s32 $0x1000, s7  }
0xf: {  	s11 =	sadd.s32 $0x3, s9;
	s12 =	sadd.s32 $0x4, s9;
	s31 =	sand.u32 $0x7F80, s30  }
0x10: {  	s2 =	sshll.u32 s30, $0x9;
	s8 =	sshll.u32 s8, $0x9;
	[dreg:$0x5] =	wrdreg s29  }
0x11: {  	v0 =	vmov s5;
	v1 =	vmov s10;
	s13 =	sor.u32 s13, s31;
	s14 =	sadd.s32 s3, s2;
	s15 =	sadd.s32 s3, s8  }
.LBB2_1:
0x12: {  	s0 =	rddreg [dreg:$0x4]  }
0x13: {  	[tilespmem:s4], [sflag:$0x7] =	stream.linear.gather [hbm4b:s0+s4], $0x3200, $0x38;
	[tilespmem:$0x1B280] =	vst v63  }
0x14: {  	_ =	swait.ge [sflag:s17], $0x3200  }
0x15: {  	[sflag:s17] =	ssyncset.done $0x0  }
0x16: {  	[sflag:s17] =	ssyncadd.s32 $0xFFFFCE00  }
0x17: {  	[tilespmem:s18], [sflag:$0x1] =	stream.linear.gather [hbm4b:s7+s4], $0x8000, $0x38;
	[tilespmem:$0x1B280] =	vst v63  }
0x18: {  	s29 =	simm.s32 $0x0;
	s31 =	rddreg [dreg:$0x5]  }
0x19: {  	[tilespmem:s19], [sflag:$0x2] =	stream.linear.gather [hbm4b:s31+s4], $0x8000, $0x38;
	[tilespmem:$0x1B280] =	vst v63  }
.LBB2_2:
0x1a: {  	_ = 	snop  }
0x1b: {  	_ =	swait.ge [sflag:s20], $0x8000  }
0x1c: {  	s31 =	smul.u32 $0x18, s29;
	[sflag:s20] =	ssyncset.done $0x0  }
0x1d: {  	[sflag:s20] =	ssyncadd.s32 $0xFFFF8000  }
0x1e: {  	v2 =	vld.idx.msk [tilespmem:v0+s31+$0x0 ss:$0x1], $0xffff  }
0x1f: {  	s30 =	simm.s32 $0x3680  }
0x20: {  	v4 =	vld [tilespmem:s30+$0x70]  }
0x21: {  	v5 =	vld [tilespmem:s30+$0xFFFFFC10]  }
0x22: {  	v6 =	vld [tilespmem:s30+$0xFFFFFC20]  }
0x23: {  	v7 =	vld [tilespmem:s30+$0xFFFFFC30];
	v3 =	vbroadcast v2, $0x0  }
0x24: {  	v8 =	vld [tilespmem:s30+$0xFFFFFC40]  }
0x25: {  	v9 =	vld [tilespmem:s30+$0xFFFFFC50];
	v4 =	vadd.f32 v4, v3  }
0x26: {  	v10 =	vld [tilespmem:s30+$0xFFFFFC60];
	v5 =	vadd.f32 v5, v3  }
0x27: {  	v11 =	vld [tilespmem:s30+$0xFFFFFC70];
	v6 =	vadd.f32 v6, v3;
	[tilespmem:s30+$0x70] =	vst v4  }
0x28: {  	[tilespmem:s30+$0xFFFFFC10] =	vst v5;
	v4 =	vadd.f32 v7, v3;
	v7 =	vld [tilespmem:s30+$0x0]  }
0x29: {  	[tilespmem:s30+$0xFFFFFC20] =	vst v6;
	v5 =	vadd.f32 v8, v3;
	v8 =	vld [tilespmem:s30+$0x10]  }
0x2a: {  	v12 =	vld [tilespmem:s30+$0x20];
	v6 =	vadd.f32 v9, v3;
	[tilespmem:s30+$0xFFFFFC30] =	vst v4  }
0x2b: {  	v9 =	vadd.f32 v10, v3;
	[tilespmem:s30+$0xFFFFFC40] =	vst v5;
	v4 =	vld [tilespmem:s30+$0x30]  }
0x2c: {  	v10 =	vadd.f32 v11, v3;
	[tilespmem:s30+$0xFFFFFC50] =	vst v6;
	v5 =	vld [tilespmem:s30+$0x40]  }
0x2d: {  	[tilespmem:s30+$0xFFFFFC60] =	vst v9;
	v6 =	vld [tilespmem:s30+$0x50];
	v11 =	vadd.f32 v7, v3  }
0x2e: {  	[tilespmem:s30+$0xFFFFFC70] =	vst v10;
	v7 =	vld [tilespmem:s30+$0x60];
	v9 =	vadd.f32 v8, v3  }
0x2f: {  	s0 =	simm.s32 $0x0;
	s6 =	simm.s32 $0x3E80;
	s2 =	sadd.s32 s5, s31;
	v10 =	vadd.f32 v12, v3;
	v8 =	vld [tilespmem:s30+$0xFFFFFC00];
	[tilespmem:s30+$0x0] =	vst v11  }
.LBB2_3:
0x30: {  	v11 =	vld [tilespmem:s6+$0x70];
	s0 =	sadd.s32 $0x100, s0;
	[tilespmem:s30+$0x10] =	vst v9;
	v4 =	vadd.f32 v4, v3  }
0x31: {  	v9 =	vld [tilespmem:s6+$0xFFFFFC10];
	p0 =	slt.u32 s0, $0xF00;
	[tilespmem:s30+$0x20] =	vst v10;
	v5 =	vadd.f32 v5, v3  }
0x32: {  	v10 =	vld [tilespmem:s6+$0xFFFFFC20];
	[tilespmem:s30+$0x30] =	vst v4;
	v4 =	vadd.f32 v6, v3  }
0x33: {  	v6 =	vld [tilespmem:s6+$0xFFFFFC30];
	[tilespmem:s30+$0x40] =	vst v5;
	v5 =	vadd.f32 v7, v3  }
0x34: {  	v7 =	vld [tilespmem:s6+$0xFFFFFC40];
	v8 =	vadd.f32 v8, v3;
	[tilespmem:s30+$0x50] =	vst v4  }
0x35: {  	v4 =	vld [tilespmem:s6+$0xFFFFFC50];
	v11 =	vadd.f32 v11, v3;
	[tilespmem:s30+$0x60] =	vst v5  }
0x36: {  	v5 =	vadd.f32 v9, v3;
	v9 =	vld [tilespmem:s6+$0xFFFFFC60];
	[tilespmem:s30+$0xFFFFFC00] =	vst v8;
	s30 =	smov.u32 s6  }
0x37: {  	v8 =	vadd.f32 v10, v3;
	v10 =	vld [tilespmem:s6+$0xFFFFFC70];
	[tilespmem:s6+$0x70] =	vst v11  }
0x38: {  	[tilespmem:s6+$0xFFFFFC10] =	vst v5;
	v5 =	vadd.f32 v6, v3;
	v6 =	vld [tilespmem:s6+$0x0]  }
0x39: {  	[tilespmem:s6+$0xFFFFFC20] =	vst v8;
	v7 =	vadd.f32 v7, v3;
	v8 =	vld [tilespmem:s6+$0x10]  }
0x3a: {  	[tilespmem:s6+$0xFFFFFC30] =	vst v5;
	v5 =	vadd.f32 v4, v3;
	v11 =	vld [tilespmem:s6+$0x20]  }
.Ltmp0:
0x3b: {  	[tilespmem:s6+$0xFFFFFC40] =	vst v7;
	v7 =	vadd.f32 v9, v3;
	v4 =	vld [tilespmem:s6+$0x30];
	(pc) =	sbr.rel @p0 .LBB2_3-.Ltmp0, $4  }
0x3c: {  	[tilespmem:s6+$0xFFFFFC50] =	vst v5;
	v9 =	vadd.f32 v10, v3;
	v5 =	vld [tilespmem:s6+$0x40]  }
0x3d: {  	[tilespmem:s6+$0xFFFFFC60] =	vst v7;
	v10 =	vadd.f32 v6, v3;
	v6 =	vld [tilespmem:s6+$0x50]  }
0x3e: {  	[tilespmem:s6+$0xFFFFFC70] =	vst v9;
	v9 =	vadd.f32 v8, v3;
	v7 =	vld [tilespmem:s6+$0x60]  }
0x3f: {  	s6 =	sadd.s32 $0x800, s6;
	v8 =	vld [tilespmem:s30+$0xFFFFFC00];
	[tilespmem:s30+$0x0] =	vst v10;
	v10 =	vadd.f32 v11, v3  }
0x40: {  	[tilespmem:s30+$0x10] =	vst v9;
	v4 =	vadd.f32 v4, v3  }
0x41: {  	[tilespmem:s30+$0x20] =	vst v10;
	v5 =	vadd.f32 v5, v3  }
0x42: {  	[tilespmem:s30+$0x30] =	vst v4;
	v4 =	vadd.f32 v6, v3  }
0x43: {  	[tilespmem:s30+$0x40] =	vst v5;
	v5 =	vadd.f32 v7, v3  }
0x44: {  	v3 =	vadd.f32 v8, v3;
	[tilespmem:s30+$0x50] =	vst v4  }
0x45: {  	[tilespmem:s30+$0x60] =	vst v5  }
0x46: {  	s0 =	simm.s32 $0x3700;
	[tilespmem:s30+$0xFFFFFC00] =	vst v3  }
0x47: {  	v4 =	vld [tilespmem:s0+$0x70]  }
0x48: {  	v5 =	vld [tilespmem:s0+$0xFFFFFC10]  }
0x49: {  	v6 =	vld [tilespmem:s0+$0xFFFFFC20]  }
0x4a: {  	v3 =	vbroadcast v2, $0x1;
	v7 =	vld [tilespmem:s0+$0xFFFFFC30]  }
0x4b: {  	v8 =	vld [tilespmem:s0+$0xFFFFFC40]  }
0x4c: {  	v9 =	vld [tilespmem:s0+$0xFFFFFC50];
	v4 =	vadd.f32 v4, v3  }
0x4d: {  	v10 =	vld [tilespmem:s0+$0xFFFFFC60];
	v5 =	vadd.f32 v5, v3  }
0x4e: {  	v11 =	vld [tilespmem:s0+$0xFFFFFC70];
	v6 =	vadd.f32 v6, v3;
	[tilespmem:s0+$0x70] =	vst v4  }
0x4f: {  	[tilespmem:s0+$0xFFFFFC10] =	vst v5;
	v4 =	vadd.f32 v7, v3;
	v7 =	vld [tilespmem:s0+$0x0]  }
0x50: {  	[tilespmem:s0+$0xFFFFFC20] =	vst v6;
	v5 =	vadd.f32 v8, v3;
	v8 =	vld [tilespmem:s0+$0x10]  }
0x51: {  	v12 =	vld [tilespmem:s0+$0x20];
	v6 =	vadd.f32 v9, v3;
	[tilespmem:s0+$0xFFFFFC30] =	vst v4  }
0x52: {  	v9 =	vadd.f32 v10, v3;
	[tilespmem:s0+$0xFFFFFC40] =	vst v5;
	v4 =	vld [tilespmem:s0+$0x30]  }
0x53: {  	v10 =	vadd.f32 v11, v3;
	[tilespmem:s0+$0xFFFFFC50] =	vst v6;
	v5 =	vld [tilespmem:s0+$0x40]  }
0x54: {  	[tilespmem:s0+$0xFFFFFC60] =	vst v9;
	v6 =	vld [tilespmem:s0+$0x50];
	v11 =	vadd.f32 v7, v3  }
0x55: {  	[tilespmem:s0+$0xFFFFFC70] =	vst v10;
	v7 =	vld [tilespmem:s0+$0x60];
	v9 =	vadd.f32 v8, v3  }
0x56: {  	s6 =	simm.s32 $0x3F00;
	s30 =	simm.s32 $0x0;
	v10 =	vadd.f32 v12, v3;
	v8 =	vld [tilespmem:s0+$0xFFFFFC00];
	[tilespmem:s0+$0x0] =	vst v11  }
.LBB2_5:
0x57: {  	v11 =	vld [tilespmem:s6+$0x70];
	s30 =	sadd.s32 $0x100, s30;
	[tilespmem:s0+$0x10] =	vst v9;
	v4 =	vadd.f32 v4, v3  }
0x58: {  	v9 =	vld [tilespmem:s6+$0xFFFFFC10];
	p0 =	slt.u32 s30, $0xF00;
	[tilespmem:s0+$0x20] =	vst v10;
	v5 =	vadd.f32 v5, v3  }
0x59: {  	v10 =	vld [tilespmem:s6+$0xFFFFFC20];
	[tilespmem:s0+$0x30] =	vst v4;
	v4 =	vadd.f32 v6, v3  }
0x5a: {  	v6 =	vld [tilespmem:s6+$0xFFFFFC30];
	[tilespmem:s0+$0x40] =	vst v5;
	v5 =	vadd.f32 v7, v3  }
0x5b: {  	v7 =	vld [tilespmem:s6+$0xFFFFFC40];
	v8 =	vadd.f32 v8, v3;
	[tilespmem:s0+$0x50] =	vst v4  }
0x5c: {  	v4 =	vld [tilespmem:s6+$0xFFFFFC50];
	v11 =	vadd.f32 v11, v3;
	[tilespmem:s0+$0x60] =	vst v5  }
0x5d: {  	v5 =	vadd.f32 v9, v3;
	v9 =	vld [tilespmem:s6+$0xFFFFFC60];
	[tilespmem:s0+$0xFFFFFC00] =	vst v8;
	s0 =	smov.u32 s6  }
0x5e: {  	v8 =	vadd.f32 v10, v3;
	v10 =	vld [tilespmem:s6+$0xFFFFFC70];
	[tilespmem:s6+$0x70] =	vst v11  }
0x5f: {  	[tilespmem:s6+$0xFFFFFC10] =	vst v5;
	v5 =	vadd.f32 v6, v3;
	v6 =	vld [tilespmem:s6+$0x0]  }
0x60: {  	[tilespmem:s6+$0xFFFFFC20] =	vst v8;
	v7 =	vadd.f32 v7, v3;
	v8 =	vld [tilespmem:s6+$0x10]  }
0x61: {  	[tilespmem:s6+$0xFFFFFC30] =	vst v5;
	v5 =	vadd.f32 v4, v3;
	v11 =	vld [tilespmem:s6+$0x20]  }
.Ltmp1:
0x62: {  	[tilespmem:s6+$0xFFFFFC40] =	vst v7;
	v7 =	vadd.f32 v9, v3;
	v4 =	vld [tilespmem:s6+$0x30];
	(pc) =	sbr.rel @p0 .LBB2_5-.Ltmp1, $4  }
0x63: {  	[tilespmem:s6+$0xFFFFFC50] =	vst v5;
	v9 =	vadd.f32 v10, v3;
	v5 =	vld [tilespmem:s6+$0x40]  }
0x64: {  	[tilespmem:s6+$0xFFFFFC60] =	vst v7;
	v10 =	vadd.f32 v6, v3;
	v6 =	vld [tilespmem:s6+$0x50]  }
0x65: {  	[tilespmem:s6+$0xFFFFFC70] =	vst v9;
	v9 =	vadd.f32 v8, v3;
	v7 =	vld [tilespmem:s6+$0x60]  }
0x66: {  	s6 =	sadd.s32 $0x800, s6;
	v8 =	vld [tilespmem:s0+$0xFFFFFC00];
	[tilespmem:s0+$0x0] =	vst v10;
	v10 =	vadd.f32 v11, v3  }
0x67: {  	[tilespmem:s0+$0x10] =	vst v9;
	v4 =	vadd.f32 v4, v3  }
0x68: {  	[tilespmem:s0+$0x20] =	vst v10;
	v5 =	vadd.f32 v5, v3  }
0x69: {  	[tilespmem:s0+$0x30] =	vst v4;
	v4 =	vadd.f32 v6, v3  }
0x6a: {  	[tilespmem:s0+$0x40] =	vst v5;
	v5 =	vadd.f32 v7, v3  }
0x6b: {  	v3 =	vadd.f32 v8, v3;
	[tilespmem:s0+$0x50] =	vst v4  }
0x6c: {  	[tilespmem:s0+$0x60] =	vst v5  }
0x6d: {  	[tilespmem:s0+$0xFFFFFC00] =	vst v3;
	s0 =	simm.s32 $0x3780  }
0x6e: {  	v4 =	vld [tilespmem:s0+$0x70]  }
0x6f: {  	v5 =	vld [tilespmem:s0+$0xFFFFFC10]  }
0x70: {  	v6 =	vld [tilespmem:s0+$0xFFFFFC20]  }
0x71: {  	v3 =	vbroadcast v2, $0x2;
	v7 =	vld [tilespmem:s0+$0xFFFFFC30]  }
0x72: {  	v8 =	vld [tilespmem:s0+$0xFFFFFC40]  }
0x73: {  	v9 =	vld [tilespmem:s0+$0xFFFFFC50];
	v4 =	vadd.f32 v4, v3  }
0x74: {  	v10 =	vld [tilespmem:s0+$0xFFFFFC60];
	v5 =	vadd.f32 v5, v3  }
0x75: {  	v11 =	vld [tilespmem:s0+$0xFFFFFC70];
	v6 =	vadd.f32 v6, v3;
	[tilespmem:s0+$0x70] =	vst v4  }
0x76: {  	[tilespmem:s0+$0xFFFFFC10] =	vst v5;
	v4 =	vadd.f32 v7, v3;
	v7 =	vld [tilespmem:s0+$0x0]  }
0x77: {  	[tilespmem:s0+$0xFFFFFC20] =	vst v6;
	v5 =	vadd.f32 v8, v3;
	v8 =	vld [tilespmem:s0+$0x10]  }
0x78: {  	v12 =	vld [tilespmem:s0+$0x20];
	v6 =	vadd.f32 v9, v3;
	[tilespmem:s0+$0xFFFFFC30] =	vst v4  }
0x79: {  	v9 =	vadd.f32 v10, v3;
	[tilespmem:s0+$0xFFFFFC40] =	vst v5;
	v4 =	vld [tilespmem:s0+$0x30]  }
0x7a: {  	v10 =	vadd.f32 v11, v3;
	[tilespmem:s0+$0xFFFFFC50] =	vst v6;
	v5 =	vld [tilespmem:s0+$0x40]  }
0x7b: {  	[tilespmem:s0+$0xFFFFFC60] =	vst v9;
	v6 =	vld [tilespmem:s0+$0x50];
	v11 =	vadd.f32 v7, v3  }
0x7c: {  	[tilespmem:s0+$0xFFFFFC70] =	vst v10;
	v7 =	vld [tilespmem:s0+$0x60];
	v9 =	vadd.f32 v8, v3  }
0x7d: {  	s30 =	simm.s32 $0x0;
	s6 =	simm.s32 $0x3F80;
	v10 =	vadd.f32 v12, v3;
	v8 =	vld [tilespmem:s0+$0xFFFFFC00];
	[tilespmem:s0+$0x0] =	vst v11  }
.LBB2_7:
0x7e: {  	v11 =	vld [tilespmem:s6+$0x70];
	s30 =	sadd.s32 $0x100, s30;
	[tilespmem:s0+$0x10] =	vst v9;
	v4 =	vadd.f32 v4, v3  }
0x7f: {  	v9 =	vld [tilespmem:s6+$0xFFFFFC10];
	p0 =	slt.u32 s30, $0xF00;
	[tilespmem:s0+$0x20] =	vst v10;
	v5 =	vadd.f32 v5, v3  }
0x80: {  	v10 =	vld [tilespmem:s6+$0xFFFFFC20];
	[tilespmem:s0+$0x30] =	vst v4;
	v4 =	vadd.f32 v6, v3  }
0x81: {  	v6 =	vld [tilespmem:s6+$0xFFFFFC30];
	[tilespmem:s0+$0x40] =	vst v5;
	v5 =	vadd.f32 v7, v3  }
0x82: {  	v7 =	vld [tilespmem:s6+$0xFFFFFC40];
	v8 =	vadd.f32 v8, v3;
	[tilespmem:s0+$0x50] =	vst v4  }
0x83: {  	v4 =	vld [tilespmem:s6+$0xFFFFFC50];
	v11 =	vadd.f32 v11, v3;
	[tilespmem:s0+$0x60] =	vst v5  }
0x84: {  	v5 =	vadd.f32 v9, v3;
	v9 =	vld [tilespmem:s6+$0xFFFFFC60];
	[tilespmem:s0+$0xFFFFFC00] =	vst v8;
	s0 =	smov.u32 s6  }
0x85: {  	v8 =	vadd.f32 v10, v3;
	v10 =	vld [tilespmem:s6+$0xFFFFFC70];
	[tilespmem:s6+$0x70] =	vst v11  }
0x86: {  	[tilespmem:s6+$0xFFFFFC10] =	vst v5;
	v5 =	vadd.f32 v6, v3;
	v6 =	vld [tilespmem:s6+$0x0]  }
0x87: {  	[tilespmem:s6+$0xFFFFFC20] =	vst v8;
	v7 =	vadd.f32 v7, v3;
	v8 =	vld [tilespmem:s6+$0x10]  }
0x88: {  	[tilespmem:s6+$0xFFFFFC30] =	vst v5;
	v5 =	vadd.f32 v4, v3;
	v11 =	vld [tilespmem:s6+$0x20]  }
.Ltmp2:
0x89: {  	[tilespmem:s6+$0xFFFFFC40] =	vst v7;
	v7 =	vadd.f32 v9, v3;
	v4 =	vld [tilespmem:s6+$0x30];
	(pc) =	sbr.rel @p0 .LBB2_7-.Ltmp2, $4  }
0x8a: {  	[tilespmem:s6+$0xFFFFFC50] =	vst v5;
	v9 =	vadd.f32 v10, v3;
	v5 =	vld [tilespmem:s6+$0x40]  }
0x8b: {  	[tilespmem:s6+$0xFFFFFC60] =	vst v7;
	v10 =	vadd.f32 v6, v3;
	v6 =	vld [tilespmem:s6+$0x50]  }
0x8c: {  	[tilespmem:s6+$0xFFFFFC70] =	vst v9;
	v9 =	vadd.f32 v8, v3;
	v7 =	vld [tilespmem:s6+$0x60]  }
0x8d: {  	s6 =	sadd.s32 $0x800, s6;
	v8 =	vld [tilespmem:s0+$0xFFFFFC00];
	[tilespmem:s0+$0x0] =	vst v10;
	v10 =	vadd.f32 v11, v3  }
0x8e: {  	[tilespmem:s0+$0x10] =	vst v9;
	v4 =	vadd.f32 v4, v3  }
0x8f: {  	[tilespmem:s0+$0x20] =	vst v10;
	v5 =	vadd.f32 v5, v3  }
0x90: {  	[tilespmem:s0+$0x30] =	vst v4;
	v4 =	vadd.f32 v6, v3  }
0x91: {  	[tilespmem:s0+$0x40] =	vst v5;
	v5 =	vadd.f32 v7, v3  }
0x92: {  	v3 =	vadd.f32 v8, v3;
	[tilespmem:s0+$0x50] =	vst v4  }
0x93: {  	[tilespmem:s0+$0x60] =	vst v5  }
0x94: {  	[tilespmem:s0+$0xFFFFFC00] =	vst v3;
	s0 =	simm.s32 $0x3800  }
0x95: {  	v4 =	vld [tilespmem:s0+$0x70]  }
0x96: {  	v5 =	vld [tilespmem:s0+$0xFFFFFC10]  }
0x97: {  	v6 =	vld [tilespmem:s0+$0xFFFFFC20]  }
0x98: {  	v3 =	vbroadcast v2, $0x3;
	v7 =	vld [tilespmem:s0+$0xFFFFFC30]  }
0x99: {  	v8 =	vld [tilespmem:s0+$0xFFFFFC40]  }
0x9a: {  	v9 =	vld [tilespmem:s0+$0xFFFFFC50];
	v4 =	vadd.f32 v4, v3  }
0x9b: {  	v10 =	vld [tilespmem:s0+$0xFFFFFC60];
	v5 =	vadd.f32 v5, v3  }
0x9c: {  	v11 =	vld [tilespmem:s0+$0xFFFFFC70];
	v6 =	vadd.f32 v6, v3;
	[tilespmem:s0+$0x70] =	vst v4  }
0x9d: {  	[tilespmem:s0+$0xFFFFFC10] =	vst v5;
	v4 =	vadd.f32 v7, v3;
	v7 =	vld [tilespmem:s0+$0x0]  }
0x9e: {  	[tilespmem:s0+$0xFFFFFC20] =	vst v6;
	v5 =	vadd.f32 v8, v3;
	v8 =	vld [tilespmem:s0+$0x10]  }
0x9f: {  	v12 =	vld [tilespmem:s0+$0x20];
	v6 =	vadd.f32 v9, v3;
	[tilespmem:s0+$0xFFFFFC30] =	vst v4  }
0xa0: {  	v9 =	vadd.f32 v10, v3;
	[tilespmem:s0+$0xFFFFFC40] =	vst v5;
	v4 =	vld [tilespmem:s0+$0x30]  }
0xa1: {  	v10 =	vadd.f32 v11, v3;
	[tilespmem:s0+$0xFFFFFC50] =	vst v6;
	v5 =	vld [tilespmem:s0+$0x40]  }
0xa2: {  	[tilespmem:s0+$0xFFFFFC60] =	vst v9;
	v6 =	vld [tilespmem:s0+$0x50];
	v11 =	vadd.f32 v7, v3  }
0xa3: {  	[tilespmem:s0+$0xFFFFFC70] =	vst v10;
	v7 =	vld [tilespmem:s0+$0x60];
	v9 =	vadd.f32 v8, v3  }
0xa4: {  	s30 =	simm.s32 $0x0;
	s6 =	simm.s32 $0x4000;
	v10 =	vadd.f32 v12, v3;
	v8 =	vld [tilespmem:s0+$0xFFFFFC00];
	[tilespmem:s0+$0x0] =	vst v11  }
.LBB2_9:
0xa5: {  	v11 =	vld [tilespmem:s6+$0x70];
	s30 =	sadd.s32 $0x100, s30;
	[tilespmem:s0+$0x10] =	vst v9;
	v4 =	vadd.f32 v4, v3  }
0xa6: {  	v9 =	vld [tilespmem:s6+$0xFFFFFC10];
	p0 =	slt.u32 s30, $0xF00;
	[tilespmem:s0+$0x20] =	vst v10;
	v5 =	vadd.f32 v5, v3  }
0xa7: {  	v10 =	vld [tilespmem:s6+$0xFFFFFC20];
	[tilespmem:s0+$0x30] =	vst v4;
	v4 =	vadd.f32 v6, v3  }
0xa8: {  	v6 =	vld [tilespmem:s6+$0xFFFFFC30];
	[tilespmem:s0+$0x40] =	vst v5;
	v5 =	vadd.f32 v7, v3  }
0xa9: {  	v7 =	vld [tilespmem:s6+$0xFFFFFC40];
	v8 =	vadd.f32 v8, v3;
	[tilespmem:s0+$0x50] =	vst v4  }
0xaa: {  	v4 =	vld [tilespmem:s6+$0xFFFFFC50];
	v11 =	vadd.f32 v11, v3;
	[tilespmem:s0+$0x60] =	vst v5  }
0xab: {  	v5 =	vadd.f32 v9, v3;
	v9 =	vld [tilespmem:s6+$0xFFFFFC60];
	[tilespmem:s0+$0xFFFFFC00] =	vst v8;
	s0 =	smov.u32 s6  }
0xac: {  	v8 =	vadd.f32 v10, v3;
	v10 =	vld [tilespmem:s6+$0xFFFFFC70];
	[tilespmem:s6+$0x70] =	vst v11  }
0xad: {  	[tilespmem:s6+$0xFFFFFC10] =	vst v5;
	v5 =	vadd.f32 v6, v3;
	v6 =	vld [tilespmem:s6+$0x0]  }
0xae: {  	[tilespmem:s6+$0xFFFFFC20] =	vst v8;
	v7 =	vadd.f32 v7, v3;
	v8 =	vld [tilespmem:s6+$0x10]  }
0xaf: {  	[tilespmem:s6+$0xFFFFFC30] =	vst v5;
	v5 =	vadd.f32 v4, v3;
	v11 =	vld [tilespmem:s6+$0x20]  }
.Ltmp3:
0xb0: {  	[tilespmem:s6+$0xFFFFFC40] =	vst v7;
	v7 =	vadd.f32 v9, v3;
	v4 =	vld [tilespmem:s6+$0x30];
	(pc) =	sbr.rel @p0 .LBB2_9-.Ltmp3, $4  }
0xb1: {  	[tilespmem:s6+$0xFFFFFC50] =	vst v5;
	v9 =	vadd.f32 v10, v3;
	v5 =	vld [tilespmem:s6+$0x40]  }
0xb2: {  	[tilespmem:s6+$0xFFFFFC60] =	vst v7;
	v10 =	vadd.f32 v6, v3;
	v6 =	vld [tilespmem:s6+$0x50]  }
0xb3: {  	[tilespmem:s6+$0xFFFFFC70] =	vst v9;
	v9 =	vadd.f32 v8, v3;
	v7 =	vld [tilespmem:s6+$0x60]  }
0xb4: {  	s6 =	sadd.s32 $0x800, s6;
	v8 =	vld [tilespmem:s0+$0xFFFFFC00];
	[tilespmem:s0+$0x0] =	vst v10;
	v10 =	vadd.f32 v11, v3  }
0xb5: {  	[tilespmem:s0+$0x10] =	vst v9;
	v4 =	vadd.f32 v4, v3  }
0xb6: {  	[tilespmem:s0+$0x20] =	vst v10;
	v5 =	vadd.f32 v5, v3  }
0xb7: {  	[tilespmem:s0+$0x30] =	vst v4;
	v4 =	vadd.f32 v6, v3  }
0xb8: {  	[tilespmem:s0+$0x40] =	vst v5;
	v5 =	vadd.f32 v7, v3  }
0xb9: {  	v3 =	vadd.f32 v8, v3;
	[tilespmem:s0+$0x50] =	vst v4  }
0xba: {  	[tilespmem:s0+$0x60] =	vst v5  }
0xbb: {  	[tilespmem:s0+$0xFFFFFC00] =	vst v3;
	s0 =	simm.s32 $0x3880  }
0xbc: {  	v4 =	vld [tilespmem:s0+$0x70]  }
0xbd: {  	v5 =	vld [tilespmem:s0+$0xFFFFFC10]  }
0xbe: {  	v6 =	vld [tilespmem:s0+$0xFFFFFC20]  }
0xbf: {  	v3 =	vbroadcast v2, $0x4;
	v7 =	vld [tilespmem:s0+$0xFFFFFC30]  }
0xc0: {  	v8 =	vld [tilespmem:s0+$0xFFFFFC40]  }
0xc1: {  	v9 =	vld [tilespmem:s0+$0xFFFFFC50];
	v4 =	vadd.f32 v4, v3  }
0xc2: {  	v10 =	vld [tilespmem:s0+$0xFFFFFC60];
	v5 =	vadd.f32 v5, v3  }
0xc3: {  	v11 =	vld [tilespmem:s0+$0xFFFFFC70];
	v6 =	vadd.f32 v6, v3;
	[tilespmem:s0+$0x70] =	vst v4  }
0xc4: {  	[tilespmem:s0+$0xFFFFFC10] =	vst v5;
	v4 =	vadd.f32 v7, v3;
	v7 =	vld [tilespmem:s0+$0x0]  }
0xc5: {  	[tilespmem:s0+$0xFFFFFC20] =	vst v6;
	v5 =	vadd.f32 v8, v3;
	v8 =	vld [tilespmem:s0+$0x10]  }
0xc6: {  	v12 =	vld [tilespmem:s0+$0x20];
	v6 =	vadd.f32 v9, v3;
	[tilespmem:s0+$0xFFFFFC30] =	vst v4  }
0xc7: {  	v9 =	vadd.f32 v10, v3;
	[tilespmem:s0+$0xFFFFFC40] =	vst v5;
	v4 =	vld [tilespmem:s0+$0x30]  }
0xc8: {  	v10 =	vadd.f32 v11, v3;
	[tilespmem:s0+$0xFFFFFC50] =	vst v6;
	v5 =	vld [tilespmem:s0+$0x40]  }
0xc9: {  	[tilespmem:s0+$0xFFFFFC60] =	vst v9;
	v6 =	vld [tilespmem:s0+$0x50];
	v11 =	vadd.f32 v7, v3  }
0xca: {  	[tilespmem:s0+$0xFFFFFC70] =	vst v10;
	v7 =	vld [tilespmem:s0+$0x60];
	v9 =	vadd.f32 v8, v3  }
0xcb: {  	s30 =	simm.s32 $0x0;
	s6 =	simm.s32 $0x4080;
	v10 =	vadd.f32 v12, v3;
	v8 =	vld [tilespmem:s0+$0xFFFFFC00];
	[tilespmem:s0+$0x0] =	vst v11  }
.LBB2_11:
0xcc: {  	v11 =	vld [tilespmem:s6+$0x70];
	s30 =	sadd.s32 $0x100, s30;
	[tilespmem:s0+$0x10] =	vst v9;
	v4 =	vadd.f32 v4, v3  }
0xcd: {  	v9 =	vld [tilespmem:s6+$0xFFFFFC10];
	p0 =	slt.u32 s30, $0xF00;
	[tilespmem:s0+$0x20] =	vst v10;
	v5 =	vadd.f32 v5, v3  }
0xce: {  	v10 =	vld [tilespmem:s6+$0xFFFFFC20];
	[tilespmem:s0+$0x30] =	vst v4;
	v4 =	vadd.f32 v6, v3  }
0xcf: {  	v6 =	vld [tilespmem:s6+$0xFFFFFC30];
	[tilespmem:s0+$0x40] =	vst v5;
	v5 =	vadd.f32 v7, v3  }
0xd0: {  	v7 =	vld [tilespmem:s6+$0xFFFFFC40];
	v8 =	vadd.f32 v8, v3;
	[tilespmem:s0+$0x50] =	vst v4  }
0xd1: {  	v4 =	vld [tilespmem:s6+$0xFFFFFC50];
	v11 =	vadd.f32 v11, v3;
	[tilespmem:s0+$0x60] =	vst v5  }
0xd2: {  	v5 =	vadd.f32 v9, v3;
	v9 =	vld [tilespmem:s6+$0xFFFFFC60];
	[tilespmem:s0+$0xFFFFFC00] =	vst v8;
	s0 =	smov.u32 s6  }
0xd3: {  	v8 =	vadd.f32 v10, v3;
	v10 =	vld [tilespmem:s6+$0xFFFFFC70];
	[tilespmem:s6+$0x70] =	vst v11  }
0xd4: {  	[tilespmem:s6+$0xFFFFFC10] =	vst v5;
	v5 =	vadd.f32 v6, v3;
	v6 =	vld [tilespmem:s6+$0x0]  }
0xd5: {  	[tilespmem:s6+$0xFFFFFC20] =	vst v8;
	v7 =	vadd.f32 v7, v3;
	v8 =	vld [tilespmem:s6+$0x10]  }
0xd6: {  	[tilespmem:s6+$0xFFFFFC30] =	vst v5;
	v5 =	vadd.f32 v4, v3;
	v11 =	vld [tilespmem:s6+$0x20]  }
.Ltmp4:
0xd7: {  	[tilespmem:s6+$0xFFFFFC40] =	vst v7;
	v7 =	vadd.f32 v9, v3;
	v4 =	vld [tilespmem:s6+$0x30];
	(pc) =	sbr.rel @p0 .LBB2_11-.Ltmp4, $4  }
0xd8: {  	[tilespmem:s6+$0xFFFFFC50] =	vst v5;
	v9 =	vadd.f32 v10, v3;
	v5 =	vld [tilespmem:s6+$0x40]  }
0xd9: {  	[tilespmem:s6+$0xFFFFFC60] =	vst v7;
	v10 =	vadd.f32 v6, v3;
	v6 =	vld [tilespmem:s6+$0x50]  }
0xda: {  	[tilespmem:s6+$0xFFFFFC70] =	vst v9;
	v9 =	vadd.f32 v8, v3;
	v7 =	vld [tilespmem:s6+$0x60]  }
0xdb: {  	s6 =	sadd.s32 $0x800, s6;
	v8 =	vld [tilespmem:s0+$0xFFFFFC00];
	[tilespmem:s0+$0x0] =	vst v10;
	v10 =	vadd.f32 v11, v3  }
0xdc: {  	[tilespmem:s0+$0x10] =	vst v9;
	v4 =	vadd.f32 v4, v3  }
0xdd: {  	[tilespmem:s0+$0x20] =	vst v10;
	v5 =	vadd.f32 v5, v3  }
0xde: {  	[tilespmem:s0+$0x30] =	vst v4;
	v4 =	vadd.f32 v6, v3  }
0xdf: {  	[tilespmem:s0+$0x40] =	vst v5;
	v5 =	vadd.f32 v7, v3  }
0xe0: {  	v3 =	vadd.f32 v8, v3;
	[tilespmem:s0+$0x50] =	vst v4  }
0xe1: {  	[tilespmem:s0+$0x60] =	vst v5  }
0xe2: {  	[tilespmem:s0+$0xFFFFFC00] =	vst v3;
	s0 =	simm.s32 $0x3900  }
0xe3: {  	v4 =	vld [tilespmem:s0+$0x70]  }
0xe4: {  	v5 =	vld [tilespmem:s0+$0xFFFFFC10]  }
0xe5: {  	v6 =	vld [tilespmem:s0+$0xFFFFFC20]  }
0xe6: {  	v3 =	vbroadcast v2, $0x5;
	v7 =	vld [tilespmem:s0+$0xFFFFFC30]  }
0xe7: {  	v8 =	vld [tilespmem:s0+$0xFFFFFC40]  }
0xe8: {  	v9 =	vld [tilespmem:s0+$0xFFFFFC50];
	v4 =	vadd.f32 v4, v3  }
0xe9: {  	v10 =	vld [tilespmem:s0+$0xFFFFFC60];
	v5 =	vadd.f32 v5, v3  }
0xea: {  	v11 =	vld [tilespmem:s0+$0xFFFFFC70];
	v6 =	vadd.f32 v6, v3;
	[tilespmem:s0+$0x70] =	vst v4  }
0xeb: {  	[tilespmem:s0+$0xFFFFFC10] =	vst v5;
	v4 =	vadd.f32 v7, v3;
	v7 =	vld [tilespmem:s0+$0x0]  }
0xec: {  	[tilespmem:s0+$0xFFFFFC20] =	vst v6;
	v5 =	vadd.f32 v8, v3;
	v8 =	vld [tilespmem:s0+$0x10]  }
0xed: {  	v12 =	vld [tilespmem:s0+$0x20];
	v6 =	vadd.f32 v9, v3;
	[tilespmem:s0+$0xFFFFFC30] =	vst v4  }
0xee: {  	v9 =	vadd.f32 v10, v3;
	[tilespmem:s0+$0xFFFFFC40] =	vst v5;
	v4 =	vld [tilespmem:s0+$0x30]  }
0xef: {  	v10 =	vadd.f32 v11, v3;
	[tilespmem:s0+$0xFFFFFC50] =	vst v6;
	v5 =	vld [tilespmem:s0+$0x40]  }
0xf0: {  	[tilespmem:s0+$0xFFFFFC60] =	vst v9;
	v6 =	vld [tilespmem:s0+$0x50];
	v11 =	vadd.f32 v7, v3  }
0xf1: {  	[tilespmem:s0+$0xFFFFFC70] =	vst v10;
	v7 =	vld [tilespmem:s0+$0x60];
	v9 =	vadd.f32 v8, v3  }
0xf2: {  	s30 =	simm.s32 $0x0;
	s6 =	simm.s32 $0x4100;
	v10 =	vadd.f32 v12, v3;
	v8 =	vld [tilespmem:s0+$0xFFFFFC00];
	[tilespmem:s0+$0x0] =	vst v11  }
.LBB2_13:
0xf3: {  	v11 =	vld [tilespmem:s6+$0x70];
	s30 =	sadd.s32 $0x100, s30;
	[tilespmem:s0+$0x10] =	vst v9;
	v4 =	vadd.f32 v4, v3  }
0xf4: {  	v9 =	vld [tilespmem:s6+$0xFFFFFC10];
	p0 =	slt.u32 s30, $0xF00;
	[tilespmem:s0+$0x20] =	vst v10;
	v5 =	vadd.f32 v5, v3  }
0xf5: {  	v10 =	vld [tilespmem:s6+$0xFFFFFC20];
	[tilespmem:s0+$0x30] =	vst v4;
	v4 =	vadd.f32 v6, v3  }
0xf6: {  	v6 =	vld [tilespmem:s6+$0xFFFFFC30];
	[tilespmem:s0+$0x40] =	vst v5;
	v5 =	vadd.f32 v7, v3  }
0xf7: {  	v7 =	vld [tilespmem:s6+$0xFFFFFC40];
	v8 =	vadd.f32 v8, v3;
	[tilespmem:s0+$0x50] =	vst v4  }
0xf8: {  	v4 =	vld [tilespmem:s6+$0xFFFFFC50];
	v11 =	vadd.f32 v11, v3;
	[tilespmem:s0+$0x60] =	vst v5  }
0xf9: {  	v5 =	vadd.f32 v9, v3;
	v9 =	vld [tilespmem:s6+$0xFFFFFC60];
	[tilespmem:s0+$0xFFFFFC00] =	vst v8;
	s0 =	smov.u32 s6  }
0xfa: {  	v8 =	vadd.f32 v10, v3;
	v10 =	vld [tilespmem:s6+$0xFFFFFC70];
	[tilespmem:s6+$0x70] =	vst v11  }
0xfb: {  	[tilespmem:s6+$0xFFFFFC10] =	vst v5;
	v5 =	vadd.f32 v6, v3;
	v6 =	vld [tilespmem:s6+$0x0]  }
0xfc: {  	[tilespmem:s6+$0xFFFFFC20] =	vst v8;
	v7 =	vadd.f32 v7, v3;
	v8 =	vld [tilespmem:s6+$0x10]  }
0xfd: {  	[tilespmem:s6+$0xFFFFFC30] =	vst v5;
	v5 =	vadd.f32 v4, v3;
	v11 =	vld [tilespmem:s6+$0x20]  }
.Ltmp5:
0xfe: {  	[tilespmem:s6+$0xFFFFFC40] =	vst v7;
	v7 =	vadd.f32 v9, v3;
	v4 =	vld [tilespmem:s6+$0x30];
	(pc) =	sbr.rel @p0 .LBB2_13-.Ltmp5, $4  }
0xff: {  	[tilespmem:s6+$0xFFFFFC50] =	vst v5;
	v9 =	vadd.f32 v10, v3;
	v5 =	vld [tilespmem:s6+$0x40]  }
0x100: {  	[tilespmem:s6+$0xFFFFFC60] =	vst v7;
	v10 =	vadd.f32 v6, v3;
	v6 =	vld [tilespmem:s6+$0x50]  }
0x101: {  	[tilespmem:s6+$0xFFFFFC70] =	vst v9;
	v9 =	vadd.f32 v8, v3;
	v7 =	vld [tilespmem:s6+$0x60]  }
0x102: {  	s6 =	sadd.s32 $0x800, s6;
	v8 =	vld [tilespmem:s0+$0xFFFFFC00];
	[tilespmem:s0+$0x0] =	vst v10;
	v10 =	vadd.f32 v11, v3  }
0x103: {  	[tilespmem:s0+$0x10] =	vst v9;
	v4 =	vadd.f32 v4, v3  }
0x104: {  	[tilespmem:s0+$0x20] =	vst v10;
	v5 =	vadd.f32 v5, v3  }
0x105: {  	[tilespmem:s0+$0x30] =	vst v4;
	v4 =	vadd.f32 v6, v3  }
0x106: {  	[tilespmem:s0+$0x40] =	vst v5;
	v5 =	vadd.f32 v7, v3  }
0x107: {  	v3 =	vadd.f32 v8, v3;
	[tilespmem:s0+$0x50] =	vst v4  }
0x108: {  	[tilespmem:s0+$0x60] =	vst v5  }
0x109: {  	[tilespmem:s0+$0xFFFFFC00] =	vst v3;
	s0 =	simm.s32 $0x3980  }
0x10a: {  	v4 =	vld [tilespmem:s0+$0x70]  }
0x10b: {  	v5 =	vld [tilespmem:s0+$0xFFFFFC10]  }
0x10c: {  	v6 =	vld [tilespmem:s0+$0xFFFFFC20]  }
0x10d: {  	v3 =	vbroadcast v2, $0x6;
	v7 =	vld [tilespmem:s0+$0xFFFFFC30]  }
0x10e: {  	v8 =	vld [tilespmem:s0+$0xFFFFFC40]  }
0x10f: {  	v9 =	vld [tilespmem:s0+$0xFFFFFC50];
	v4 =	vadd.f32 v4, v3  }
0x110: {  	v10 =	vld [tilespmem:s0+$0xFFFFFC60];
	v5 =	vadd.f32 v5, v3  }
0x111: {  	v11 =	vld [tilespmem:s0+$0xFFFFFC70];
	v6 =	vadd.f32 v6, v3;
	[tilespmem:s0+$0x70] =	vst v4  }
0x112: {  	[tilespmem:s0+$0xFFFFFC10] =	vst v5;
	v4 =	vadd.f32 v7, v3;
	v7 =	vld [tilespmem:s0+$0x0]  }
0x113: {  	[tilespmem:s0+$0xFFFFFC20] =	vst v6;
	v5 =	vadd.f32 v8, v3;
	v8 =	vld [tilespmem:s0+$0x10]  }
0x114: {  	v12 =	vld [tilespmem:s0+$0x20];
	v6 =	vadd.f32 v9, v3;
	[tilespmem:s0+$0xFFFFFC30] =	vst v4  }
0x115: {  	v9 =	vadd.f32 v10, v3;
	[tilespmem:s0+$0xFFFFFC40] =	vst v5;
	v4 =	vld [tilespmem:s0+$0x30]  }
0x116: {  	v10 =	vadd.f32 v11, v3;
	[tilespmem:s0+$0xFFFFFC50] =	vst v6;
	v5 =	vld [tilespmem:s0+$0x40]  }
0x117: {  	[tilespmem:s0+$0xFFFFFC60] =	vst v9;
	v6 =	vld [tilespmem:s0+$0x50];
	v11 =	vadd.f32 v7, v3  }
0x118: {  	[tilespmem:s0+$0xFFFFFC70] =	vst v10;
	v7 =	vld [tilespmem:s0+$0x60];
	v9 =	vadd.f32 v8, v3  }
0x119: {  	s30 =	simm.s32 $0x0;
	s6 =	simm.s32 $0x4180;
	v10 =	vadd.f32 v12, v3;
	v8 =	vld [tilespmem:s0+$0xFFFFFC00];
	[tilespmem:s0+$0x0] =	vst v11  }
.LBB2_15:
0x11a: {  	v11 =	vld [tilespmem:s6+$0x70];
	s30 =	sadd.s32 $0x100, s30;
	[tilespmem:s0+$0x10] =	vst v9;
	v4 =	vadd.f32 v4, v3  }
0x11b: {  	v9 =	vld [tilespmem:s6+$0xFFFFFC10];
	p0 =	slt.u32 s30, $0xF00;
	[tilespmem:s0+$0x20] =	vst v10;
	v5 =	vadd.f32 v5, v3  }
0x11c: {  	v10 =	vld [tilespmem:s6+$0xFFFFFC20];
	[tilespmem:s0+$0x30] =	vst v4;
	v4 =	vadd.f32 v6, v3  }
0x11d: {  	v6 =	vld [tilespmem:s6+$0xFFFFFC30];
	[tilespmem:s0+$0x40] =	vst v5;
	v5 =	vadd.f32 v7, v3  }
0x11e: {  	v7 =	vld [tilespmem:s6+$0xFFFFFC40];
	v8 =	vadd.f32 v8, v3;
	[tilespmem:s0+$0x50] =	vst v4  }
0x11f: {  	v4 =	vld [tilespmem:s6+$0xFFFFFC50];
	v11 =	vadd.f32 v11, v3;
	[tilespmem:s0+$0x60] =	vst v5  }
0x120: {  	v5 =	vadd.f32 v9, v3;
	v9 =	vld [tilespmem:s6+$0xFFFFFC60];
	[tilespmem:s0+$0xFFFFFC00] =	vst v8;
	s0 =	smov.u32 s6  }
0x121: {  	v8 =	vadd.f32 v10, v3;
	v10 =	vld [tilespmem:s6+$0xFFFFFC70];
	[tilespmem:s6+$0x70] =	vst v11  }
0x122: {  	[tilespmem:s6+$0xFFFFFC10] =	vst v5;
	v5 =	vadd.f32 v6, v3;
	v6 =	vld [tilespmem:s6+$0x0]  }
0x123: {  	[tilespmem:s6+$0xFFFFFC20] =	vst v8;
	v7 =	vadd.f32 v7, v3;
	v8 =	vld [tilespmem:s6+$0x10]  }
0x124: {  	[tilespmem:s6+$0xFFFFFC30] =	vst v5;
	v5 =	vadd.f32 v4, v3;
	v11 =	vld [tilespmem:s6+$0x20]  }
.Ltmp6:
0x125: {  	[tilespmem:s6+$0xFFFFFC40] =	vst v7;
	v7 =	vadd.f32 v9, v3;
	v4 =	vld [tilespmem:s6+$0x30];
	(pc) =	sbr.rel @p0 .LBB2_15-.Ltmp6, $4  }
0x126: {  	[tilespmem:s6+$0xFFFFFC50] =	vst v5;
	v9 =	vadd.f32 v10, v3;
	v5 =	vld [tilespmem:s6+$0x40]  }
0x127: {  	[tilespmem:s6+$0xFFFFFC60] =	vst v7;
	v10 =	vadd.f32 v6, v3;
	v6 =	vld [tilespmem:s6+$0x50]  }
0x128: {  	[tilespmem:s6+$0xFFFFFC70] =	vst v9;
	v9 =	vadd.f32 v8, v3;
	v7 =	vld [tilespmem:s6+$0x60]  }
0x129: {  	s6 =	sadd.s32 $0x800, s6;
	v8 =	vld [tilespmem:s0+$0xFFFFFC00];
	[tilespmem:s0+$0x0] =	vst v10;
	v10 =	vadd.f32 v11, v3  }
0x12a: {  	[tilespmem:s0+$0x10] =	vst v9;
	v4 =	vadd.f32 v4, v3  }
0x12b: {  	[tilespmem:s0+$0x20] =	vst v10;
	v5 =	vadd.f32 v5, v3  }
0x12c: {  	[tilespmem:s0+$0x30] =	vst v4;
	v4 =	vadd.f32 v6, v3  }
0x12d: {  	[tilespmem:s0+$0x40] =	vst v5;
	v5 =	vadd.f32 v7, v3  }
0x12e: {  	v3 =	vadd.f32 v8, v3;
	[tilespmem:s0+$0x50] =	vst v4  }
0x12f: {  	[tilespmem:s0+$0x60] =	vst v5  }
0x130: {  	s30 =	simm.s32 $0x3A00;
	[tilespmem:s0+$0xFFFFFC00] =	vst v3  }
0x131: {  	v3 =	vld [tilespmem:s30+$0x70]  }
0x132: {  	v4 =	vld [tilespmem:s30+$0xFFFFFC10]  }
0x133: {  	v5 =	vld [tilespmem:s30+$0xFFFFFC20]  }
0x134: {  	v2 =	vbroadcast v2, $0x7;
	v6 =	vld [tilespmem:s30+$0xFFFFFC30]  }
0x135: {  	v7 =	vld [tilespmem:s30+$0xFFFFFC40]  }
0x136: {  	v8 =	vld [tilespmem:s30+$0xFFFFFC50];
	v3 =	vadd.f32 v3, v2  }
0x137: {  	v9 =	vld [tilespmem:s30+$0xFFFFFC60];
	v4 =	vadd.f32 v4, v2  }
0x138: {  	v10 =	vld [tilespmem:s30+$0xFFFFFC70];
	v5 =	vadd.f32 v5, v2;
	[tilespmem:s30+$0x70] =	vst v3  }
0x139: {  	[tilespmem:s30+$0xFFFFFC10] =	vst v4;
	v3 =	vadd.f32 v6, v2;
	v6 =	vld [tilespmem:s30+$0x0]  }
0x13a: {  	[tilespmem:s30+$0xFFFFFC20] =	vst v5;
	v4 =	vadd.f32 v7, v2;
	v7 =	vld [tilespmem:s30+$0x10]  }
0x13b: {  	v11 =	vld [tilespmem:s30+$0x20];
	v5 =	vadd.f32 v8, v2;
	[tilespmem:s30+$0xFFFFFC30] =	vst v3  }
0x13c: {  	v8 =	vadd.f32 v9, v2;
	[tilespmem:s30+$0xFFFFFC40] =	vst v4;
	v3 =	vld [tilespmem:s30+$0x30]  }
0x13d: {  	v9 =	vadd.f32 v10, v2;
	[tilespmem:s30+$0xFFFFFC50] =	vst v5;
	v4 =	vld [tilespmem:s30+$0x40]  }
0x13e: {  	[tilespmem:s30+$0xFFFFFC60] =	vst v8;
	v5 =	vld [tilespmem:s30+$0x50];
	v10 =	vadd.f32 v6, v2  }
0x13f: {  	[tilespmem:s30+$0xFFFFFC70] =	vst v9;
	v6 =	vld [tilespmem:s30+$0x60];
	v8 =	vadd.f32 v7, v2  }
0x140: {  	s6 =	simm.s32 $0x4200;
	s0 =	simm.s32 $0x0;
	v9 =	vadd.f32 v11, v2;
	v7 =	vld [tilespmem:s30+$0xFFFFFC00];
	[tilespmem:s30+$0x0] =	vst v10  }
.LBB2_17:
0x141: {  	v10 =	vld [tilespmem:s6+$0x70];
	s0 =	sadd.s32 $0x100, s0;
	[tilespmem:s30+$0x10] =	vst v8;
	v3 =	vadd.f32 v3, v2  }
0x142: {  	v8 =	vld [tilespmem:s6+$0xFFFFFC10];
	p0 =	slt.u32 s0, $0xF00;
	[tilespmem:s30+$0x20] =	vst v9;
	v4 =	vadd.f32 v4, v2  }
0x143: {  	v9 =	vld [tilespmem:s6+$0xFFFFFC20];
	[tilespmem:s30+$0x30] =	vst v3;
	v3 =	vadd.f32 v5, v2  }
0x144: {  	v5 =	vld [tilespmem:s6+$0xFFFFFC30];
	[tilespmem:s30+$0x40] =	vst v4;
	v4 =	vadd.f32 v6, v2  }
0x145: {  	v6 =	vld [tilespmem:s6+$0xFFFFFC40];
	v7 =	vadd.f32 v7, v2;
	[tilespmem:s30+$0x50] =	vst v3  }
0x146: {  	v3 =	vld [tilespmem:s6+$0xFFFFFC50];
	v10 =	vadd.f32 v10, v2;
	[tilespmem:s30+$0x60] =	vst v4  }
0x147: {  	v4 =	vadd.f32 v8, v2;
	v8 =	vld [tilespmem:s6+$0xFFFFFC60];
	[tilespmem:s30+$0xFFFFFC00] =	vst v7;
	s30 =	smov.u32 s6  }
0x148: {  	v7 =	vadd.f32 v9, v2;
	v9 =	vld [tilespmem:s6+$0xFFFFFC70];
	[tilespmem:s6+$0x70] =	vst v10  }
0x149: {  	[tilespmem:s6+$0xFFFFFC10] =	vst v4;
	v4 =	vadd.f32 v5, v2;
	v5 =	vld [tilespmem:s6+$0x0]  }
0x14a: {  	[tilespmem:s6+$0xFFFFFC20] =	vst v7;
	v6 =	vadd.f32 v6, v2;
	v7 =	vld [tilespmem:s6+$0x10]  }
0x14b: {  	[tilespmem:s6+$0xFFFFFC30] =	vst v4;
	v4 =	vadd.f32 v3, v2;
	v10 =	vld [tilespmem:s6+$0x20]  }
.Ltmp7:
0x14c: {  	[tilespmem:s6+$0xFFFFFC40] =	vst v6;
	v6 =	vadd.f32 v8, v2;
	v3 =	vld [tilespmem:s6+$0x30];
	(pc) =	sbr.rel @p0 .LBB2_17-.Ltmp7, $4  }
0x14d: {  	[tilespmem:s6+$0xFFFFFC50] =	vst v4;
	v8 =	vadd.f32 v9, v2;
	v4 =	vld [tilespmem:s6+$0x40]  }
0x14e: {  	[tilespmem:s6+$0xFFFFFC60] =	vst v6;
	v9 =	vadd.f32 v5, v2;
	v5 =	vld [tilespmem:s6+$0x50]  }
0x14f: {  	[tilespmem:s6+$0xFFFFFC70] =	vst v8;
	v8 =	vadd.f32 v7, v2;
	v6 =	vld [tilespmem:s6+$0x60]  }
0x150: {  	s6 =	sadd.s32 $0x800, s6;
	v7 =	vld [tilespmem:s30+$0xFFFFFC00];
	[tilespmem:s30+$0x0] =	vst v9;
	v9 =	vadd.f32 v10, v2  }
0x151: {  	[tilespmem:s30+$0x10] =	vst v8;
	v3 =	vadd.f32 v3, v2  }
0x152: {  	[tilespmem:s30+$0x20] =	vst v9;
	v4 =	vadd.f32 v4, v2  }
0x153: {  	[tilespmem:s30+$0x30] =	vst v3;
	v3 =	vadd.f32 v5, v2  }
0x154: {  	[tilespmem:s30+$0x40] =	vst v4;
	v4 =	vadd.f32 v6, v2  }
0x155: {  	v2 =	vadd.f32 v7, v2;
	[tilespmem:s30+$0x50] =	vst v3  }
0x156: {  	s0 =	sshll.u32 s2, $0x9;
	[tilespmem:s30+$0x60] =	vst v4  }
0x157: {  	p0 =	seq.s32 s29, $0x0;
	s0 =	sadd.s32 s3, s0;
	[tilespmem:s30+$0xFFFFFC00] =	vst v2;
	s30 =	smul.u32 $0x3, s29  }
0x158: {  	[hbm4b:s0+s4] =	stream.linear.scatter [tilespmem:s18], [sflag:$0x4], $0x8000, $0x38;
	[tilespmem:$0x1B280] =	vst v63  }
0x159: {  	s0 =	simm.s32 @!p0 $0x6;
	s2 =	sadd.s32 $0x2, s30  }
0x15a: {  	_ =	swait.ge @!p0 [sflag:s0], $0x8000;
	s6 =	sadd.s32 s9, s2  }
0x15b: {  	[sflag:s0] =	ssyncset.done @!p0 $0x0;
	s6 =	sshll.u32 s6, $0xC  }
0x15c: {  	[sflag:s0] =	ssyncadd.s32 @!p0 $0xFFFF8000;
	s8 =	sadd.s32 s1, s6  }
0x15d: {  	[tilespmem:s21], [sflag:$0x3] =	stream.linear.gather [hbm4b:s8+s4], $0x8000, $0x38;
	[tilespmem:$0x1B280] =	vst v63  }
0x15e: {  	_ =	swait.ge [sflag:s22], $0x8000  }
0x15f: {  	[sflag:s22] =	ssyncset.done $0x0  }
0x160: {  	[sflag:s22] =	ssyncadd.s32 $0xFFFF8000  }
0x161: {  	v2 =	vld.idx.msk [tilespmem:v1+s31+$0x0 ss:$0x1], $0xffff  }
0x162: {  	s0 =	simm.s32 $0xB680  }
0x163: {  	v4 =	vld [tilespmem:s0+$0x70]  }
0x164: {  	v5 =	vld [tilespmem:s0+$0xFFFFFC10]  }
0x165: {  	v6 =	vld [tilespmem:s0+$0xFFFFFC20]  }
0x166: {  	v7 =	vld [tilespmem:s0+$0xFFFFFC30];
	v3 =	vbroadcast v2, $0x0  }
0x167: {  	v8 =	vld [tilespmem:s0+$0xFFFFFC40]  }
0x168: {  	v9 =	vld [tilespmem:s0+$0xFFFFFC50];
	v4 =	vadd.f32 v4, v3  }
0x169: {  	v10 =	vld [tilespmem:s0+$0xFFFFFC60];
	v5 =	vadd.f32 v5, v3  }
0x16a: {  	v11 =	vld [tilespmem:s0+$0xFFFFFC70];
	v6 =	vadd.f32 v6, v3;
	[tilespmem:s0+$0x70] =	vst v4  }
0x16b: {  	[tilespmem:s0+$0xFFFFFC10] =	vst v5;
	v4 =	vadd.f32 v7, v3;
	v7 =	vld [tilespmem:s0+$0x0]  }
0x16c: {  	[tilespmem:s0+$0xFFFFFC20] =	vst v6;
	v5 =	vadd.f32 v8, v3;
	v8 =	vld [tilespmem:s0+$0x10]  }
0x16d: {  	v12 =	vld [tilespmem:s0+$0x20];
	v6 =	vadd.f32 v9, v3;
	[tilespmem:s0+$0xFFFFFC30] =	vst v4  }
0x16e: {  	v9 =	vadd.f32 v10, v3;
	[tilespmem:s0+$0xFFFFFC40] =	vst v5;
	v4 =	vld [tilespmem:s0+$0x30]  }
0x16f: {  	v10 =	vadd.f32 v11, v3;
	[tilespmem:s0+$0xFFFFFC50] =	vst v6;
	v5 =	vld [tilespmem:s0+$0x40]  }
0x170: {  	[tilespmem:s0+$0xFFFFFC60] =	vst v9;
	v6 =	vld [tilespmem:s0+$0x50];
	v11 =	vadd.f32 v7, v3  }
0x171: {  	[tilespmem:s0+$0xFFFFFC70] =	vst v10;
	v7 =	vld [tilespmem:s0+$0x60];
	v9 =	vadd.f32 v8, v3  }
0x172: {  	s6 =	simm.s32 $0x0;
	s8 =	simm.s32 $0xBE80;
	s31 =	sadd.s32 s31, s10;
	v10 =	vadd.f32 v12, v3;
	v8 =	vld [tilespmem:s0+$0xFFFFFC00];
	[tilespmem:s0+$0x0] =	vst v11  }
.LBB2_19:
0x173: {  	v11 =	vld [tilespmem:s8+$0x70];
	s6 =	sadd.s32 $0x100, s6;
	[tilespmem:s0+$0x10] =	vst v9;
	v4 =	vadd.f32 v4, v3  }
0x174: {  	v9 =	vld [tilespmem:s8+$0xFFFFFC10];
	p0 =	slt.u32 s6, $0xF00;
	[tilespmem:s0+$0x20] =	vst v10;
	v5 =	vadd.f32 v5, v3  }
0x175: {  	v10 =	vld [tilespmem:s8+$0xFFFFFC20];
	[tilespmem:s0+$0x30] =	vst v4;
	v4 =	vadd.f32 v6, v3  }
0x176: {  	v6 =	vld [tilespmem:s8+$0xFFFFFC30];
	[tilespmem:s0+$0x40] =	vst v5;
	v5 =	vadd.f32 v7, v3  }
0x177: {  	v7 =	vld [tilespmem:s8+$0xFFFFFC40];
	v8 =	vadd.f32 v8, v3;
	[tilespmem:s0+$0x50] =	vst v4  }
0x178: {  	v4 =	vld [tilespmem:s8+$0xFFFFFC50];
	v11 =	vadd.f32 v11, v3;
	[tilespmem:s0+$0x60] =	vst v5  }
0x179: {  	v5 =	vadd.f32 v9, v3;
	v9 =	vld [tilespmem:s8+$0xFFFFFC60];
	[tilespmem:s0+$0xFFFFFC00] =	vst v8;
	s0 =	smov.u32 s8  }
0x17a: {  	v8 =	vadd.f32 v10, v3;
	v10 =	vld [tilespmem:s8+$0xFFFFFC70];
	[tilespmem:s8+$0x70] =	vst v11  }
0x17b: {  	[tilespmem:s8+$0xFFFFFC10] =	vst v5;
	v5 =	vadd.f32 v6, v3;
	v6 =	vld [tilespmem:s8+$0x0]  }
0x17c: {  	[tilespmem:s8+$0xFFFFFC20] =	vst v8;
	v7 =	vadd.f32 v7, v3;
	v8 =	vld [tilespmem:s8+$0x10]  }
0x17d: {  	[tilespmem:s8+$0xFFFFFC30] =	vst v5;
	v5 =	vadd.f32 v4, v3;
	v11 =	vld [tilespmem:s8+$0x20]  }
.Ltmp8:
0x17e: {  	[tilespmem:s8+$0xFFFFFC40] =	vst v7;
	v7 =	vadd.f32 v9, v3;
	v4 =	vld [tilespmem:s8+$0x30];
	(pc) =	sbr.rel @p0 .LBB2_19-.Ltmp8, $4  }
0x17f: {  	[tilespmem:s8+$0xFFFFFC50] =	vst v5;
	v9 =	vadd.f32 v10, v3;
	v5 =	vld [tilespmem:s8+$0x40]  }
0x180: {  	[tilespmem:s8+$0xFFFFFC60] =	vst v7;
	v10 =	vadd.f32 v6, v3;
	v6 =	vld [tilespmem:s8+$0x50]  }
0x181: {  	[tilespmem:s8+$0xFFFFFC70] =	vst v9;
	v9 =	vadd.f32 v8, v3;
	v7 =	vld [tilespmem:s8+$0x60]  }
0x182: {  	s8 =	sadd.s32 $0x800, s8;
	v8 =	vld [tilespmem:s0+$0xFFFFFC00];
	[tilespmem:s0+$0x0] =	vst v10;
	v10 =	vadd.f32 v11, v3  }
0x183: {  	[tilespmem:s0+$0x10] =	vst v9;
	v4 =	vadd.f32 v4, v3  }
0x184: {  	[tilespmem:s0+$0x20] =	vst v10;
	v5 =	vadd.f32 v5, v3  }
0x185: {  	[tilespmem:s0+$0x30] =	vst v4;
	v4 =	vadd.f32 v6, v3  }
0x186: {  	[tilespmem:s0+$0x40] =	vst v5;
	v5 =	vadd.f32 v7, v3  }
0x187: {  	v3 =	vadd.f32 v8, v3;
	[tilespmem:s0+$0x50] =	vst v4  }
0x188: {  	[tilespmem:s0+$0x60] =	vst v5  }
0x189: {  	[tilespmem:s0+$0xFFFFFC00] =	vst v3;
	s0 =	simm.s32 $0xB700  }
0x18a: {  	v4 =	vld [tilespmem:s0+$0x70]  }
0x18b: {  	v5 =	vld [tilespmem:s0+$0xFFFFFC10]  }
0x18c: {  	v6 =	vld [tilespmem:s0+$0xFFFFFC20]  }
0x18d: {  	v3 =	vbroadcast v2, $0x1;
	v7 =	vld [tilespmem:s0+$0xFFFFFC30]  }
0x18e: {  	v8 =	vld [tilespmem:s0+$0xFFFFFC40]  }
0x18f: {  	v9 =	vld [tilespmem:s0+$0xFFFFFC50];
	v4 =	vadd.f32 v4, v3  }
0x190: {  	v10 =	vld [tilespmem:s0+$0xFFFFFC60];
	v5 =	vadd.f32 v5, v3  }
0x191: {  	v11 =	vld [tilespmem:s0+$0xFFFFFC70];
	v6 =	vadd.f32 v6, v3;
	[tilespmem:s0+$0x70] =	vst v4  }
0x192: {  	[tilespmem:s0+$0xFFFFFC10] =	vst v5;
	v4 =	vadd.f32 v7, v3;
	v7 =	vld [tilespmem:s0+$0x0]  }
0x193: {  	[tilespmem:s0+$0xFFFFFC20] =	vst v6;
	v5 =	vadd.f32 v8, v3;
	v8 =	vld [tilespmem:s0+$0x10]  }
0x194: {  	v12 =	vld [tilespmem:s0+$0x20];
	v6 =	vadd.f32 v9, v3;
	[tilespmem:s0+$0xFFFFFC30] =	vst v4  }
0x195: {  	v9 =	vadd.f32 v10, v3;
	[tilespmem:s0+$0xFFFFFC40] =	vst v5;
	v4 =	vld [tilespmem:s0+$0x30]  }
0x196: {  	v10 =	vadd.f32 v11, v3;
	[tilespmem:s0+$0xFFFFFC50] =	vst v6;
	v5 =	vld [tilespmem:s0+$0x40]  }
0x197: {  	[tilespmem:s0+$0xFFFFFC60] =	vst v9;
	v6 =	vld [tilespmem:s0+$0x50];
	v11 =	vadd.f32 v7, v3  }
0x198: {  	[tilespmem:s0+$0xFFFFFC70] =	vst v10;
	v7 =	vld [tilespmem:s0+$0x60];
	v9 =	vadd.f32 v8, v3  }
0x199: {  	s6 =	simm.s32 $0x0;
	s8 =	simm.s32 $0xBF00;
	v10 =	vadd.f32 v12, v3;
	v8 =	vld [tilespmem:s0+$0xFFFFFC00];
	[tilespmem:s0+$0x0] =	vst v11  }
.LBB2_21:
0x19a: {  	v11 =	vld [tilespmem:s8+$0x70];
	s6 =	sadd.s32 $0x100, s6;
	[tilespmem:s0+$0x10] =	vst v9;
	v4 =	vadd.f32 v4, v3  }
0x19b: {  	v9 =	vld [tilespmem:s8+$0xFFFFFC10];
	p0 =	slt.u32 s6, $0xF00;
	[tilespmem:s0+$0x20] =	vst v10;
	v5 =	vadd.f32 v5, v3  }
0x19c: {  	v10 =	vld [tilespmem:s8+$0xFFFFFC20];
	[tilespmem:s0+$0x30] =	vst v4;
	v4 =	vadd.f32 v6, v3  }
0x19d: {  	v6 =	vld [tilespmem:s8+$0xFFFFFC30];
	[tilespmem:s0+$0x40] =	vst v5;
	v5 =	vadd.f32 v7, v3  }
0x19e: {  	v7 =	vld [tilespmem:s8+$0xFFFFFC40];
	v8 =	vadd.f32 v8, v3;
	[tilespmem:s0+$0x50] =	vst v4  }
0x19f: {  	v4 =	vld [tilespmem:s8+$0xFFFFFC50];
	v11 =	vadd.f32 v11, v3;
	[tilespmem:s0+$0x60] =	vst v5  }
0x1a0: {  	v5 =	vadd.f32 v9, v3;
	v9 =	vld [tilespmem:s8+$0xFFFFFC60];
	[tilespmem:s0+$0xFFFFFC00] =	vst v8;
	s0 =	smov.u32 s8  }
0x1a1: {  	v8 =	vadd.f32 v10, v3;
	v10 =	vld [tilespmem:s8+$0xFFFFFC70];
	[tilespmem:s8+$0x70] =	vst v11  }
0x1a2: {  	[tilespmem:s8+$0xFFFFFC10] =	vst v5;
	v5 =	vadd.f32 v6, v3;
	v6 =	vld [tilespmem:s8+$0x0]  }
0x1a3: {  	[tilespmem:s8+$0xFFFFFC20] =	vst v8;
	v7 =	vadd.f32 v7, v3;
	v8 =	vld [tilespmem:s8+$0x10]  }
0x1a4: {  	[tilespmem:s8+$0xFFFFFC30] =	vst v5;
	v5 =	vadd.f32 v4, v3;
	v11 =	vld [tilespmem:s8+$0x20]  }
.Ltmp9:
0x1a5: {  	[tilespmem:s8+$0xFFFFFC40] =	vst v7;
	v7 =	vadd.f32 v9, v3;
	v4 =	vld [tilespmem:s8+$0x30];
	(pc) =	sbr.rel @p0 .LBB2_21-.Ltmp9, $4  }
0x1a6: {  	[tilespmem:s8+$0xFFFFFC50] =	vst v5;
	v9 =	vadd.f32 v10, v3;
	v5 =	vld [tilespmem:s8+$0x40]  }
0x1a7: {  	[tilespmem:s8+$0xFFFFFC60] =	vst v7;
	v10 =	vadd.f32 v6, v3;
	v6 =	vld [tilespmem:s8+$0x50]  }
0x1a8: {  	[tilespmem:s8+$0xFFFFFC70] =	vst v9;
	v9 =	vadd.f32 v8, v3;
	v7 =	vld [tilespmem:s8+$0x60]  }
0x1a9: {  	s8 =	sadd.s32 $0x800, s8;
	v8 =	vld [tilespmem:s0+$0xFFFFFC00];
	[tilespmem:s0+$0x0] =	vst v10;
	v10 =	vadd.f32 v11, v3  }
0x1aa: {  	[tilespmem:s0+$0x10] =	vst v9;
	v4 =	vadd.f32 v4, v3  }
0x1ab: {  	[tilespmem:s0+$0x20] =	vst v10;
	v5 =	vadd.f32 v5, v3  }
0x1ac: {  	[tilespmem:s0+$0x30] =	vst v4;
	v4 =	vadd.f32 v6, v3  }
0x1ad: {  	[tilespmem:s0+$0x40] =	vst v5;
	v5 =	vadd.f32 v7, v3  }
0x1ae: {  	v3 =	vadd.f32 v8, v3;
	[tilespmem:s0+$0x50] =	vst v4  }
0x1af: {  	[tilespmem:s0+$0x60] =	vst v5  }
0x1b0: {  	[tilespmem:s0+$0xFFFFFC00] =	vst v3;
	s0 =	simm.s32 $0xB780  }
0x1b1: {  	v4 =	vld [tilespmem:s0+$0x70]  }
0x1b2: {  	v5 =	vld [tilespmem:s0+$0xFFFFFC10]  }
0x1b3: {  	v6 =	vld [tilespmem:s0+$0xFFFFFC20]  }
0x1b4: {  	v3 =	vbroadcast v2, $0x2;
	v7 =	vld [tilespmem:s0+$0xFFFFFC30]  }
0x1b5: {  	v8 =	vld [tilespmem:s0+$0xFFFFFC40]  }
0x1b6: {  	v9 =	vld [tilespmem:s0+$0xFFFFFC50];
	v4 =	vadd.f32 v4, v3  }
0x1b7: {  	v10 =	vld [tilespmem:s0+$0xFFFFFC60];
	v5 =	vadd.f32 v5, v3  }
0x1b8: {  	v11 =	vld [tilespmem:s0+$0xFFFFFC70];
	v6 =	vadd.f32 v6, v3;
	[tilespmem:s0+$0x70] =	vst v4  }
0x1b9: {  	[tilespmem:s0+$0xFFFFFC10] =	vst v5;
	v4 =	vadd.f32 v7, v3;
	v7 =	vld [tilespmem:s0+$0x0]  }
0x1ba: {  	[tilespmem:s0+$0xFFFFFC20] =	vst v6;
	v5 =	vadd.f32 v8, v3;
	v8 =	vld [tilespmem:s0+$0x10]  }
0x1bb: {  	v12 =	vld [tilespmem:s0+$0x20];
	v6 =	vadd.f32 v9, v3;
	[tilespmem:s0+$0xFFFFFC30] =	vst v4  }
0x1bc: {  	v9 =	vadd.f32 v10, v3;
	[tilespmem:s0+$0xFFFFFC40] =	vst v5;
	v4 =	vld [tilespmem:s0+$0x30]  }
0x1bd: {  	v10 =	vadd.f32 v11, v3;
	[tilespmem:s0+$0xFFFFFC50] =	vst v6;
	v5 =	vld [tilespmem:s0+$0x40]  }
0x1be: {  	[tilespmem:s0+$0xFFFFFC60] =	vst v9;
	v6 =	vld [tilespmem:s0+$0x50];
	v11 =	vadd.f32 v7, v3  }
0x1bf: {  	[tilespmem:s0+$0xFFFFFC70] =	vst v10;
	v7 =	vld [tilespmem:s0+$0x60];
	v9 =	vadd.f32 v8, v3  }
0x1c0: {  	s6 =	simm.s32 $0x0;
	s8 =	simm.s32 $0xBF80;
	v10 =	vadd.f32 v12, v3;
	v8 =	vld [tilespmem:s0+$0xFFFFFC00];
	[tilespmem:s0+$0x0] =	vst v11  }
.LBB2_23:
0x1c1: {  	v11 =	vld [tilespmem:s8+$0x70];
	s6 =	sadd.s32 $0x100, s6;
	[tilespmem:s0+$0x10] =	vst v9;
	v4 =	vadd.f32 v4, v3  }
0x1c2: {  	v9 =	vld [tilespmem:s8+$0xFFFFFC10];
	p0 =	slt.u32 s6, $0xF00;
	[tilespmem:s0+$0x20] =	vst v10;
	v5 =	vadd.f32 v5, v3  }
0x1c3: {  	v10 =	vld [tilespmem:s8+$0xFFFFFC20];
	[tilespmem:s0+$0x30] =	vst v4;
	v4 =	vadd.f32 v6, v3  }
0x1c4: {  	v6 =	vld [tilespmem:s8+$0xFFFFFC30];
	[tilespmem:s0+$0x40] =	vst v5;
	v5 =	vadd.f32 v7, v3  }
0x1c5: {  	v7 =	vld [tilespmem:s8+$0xFFFFFC40];
	v8 =	vadd.f32 v8, v3;
	[tilespmem:s0+$0x50] =	vst v4  }
0x1c6: {  	v4 =	vld [tilespmem:s8+$0xFFFFFC50];
	v11 =	vadd.f32 v11, v3;
	[tilespmem:s0+$0x60] =	vst v5  }
0x1c7: {  	v5 =	vadd.f32 v9, v3;
	v9 =	vld [tilespmem:s8+$0xFFFFFC60];
	[tilespmem:s0+$0xFFFFFC00] =	vst v8;
	s0 =	smov.u32 s8  }
0x1c8: {  	v8 =	vadd.f32 v10, v3;
	v10 =	vld [tilespmem:s8+$0xFFFFFC70];
	[tilespmem:s8+$0x70] =	vst v11  }
0x1c9: {  	[tilespmem:s8+$0xFFFFFC10] =	vst v5;
	v5 =	vadd.f32 v6, v3;
	v6 =	vld [tilespmem:s8+$0x0]  }
0x1ca: {  	[tilespmem:s8+$0xFFFFFC20] =	vst v8;
	v7 =	vadd.f32 v7, v3;
	v8 =	vld [tilespmem:s8+$0x10]  }
0x1cb: {  	[tilespmem:s8+$0xFFFFFC30] =	vst v5;
	v5 =	vadd.f32 v4, v3;
	v11 =	vld [tilespmem:s8+$0x20]  }
.Ltmp10:
0x1cc: {  	[tilespmem:s8+$0xFFFFFC40] =	vst v7;
	v7 =	vadd.f32 v9, v3;
	v4 =	vld [tilespmem:s8+$0x30];
	(pc) =	sbr.rel @p0 .LBB2_23-.Ltmp10, $4  }
0x1cd: {  	[tilespmem:s8+$0xFFFFFC50] =	vst v5;
	v9 =	vadd.f32 v10, v3;
	v5 =	vld [tilespmem:s8+$0x40]  }
0x1ce: {  	[tilespmem:s8+$0xFFFFFC60] =	vst v7;
	v10 =	vadd.f32 v6, v3;
	v6 =	vld [tilespmem:s8+$0x50]  }
0x1cf: {  	[tilespmem:s8+$0xFFFFFC70] =	vst v9;
	v9 =	vadd.f32 v8, v3;
	v7 =	vld [tilespmem:s8+$0x60]  }
0x1d0: {  	s8 =	sadd.s32 $0x800, s8;
	v8 =	vld [tilespmem:s0+$0xFFFFFC00];
	[tilespmem:s0+$0x0] =	vst v10;
	v10 =	vadd.f32 v11, v3  }
0x1d1: {  	[tilespmem:s0+$0x10] =	vst v9;
	v4 =	vadd.f32 v4, v3  }
0x1d2: {  	[tilespmem:s0+$0x20] =	vst v10;
	v5 =	vadd.f32 v5, v3  }
0x1d3: {  	[tilespmem:s0+$0x30] =	vst v4;
	v4 =	vadd.f32 v6, v3  }
0x1d4: {  	[tilespmem:s0+$0x40] =	vst v5;
	v5 =	vadd.f32 v7, v3  }
0x1d5: {  	v3 =	vadd.f32 v8, v3;
	[tilespmem:s0+$0x50] =	vst v4  }
0x1d6: {  	[tilespmem:s0+$0x60] =	vst v5  }
0x1d7: {  	[tilespmem:s0+$0xFFFFFC00] =	vst v3;
	s0 =	simm.s32 $0xB800  }
0x1d8: {  	v4 =	vld [tilespmem:s0+$0x70]  }
0x1d9: {  	v5 =	vld [tilespmem:s0+$0xFFFFFC10]  }
0x1da: {  	v6 =	vld [tilespmem:s0+$0xFFFFFC20]  }
0x1db: {  	v3 =	vbroadcast v2, $0x3;
	v7 =	vld [tilespmem:s0+$0xFFFFFC30]  }
0x1dc: {  	v8 =	vld [tilespmem:s0+$0xFFFFFC40]  }
0x1dd: {  	v9 =	vld [tilespmem:s0+$0xFFFFFC50];
	v4 =	vadd.f32 v4, v3  }
0x1de: {  	v10 =	vld [tilespmem:s0+$0xFFFFFC60];
	v5 =	vadd.f32 v5, v3  }
0x1df: {  	v11 =	vld [tilespmem:s0+$0xFFFFFC70];
	v6 =	vadd.f32 v6, v3;
	[tilespmem:s0+$0x70] =	vst v4  }
0x1e0: {  	[tilespmem:s0+$0xFFFFFC10] =	vst v5;
	v4 =	vadd.f32 v7, v3;
	v7 =	vld [tilespmem:s0+$0x0]  }
0x1e1: {  	[tilespmem:s0+$0xFFFFFC20] =	vst v6;
	v5 =	vadd.f32 v8, v3;
	v8 =	vld [tilespmem:s0+$0x10]  }
0x1e2: {  	v12 =	vld [tilespmem:s0+$0x20];
	v6 =	vadd.f32 v9, v3;
	[tilespmem:s0+$0xFFFFFC30] =	vst v4  }
0x1e3: {  	v9 =	vadd.f32 v10, v3;
	[tilespmem:s0+$0xFFFFFC40] =	vst v5;
	v4 =	vld [tilespmem:s0+$0x30]  }
0x1e4: {  	v10 =	vadd.f32 v11, v3;
	[tilespmem:s0+$0xFFFFFC50] =	vst v6;
	v5 =	vld [tilespmem:s0+$0x40]  }
0x1e5: {  	[tilespmem:s0+$0xFFFFFC60] =	vst v9;
	v6 =	vld [tilespmem:s0+$0x50];
	v11 =	vadd.f32 v7, v3  }
0x1e6: {  	[tilespmem:s0+$0xFFFFFC70] =	vst v10;
	v7 =	vld [tilespmem:s0+$0x60];
	v9 =	vadd.f32 v8, v3  }
0x1e7: {  	s6 =	simm.s32 $0x0;
	s8 =	simm.s32 $0xC000;
	v10 =	vadd.f32 v12, v3;
	v8 =	vld [tilespmem:s0+$0xFFFFFC00];
	[tilespmem:s0+$0x0] =	vst v11  }
.LBB2_25:
0x1e8: {  	v11 =	vld [tilespmem:s8+$0x70];
	s6 =	sadd.s32 $0x100, s6;
	[tilespmem:s0+$0x10] =	vst v9;
	v4 =	vadd.f32 v4, v3  }
0x1e9: {  	v9 =	vld [tilespmem:s8+$0xFFFFFC10];
	p0 =	slt.u32 s6, $0xF00;
	[tilespmem:s0+$0x20] =	vst v10;
	v5 =	vadd.f32 v5, v3  }
0x1ea: {  	v10 =	vld [tilespmem:s8+$0xFFFFFC20];
	[tilespmem:s0+$0x30] =	vst v4;
	v4 =	vadd.f32 v6, v3  }
0x1eb: {  	v6 =	vld [tilespmem:s8+$0xFFFFFC30];
	[tilespmem:s0+$0x40] =	vst v5;
	v5 =	vadd.f32 v7, v3  }
0x1ec: {  	v7 =	vld [tilespmem:s8+$0xFFFFFC40];
	v8 =	vadd.f32 v8, v3;
	[tilespmem:s0+$0x50] =	vst v4  }
0x1ed: {  	v4 =	vld [tilespmem:s8+$0xFFFFFC50];
	v11 =	vadd.f32 v11, v3;
	[tilespmem:s0+$0x60] =	vst v5  }
0x1ee: {  	v5 =	vadd.f32 v9, v3;
	v9 =	vld [tilespmem:s8+$0xFFFFFC60];
	[tilespmem:s0+$0xFFFFFC00] =	vst v8;
	s0 =	smov.u32 s8  }
0x1ef: {  	v8 =	vadd.f32 v10, v3;
	v10 =	vld [tilespmem:s8+$0xFFFFFC70];
	[tilespmem:s8+$0x70] =	vst v11  }
0x1f0: {  	[tilespmem:s8+$0xFFFFFC10] =	vst v5;
	v5 =	vadd.f32 v6, v3;
	v6 =	vld [tilespmem:s8+$0x0]  }
0x1f1: {  	[tilespmem:s8+$0xFFFFFC20] =	vst v8;
	v7 =	vadd.f32 v7, v3;
	v8 =	vld [tilespmem:s8+$0x10]  }
0x1f2: {  	[tilespmem:s8+$0xFFFFFC30] =	vst v5;
	v5 =	vadd.f32 v4, v3;
	v11 =	vld [tilespmem:s8+$0x20]  }
.Ltmp11:
0x1f3: {  	[tilespmem:s8+$0xFFFFFC40] =	vst v7;
	v7 =	vadd.f32 v9, v3;
	v4 =	vld [tilespmem:s8+$0x30];
	(pc) =	sbr.rel @p0 .LBB2_25-.Ltmp11, $4  }
0x1f4: {  	[tilespmem:s8+$0xFFFFFC50] =	vst v5;
	v9 =	vadd.f32 v10, v3;
	v5 =	vld [tilespmem:s8+$0x40]  }
0x1f5: {  	[tilespmem:s8+$0xFFFFFC60] =	vst v7;
	v10 =	vadd.f32 v6, v3;
	v6 =	vld [tilespmem:s8+$0x50]  }
0x1f6: {  	[tilespmem:s8+$0xFFFFFC70] =	vst v9;
	v9 =	vadd.f32 v8, v3;
	v7 =	vld [tilespmem:s8+$0x60]  }
0x1f7: {  	s8 =	sadd.s32 $0x800, s8;
	v8 =	vld [tilespmem:s0+$0xFFFFFC00];
	[tilespmem:s0+$0x0] =	vst v10;
	v10 =	vadd.f32 v11, v3  }
0x1f8: {  	[tilespmem:s0+$0x10] =	vst v9;
	v4 =	vadd.f32 v4, v3  }
0x1f9: {  	[tilespmem:s0+$0x20] =	vst v10;
	v5 =	vadd.f32 v5, v3  }
0x1fa: {  	[tilespmem:s0+$0x30] =	vst v4;
	v4 =	vadd.f32 v6, v3  }
0x1fb: {  	[tilespmem:s0+$0x40] =	vst v5;
	v5 =	vadd.f32 v7, v3  }
0x1fc: {  	v3 =	vadd.f32 v8, v3;
	[tilespmem:s0+$0x50] =	vst v4  }
0x1fd: {  	[tilespmem:s0+$0x60] =	vst v5  }
0x1fe: {  	[tilespmem:s0+$0xFFFFFC00] =	vst v3;
	s0 =	simm.s32 $0xB880  }
0x1ff: {  	v4 =	vld [tilespmem:s0+$0x70]  }
0x200: {  	v5 =	vld [tilespmem:s0+$0xFFFFFC10]  }
0x201: {  	v6 =	vld [tilespmem:s0+$0xFFFFFC20]  }
0x202: {  	v3 =	vbroadcast v2, $0x4;
	v7 =	vld [tilespmem:s0+$0xFFFFFC30]  }
0x203: {  	v8 =	vld [tilespmem:s0+$0xFFFFFC40]  }
0x204: {  	v9 =	vld [tilespmem:s0+$0xFFFFFC50];
	v4 =	vadd.f32 v4, v3  }
0x205: {  	v10 =	vld [tilespmem:s0+$0xFFFFFC60];
	v5 =	vadd.f32 v5, v3  }
0x206: {  	v11 =	vld [tilespmem:s0+$0xFFFFFC70];
	v6 =	vadd.f32 v6, v3;
	[tilespmem:s0+$0x70] =	vst v4  }
0x207: {  	[tilespmem:s0+$0xFFFFFC10] =	vst v5;
	v4 =	vadd.f32 v7, v3;
	v7 =	vld [tilespmem:s0+$0x0]  }
0x208: {  	[tilespmem:s0+$0xFFFFFC20] =	vst v6;
	v5 =	vadd.f32 v8, v3;
	v8 =	vld [tilespmem:s0+$0x10]  }
0x209: {  	v12 =	vld [tilespmem:s0+$0x20];
	v6 =	vadd.f32 v9, v3;
	[tilespmem:s0+$0xFFFFFC30] =	vst v4  }
0x20a: {  	v9 =	vadd.f32 v10, v3;
	[tilespmem:s0+$0xFFFFFC40] =	vst v5;
	v4 =	vld [tilespmem:s0+$0x30]  }
0x20b: {  	v10 =	vadd.f32 v11, v3;
	[tilespmem:s0+$0xFFFFFC50] =	vst v6;
	v5 =	vld [tilespmem:s0+$0x40]  }
0x20c: {  	[tilespmem:s0+$0xFFFFFC60] =	vst v9;
	v6 =	vld [tilespmem:s0+$0x50];
	v11 =	vadd.f32 v7, v3  }
0x20d: {  	[tilespmem:s0+$0xFFFFFC70] =	vst v10;
	v7 =	vld [tilespmem:s0+$0x60];
	v9 =	vadd.f32 v8, v3  }
0x20e: {  	s6 =	simm.s32 $0x0;
	s8 =	simm.s32 $0xC080;
	v10 =	vadd.f32 v12, v3;
	v8 =	vld [tilespmem:s0+$0xFFFFFC00];
	[tilespmem:s0+$0x0] =	vst v11  }
.LBB2_27:
0x20f: {  	v11 =	vld [tilespmem:s8+$0x70];
	s6 =	sadd.s32 $0x100, s6;
	[tilespmem:s0+$0x10] =	vst v9;
	v4 =	vadd.f32 v4, v3  }
0x210: {  	v9 =	vld [tilespmem:s8+$0xFFFFFC10];
	p0 =	slt.u32 s6, $0xF00;
	[tilespmem:s0+$0x20] =	vst v10;
	v5 =	vadd.f32 v5, v3  }
0x211: {  	v10 =	vld [tilespmem:s8+$0xFFFFFC20];
	[tilespmem:s0+$0x30] =	vst v4;
	v4 =	vadd.f32 v6, v3  }
0x212: {  	v6 =	vld [tilespmem:s8+$0xFFFFFC30];
	[tilespmem:s0+$0x40] =	vst v5;
	v5 =	vadd.f32 v7, v3  }
0x213: {  	v7 =	vld [tilespmem:s8+$0xFFFFFC40];
	v8 =	vadd.f32 v8, v3;
	[tilespmem:s0+$0x50] =	vst v4  }
0x214: {  	v4 =	vld [tilespmem:s8+$0xFFFFFC50];
	v11 =	vadd.f32 v11, v3;
	[tilespmem:s0+$0x60] =	vst v5  }
0x215: {  	v5 =	vadd.f32 v9, v3;
	v9 =	vld [tilespmem:s8+$0xFFFFFC60];
	[tilespmem:s0+$0xFFFFFC00] =	vst v8;
	s0 =	smov.u32 s8  }
0x216: {  	v8 =	vadd.f32 v10, v3;
	v10 =	vld [tilespmem:s8+$0xFFFFFC70];
	[tilespmem:s8+$0x70] =	vst v11  }
0x217: {  	[tilespmem:s8+$0xFFFFFC10] =	vst v5;
	v5 =	vadd.f32 v6, v3;
	v6 =	vld [tilespmem:s8+$0x0]  }
0x218: {  	[tilespmem:s8+$0xFFFFFC20] =	vst v8;
	v7 =	vadd.f32 v7, v3;
	v8 =	vld [tilespmem:s8+$0x10]  }
0x219: {  	[tilespmem:s8+$0xFFFFFC30] =	vst v5;
	v5 =	vadd.f32 v4, v3;
	v11 =	vld [tilespmem:s8+$0x20]  }
.Ltmp12:
0x21a: {  	[tilespmem:s8+$0xFFFFFC40] =	vst v7;
	v7 =	vadd.f32 v9, v3;
	v4 =	vld [tilespmem:s8+$0x30];
	(pc) =	sbr.rel @p0 .LBB2_27-.Ltmp12, $4  }
0x21b: {  	[tilespmem:s8+$0xFFFFFC50] =	vst v5;
	v9 =	vadd.f32 v10, v3;
	v5 =	vld [tilespmem:s8+$0x40]  }
0x21c: {  	[tilespmem:s8+$0xFFFFFC60] =	vst v7;
	v10 =	vadd.f32 v6, v3;
	v6 =	vld [tilespmem:s8+$0x50]  }
0x21d: {  	[tilespmem:s8+$0xFFFFFC70] =	vst v9;
	v9 =	vadd.f32 v8, v3;
	v7 =	vld [tilespmem:s8+$0x60]  }
0x21e: {  	s8 =	sadd.s32 $0x800, s8;
	v8 =	vld [tilespmem:s0+$0xFFFFFC00];
	[tilespmem:s0+$0x0] =	vst v10;
	v10 =	vadd.f32 v11, v3  }
0x21f: {  	[tilespmem:s0+$0x10] =	vst v9;
	v4 =	vadd.f32 v4, v3  }
0x220: {  	[tilespmem:s0+$0x20] =	vst v10;
	v5 =	vadd.f32 v5, v3  }
0x221: {  	[tilespmem:s0+$0x30] =	vst v4;
	v4 =	vadd.f32 v6, v3  }
0x222: {  	[tilespmem:s0+$0x40] =	vst v5;
	v5 =	vadd.f32 v7, v3  }
0x223: {  	v3 =	vadd.f32 v8, v3;
	[tilespmem:s0+$0x50] =	vst v4  }
0x224: {  	[tilespmem:s0+$0x60] =	vst v5  }
0x225: {  	[tilespmem:s0+$0xFFFFFC00] =	vst v3;
	s0 =	simm.s32 $0xB900  }
0x226: {  	v4 =	vld [tilespmem:s0+$0x70]  }
0x227: {  	v5 =	vld [tilespmem:s0+$0xFFFFFC10]  }
0x228: {  	v6 =	vld [tilespmem:s0+$0xFFFFFC20]  }
0x229: {  	v3 =	vbroadcast v2, $0x5;
	v7 =	vld [tilespmem:s0+$0xFFFFFC30]  }
0x22a: {  	v8 =	vld [tilespmem:s0+$0xFFFFFC40]  }
0x22b: {  	v9 =	vld [tilespmem:s0+$0xFFFFFC50];
	v4 =	vadd.f32 v4, v3  }
0x22c: {  	v10 =	vld [tilespmem:s0+$0xFFFFFC60];
	v5 =	vadd.f32 v5, v3  }
0x22d: {  	v11 =	vld [tilespmem:s0+$0xFFFFFC70];
	v6 =	vadd.f32 v6, v3;
	[tilespmem:s0+$0x70] =	vst v4  }
0x22e: {  	[tilespmem:s0+$0xFFFFFC10] =	vst v5;
	v4 =	vadd.f32 v7, v3;
	v7 =	vld [tilespmem:s0+$0x0]  }
0x22f: {  	[tilespmem:s0+$0xFFFFFC20] =	vst v6;
	v5 =	vadd.f32 v8, v3;
	v8 =	vld [tilespmem:s0+$0x10]  }
0x230: {  	v12 =	vld [tilespmem:s0+$0x20];
	v6 =	vadd.f32 v9, v3;
	[tilespmem:s0+$0xFFFFFC30] =	vst v4  }
0x231: {  	v9 =	vadd.f32 v10, v3;
	[tilespmem:s0+$0xFFFFFC40] =	vst v5;
	v4 =	vld [tilespmem:s0+$0x30]  }
0x232: {  	v10 =	vadd.f32 v11, v3;
	[tilespmem:s0+$0xFFFFFC50] =	vst v6;
	v5 =	vld [tilespmem:s0+$0x40]  }
0x233: {  	[tilespmem:s0+$0xFFFFFC60] =	vst v9;
	v6 =	vld [tilespmem:s0+$0x50];
	v11 =	vadd.f32 v7, v3  }
0x234: {  	[tilespmem:s0+$0xFFFFFC70] =	vst v10;
	v7 =	vld [tilespmem:s0+$0x60];
	v9 =	vadd.f32 v8, v3  }
0x235: {  	s6 =	simm.s32 $0x0;
	s8 =	simm.s32 $0xC100;
	v10 =	vadd.f32 v12, v3;
	v8 =	vld [tilespmem:s0+$0xFFFFFC00];
	[tilespmem:s0+$0x0] =	vst v11  }
.LBB2_29:
0x236: {  	v11 =	vld [tilespmem:s8+$0x70];
	s6 =	sadd.s32 $0x100, s6;
	[tilespmem:s0+$0x10] =	vst v9;
	v4 =	vadd.f32 v4, v3  }
0x237: {  	v9 =	vld [tilespmem:s8+$0xFFFFFC10];
	p0 =	slt.u32 s6, $0xF00;
	[tilespmem:s0+$0x20] =	vst v10;
	v5 =	vadd.f32 v5, v3  }
0x238: {  	v10 =	vld [tilespmem:s8+$0xFFFFFC20];
	[tilespmem:s0+$0x30] =	vst v4;
	v4 =	vadd.f32 v6, v3  }
0x239: {  	v6 =	vld [tilespmem:s8+$0xFFFFFC30];
	[tilespmem:s0+$0x40] =	vst v5;
	v5 =	vadd.f32 v7, v3  }
0x23a: {  	v7 =	vld [tilespmem:s8+$0xFFFFFC40];
	v8 =	vadd.f32 v8, v3;
	[tilespmem:s0+$0x50] =	vst v4  }
0x23b: {  	v4 =	vld [tilespmem:s8+$0xFFFFFC50];
	v11 =	vadd.f32 v11, v3;
	[tilespmem:s0+$0x60] =	vst v5  }
0x23c: {  	v5 =	vadd.f32 v9, v3;
	v9 =	vld [tilespmem:s8+$0xFFFFFC60];
	[tilespmem:s0+$0xFFFFFC00] =	vst v8;
	s0 =	smov.u32 s8  }
0x23d: {  	v8 =	vadd.f32 v10, v3;
	v10 =	vld [tilespmem:s8+$0xFFFFFC70];
	[tilespmem:s8+$0x70] =	vst v11  }
0x23e: {  	[tilespmem:s8+$0xFFFFFC10] =	vst v5;
	v5 =	vadd.f32 v6, v3;
	v6 =	vld [tilespmem:s8+$0x0]  }
0x23f: {  	[tilespmem:s8+$0xFFFFFC20] =	vst v8;
	v7 =	vadd.f32 v7, v3;
	v8 =	vld [tilespmem:s8+$0x10]  }
0x240: {  	[tilespmem:s8+$0xFFFFFC30] =	vst v5;
	v5 =	vadd.f32 v4, v3;
	v11 =	vld [tilespmem:s8+$0x20]  }
.Ltmp13:
0x241: {  	[tilespmem:s8+$0xFFFFFC40] =	vst v7;
	v7 =	vadd.f32 v9, v3;
	v4 =	vld [tilespmem:s8+$0x30];
	(pc) =	sbr.rel @p0 .LBB2_29-.Ltmp13, $4  }
0x242: {  	[tilespmem:s8+$0xFFFFFC50] =	vst v5;
	v9 =	vadd.f32 v10, v3;
	v5 =	vld [tilespmem:s8+$0x40]  }
0x243: {  	[tilespmem:s8+$0xFFFFFC60] =	vst v7;
	v10 =	vadd.f32 v6, v3;
	v6 =	vld [tilespmem:s8+$0x50]  }
0x244: {  	[tilespmem:s8+$0xFFFFFC70] =	vst v9;
	v9 =	vadd.f32 v8, v3;
	v7 =	vld [tilespmem:s8+$0x60]  }
0x245: {  	s8 =	sadd.s32 $0x800, s8;
	v8 =	vld [tilespmem:s0+$0xFFFFFC00];
	[tilespmem:s0+$0x0] =	vst v10;
	v10 =	vadd.f32 v11, v3  }
0x246: {  	[tilespmem:s0+$0x10] =	vst v9;
	v4 =	vadd.f32 v4, v3  }
0x247: {  	[tilespmem:s0+$0x20] =	vst v10;
	v5 =	vadd.f32 v5, v3  }
0x248: {  	[tilespmem:s0+$0x30] =	vst v4;
	v4 =	vadd.f32 v6, v3  }
0x249: {  	[tilespmem:s0+$0x40] =	vst v5;
	v5 =	vadd.f32 v7, v3  }
0x24a: {  	v3 =	vadd.f32 v8, v3;
	[tilespmem:s0+$0x50] =	vst v4  }
0x24b: {  	[tilespmem:s0+$0x60] =	vst v5  }
0x24c: {  	[tilespmem:s0+$0xFFFFFC00] =	vst v3;
	s0 =	simm.s32 $0xB980  }
0x24d: {  	v4 =	vld [tilespmem:s0+$0x70]  }
0x24e: {  	v5 =	vld [tilespmem:s0+$0xFFFFFC10]  }
0x24f: {  	v6 =	vld [tilespmem:s0+$0xFFFFFC20]  }
0x250: {  	v3 =	vbroadcast v2, $0x6;
	v7 =	vld [tilespmem:s0+$0xFFFFFC30]  }
0x251: {  	v8 =	vld [tilespmem:s0+$0xFFFFFC40]  }
0x252: {  	v9 =	vld [tilespmem:s0+$0xFFFFFC50];
	v4 =	vadd.f32 v4, v3  }
0x253: {  	v10 =	vld [tilespmem:s0+$0xFFFFFC60];
	v5 =	vadd.f32 v5, v3  }
0x254: {  	v11 =	vld [tilespmem:s0+$0xFFFFFC70];
	v6 =	vadd.f32 v6, v3;
	[tilespmem:s0+$0x70] =	vst v4  }
0x255: {  	[tilespmem:s0+$0xFFFFFC10] =	vst v5;
	v4 =	vadd.f32 v7, v3;
	v7 =	vld [tilespmem:s0+$0x0]  }
0x256: {  	[tilespmem:s0+$0xFFFFFC20] =	vst v6;
	v5 =	vadd.f32 v8, v3;
	v8 =	vld [tilespmem:s0+$0x10]  }
0x257: {  	v12 =	vld [tilespmem:s0+$0x20];
	v6 =	vadd.f32 v9, v3;
	[tilespmem:s0+$0xFFFFFC30] =	vst v4  }
0x258: {  	v9 =	vadd.f32 v10, v3;
	[tilespmem:s0+$0xFFFFFC40] =	vst v5;
	v4 =	vld [tilespmem:s0+$0x30]  }
0x259: {  	v10 =	vadd.f32 v11, v3;
	[tilespmem:s0+$0xFFFFFC50] =	vst v6;
	v5 =	vld [tilespmem:s0+$0x40]  }
0x25a: {  	[tilespmem:s0+$0xFFFFFC60] =	vst v9;
	v6 =	vld [tilespmem:s0+$0x50];
	v11 =	vadd.f32 v7, v3  }
0x25b: {  	[tilespmem:s0+$0xFFFFFC70] =	vst v10;
	v7 =	vld [tilespmem:s0+$0x60];
	v9 =	vadd.f32 v8, v3  }
0x25c: {  	s6 =	simm.s32 $0x0;
	s8 =	simm.s32 $0xC180;
	v10 =	vadd.f32 v12, v3;
	v8 =	vld [tilespmem:s0+$0xFFFFFC00];
	[tilespmem:s0+$0x0] =	vst v11  }
.LBB2_31:
0x25d: {  	v11 =	vld [tilespmem:s8+$0x70];
	s6 =	sadd.s32 $0x100, s6;
	[tilespmem:s0+$0x10] =	vst v9;
	v4 =	vadd.f32 v4, v3  }
0x25e: {  	v9 =	vld [tilespmem:s8+$0xFFFFFC10];
	p0 =	slt.u32 s6, $0xF00;
	[tilespmem:s0+$0x20] =	vst v10;
	v5 =	vadd.f32 v5, v3  }
0x25f: {  	v10 =	vld [tilespmem:s8+$0xFFFFFC20];
	[tilespmem:s0+$0x30] =	vst v4;
	v4 =	vadd.f32 v6, v3  }
0x260: {  	v6 =	vld [tilespmem:s8+$0xFFFFFC30];
	[tilespmem:s0+$0x40] =	vst v5;
	v5 =	vadd.f32 v7, v3  }
0x261: {  	v7 =	vld [tilespmem:s8+$0xFFFFFC40];
	v8 =	vadd.f32 v8, v3;
	[tilespmem:s0+$0x50] =	vst v4  }
0x262: {  	v4 =	vld [tilespmem:s8+$0xFFFFFC50];
	v11 =	vadd.f32 v11, v3;
	[tilespmem:s0+$0x60] =	vst v5  }
0x263: {  	v5 =	vadd.f32 v9, v3;
	v9 =	vld [tilespmem:s8+$0xFFFFFC60];
	[tilespmem:s0+$0xFFFFFC00] =	vst v8;
	s0 =	smov.u32 s8  }
0x264: {  	v8 =	vadd.f32 v10, v3;
	v10 =	vld [tilespmem:s8+$0xFFFFFC70];
	[tilespmem:s8+$0x70] =	vst v11  }
0x265: {  	[tilespmem:s8+$0xFFFFFC10] =	vst v5;
	v5 =	vadd.f32 v6, v3;
	v6 =	vld [tilespmem:s8+$0x0]  }
0x266: {  	[tilespmem:s8+$0xFFFFFC20] =	vst v8;
	v7 =	vadd.f32 v7, v3;
	v8 =	vld [tilespmem:s8+$0x10]  }
0x267: {  	[tilespmem:s8+$0xFFFFFC30] =	vst v5;
	v5 =	vadd.f32 v4, v3;
	v11 =	vld [tilespmem:s8+$0x20]  }
.Ltmp14:
0x268: {  	[tilespmem:s8+$0xFFFFFC40] =	vst v7;
	v7 =	vadd.f32 v9, v3;
	v4 =	vld [tilespmem:s8+$0x30];
	(pc) =	sbr.rel @p0 .LBB2_31-.Ltmp14, $4  }
0x269: {  	[tilespmem:s8+$0xFFFFFC50] =	vst v5;
	v9 =	vadd.f32 v10, v3;
	v5 =	vld [tilespmem:s8+$0x40]  }
0x26a: {  	[tilespmem:s8+$0xFFFFFC60] =	vst v7;
	v10 =	vadd.f32 v6, v3;
	v6 =	vld [tilespmem:s8+$0x50]  }
0x26b: {  	[tilespmem:s8+$0xFFFFFC70] =	vst v9;
	v9 =	vadd.f32 v8, v3;
	v7 =	vld [tilespmem:s8+$0x60]  }
0x26c: {  	s8 =	sadd.s32 $0x800, s8;
	v8 =	vld [tilespmem:s0+$0xFFFFFC00];
	[tilespmem:s0+$0x0] =	vst v10;
	v10 =	vadd.f32 v11, v3  }
0x26d: {  	[tilespmem:s0+$0x10] =	vst v9;
	v4 =	vadd.f32 v4, v3  }
0x26e: {  	[tilespmem:s0+$0x20] =	vst v10;
	v5 =	vadd.f32 v5, v3  }
0x26f: {  	[tilespmem:s0+$0x30] =	vst v4;
	v4 =	vadd.f32 v6, v3  }
0x270: {  	[tilespmem:s0+$0x40] =	vst v5;
	v5 =	vadd.f32 v7, v3  }
0x271: {  	v3 =	vadd.f32 v8, v3;
	[tilespmem:s0+$0x50] =	vst v4  }
0x272: {  	[tilespmem:s0+$0x60] =	vst v5  }
0x273: {  	[tilespmem:s0+$0xFFFFFC00] =	vst v3;
	s0 =	simm.s32 $0xBA00  }
0x274: {  	v3 =	vld [tilespmem:s0+$0x70]  }
0x275: {  	v4 =	vld [tilespmem:s0+$0xFFFFFC10]  }
0x276: {  	v5 =	vld [tilespmem:s0+$0xFFFFFC20]  }
0x277: {  	v2 =	vbroadcast v2, $0x7;
	v6 =	vld [tilespmem:s0+$0xFFFFFC30]  }
0x278: {  	v7 =	vld [tilespmem:s0+$0xFFFFFC40]  }
0x279: {  	v8 =	vld [tilespmem:s0+$0xFFFFFC50];
	v3 =	vadd.f32 v3, v2  }
0x27a: {  	v9 =	vld [tilespmem:s0+$0xFFFFFC60];
	v4 =	vadd.f32 v4, v2  }
0x27b: {  	v10 =	vld [tilespmem:s0+$0xFFFFFC70];
	v5 =	vadd.f32 v5, v2;
	[tilespmem:s0+$0x70] =	vst v3  }
0x27c: {  	[tilespmem:s0+$0xFFFFFC10] =	vst v4;
	v3 =	vadd.f32 v6, v2;
	v6 =	vld [tilespmem:s0+$0x0]  }
0x27d: {  	[tilespmem:s0+$0xFFFFFC20] =	vst v5;
	v4 =	vadd.f32 v7, v2;
	v7 =	vld [tilespmem:s0+$0x10]  }
0x27e: {  	v11 =	vld [tilespmem:s0+$0x20];
	v5 =	vadd.f32 v8, v2;
	[tilespmem:s0+$0xFFFFFC30] =	vst v3  }
0x27f: {  	v8 =	vadd.f32 v9, v2;
	[tilespmem:s0+$0xFFFFFC40] =	vst v4;
	v3 =	vld [tilespmem:s0+$0x30]  }
0x280: {  	v9 =	vadd.f32 v10, v2;
	[tilespmem:s0+$0xFFFFFC50] =	vst v5;
	v4 =	vld [tilespmem:s0+$0x40]  }
0x281: {  	[tilespmem:s0+$0xFFFFFC60] =	vst v8;
	v5 =	vld [tilespmem:s0+$0x50];
	v10 =	vadd.f32 v6, v2  }
0x282: {  	[tilespmem:s0+$0xFFFFFC70] =	vst v9;
	v6 =	vld [tilespmem:s0+$0x60];
	v8 =	vadd.f32 v7, v2  }
0x283: {  	s6 =	simm.s32 $0x0;
	s8 =	simm.s32 $0xC200;
	v9 =	vadd.f32 v11, v2;
	v7 =	vld [tilespmem:s0+$0xFFFFFC00];
	[tilespmem:s0+$0x0] =	vst v10  }
.LBB2_33:
0x284: {  	v10 =	vld [tilespmem:s8+$0x70];
	s6 =	sadd.s32 $0x100, s6;
	[tilespmem:s0+$0x10] =	vst v8;
	v3 =	vadd.f32 v3, v2  }
0x285: {  	v8 =	vld [tilespmem:s8+$0xFFFFFC10];
	p0 =	slt.u32 s6, $0xF00;
	[tilespmem:s0+$0x20] =	vst v9;
	v4 =	vadd.f32 v4, v2  }
0x286: {  	v9 =	vld [tilespmem:s8+$0xFFFFFC20];
	[tilespmem:s0+$0x30] =	vst v3;
	v3 =	vadd.f32 v5, v2  }
0x287: {  	v5 =	vld [tilespmem:s8+$0xFFFFFC30];
	[tilespmem:s0+$0x40] =	vst v4;
	v4 =	vadd.f32 v6, v2  }
0x288: {  	v6 =	vld [tilespmem:s8+$0xFFFFFC40];
	v7 =	vadd.f32 v7, v2;
	[tilespmem:s0+$0x50] =	vst v3  }
0x289: {  	v3 =	vld [tilespmem:s8+$0xFFFFFC50];
	v10 =	vadd.f32 v10, v2;
	[tilespmem:s0+$0x60] =	vst v4  }
0x28a: {  	v4 =	vadd.f32 v8, v2;
	v8 =	vld [tilespmem:s8+$0xFFFFFC60];
	[tilespmem:s0+$0xFFFFFC00] =	vst v7;
	s0 =	smov.u32 s8  }
0x28b: {  	v7 =	vadd.f32 v9, v2;
	v9 =	vld [tilespmem:s8+$0xFFFFFC70];
	[tilespmem:s8+$0x70] =	vst v10  }
0x28c: {  	[tilespmem:s8+$0xFFFFFC10] =	vst v4;
	v4 =	vadd.f32 v5, v2;
	v5 =	vld [tilespmem:s8+$0x0]  }
0x28d: {  	[tilespmem:s8+$0xFFFFFC20] =	vst v7;
	v6 =	vadd.f32 v6, v2;
	v7 =	vld [tilespmem:s8+$0x10]  }
0x28e: {  	[tilespmem:s8+$0xFFFFFC30] =	vst v4;
	v4 =	vadd.f32 v3, v2;
	v10 =	vld [tilespmem:s8+$0x20]  }
.Ltmp15:
0x28f: {  	[tilespmem:s8+$0xFFFFFC40] =	vst v6;
	v6 =	vadd.f32 v8, v2;
	v3 =	vld [tilespmem:s8+$0x30];
	(pc) =	sbr.rel @p0 .LBB2_33-.Ltmp15, $4  }
0x290: {  	[tilespmem:s8+$0xFFFFFC50] =	vst v4;
	v8 =	vadd.f32 v9, v2;
	v4 =	vld [tilespmem:s8+$0x40]  }
0x291: {  	[tilespmem:s8+$0xFFFFFC60] =	vst v6;
	v9 =	vadd.f32 v5, v2;
	v5 =	vld [tilespmem:s8+$0x50]  }
0x292: {  	[tilespmem:s8+$0xFFFFFC70] =	vst v8;
	v8 =	vadd.f32 v7, v2;
	v6 =	vld [tilespmem:s8+$0x60]  }
0x293: {  	s8 =	sadd.s32 $0x800, s8;
	v7 =	vld [tilespmem:s0+$0xFFFFFC00];
	[tilespmem:s0+$0x0] =	vst v9;
	v9 =	vadd.f32 v10, v2  }
0x294: {  	[tilespmem:s0+$0x10] =	vst v8;
	v3 =	vadd.f32 v3, v2  }
0x295: {  	[tilespmem:s0+$0x20] =	vst v9;
	v4 =	vadd.f32 v4, v2  }
0x296: {  	[tilespmem:s0+$0x30] =	vst v3;
	v3 =	vadd.f32 v5, v2  }
0x297: {  	[tilespmem:s0+$0x40] =	vst v4;
	v4 =	vadd.f32 v6, v2  }
0x298: {  	v2 =	vadd.f32 v7, v2;
	[tilespmem:s0+$0x50] =	vst v3  }
0x299: {  	s6 =	sshll.u32 s31, $0x9;
	[tilespmem:s0+$0x60] =	vst v4  }
0x29a: {  	s8 =	sadd.s32 s3, s6;
	[tilespmem:s0+$0xFFFFFC00] =	vst v2  }
0x29b: {  	[hbm4b:s8+s4] =	stream.linear.scatter [tilespmem:s19], [sflag:$0x5], $0x8000, $0x38;
	[tilespmem:$0x1B280] =	vst v63  }
0x29c: {  	s31 =	sadd.s32 s30, s11;
	_ =	swait.ge [sflag:s23], $0x8000  }
0x29d: {  	s0 =	sshll.u32 s31, $0xC;
	[sflag:s23] =	ssyncset.done $0x0  }
0x29e: {  	s0 =	sadd.s32 s1, s0;
	[sflag:s23] =	ssyncadd.s32 $0xFFFF8000  }
0x29f: {  	[tilespmem:s18], [sflag:$0x1] =	stream.linear.gather [hbm4b:s0+s4], $0x8000, $0x38;
	[tilespmem:$0x1B280] =	vst v63  }
0x2a0: {  	_ =	swait.ge [sflag:s24], $0x8000  }
0x2a1: {  	[sflag:s24] =	ssyncset.done $0x0  }
0x2a2: {  	s2 =	sshll.u32 s2, $0x3;
	[sflag:s24] =	ssyncadd.s32 $0xFFFF8000  }
0x2a3: {  	v2 =	vld.idx.msk [tilespmem:v0+s2+$0x0 ss:$0x1], $0xffff  }
0x2a4: {  	s0 =	simm.s32 $0x13680  }
0x2a5: {  	v4 =	vld [tilespmem:s0+$0x70]  }
0x2a6: {  	v5 =	vld [tilespmem:s0+$0xFFFFFC10]  }
0x2a7: {  	v6 =	vld [tilespmem:s0+$0xFFFFFC20]  }
0x2a8: {  	v7 =	vld [tilespmem:s0+$0xFFFFFC30];
	v3 =	vbroadcast v2, $0x0  }
0x2a9: {  	v8 =	vld [tilespmem:s0+$0xFFFFFC40]  }
0x2aa: {  	v9 =	vld [tilespmem:s0+$0xFFFFFC50];
	v4 =	vadd.f32 v4, v3  }
0x2ab: {  	v10 =	vld [tilespmem:s0+$0xFFFFFC60];
	v5 =	vadd.f32 v5, v3  }
0x2ac: {  	v11 =	vld [tilespmem:s0+$0xFFFFFC70];
	v6 =	vadd.f32 v6, v3;
	[tilespmem:s0+$0x70] =	vst v4  }
0x2ad: {  	[tilespmem:s0+$0xFFFFFC10] =	vst v5;
	v4 =	vadd.f32 v7, v3;
	v7 =	vld [tilespmem:s0+$0x0]  }
0x2ae: {  	[tilespmem:s0+$0xFFFFFC20] =	vst v6;
	v5 =	vadd.f32 v8, v3;
	v8 =	vld [tilespmem:s0+$0x10]  }
0x2af: {  	v12 =	vld [tilespmem:s0+$0x20];
	v6 =	vadd.f32 v9, v3;
	[tilespmem:s0+$0xFFFFFC30] =	vst v4  }
0x2b0: {  	v9 =	vadd.f32 v10, v3;
	[tilespmem:s0+$0xFFFFFC40] =	vst v5;
	v4 =	vld [tilespmem:s0+$0x30]  }
0x2b1: {  	v10 =	vadd.f32 v11, v3;
	[tilespmem:s0+$0xFFFFFC50] =	vst v6;
	v5 =	vld [tilespmem:s0+$0x40]  }
0x2b2: {  	[tilespmem:s0+$0xFFFFFC60] =	vst v9;
	v6 =	vld [tilespmem:s0+$0x50];
	v11 =	vadd.f32 v7, v3  }
0x2b3: {  	[tilespmem:s0+$0xFFFFFC70] =	vst v10;
	v7 =	vld [tilespmem:s0+$0x60];
	v9 =	vadd.f32 v8, v3  }
0x2b4: {  	s6 =	simm.s32 $0x0;
	s8 =	simm.s32 $0x13E80;
	s2 =	sadd.s32 s5, s2;
	v10 =	vadd.f32 v12, v3;
	v8 =	vld [tilespmem:s0+$0xFFFFFC00];
	[tilespmem:s0+$0x0] =	vst v11  }
.LBB2_35:
0x2b5: {  	v11 =	vld [tilespmem:s8+$0x70];
	s6 =	sadd.s32 $0x100, s6;
	[tilespmem:s0+$0x10] =	vst v9;
	v4 =	vadd.f32 v4, v3  }
0x2b6: {  	v9 =	vld [tilespmem:s8+$0xFFFFFC10];
	p0 =	slt.u32 s6, $0xF00;
	[tilespmem:s0+$0x20] =	vst v10;
	v5 =	vadd.f32 v5, v3  }
0x2b7: {  	v10 =	vld [tilespmem:s8+$0xFFFFFC20];
	[tilespmem:s0+$0x30] =	vst v4;
	v4 =	vadd.f32 v6, v3  }
0x2b8: {  	v6 =	vld [tilespmem:s8+$0xFFFFFC30];
	[tilespmem:s0+$0x40] =	vst v5;
	v5 =	vadd.f32 v7, v3  }
0x2b9: {  	v7 =	vld [tilespmem:s8+$0xFFFFFC40];
	v8 =	vadd.f32 v8, v3;
	[tilespmem:s0+$0x50] =	vst v4  }
0x2ba: {  	v4 =	vld [tilespmem:s8+$0xFFFFFC50];
	v11 =	vadd.f32 v11, v3;
	[tilespmem:s0+$0x60] =	vst v5  }
0x2bb: {  	v5 =	vadd.f32 v9, v3;
	v9 =	vld [tilespmem:s8+$0xFFFFFC60];
	[tilespmem:s0+$0xFFFFFC00] =	vst v8;
	s0 =	smov.u32 s8  }
0x2bc: {  	v8 =	vadd.f32 v10, v3;
	v10 =	vld [tilespmem:s8+$0xFFFFFC70];
	[tilespmem:s8+$0x70] =	vst v11  }
0x2bd: {  	[tilespmem:s8+$0xFFFFFC10] =	vst v5;
	v5 =	vadd.f32 v6, v3;
	v6 =	vld [tilespmem:s8+$0x0]  }
0x2be: {  	[tilespmem:s8+$0xFFFFFC20] =	vst v8;
	v7 =	vadd.f32 v7, v3;
	v8 =	vld [tilespmem:s8+$0x10]  }
0x2bf: {  	[tilespmem:s8+$0xFFFFFC30] =	vst v5;
	v5 =	vadd.f32 v4, v3;
	v11 =	vld [tilespmem:s8+$0x20]  }
.Ltmp16:
0x2c0: {  	[tilespmem:s8+$0xFFFFFC40] =	vst v7;
	v7 =	vadd.f32 v9, v3;
	v4 =	vld [tilespmem:s8+$0x30];
	(pc) =	sbr.rel @p0 .LBB2_35-.Ltmp16, $4  }
0x2c1: {  	[tilespmem:s8+$0xFFFFFC50] =	vst v5;
	v9 =	vadd.f32 v10, v3;
	v5 =	vld [tilespmem:s8+$0x40]  }
0x2c2: {  	[tilespmem:s8+$0xFFFFFC60] =	vst v7;
	v10 =	vadd.f32 v6, v3;
	v6 =	vld [tilespmem:s8+$0x50]  }
0x2c3: {  	[tilespmem:s8+$0xFFFFFC70] =	vst v9;
	v9 =	vadd.f32 v8, v3;
	v7 =	vld [tilespmem:s8+$0x60]  }
0x2c4: {  	s8 =	sadd.s32 $0x800, s8;
	v8 =	vld [tilespmem:s0+$0xFFFFFC00];
	[tilespmem:s0+$0x0] =	vst v10;
	v10 =	vadd.f32 v11, v3  }
0x2c5: {  	[tilespmem:s0+$0x10] =	vst v9;
	v4 =	vadd.f32 v4, v3  }
0x2c6: {  	[tilespmem:s0+$0x20] =	vst v10;
	v5 =	vadd.f32 v5, v3  }
0x2c7: {  	[tilespmem:s0+$0x30] =	vst v4;
	v4 =	vadd.f32 v6, v3  }
0x2c8: {  	[tilespmem:s0+$0x40] =	vst v5;
	v5 =	vadd.f32 v7, v3  }
0x2c9: {  	v3 =	vadd.f32 v8, v3;
	[tilespmem:s0+$0x50] =	vst v4  }
0x2ca: {  	[tilespmem:s0+$0x60] =	vst v5  }
0x2cb: {  	[tilespmem:s0+$0xFFFFFC00] =	vst v3;
	s0 =	simm.s32 $0x13700  }
0x2cc: {  	v4 =	vld [tilespmem:s0+$0x70]  }
0x2cd: {  	v5 =	vld [tilespmem:s0+$0xFFFFFC10]  }
0x2ce: {  	v6 =	vld [tilespmem:s0+$0xFFFFFC20]  }
0x2cf: {  	v3 =	vbroadcast v2, $0x1;
	v7 =	vld [tilespmem:s0+$0xFFFFFC30]  }
0x2d0: {  	v8 =	vld [tilespmem:s0+$0xFFFFFC40]  }
0x2d1: {  	v9 =	vld [tilespmem:s0+$0xFFFFFC50];
	v4 =	vadd.f32 v4, v3  }
0x2d2: {  	v10 =	vld [tilespmem:s0+$0xFFFFFC60];
	v5 =	vadd.f32 v5, v3  }
0x2d3: {  	v11 =	vld [tilespmem:s0+$0xFFFFFC70];
	v6 =	vadd.f32 v6, v3;
	[tilespmem:s0+$0x70] =	vst v4  }
0x2d4: {  	[tilespmem:s0+$0xFFFFFC10] =	vst v5;
	v4 =	vadd.f32 v7, v3;
	v7 =	vld [tilespmem:s0+$0x0]  }
0x2d5: {  	[tilespmem:s0+$0xFFFFFC20] =	vst v6;
	v5 =	vadd.f32 v8, v3;
	v8 =	vld [tilespmem:s0+$0x10]  }
0x2d6: {  	v12 =	vld [tilespmem:s0+$0x20];
	v6 =	vadd.f32 v9, v3;
	[tilespmem:s0+$0xFFFFFC30] =	vst v4  }
0x2d7: {  	v9 =	vadd.f32 v10, v3;
	[tilespmem:s0+$0xFFFFFC40] =	vst v5;
	v4 =	vld [tilespmem:s0+$0x30]  }
0x2d8: {  	v10 =	vadd.f32 v11, v3;
	[tilespmem:s0+$0xFFFFFC50] =	vst v6;
	v5 =	vld [tilespmem:s0+$0x40]  }
0x2d9: {  	[tilespmem:s0+$0xFFFFFC60] =	vst v9;
	v6 =	vld [tilespmem:s0+$0x50];
	v11 =	vadd.f32 v7, v3  }
0x2da: {  	[tilespmem:s0+$0xFFFFFC70] =	vst v10;
	v7 =	vld [tilespmem:s0+$0x60];
	v9 =	vadd.f32 v8, v3  }
0x2db: {  	s6 =	simm.s32 $0x0;
	s8 =	simm.s32 $0x13F00;
	v10 =	vadd.f32 v12, v3;
	v8 =	vld [tilespmem:s0+$0xFFFFFC00];
	[tilespmem:s0+$0x0] =	vst v11  }
.LBB2_37:
0x2dc: {  	v11 =	vld [tilespmem:s8+$0x70];
	s6 =	sadd.s32 $0x100, s6;
	[tilespmem:s0+$0x10] =	vst v9;
	v4 =	vadd.f32 v4, v3  }
0x2dd: {  	v9 =	vld [tilespmem:s8+$0xFFFFFC10];
	p0 =	slt.u32 s6, $0xF00;
	[tilespmem:s0+$0x20] =	vst v10;
	v5 =	vadd.f32 v5, v3  }
0x2de: {  	v10 =	vld [tilespmem:s8+$0xFFFFFC20];
	[tilespmem:s0+$0x30] =	vst v4;
	v4 =	vadd.f32 v6, v3  }
0x2df: {  	v6 =	vld [tilespmem:s8+$0xFFFFFC30];
	[tilespmem:s0+$0x40] =	vst v5;
	v5 =	vadd.f32 v7, v3  }
0x2e0: {  	v7 =	vld [tilespmem:s8+$0xFFFFFC40];
	v8 =	vadd.f32 v8, v3;
	[tilespmem:s0+$0x50] =	vst v4  }
0x2e1: {  	v4 =	vld [tilespmem:s8+$0xFFFFFC50];
	v11 =	vadd.f32 v11, v3;
	[tilespmem:s0+$0x60] =	vst v5  }
0x2e2: {  	v5 =	vadd.f32 v9, v3;
	v9 =	vld [tilespmem:s8+$0xFFFFFC60];
	[tilespmem:s0+$0xFFFFFC00] =	vst v8;
	s0 =	smov.u32 s8  }
0x2e3: {  	v8 =	vadd.f32 v10, v3;
	v10 =	vld [tilespmem:s8+$0xFFFFFC70];
	[tilespmem:s8+$0x70] =	vst v11  }
0x2e4: {  	[tilespmem:s8+$0xFFFFFC10] =	vst v5;
	v5 =	vadd.f32 v6, v3;
	v6 =	vld [tilespmem:s8+$0x0]  }
0x2e5: {  	[tilespmem:s8+$0xFFFFFC20] =	vst v8;
	v7 =	vadd.f32 v7, v3;
	v8 =	vld [tilespmem:s8+$0x10]  }
0x2e6: {  	[tilespmem:s8+$0xFFFFFC30] =	vst v5;
	v5 =	vadd.f32 v4, v3;
	v11 =	vld [tilespmem:s8+$0x20]  }
.Ltmp17:
0x2e7: {  	[tilespmem:s8+$0xFFFFFC40] =	vst v7;
	v7 =	vadd.f32 v9, v3;
	v4 =	vld [tilespmem:s8+$0x30];
	(pc) =	sbr.rel @p0 .LBB2_37-.Ltmp17, $4  }
0x2e8: {  	[tilespmem:s8+$0xFFFFFC50] =	vst v5;
	v9 =	vadd.f32 v10, v3;
	v5 =	vld [tilespmem:s8+$0x40]  }
0x2e9: {  	[tilespmem:s8+$0xFFFFFC60] =	vst v7;
	v10 =	vadd.f32 v6, v3;
	v6 =	vld [tilespmem:s8+$0x50]  }
0x2ea: {  	[tilespmem:s8+$0xFFFFFC70] =	vst v9;
	v9 =	vadd.f32 v8, v3;
	v7 =	vld [tilespmem:s8+$0x60]  }
0x2eb: {  	s8 =	sadd.s32 $0x800, s8;
	v8 =	vld [tilespmem:s0+$0xFFFFFC00];
	[tilespmem:s0+$0x0] =	vst v10;
	v10 =	vadd.f32 v11, v3  }
0x2ec: {  	[tilespmem:s0+$0x10] =	vst v9;
	v4 =	vadd.f32 v4, v3  }
0x2ed: {  	[tilespmem:s0+$0x20] =	vst v10;
	v5 =	vadd.f32 v5, v3  }
0x2ee: {  	[tilespmem:s0+$0x30] =	vst v4;
	v4 =	vadd.f32 v6, v3  }
0x2ef: {  	[tilespmem:s0+$0x40] =	vst v5;
	v5 =	vadd.f32 v7, v3  }
0x2f0: {  	v3 =	vadd.f32 v8, v3;
	[tilespmem:s0+$0x50] =	vst v4  }
0x2f1: {  	[tilespmem:s0+$0x60] =	vst v5  }
0x2f2: {  	[tilespmem:s0+$0xFFFFFC00] =	vst v3;
	s0 =	simm.s32 $0x13780  }
0x2f3: {  	v4 =	vld [tilespmem:s0+$0x70]  }
0x2f4: {  	v5 =	vld [tilespmem:s0+$0xFFFFFC10]  }
0x2f5: {  	v6 =	vld [tilespmem:s0+$0xFFFFFC20]  }
0x2f6: {  	v3 =	vbroadcast v2, $0x2;
	v7 =	vld [tilespmem:s0+$0xFFFFFC30]  }
0x2f7: {  	v8 =	vld [tilespmem:s0+$0xFFFFFC40]  }
0x2f8: {  	v9 =	vld [tilespmem:s0+$0xFFFFFC50];
	v4 =	vadd.f32 v4, v3  }
0x2f9: {  	v10 =	vld [tilespmem:s0+$0xFFFFFC60];
	v5 =	vadd.f32 v5, v3  }
0x2fa: {  	v11 =	vld [tilespmem:s0+$0xFFFFFC70];
	v6 =	vadd.f32 v6, v3;
	[tilespmem:s0+$0x70] =	vst v4  }
0x2fb: {  	[tilespmem:s0+$0xFFFFFC10] =	vst v5;
	v4 =	vadd.f32 v7, v3;
	v7 =	vld [tilespmem:s0+$0x0]  }
0x2fc: {  	[tilespmem:s0+$0xFFFFFC20] =	vst v6;
	v5 =	vadd.f32 v8, v3;
	v8 =	vld [tilespmem:s0+$0x10]  }
0x2fd: {  	v12 =	vld [tilespmem:s0+$0x20];
	v6 =	vadd.f32 v9, v3;
	[tilespmem:s0+$0xFFFFFC30] =	vst v4  }
0x2fe: {  	v9 =	vadd.f32 v10, v3;
	[tilespmem:s0+$0xFFFFFC40] =	vst v5;
	v4 =	vld [tilespmem:s0+$0x30]  }
0x2ff: {  	v10 =	vadd.f32 v11, v3;
	[tilespmem:s0+$0xFFFFFC50] =	vst v6;
	v5 =	vld [tilespmem:s0+$0x40]  }
0x300: {  	[tilespmem:s0+$0xFFFFFC60] =	vst v9;
	v6 =	vld [tilespmem:s0+$0x50];
	v11 =	vadd.f32 v7, v3  }
0x301: {  	[tilespmem:s0+$0xFFFFFC70] =	vst v10;
	v7 =	vld [tilespmem:s0+$0x60];
	v9 =	vadd.f32 v8, v3  }
0x302: {  	s6 =	simm.s32 $0x0;
	s8 =	simm.s32 $0x13F80;
	v10 =	vadd.f32 v12, v3;
	v8 =	vld [tilespmem:s0+$0xFFFFFC00];
	[tilespmem:s0+$0x0] =	vst v11  }
.LBB2_39:
0x303: {  	v11 =	vld [tilespmem:s8+$0x70];
	s6 =	sadd.s32 $0x100, s6;
	[tilespmem:s0+$0x10] =	vst v9;
	v4 =	vadd.f32 v4, v3  }
0x304: {  	v9 =	vld [tilespmem:s8+$0xFFFFFC10];
	p0 =	slt.u32 s6, $0xF00;
	[tilespmem:s0+$0x20] =	vst v10;
	v5 =	vadd.f32 v5, v3  }
0x305: {  	v10 =	vld [tilespmem:s8+$0xFFFFFC20];
	[tilespmem:s0+$0x30] =	vst v4;
	v4 =	vadd.f32 v6, v3  }
0x306: {  	v6 =	vld [tilespmem:s8+$0xFFFFFC30];
	[tilespmem:s0+$0x40] =	vst v5;
	v5 =	vadd.f32 v7, v3  }
0x307: {  	v7 =	vld [tilespmem:s8+$0xFFFFFC40];
	v8 =	vadd.f32 v8, v3;
	[tilespmem:s0+$0x50] =	vst v4  }
0x308: {  	v4 =	vld [tilespmem:s8+$0xFFFFFC50];
	v11 =	vadd.f32 v11, v3;
	[tilespmem:s0+$0x60] =	vst v5  }
0x309: {  	v5 =	vadd.f32 v9, v3;
	v9 =	vld [tilespmem:s8+$0xFFFFFC60];
	[tilespmem:s0+$0xFFFFFC00] =	vst v8;
	s0 =	smov.u32 s8  }
0x30a: {  	v8 =	vadd.f32 v10, v3;
	v10 =	vld [tilespmem:s8+$0xFFFFFC70];
	[tilespmem:s8+$0x70] =	vst v11  }
0x30b: {  	[tilespmem:s8+$0xFFFFFC10] =	vst v5;
	v5 =	vadd.f32 v6, v3;
	v6 =	vld [tilespmem:s8+$0x0]  }
0x30c: {  	[tilespmem:s8+$0xFFFFFC20] =	vst v8;
	v7 =	vadd.f32 v7, v3;
	v8 =	vld [tilespmem:s8+$0x10]  }
0x30d: {  	[tilespmem:s8+$0xFFFFFC30] =	vst v5;
	v5 =	vadd.f32 v4, v3;
	v11 =	vld [tilespmem:s8+$0x20]  }
.Ltmp18:
0x30e: {  	[tilespmem:s8+$0xFFFFFC40] =	vst v7;
	v7 =	vadd.f32 v9, v3;
	v4 =	vld [tilespmem:s8+$0x30];
	(pc) =	sbr.rel @p0 .LBB2_39-.Ltmp18, $4  }
0x30f: {  	[tilespmem:s8+$0xFFFFFC50] =	vst v5;
	v9 =	vadd.f32 v10, v3;
	v5 =	vld [tilespmem:s8+$0x40]  }
0x310: {  	[tilespmem:s8+$0xFFFFFC60] =	vst v7;
	v10 =	vadd.f32 v6, v3;
	v6 =	vld [tilespmem:s8+$0x50]  }
0x311: {  	[tilespmem:s8+$0xFFFFFC70] =	vst v9;
	v9 =	vadd.f32 v8, v3;
	v7 =	vld [tilespmem:s8+$0x60]  }
0x312: {  	s8 =	sadd.s32 $0x800, s8;
	v8 =	vld [tilespmem:s0+$0xFFFFFC00];
	[tilespmem:s0+$0x0] =	vst v10;
	v10 =	vadd.f32 v11, v3  }
0x313: {  	[tilespmem:s0+$0x10] =	vst v9;
	v4 =	vadd.f32 v4, v3  }
0x314: {  	[tilespmem:s0+$0x20] =	vst v10;
	v5 =	vadd.f32 v5, v3  }
0x315: {  	[tilespmem:s0+$0x30] =	vst v4;
	v4 =	vadd.f32 v6, v3  }
0x316: {  	[tilespmem:s0+$0x40] =	vst v5;
	v5 =	vadd.f32 v7, v3  }
0x317: {  	v3 =	vadd.f32 v8, v3;
	[tilespmem:s0+$0x50] =	vst v4  }
0x318: {  	[tilespmem:s0+$0x60] =	vst v5  }
0x319: {  	[tilespmem:s0+$0xFFFFFC00] =	vst v3;
	s0 =	simm.s32 $0x13800  }
0x31a: {  	v4 =	vld [tilespmem:s0+$0x70]  }
0x31b: {  	v5 =	vld [tilespmem:s0+$0xFFFFFC10]  }
0x31c: {  	v6 =	vld [tilespmem:s0+$0xFFFFFC20]  }
0x31d: {  	v3 =	vbroadcast v2, $0x3;
	v7 =	vld [tilespmem:s0+$0xFFFFFC30]  }
0x31e: {  	v8 =	vld [tilespmem:s0+$0xFFFFFC40]  }
0x31f: {  	v9 =	vld [tilespmem:s0+$0xFFFFFC50];
	v4 =	vadd.f32 v4, v3  }
0x320: {  	v10 =	vld [tilespmem:s0+$0xFFFFFC60];
	v5 =	vadd.f32 v5, v3  }
0x321: {  	v11 =	vld [tilespmem:s0+$0xFFFFFC70];
	v6 =	vadd.f32 v6, v3;
	[tilespmem:s0+$0x70] =	vst v4  }
0x322: {  	[tilespmem:s0+$0xFFFFFC10] =	vst v5;
	v4 =	vadd.f32 v7, v3;
	v7 =	vld [tilespmem:s0+$0x0]  }
0x323: {  	[tilespmem:s0+$0xFFFFFC20] =	vst v6;
	v5 =	vadd.f32 v8, v3;
	v8 =	vld [tilespmem:s0+$0x10]  }
0x324: {  	v12 =	vld [tilespmem:s0+$0x20];
	v6 =	vadd.f32 v9, v3;
	[tilespmem:s0+$0xFFFFFC30] =	vst v4  }
0x325: {  	v9 =	vadd.f32 v10, v3;
	[tilespmem:s0+$0xFFFFFC40] =	vst v5;
	v4 =	vld [tilespmem:s0+$0x30]  }
0x326: {  	v10 =	vadd.f32 v11, v3;
	[tilespmem:s0+$0xFFFFFC50] =	vst v6;
	v5 =	vld [tilespmem:s0+$0x40]  }
0x327: {  	[tilespmem:s0+$0xFFFFFC60] =	vst v9;
	v6 =	vld [tilespmem:s0+$0x50];
	v11 =	vadd.f32 v7, v3  }
0x328: {  	[tilespmem:s0+$0xFFFFFC70] =	vst v10;
	v7 =	vld [tilespmem:s0+$0x60];
	v9 =	vadd.f32 v8, v3  }
0x329: {  	s6 =	simm.s32 $0x0;
	s8 =	simm.s32 $0x14000;
	v10 =	vadd.f32 v12, v3;
	v8 =	vld [tilespmem:s0+$0xFFFFFC00];
	[tilespmem:s0+$0x0] =	vst v11  }
.LBB2_41:
0x32a: {  	v11 =	vld [tilespmem:s8+$0x70];
	s6 =	sadd.s32 $0x100, s6;
	[tilespmem:s0+$0x10] =	vst v9;
	v4 =	vadd.f32 v4, v3  }
0x32b: {  	v9 =	vld [tilespmem:s8+$0xFFFFFC10];
	p0 =	slt.u32 s6, $0xF00;
	[tilespmem:s0+$0x20] =	vst v10;
	v5 =	vadd.f32 v5, v3  }
0x32c: {  	v10 =	vld [tilespmem:s8+$0xFFFFFC20];
	[tilespmem:s0+$0x30] =	vst v4;
	v4 =	vadd.f32 v6, v3  }
0x32d: {  	v6 =	vld [tilespmem:s8+$0xFFFFFC30];
	[tilespmem:s0+$0x40] =	vst v5;
	v5 =	vadd.f32 v7, v3  }
0x32e: {  	v7 =	vld [tilespmem:s8+$0xFFFFFC40];
	v8 =	vadd.f32 v8, v3;
	[tilespmem:s0+$0x50] =	vst v4  }
0x32f: {  	v4 =	vld [tilespmem:s8+$0xFFFFFC50];
	v11 =	vadd.f32 v11, v3;
	[tilespmem:s0+$0x60] =	vst v5  }
0x330: {  	v5 =	vadd.f32 v9, v3;
	v9 =	vld [tilespmem:s8+$0xFFFFFC60];
	[tilespmem:s0+$0xFFFFFC00] =	vst v8;
	s0 =	smov.u32 s8  }
0x331: {  	v8 =	vadd.f32 v10, v3;
	v10 =	vld [tilespmem:s8+$0xFFFFFC70];
	[tilespmem:s8+$0x70] =	vst v11  }
0x332: {  	[tilespmem:s8+$0xFFFFFC10] =	vst v5;
	v5 =	vadd.f32 v6, v3;
	v6 =	vld [tilespmem:s8+$0x0]  }
0x333: {  	[tilespmem:s8+$0xFFFFFC20] =	vst v8;
	v7 =	vadd.f32 v7, v3;
	v8 =	vld [tilespmem:s8+$0x10]  }
0x334: {  	[tilespmem:s8+$0xFFFFFC30] =	vst v5;
	v5 =	vadd.f32 v4, v3;
	v11 =	vld [tilespmem:s8+$0x20]  }
.Ltmp19:
0x335: {  	[tilespmem:s8+$0xFFFFFC40] =	vst v7;
	v7 =	vadd.f32 v9, v3;
	v4 =	vld [tilespmem:s8+$0x30];
	(pc) =	sbr.rel @p0 .LBB2_41-.Ltmp19, $4  }
0x336: {  	[tilespmem:s8+$0xFFFFFC50] =	vst v5;
	v9 =	vadd.f32 v10, v3;
	v5 =	vld [tilespmem:s8+$0x40]  }
0x337: {  	[tilespmem:s8+$0xFFFFFC60] =	vst v7;
	v10 =	vadd.f32 v6, v3;
	v6 =	vld [tilespmem:s8+$0x50]  }
0x338: {  	[tilespmem:s8+$0xFFFFFC70] =	vst v9;
	v9 =	vadd.f32 v8, v3;
	v7 =	vld [tilespmem:s8+$0x60]  }
0x339: {  	s8 =	sadd.s32 $0x800, s8;
	v8 =	vld [tilespmem:s0+$0xFFFFFC00];
	[tilespmem:s0+$0x0] =	vst v10;
	v10 =	vadd.f32 v11, v3  }
0x33a: {  	[tilespmem:s0+$0x10] =	vst v9;
	v4 =	vadd.f32 v4, v3  }
0x33b: {  	[tilespmem:s0+$0x20] =	vst v10;
	v5 =	vadd.f32 v5, v3  }
0x33c: {  	[tilespmem:s0+$0x30] =	vst v4;
	v4 =	vadd.f32 v6, v3  }
0x33d: {  	[tilespmem:s0+$0x40] =	vst v5;
	v5 =	vadd.f32 v7, v3  }
0x33e: {  	v3 =	vadd.f32 v8, v3;
	[tilespmem:s0+$0x50] =	vst v4  }
0x33f: {  	[tilespmem:s0+$0x60] =	vst v5  }
0x340: {  	[tilespmem:s0+$0xFFFFFC00] =	vst v3;
	s0 =	simm.s32 $0x13880  }
0x341: {  	v4 =	vld [tilespmem:s0+$0x70]  }
0x342: {  	v5 =	vld [tilespmem:s0+$0xFFFFFC10]  }
0x343: {  	v6 =	vld [tilespmem:s0+$0xFFFFFC20]  }
0x344: {  	v3 =	vbroadcast v2, $0x4;
	v7 =	vld [tilespmem:s0+$0xFFFFFC30]  }
0x345: {  	v8 =	vld [tilespmem:s0+$0xFFFFFC40]  }
0x346: {  	v9 =	vld [tilespmem:s0+$0xFFFFFC50];
	v4 =	vadd.f32 v4, v3  }
0x347: {  	v10 =	vld [tilespmem:s0+$0xFFFFFC60];
	v5 =	vadd.f32 v5, v3  }
0x348: {  	v11 =	vld [tilespmem:s0+$0xFFFFFC70];
	v6 =	vadd.f32 v6, v3;
	[tilespmem:s0+$0x70] =	vst v4  }
0x349: {  	[tilespmem:s0+$0xFFFFFC10] =	vst v5;
	v4 =	vadd.f32 v7, v3;
	v7 =	vld [tilespmem:s0+$0x0]  }
0x34a: {  	[tilespmem:s0+$0xFFFFFC20] =	vst v6;
	v5 =	vadd.f32 v8, v3;
	v8 =	vld [tilespmem:s0+$0x10]  }
0x34b: {  	v12 =	vld [tilespmem:s0+$0x20];
	v6 =	vadd.f32 v9, v3;
	[tilespmem:s0+$0xFFFFFC30] =	vst v4  }
0x34c: {  	v9 =	vadd.f32 v10, v3;
	[tilespmem:s0+$0xFFFFFC40] =	vst v5;
	v4 =	vld [tilespmem:s0+$0x30]  }
0x34d: {  	v10 =	vadd.f32 v11, v3;
	[tilespmem:s0+$0xFFFFFC50] =	vst v6;
	v5 =	vld [tilespmem:s0+$0x40]  }
0x34e: {  	[tilespmem:s0+$0xFFFFFC60] =	vst v9;
	v6 =	vld [tilespmem:s0+$0x50];
	v11 =	vadd.f32 v7, v3  }
0x34f: {  	[tilespmem:s0+$0xFFFFFC70] =	vst v10;
	v7 =	vld [tilespmem:s0+$0x60];
	v9 =	vadd.f32 v8, v3  }
0x350: {  	s6 =	simm.s32 $0x0;
	s8 =	simm.s32 $0x14080;
	v10 =	vadd.f32 v12, v3;
	v8 =	vld [tilespmem:s0+$0xFFFFFC00];
	[tilespmem:s0+$0x0] =	vst v11  }
.LBB2_43:
0x351: {  	v11 =	vld [tilespmem:s8+$0x70];
	s6 =	sadd.s32 $0x100, s6;
	[tilespmem:s0+$0x10] =	vst v9;
	v4 =	vadd.f32 v4, v3  }
0x352: {  	v9 =	vld [tilespmem:s8+$0xFFFFFC10];
	p0 =	slt.u32 s6, $0xF00;
	[tilespmem:s0+$0x20] =	vst v10;
	v5 =	vadd.f32 v5, v3  }
0x353: {  	v10 =	vld [tilespmem:s8+$0xFFFFFC20];
	[tilespmem:s0+$0x30] =	vst v4;
	v4 =	vadd.f32 v6, v3  }
0x354: {  	v6 =	vld [tilespmem:s8+$0xFFFFFC30];
	[tilespmem:s0+$0x40] =	vst v5;
	v5 =	vadd.f32 v7, v3  }
0x355: {  	v7 =	vld [tilespmem:s8+$0xFFFFFC40];
	v8 =	vadd.f32 v8, v3;
	[tilespmem:s0+$0x50] =	vst v4  }
0x356: {  	v4 =	vld [tilespmem:s8+$0xFFFFFC50];
	v11 =	vadd.f32 v11, v3;
	[tilespmem:s0+$0x60] =	vst v5  }
0x357: {  	v5 =	vadd.f32 v9, v3;
	v9 =	vld [tilespmem:s8+$0xFFFFFC60];
	[tilespmem:s0+$0xFFFFFC00] =	vst v8;
	s0 =	smov.u32 s8  }
0x358: {  	v8 =	vadd.f32 v10, v3;
	v10 =	vld [tilespmem:s8+$0xFFFFFC70];
	[tilespmem:s8+$0x70] =	vst v11  }
0x359: {  	[tilespmem:s8+$0xFFFFFC10] =	vst v5;
	v5 =	vadd.f32 v6, v3;
	v6 =	vld [tilespmem:s8+$0x0]  }
0x35a: {  	[tilespmem:s8+$0xFFFFFC20] =	vst v8;
	v7 =	vadd.f32 v7, v3;
	v8 =	vld [tilespmem:s8+$0x10]  }
0x35b: {  	[tilespmem:s8+$0xFFFFFC30] =	vst v5;
	v5 =	vadd.f32 v4, v3;
	v11 =	vld [tilespmem:s8+$0x20]  }
.Ltmp20:
0x35c: {  	[tilespmem:s8+$0xFFFFFC40] =	vst v7;
	v7 =	vadd.f32 v9, v3;
	v4 =	vld [tilespmem:s8+$0x30];
	(pc) =	sbr.rel @p0 .LBB2_43-.Ltmp20, $4  }
0x35d: {  	[tilespmem:s8+$0xFFFFFC50] =	vst v5;
	v9 =	vadd.f32 v10, v3;
	v5 =	vld [tilespmem:s8+$0x40]  }
0x35e: {  	[tilespmem:s8+$0xFFFFFC60] =	vst v7;
	v10 =	vadd.f32 v6, v3;
	v6 =	vld [tilespmem:s8+$0x50]  }
0x35f: {  	[tilespmem:s8+$0xFFFFFC70] =	vst v9;
	v9 =	vadd.f32 v8, v3;
	v7 =	vld [tilespmem:s8+$0x60]  }
0x360: {  	s8 =	sadd.s32 $0x800, s8;
	v8 =	vld [tilespmem:s0+$0xFFFFFC00];
	[tilespmem:s0+$0x0] =	vst v10;
	v10 =	vadd.f32 v11, v3  }
0x361: {  	[tilespmem:s0+$0x10] =	vst v9;
	v4 =	vadd.f32 v4, v3  }
0x362: {  	[tilespmem:s0+$0x20] =	vst v10;
	v5 =	vadd.f32 v5, v3  }
0x363: {  	[tilespmem:s0+$0x30] =	vst v4;
	v4 =	vadd.f32 v6, v3  }
0x364: {  	[tilespmem:s0+$0x40] =	vst v5;
	v5 =	vadd.f32 v7, v3  }
0x365: {  	v3 =	vadd.f32 v8, v3;
	[tilespmem:s0+$0x50] =	vst v4  }
0x366: {  	[tilespmem:s0+$0x60] =	vst v5  }
0x367: {  	[tilespmem:s0+$0xFFFFFC00] =	vst v3;
	s0 =	simm.s32 $0x13900  }
0x368: {  	v4 =	vld [tilespmem:s0+$0x70]  }
0x369: {  	v5 =	vld [tilespmem:s0+$0xFFFFFC10]  }
0x36a: {  	v6 =	vld [tilespmem:s0+$0xFFFFFC20]  }
0x36b: {  	v3 =	vbroadcast v2, $0x5;
	v7 =	vld [tilespmem:s0+$0xFFFFFC30]  }
0x36c: {  	v8 =	vld [tilespmem:s0+$0xFFFFFC40]  }
0x36d: {  	v9 =	vld [tilespmem:s0+$0xFFFFFC50];
	v4 =	vadd.f32 v4, v3  }
0x36e: {  	v10 =	vld [tilespmem:s0+$0xFFFFFC60];
	v5 =	vadd.f32 v5, v3  }
0x36f: {  	v11 =	vld [tilespmem:s0+$0xFFFFFC70];
	v6 =	vadd.f32 v6, v3;
	[tilespmem:s0+$0x70] =	vst v4  }
0x370: {  	[tilespmem:s0+$0xFFFFFC10] =	vst v5;
	v4 =	vadd.f32 v7, v3;
	v7 =	vld [tilespmem:s0+$0x0]  }
0x371: {  	[tilespmem:s0+$0xFFFFFC20] =	vst v6;
	v5 =	vadd.f32 v8, v3;
	v8 =	vld [tilespmem:s0+$0x10]  }
0x372: {  	v12 =	vld [tilespmem:s0+$0x20];
	v6 =	vadd.f32 v9, v3;
	[tilespmem:s0+$0xFFFFFC30] =	vst v4  }
0x373: {  	v9 =	vadd.f32 v10, v3;
	[tilespmem:s0+$0xFFFFFC40] =	vst v5;
	v4 =	vld [tilespmem:s0+$0x30]  }
0x374: {  	v10 =	vadd.f32 v11, v3;
	[tilespmem:s0+$0xFFFFFC50] =	vst v6;
	v5 =	vld [tilespmem:s0+$0x40]  }
0x375: {  	[tilespmem:s0+$0xFFFFFC60] =	vst v9;
	v6 =	vld [tilespmem:s0+$0x50];
	v11 =	vadd.f32 v7, v3  }
0x376: {  	[tilespmem:s0+$0xFFFFFC70] =	vst v10;
	v7 =	vld [tilespmem:s0+$0x60];
	v9 =	vadd.f32 v8, v3  }
0x377: {  	s6 =	simm.s32 $0x0;
	s8 =	simm.s32 $0x14100;
	v10 =	vadd.f32 v12, v3;
	v8 =	vld [tilespmem:s0+$0xFFFFFC00];
	[tilespmem:s0+$0x0] =	vst v11  }
.LBB2_45:
0x378: {  	v11 =	vld [tilespmem:s8+$0x70];
	s6 =	sadd.s32 $0x100, s6;
	[tilespmem:s0+$0x10] =	vst v9;
	v4 =	vadd.f32 v4, v3  }
0x379: {  	v9 =	vld [tilespmem:s8+$0xFFFFFC10];
	p0 =	slt.u32 s6, $0xF00;
	[tilespmem:s0+$0x20] =	vst v10;
	v5 =	vadd.f32 v5, v3  }
0x37a: {  	v10 =	vld [tilespmem:s8+$0xFFFFFC20];
	[tilespmem:s0+$0x30] =	vst v4;
	v4 =	vadd.f32 v6, v3  }
0x37b: {  	v6 =	vld [tilespmem:s8+$0xFFFFFC30];
	[tilespmem:s0+$0x40] =	vst v5;
	v5 =	vadd.f32 v7, v3  }
0x37c: {  	v7 =	vld [tilespmem:s8+$0xFFFFFC40];
	v8 =	vadd.f32 v8, v3;
	[tilespmem:s0+$0x50] =	vst v4  }
0x37d: {  	v4 =	vld [tilespmem:s8+$0xFFFFFC50];
	v11 =	vadd.f32 v11, v3;
	[tilespmem:s0+$0x60] =	vst v5  }
0x37e: {  	v5 =	vadd.f32 v9, v3;
	v9 =	vld [tilespmem:s8+$0xFFFFFC60];
	[tilespmem:s0+$0xFFFFFC00] =	vst v8;
	s0 =	smov.u32 s8  }
0x37f: {  	v8 =	vadd.f32 v10, v3;
	v10 =	vld [tilespmem:s8+$0xFFFFFC70];
	[tilespmem:s8+$0x70] =	vst v11  }
0x380: {  	[tilespmem:s8+$0xFFFFFC10] =	vst v5;
	v5 =	vadd.f32 v6, v3;
	v6 =	vld [tilespmem:s8+$0x0]  }
0x381: {  	[tilespmem:s8+$0xFFFFFC20] =	vst v8;
	v7 =	vadd.f32 v7, v3;
	v8 =	vld [tilespmem:s8+$0x10]  }
0x382: {  	[tilespmem:s8+$0xFFFFFC30] =	vst v5;
	v5 =	vadd.f32 v4, v3;
	v11 =	vld [tilespmem:s8+$0x20]  }
.Ltmp21:
0x383: {  	[tilespmem:s8+$0xFFFFFC40] =	vst v7;
	v7 =	vadd.f32 v9, v3;
	v4 =	vld [tilespmem:s8+$0x30];
	(pc) =	sbr.rel @p0 .LBB2_45-.Ltmp21, $4  }
0x384: {  	[tilespmem:s8+$0xFFFFFC50] =	vst v5;
	v9 =	vadd.f32 v10, v3;
	v5 =	vld [tilespmem:s8+$0x40]  }
0x385: {  	[tilespmem:s8+$0xFFFFFC60] =	vst v7;
	v10 =	vadd.f32 v6, v3;
	v6 =	vld [tilespmem:s8+$0x50]  }
0x386: {  	[tilespmem:s8+$0xFFFFFC70] =	vst v9;
	v9 =	vadd.f32 v8, v3;
	v7 =	vld [tilespmem:s8+$0x60]  }
0x387: {  	s8 =	sadd.s32 $0x800, s8;
	v8 =	vld [tilespmem:s0+$0xFFFFFC00];
	[tilespmem:s0+$0x0] =	vst v10;
	v10 =	vadd.f32 v11, v3  }
0x388: {  	[tilespmem:s0+$0x10] =	vst v9;
	v4 =	vadd.f32 v4, v3  }
0x389: {  	[tilespmem:s0+$0x20] =	vst v10;
	v5 =	vadd.f32 v5, v3  }
0x38a: {  	[tilespmem:s0+$0x30] =	vst v4;
	v4 =	vadd.f32 v6, v3  }
0x38b: {  	[tilespmem:s0+$0x40] =	vst v5;
	v5 =	vadd.f32 v7, v3  }
0x38c: {  	v3 =	vadd.f32 v8, v3;
	[tilespmem:s0+$0x50] =	vst v4  }
0x38d: {  	[tilespmem:s0+$0x60] =	vst v5  }
0x38e: {  	[tilespmem:s0+$0xFFFFFC00] =	vst v3;
	s0 =	simm.s32 $0x13980  }
0x38f: {  	v4 =	vld [tilespmem:s0+$0x70]  }
0x390: {  	v5 =	vld [tilespmem:s0+$0xFFFFFC10]  }
0x391: {  	v6 =	vld [tilespmem:s0+$0xFFFFFC20]  }
0x392: {  	v3 =	vbroadcast v2, $0x6;
	v7 =	vld [tilespmem:s0+$0xFFFFFC30]  }
0x393: {  	v8 =	vld [tilespmem:s0+$0xFFFFFC40]  }
0x394: {  	v9 =	vld [tilespmem:s0+$0xFFFFFC50];
	v4 =	vadd.f32 v4, v3  }
0x395: {  	v10 =	vld [tilespmem:s0+$0xFFFFFC60];
	v5 =	vadd.f32 v5, v3  }
0x396: {  	v11 =	vld [tilespmem:s0+$0xFFFFFC70];
	v6 =	vadd.f32 v6, v3;
	[tilespmem:s0+$0x70] =	vst v4  }
0x397: {  	[tilespmem:s0+$0xFFFFFC10] =	vst v5;
	v4 =	vadd.f32 v7, v3;
	v7 =	vld [tilespmem:s0+$0x0]  }
0x398: {  	[tilespmem:s0+$0xFFFFFC20] =	vst v6;
	v5 =	vadd.f32 v8, v3;
	v8 =	vld [tilespmem:s0+$0x10]  }
0x399: {  	v12 =	vld [tilespmem:s0+$0x20];
	v6 =	vadd.f32 v9, v3;
	[tilespmem:s0+$0xFFFFFC30] =	vst v4  }
0x39a: {  	v9 =	vadd.f32 v10, v3;
	[tilespmem:s0+$0xFFFFFC40] =	vst v5;
	v4 =	vld [tilespmem:s0+$0x30]  }
0x39b: {  	v10 =	vadd.f32 v11, v3;
	[tilespmem:s0+$0xFFFFFC50] =	vst v6;
	v5 =	vld [tilespmem:s0+$0x40]  }
0x39c: {  	[tilespmem:s0+$0xFFFFFC60] =	vst v9;
	v6 =	vld [tilespmem:s0+$0x50];
	v11 =	vadd.f32 v7, v3  }
0x39d: {  	[tilespmem:s0+$0xFFFFFC70] =	vst v10;
	v7 =	vld [tilespmem:s0+$0x60];
	v9 =	vadd.f32 v8, v3  }
0x39e: {  	s6 =	simm.s32 $0x0;
	s8 =	simm.s32 $0x14180;
	v10 =	vadd.f32 v12, v3;
	v8 =	vld [tilespmem:s0+$0xFFFFFC00];
	[tilespmem:s0+$0x0] =	vst v11  }
.LBB2_47:
0x39f: {  	v11 =	vld [tilespmem:s8+$0x70];
	s6 =	sadd.s32 $0x100, s6;
	[tilespmem:s0+$0x10] =	vst v9;
	v4 =	vadd.f32 v4, v3  }
0x3a0: {  	v9 =	vld [tilespmem:s8+$0xFFFFFC10];
	p0 =	slt.u32 s6, $0xF00;
	[tilespmem:s0+$0x20] =	vst v10;
	v5 =	vadd.f32 v5, v3  }
0x3a1: {  	v10 =	vld [tilespmem:s8+$0xFFFFFC20];
	[tilespmem:s0+$0x30] =	vst v4;
	v4 =	vadd.f32 v6, v3  }
0x3a2: {  	v6 =	vld [tilespmem:s8+$0xFFFFFC30];
	[tilespmem:s0+$0x40] =	vst v5;
	v5 =	vadd.f32 v7, v3  }
0x3a3: {  	v7 =	vld [tilespmem:s8+$0xFFFFFC40];
	v8 =	vadd.f32 v8, v3;
	[tilespmem:s0+$0x50] =	vst v4  }
0x3a4: {  	v4 =	vld [tilespmem:s8+$0xFFFFFC50];
	v11 =	vadd.f32 v11, v3;
	[tilespmem:s0+$0x60] =	vst v5  }
0x3a5: {  	v5 =	vadd.f32 v9, v3;
	v9 =	vld [tilespmem:s8+$0xFFFFFC60];
	[tilespmem:s0+$0xFFFFFC00] =	vst v8;
	s0 =	smov.u32 s8  }
0x3a6: {  	v8 =	vadd.f32 v10, v3;
	v10 =	vld [tilespmem:s8+$0xFFFFFC70];
	[tilespmem:s8+$0x70] =	vst v11  }
0x3a7: {  	[tilespmem:s8+$0xFFFFFC10] =	vst v5;
	v5 =	vadd.f32 v6, v3;
	v6 =	vld [tilespmem:s8+$0x0]  }
0x3a8: {  	[tilespmem:s8+$0xFFFFFC20] =	vst v8;
	v7 =	vadd.f32 v7, v3;
	v8 =	vld [tilespmem:s8+$0x10]  }
0x3a9: {  	[tilespmem:s8+$0xFFFFFC30] =	vst v5;
	v5 =	vadd.f32 v4, v3;
	v11 =	vld [tilespmem:s8+$0x20]  }
.Ltmp22:
0x3aa: {  	[tilespmem:s8+$0xFFFFFC40] =	vst v7;
	v7 =	vadd.f32 v9, v3;
	v4 =	vld [tilespmem:s8+$0x30];
	(pc) =	sbr.rel @p0 .LBB2_47-.Ltmp22, $4  }
0x3ab: {  	[tilespmem:s8+$0xFFFFFC50] =	vst v5;
	v9 =	vadd.f32 v10, v3;
	v5 =	vld [tilespmem:s8+$0x40]  }
0x3ac: {  	[tilespmem:s8+$0xFFFFFC60] =	vst v7;
	v10 =	vadd.f32 v6, v3;
	v6 =	vld [tilespmem:s8+$0x50]  }
0x3ad: {  	[tilespmem:s8+$0xFFFFFC70] =	vst v9;
	v9 =	vadd.f32 v8, v3;
	v7 =	vld [tilespmem:s8+$0x60]  }
0x3ae: {  	s8 =	sadd.s32 $0x800, s8;
	v8 =	vld [tilespmem:s0+$0xFFFFFC00];
	[tilespmem:s0+$0x0] =	vst v10;
	v10 =	vadd.f32 v11, v3  }
0x3af: {  	[tilespmem:s0+$0x10] =	vst v9;
	v4 =	vadd.f32 v4, v3  }
0x3b0: {  	[tilespmem:s0+$0x20] =	vst v10;
	v5 =	vadd.f32 v5, v3  }
0x3b1: {  	[tilespmem:s0+$0x30] =	vst v4;
	v4 =	vadd.f32 v6, v3  }
0x3b2: {  	[tilespmem:s0+$0x40] =	vst v5;
	v5 =	vadd.f32 v7, v3  }
0x3b3: {  	v3 =	vadd.f32 v8, v3;
	[tilespmem:s0+$0x50] =	vst v4  }
0x3b4: {  	[tilespmem:s0+$0x60] =	vst v5  }
0x3b5: {  	[tilespmem:s0+$0xFFFFFC00] =	vst v3;
	s0 =	simm.s32 $0x13A00  }
0x3b6: {  	v3 =	vld [tilespmem:s0+$0x70]  }
0x3b7: {  	v4 =	vld [tilespmem:s0+$0xFFFFFC10]  }
0x3b8: {  	v5 =	vld [tilespmem:s0+$0xFFFFFC20]  }
0x3b9: {  	v2 =	vbroadcast v2, $0x7;
	v6 =	vld [tilespmem:s0+$0xFFFFFC30]  }
0x3ba: {  	v7 =	vld [tilespmem:s0+$0xFFFFFC40]  }
0x3bb: {  	v8 =	vld [tilespmem:s0+$0xFFFFFC50];
	v3 =	vadd.f32 v3, v2  }
0x3bc: {  	v9 =	vld [tilespmem:s0+$0xFFFFFC60];
	v4 =	vadd.f32 v4, v2  }
0x3bd: {  	v10 =	vld [tilespmem:s0+$0xFFFFFC70];
	v5 =	vadd.f32 v5, v2;
	[tilespmem:s0+$0x70] =	vst v3  }
0x3be: {  	[tilespmem:s0+$0xFFFFFC10] =	vst v4;
	v3 =	vadd.f32 v6, v2;
	v6 =	vld [tilespmem:s0+$0x0]  }
0x3bf: {  	[tilespmem:s0+$0xFFFFFC20] =	vst v5;
	v4 =	vadd.f32 v7, v2;
	v7 =	vld [tilespmem:s0+$0x10]  }
0x3c0: {  	v11 =	vld [tilespmem:s0+$0x20];
	v5 =	vadd.f32 v8, v2;
	[tilespmem:s0+$0xFFFFFC30] =	vst v3  }
0x3c1: {  	v8 =	vadd.f32 v9, v2;
	[tilespmem:s0+$0xFFFFFC40] =	vst v4;
	v3 =	vld [tilespmem:s0+$0x30]  }
0x3c2: {  	v9 =	vadd.f32 v10, v2;
	[tilespmem:s0+$0xFFFFFC50] =	vst v5;
	v4 =	vld [tilespmem:s0+$0x40]  }
0x3c3: {  	[tilespmem:s0+$0xFFFFFC60] =	vst v8;
	v5 =	vld [tilespmem:s0+$0x50];
	v10 =	vadd.f32 v6, v2  }
0x3c4: {  	[tilespmem:s0+$0xFFFFFC70] =	vst v9;
	v6 =	vld [tilespmem:s0+$0x60];
	v8 =	vadd.f32 v7, v2  }
0x3c5: {  	s6 =	simm.s32 $0x0;
	s8 =	simm.s32 $0x14200;
	v9 =	vadd.f32 v11, v2;
	v7 =	vld [tilespmem:s0+$0xFFFFFC00];
	[tilespmem:s0+$0x0] =	vst v10  }
.LBB2_49:
0x3c6: {  	v10 =	vld [tilespmem:s8+$0x70];
	s6 =	sadd.s32 $0x100, s6;
	[tilespmem:s0+$0x10] =	vst v8;
	v3 =	vadd.f32 v3, v2  }
0x3c7: {  	v8 =	vld [tilespmem:s8+$0xFFFFFC10];
	p0 =	slt.u32 s6, $0xF00;
	[tilespmem:s0+$0x20] =	vst v9;
	v4 =	vadd.f32 v4, v2  }
0x3c8: {  	v9 =	vld [tilespmem:s8+$0xFFFFFC20];
	[tilespmem:s0+$0x30] =	vst v3;
	v3 =	vadd.f32 v5, v2  }
0x3c9: {  	v5 =	vld [tilespmem:s8+$0xFFFFFC30];
	[tilespmem:s0+$0x40] =	vst v4;
	v4 =	vadd.f32 v6, v2  }
0x3ca: {  	v6 =	vld [tilespmem:s8+$0xFFFFFC40];
	v7 =	vadd.f32 v7, v2;
	[tilespmem:s0+$0x50] =	vst v3  }
0x3cb: {  	v3 =	vld [tilespmem:s8+$0xFFFFFC50];
	v10 =	vadd.f32 v10, v2;
	[tilespmem:s0+$0x60] =	vst v4  }
0x3cc: {  	v4 =	vadd.f32 v8, v2;
	v8 =	vld [tilespmem:s8+$0xFFFFFC60];
	[tilespmem:s0+$0xFFFFFC00] =	vst v7;
	s0 =	smov.u32 s8  }
0x3cd: {  	v7 =	vadd.f32 v9, v2;
	v9 =	vld [tilespmem:s8+$0xFFFFFC70];
	[tilespmem:s8+$0x70] =	vst v10  }
0x3ce: {  	[tilespmem:s8+$0xFFFFFC10] =	vst v4;
	v4 =	vadd.f32 v5, v2;
	v5 =	vld [tilespmem:s8+$0x0]  }
0x3cf: {  	[tilespmem:s8+$0xFFFFFC20] =	vst v7;
	v6 =	vadd.f32 v6, v2;
	v7 =	vld [tilespmem:s8+$0x10]  }
0x3d0: {  	[tilespmem:s8+$0xFFFFFC30] =	vst v4;
	v4 =	vadd.f32 v3, v2;
	v10 =	vld [tilespmem:s8+$0x20]  }
.Ltmp23:
0x3d1: {  	[tilespmem:s8+$0xFFFFFC40] =	vst v6;
	v6 =	vadd.f32 v8, v2;
	v3 =	vld [tilespmem:s8+$0x30];
	(pc) =	sbr.rel @p0 .LBB2_49-.Ltmp23, $4  }
0x3d2: {  	[tilespmem:s8+$0xFFFFFC50] =	vst v4;
	v8 =	vadd.f32 v9, v2;
	v4 =	vld [tilespmem:s8+$0x40]  }
0x3d3: {  	[tilespmem:s8+$0xFFFFFC60] =	vst v6;
	v9 =	vadd.f32 v5, v2;
	v5 =	vld [tilespmem:s8+$0x50]  }
0x3d4: {  	[tilespmem:s8+$0xFFFFFC70] =	vst v8;
	v8 =	vadd.f32 v7, v2;
	v6 =	vld [tilespmem:s8+$0x60]  }
0x3d5: {  	s8 =	sadd.s32 $0x800, s8;
	v7 =	vld [tilespmem:s0+$0xFFFFFC00];
	[tilespmem:s0+$0x0] =	vst v9;
	v9 =	vadd.f32 v10, v2  }
0x3d6: {  	[tilespmem:s0+$0x10] =	vst v8;
	v3 =	vadd.f32 v3, v2  }
0x3d7: {  	[tilespmem:s0+$0x20] =	vst v9;
	v4 =	vadd.f32 v4, v2  }
0x3d8: {  	[tilespmem:s0+$0x30] =	vst v3;
	v3 =	vadd.f32 v5, v2  }
0x3d9: {  	[tilespmem:s0+$0x40] =	vst v4;
	v63 =	vadd.f32 v6, v2  }
0x3da: {  	v2 =	vadd.f32 v7, v2;
	[tilespmem:s0+$0x50] =	vst v3  }
0x3db: {  	s2 =	sshll.u32 s2, $0x9;
	s29 =	sadd.s32 $0x1, s29;
	[tilespmem:s0+$0x60] =	vst v63  }
0x3dc: {  	s8 =	sadd.s32 s3, s2;
	p0 =	sne.s32 s29, $0x10;
	[tilespmem:s0+$0xFFFFFC00] =	vst v2  }
0x3dd: {  	[hbm4b:s8+s4] =	stream.linear.scatter [tilespmem:s21], [sflag:$0x6], $0x8000, $0x38;
	[tilespmem:$0x1B280] =	vst v63  }
.Ltmp24:
0x3de: {  	_ = 	snop;
	(pc) =	sbr.rel @p0 .LBB2_2-.Ltmp24, $4  }
0x3df: {  	s31 =	sadd.s32 s30, s12;
	_ =	swait.ge [sflag:s25], $0x8000  }
0x3e0: {  	s0 =	sshll.u32 s31, $0xC;
	[sflag:s25] =	ssyncset.done $0x0  }
0x3e1: {  	s0 =	sadd.s32 s1, s0;
	[sflag:s25] =	ssyncadd.s32 $0xFFFF8000  }
0x3e2: {  	[tilespmem:s19], [sflag:$0x2] =	stream.linear.gather [hbm4b:s0+s4], $0x8000, $0x38;
	[tilespmem:$0x1B280] =	vst v63  }
0x3e3: {  	_ =	swait.ge [sflag:s20], $0x8000  }
0x3e4: {  	[sflag:s20] =	ssyncset.done $0x0  }
0x3e5: {  	[sflag:s20] =	ssyncadd.s32 $0xFFFF8000  }
0x3e6: {  	v2 =	vld [tilespmem:s13+$0x0]  }
0x3e7: {  	s0 =	simm.s32 $0x3680  }
0x3e8: {  	v4 =	vld [tilespmem:s0+$0x70]  }
0x3e9: {  	v5 =	vld [tilespmem:s0+$0xFFFFFC10]  }
0x3ea: {  	v6 =	vld [tilespmem:s0+$0xFFFFFC20]  }
0x3eb: {  	v7 =	vld [tilespmem:s0+$0xFFFFFC30];
	v3 =	vbroadcast v2, $0x0  }
0x3ec: {  	v8 =	vld [tilespmem:s0+$0xFFFFFC40]  }
0x3ed: {  	v9 =	vld [tilespmem:s0+$0xFFFFFC50];
	v4 =	vadd.f32 v4, v3  }
0x3ee: {  	v10 =	vld [tilespmem:s0+$0xFFFFFC60];
	v5 =	vadd.f32 v5, v3  }
0x3ef: {  	v11 =	vld [tilespmem:s0+$0xFFFFFC70];
	v6 =	vadd.f32 v6, v3;
	[tilespmem:s0+$0x70] =	vst v4  }
0x3f0: {  	[tilespmem:s0+$0xFFFFFC10] =	vst v5;
	v4 =	vadd.f32 v7, v3;
	v7 =	vld [tilespmem:s0+$0x0]  }
0x3f1: {  	[tilespmem:s0+$0xFFFFFC20] =	vst v6;
	v5 =	vadd.f32 v8, v3;
	v8 =	vld [tilespmem:s0+$0x10]  }
0x3f2: {  	v12 =	vld [tilespmem:s0+$0x20];
	v6 =	vadd.f32 v9, v3;
	[tilespmem:s0+$0xFFFFFC30] =	vst v4  }
0x3f3: {  	v9 =	vadd.f32 v10, v3;
	[tilespmem:s0+$0xFFFFFC40] =	vst v5;
	v4 =	vld [tilespmem:s0+$0x30]  }
0x3f4: {  	v10 =	vadd.f32 v11, v3;
	[tilespmem:s0+$0xFFFFFC50] =	vst v6;
	v5 =	vld [tilespmem:s0+$0x40]  }
0x3f5: {  	[tilespmem:s0+$0xFFFFFC60] =	vst v9;
	v6 =	vld [tilespmem:s0+$0x50];
	v11 =	vadd.f32 v7, v3  }
0x3f6: {  	[tilespmem:s0+$0xFFFFFC70] =	vst v10;
	v7 =	vld [tilespmem:s0+$0x60];
	v9 =	vadd.f32 v8, v3  }
0x3f7: {  	s2 =	simm.s32 $0x0;
	s6 =	simm.s32 $0x3E80;
	v10 =	vadd.f32 v12, v3;
	v8 =	vld [tilespmem:s0+$0xFFFFFC00];
	[tilespmem:s0+$0x0] =	vst v11  }
.LBB2_52:
0x3f8: {  	v11 =	vld [tilespmem:s6+$0x70];
	s2 =	sadd.s32 $0x100, s2;
	[tilespmem:s0+$0x10] =	vst v9;
	v4 =	vadd.f32 v4, v3  }
0x3f9: {  	v9 =	vld [tilespmem:s6+$0xFFFFFC10];
	p0 =	slt.u32 s2, $0xF00;
	[tilespmem:s0+$0x20] =	vst v10;
	v5 =	vadd.f32 v5, v3  }
0x3fa: {  	v10 =	vld [tilespmem:s6+$0xFFFFFC20];
	[tilespmem:s0+$0x30] =	vst v4;
	v4 =	vadd.f32 v6, v3  }
0x3fb: {  	v6 =	vld [tilespmem:s6+$0xFFFFFC30];
	[tilespmem:s0+$0x40] =	vst v5;
	v5 =	vadd.f32 v7, v3  }
0x3fc: {  	v7 =	vld [tilespmem:s6+$0xFFFFFC40];
	v8 =	vadd.f32 v8, v3;
	[tilespmem:s0+$0x50] =	vst v4  }
0x3fd: {  	v4 =	vld [tilespmem:s6+$0xFFFFFC50];
	v11 =	vadd.f32 v11, v3;
	[tilespmem:s0+$0x60] =	vst v5  }
0x3fe: {  	v5 =	vadd.f32 v9, v3;
	v9 =	vld [tilespmem:s6+$0xFFFFFC60];
	[tilespmem:s0+$0xFFFFFC00] =	vst v8;
	s0 =	smov.u32 s6  }
0x3ff: {  	v8 =	vadd.f32 v10, v3;
	v10 =	vld [tilespmem:s6+$0xFFFFFC70];
	[tilespmem:s6+$0x70] =	vst v11  }
0x400: {  	[tilespmem:s6+$0xFFFFFC10] =	vst v5;
	v5 =	vadd.f32 v6, v3;
	v6 =	vld [tilespmem:s6+$0x0]  }
0x401: {  	[tilespmem:s6+$0xFFFFFC20] =	vst v8;
	v7 =	vadd.f32 v7, v3;
	v8 =	vld [tilespmem:s6+$0x10]  }
0x402: {  	[tilespmem:s6+$0xFFFFFC30] =	vst v5;
	v5 =	vadd.f32 v4, v3;
	v11 =	vld [tilespmem:s6+$0x20]  }
.Ltmp25:
0x403: {  	[tilespmem:s6+$0xFFFFFC40] =	vst v7;
	v7 =	vadd.f32 v9, v3;
	v4 =	vld [tilespmem:s6+$0x30];
	(pc) =	sbr.rel @p0 .LBB2_52-.Ltmp25, $4  }
0x404: {  	[tilespmem:s6+$0xFFFFFC50] =	vst v5;
	v9 =	vadd.f32 v10, v3;
	v5 =	vld [tilespmem:s6+$0x40]  }
0x405: {  	[tilespmem:s6+$0xFFFFFC60] =	vst v7;
	v10 =	vadd.f32 v6, v3;
	v6 =	vld [tilespmem:s6+$0x50]  }
0x406: {  	[tilespmem:s6+$0xFFFFFC70] =	vst v9;
	v9 =	vadd.f32 v8, v3;
	v7 =	vld [tilespmem:s6+$0x60]  }
0x407: {  	s6 =	sadd.s32 $0x800, s6;
	v8 =	vld [tilespmem:s0+$0xFFFFFC00];
	[tilespmem:s0+$0x0] =	vst v10;
	v10 =	vadd.f32 v11, v3  }
0x408: {  	[tilespmem:s0+$0x10] =	vst v9;
	v4 =	vadd.f32 v4, v3  }
0x409: {  	[tilespmem:s0+$0x20] =	vst v10;
	v5 =	vadd.f32 v5, v3  }
0x40a: {  	[tilespmem:s0+$0x30] =	vst v4;
	v4 =	vadd.f32 v6, v3  }
0x40b: {  	[tilespmem:s0+$0x40] =	vst v5;
	v5 =	vadd.f32 v7, v3  }
0x40c: {  	v3 =	vadd.f32 v8, v3;
	[tilespmem:s0+$0x50] =	vst v4  }
0x40d: {  	[tilespmem:s0+$0x60] =	vst v5  }
0x40e: {  	[tilespmem:s0+$0xFFFFFC00] =	vst v3;
	s0 =	simm.s32 $0x3700  }
0x40f: {  	v4 =	vld [tilespmem:s0+$0x70]  }
0x410: {  	v5 =	vld [tilespmem:s0+$0xFFFFFC10]  }
0x411: {  	v6 =	vld [tilespmem:s0+$0xFFFFFC20]  }
0x412: {  	v3 =	vbroadcast v2, $0x1;
	v7 =	vld [tilespmem:s0+$0xFFFFFC30]  }
0x413: {  	v8 =	vld [tilespmem:s0+$0xFFFFFC40]  }
0x414: {  	v9 =	vld [tilespmem:s0+$0xFFFFFC50];
	v4 =	vadd.f32 v4, v3  }
0x415: {  	v10 =	vld [tilespmem:s0+$0xFFFFFC60];
	v5 =	vadd.f32 v5, v3  }
0x416: {  	v11 =	vld [tilespmem:s0+$0xFFFFFC70];
	v6 =	vadd.f32 v6, v3;
	[tilespmem:s0+$0x70] =	vst v4  }
0x417: {  	[tilespmem:s0+$0xFFFFFC10] =	vst v5;
	v4 =	vadd.f32 v7, v3;
	v7 =	vld [tilespmem:s0+$0x0]  }
0x418: {  	[tilespmem:s0+$0xFFFFFC20] =	vst v6;
	v5 =	vadd.f32 v8, v3;
	v8 =	vld [tilespmem:s0+$0x10]  }
0x419: {  	v12 =	vld [tilespmem:s0+$0x20];
	v6 =	vadd.f32 v9, v3;
	[tilespmem:s0+$0xFFFFFC30] =	vst v4  }
0x41a: {  	v9 =	vadd.f32 v10, v3;
	[tilespmem:s0+$0xFFFFFC40] =	vst v5;
	v4 =	vld [tilespmem:s0+$0x30]  }
0x41b: {  	v10 =	vadd.f32 v11, v3;
	[tilespmem:s0+$0xFFFFFC50] =	vst v6;
	v5 =	vld [tilespmem:s0+$0x40]  }
0x41c: {  	[tilespmem:s0+$0xFFFFFC60] =	vst v9;
	v6 =	vld [tilespmem:s0+$0x50];
	v11 =	vadd.f32 v7, v3  }
0x41d: {  	[tilespmem:s0+$0xFFFFFC70] =	vst v10;
	v7 =	vld [tilespmem:s0+$0x60];
	v9 =	vadd.f32 v8, v3  }
0x41e: {  	s2 =	simm.s32 $0x0;
	s6 =	simm.s32 $0x3F00;
	v10 =	vadd.f32 v12, v3;
	v8 =	vld [tilespmem:s0+$0xFFFFFC00];
	[tilespmem:s0+$0x0] =	vst v11  }
.LBB2_54:
0x41f: {  	v11 =	vld [tilespmem:s6+$0x70];
	s2 =	sadd.s32 $0x100, s2;
	[tilespmem:s0+$0x10] =	vst v9;
	v4 =	vadd.f32 v4, v3  }
0x420: {  	v9 =	vld [tilespmem:s6+$0xFFFFFC10];
	p0 =	slt.u32 s2, $0xF00;
	[tilespmem:s0+$0x20] =	vst v10;
	v5 =	vadd.f32 v5, v3  }
0x421: {  	v10 =	vld [tilespmem:s6+$0xFFFFFC20];
	[tilespmem:s0+$0x30] =	vst v4;
	v4 =	vadd.f32 v6, v3  }
0x422: {  	v6 =	vld [tilespmem:s6+$0xFFFFFC30];
	[tilespmem:s0+$0x40] =	vst v5;
	v5 =	vadd.f32 v7, v3  }
0x423: {  	v7 =	vld [tilespmem:s6+$0xFFFFFC40];
	v8 =	vadd.f32 v8, v3;
	[tilespmem:s0+$0x50] =	vst v4  }
0x424: {  	v4 =	vld [tilespmem:s6+$0xFFFFFC50];
	v11 =	vadd.f32 v11, v3;
	[tilespmem:s0+$0x60] =	vst v5  }
0x425: {  	v5 =	vadd.f32 v9, v3;
	v9 =	vld [tilespmem:s6+$0xFFFFFC60];
	[tilespmem:s0+$0xFFFFFC00] =	vst v8;
	s0 =	smov.u32 s6  }
0x426: {  	v8 =	vadd.f32 v10, v3;
	v10 =	vld [tilespmem:s6+$0xFFFFFC70];
	[tilespmem:s6+$0x70] =	vst v11  }
0x427: {  	[tilespmem:s6+$0xFFFFFC10] =	vst v5;
	v5 =	vadd.f32 v6, v3;
	v6 =	vld [tilespmem:s6+$0x0]  }
0x428: {  	[tilespmem:s6+$0xFFFFFC20] =	vst v8;
	v7 =	vadd.f32 v7, v3;
	v8 =	vld [tilespmem:s6+$0x10]  }
0x429: {  	[tilespmem:s6+$0xFFFFFC30] =	vst v5;
	v5 =	vadd.f32 v4, v3;
	v11 =	vld [tilespmem:s6+$0x20]  }
.Ltmp26:
0x42a: {  	[tilespmem:s6+$0xFFFFFC40] =	vst v7;
	v7 =	vadd.f32 v9, v3;
	v4 =	vld [tilespmem:s6+$0x30];
	(pc) =	sbr.rel @p0 .LBB2_54-.Ltmp26, $4  }
0x42b: {  	[tilespmem:s6+$0xFFFFFC50] =	vst v5;
	v9 =	vadd.f32 v10, v3;
	v5 =	vld [tilespmem:s6+$0x40]  }
0x42c: {  	[tilespmem:s6+$0xFFFFFC60] =	vst v7;
	v10 =	vadd.f32 v6, v3;
	v6 =	vld [tilespmem:s6+$0x50]  }
0x42d: {  	[tilespmem:s6+$0xFFFFFC70] =	vst v9;
	v9 =	vadd.f32 v8, v3;
	v7 =	vld [tilespmem:s6+$0x60]  }
0x42e: {  	s6 =	sadd.s32 $0x800, s6;
	v8 =	vld [tilespmem:s0+$0xFFFFFC00];
	[tilespmem:s0+$0x0] =	vst v10;
	v10 =	vadd.f32 v11, v3  }
0x42f: {  	[tilespmem:s0+$0x10] =	vst v9;
	v4 =	vadd.f32 v4, v3  }
0x430: {  	[tilespmem:s0+$0x20] =	vst v10;
	v5 =	vadd.f32 v5, v3  }
0x431: {  	[tilespmem:s0+$0x30] =	vst v4;
	v4 =	vadd.f32 v6, v3  }
0x432: {  	[tilespmem:s0+$0x40] =	vst v5;
	v5 =	vadd.f32 v7, v3  }
0x433: {  	v3 =	vadd.f32 v8, v3;
	[tilespmem:s0+$0x50] =	vst v4  }
0x434: {  	[tilespmem:s0+$0x60] =	vst v5  }
0x435: {  	[tilespmem:s0+$0xFFFFFC00] =	vst v3;
	s0 =	simm.s32 $0x3780  }
0x436: {  	v4 =	vld [tilespmem:s0+$0x70]  }
0x437: {  	v5 =	vld [tilespmem:s0+$0xFFFFFC10]  }
0x438: {  	v6 =	vld [tilespmem:s0+$0xFFFFFC20]  }
0x439: {  	v3 =	vbroadcast v2, $0x2;
	v7 =	vld [tilespmem:s0+$0xFFFFFC30]  }
0x43a: {  	v8 =	vld [tilespmem:s0+$0xFFFFFC40]  }
0x43b: {  	v9 =	vld [tilespmem:s0+$0xFFFFFC50];
	v4 =	vadd.f32 v4, v3  }
0x43c: {  	v10 =	vld [tilespmem:s0+$0xFFFFFC60];
	v5 =	vadd.f32 v5, v3  }
0x43d: {  	v11 =	vld [tilespmem:s0+$0xFFFFFC70];
	v6 =	vadd.f32 v6, v3;
	[tilespmem:s0+$0x70] =	vst v4  }
0x43e: {  	[tilespmem:s0+$0xFFFFFC10] =	vst v5;
	v4 =	vadd.f32 v7, v3;
	v7 =	vld [tilespmem:s0+$0x0]  }
0x43f: {  	[tilespmem:s0+$0xFFFFFC20] =	vst v6;
	v5 =	vadd.f32 v8, v3;
	v8 =	vld [tilespmem:s0+$0x10]  }
0x440: {  	v12 =	vld [tilespmem:s0+$0x20];
	v6 =	vadd.f32 v9, v3;
	[tilespmem:s0+$0xFFFFFC30] =	vst v4  }
0x441: {  	v9 =	vadd.f32 v10, v3;
	[tilespmem:s0+$0xFFFFFC40] =	vst v5;
	v4 =	vld [tilespmem:s0+$0x30]  }
0x442: {  	v10 =	vadd.f32 v11, v3;
	[tilespmem:s0+$0xFFFFFC50] =	vst v6;
	v5 =	vld [tilespmem:s0+$0x40]  }
0x443: {  	[tilespmem:s0+$0xFFFFFC60] =	vst v9;
	v6 =	vld [tilespmem:s0+$0x50];
	v11 =	vadd.f32 v7, v3  }
0x444: {  	[tilespmem:s0+$0xFFFFFC70] =	vst v10;
	v7 =	vld [tilespmem:s0+$0x60];
	v9 =	vadd.f32 v8, v3  }
0x445: {  	s2 =	simm.s32 $0x0;
	s6 =	simm.s32 $0x3F80;
	v10 =	vadd.f32 v12, v3;
	v8 =	vld [tilespmem:s0+$0xFFFFFC00];
	[tilespmem:s0+$0x0] =	vst v11  }
.LBB2_56:
0x446: {  	v11 =	vld [tilespmem:s6+$0x70];
	s2 =	sadd.s32 $0x100, s2;
	[tilespmem:s0+$0x10] =	vst v9;
	v4 =	vadd.f32 v4, v3  }
0x447: {  	v9 =	vld [tilespmem:s6+$0xFFFFFC10];
	p0 =	slt.u32 s2, $0xF00;
	[tilespmem:s0+$0x20] =	vst v10;
	v5 =	vadd.f32 v5, v3  }
0x448: {  	v10 =	vld [tilespmem:s6+$0xFFFFFC20];
	[tilespmem:s0+$0x30] =	vst v4;
	v4 =	vadd.f32 v6, v3  }
0x449: {  	v6 =	vld [tilespmem:s6+$0xFFFFFC30];
	[tilespmem:s0+$0x40] =	vst v5;
	v5 =	vadd.f32 v7, v3  }
0x44a: {  	v7 =	vld [tilespmem:s6+$0xFFFFFC40];
	v8 =	vadd.f32 v8, v3;
	[tilespmem:s0+$0x50] =	vst v4  }
0x44b: {  	v4 =	vld [tilespmem:s6+$0xFFFFFC50];
	v11 =	vadd.f32 v11, v3;
	[tilespmem:s0+$0x60] =	vst v5  }
0x44c: {  	v5 =	vadd.f32 v9, v3;
	v9 =	vld [tilespmem:s6+$0xFFFFFC60];
	[tilespmem:s0+$0xFFFFFC00] =	vst v8;
	s0 =	smov.u32 s6  }
0x44d: {  	v8 =	vadd.f32 v10, v3;
	v10 =	vld [tilespmem:s6+$0xFFFFFC70];
	[tilespmem:s6+$0x70] =	vst v11  }
0x44e: {  	[tilespmem:s6+$0xFFFFFC10] =	vst v5;
	v5 =	vadd.f32 v6, v3;
	v6 =	vld [tilespmem:s6+$0x0]  }
0x44f: {  	[tilespmem:s6+$0xFFFFFC20] =	vst v8;
	v7 =	vadd.f32 v7, v3;
	v8 =	vld [tilespmem:s6+$0x10]  }
0x450: {  	[tilespmem:s6+$0xFFFFFC30] =	vst v5;
	v5 =	vadd.f32 v4, v3;
	v11 =	vld [tilespmem:s6+$0x20]  }
.Ltmp27:
0x451: {  	[tilespmem:s6+$0xFFFFFC40] =	vst v7;
	v7 =	vadd.f32 v9, v3;
	v4 =	vld [tilespmem:s6+$0x30];
	(pc) =	sbr.rel @p0 .LBB2_56-.Ltmp27, $4  }
0x452: {  	[tilespmem:s6+$0xFFFFFC50] =	vst v5;
	v9 =	vadd.f32 v10, v3;
	v5 =	vld [tilespmem:s6+$0x40]  }
0x453: {  	[tilespmem:s6+$0xFFFFFC60] =	vst v7;
	v10 =	vadd.f32 v6, v3;
	v6 =	vld [tilespmem:s6+$0x50]  }
0x454: {  	[tilespmem:s6+$0xFFFFFC70] =	vst v9;
	v9 =	vadd.f32 v8, v3;
	v7 =	vld [tilespmem:s6+$0x60]  }
0x455: {  	s6 =	sadd.s32 $0x800, s6;
	v8 =	vld [tilespmem:s0+$0xFFFFFC00];
	[tilespmem:s0+$0x0] =	vst v10;
	v10 =	vadd.f32 v11, v3  }
0x456: {  	[tilespmem:s0+$0x10] =	vst v9;
	v4 =	vadd.f32 v4, v3  }
0x457: {  	[tilespmem:s0+$0x20] =	vst v10;
	v5 =	vadd.f32 v5, v3  }
0x458: {  	[tilespmem:s0+$0x30] =	vst v4;
	v4 =	vadd.f32 v6, v3  }
0x459: {  	[tilespmem:s0+$0x40] =	vst v5;
	v5 =	vadd.f32 v7, v3  }
0x45a: {  	v3 =	vadd.f32 v8, v3;
	[tilespmem:s0+$0x50] =	vst v4  }
0x45b: {  	[tilespmem:s0+$0x60] =	vst v5  }
0x45c: {  	[tilespmem:s0+$0xFFFFFC00] =	vst v3;
	s0 =	simm.s32 $0x3800  }
0x45d: {  	v4 =	vld [tilespmem:s0+$0x70]  }
0x45e: {  	v5 =	vld [tilespmem:s0+$0xFFFFFC10]  }
0x45f: {  	v6 =	vld [tilespmem:s0+$0xFFFFFC20]  }
0x460: {  	v3 =	vbroadcast v2, $0x3;
	v7 =	vld [tilespmem:s0+$0xFFFFFC30]  }
0x461: {  	v8 =	vld [tilespmem:s0+$0xFFFFFC40]  }
0x462: {  	v9 =	vld [tilespmem:s0+$0xFFFFFC50];
	v4 =	vadd.f32 v4, v3  }
0x463: {  	v10 =	vld [tilespmem:s0+$0xFFFFFC60];
	v5 =	vadd.f32 v5, v3  }
0x464: {  	v11 =	vld [tilespmem:s0+$0xFFFFFC70];
	v6 =	vadd.f32 v6, v3;
	[tilespmem:s0+$0x70] =	vst v4  }
0x465: {  	[tilespmem:s0+$0xFFFFFC10] =	vst v5;
	v4 =	vadd.f32 v7, v3;
	v7 =	vld [tilespmem:s0+$0x0]  }
0x466: {  	[tilespmem:s0+$0xFFFFFC20] =	vst v6;
	v5 =	vadd.f32 v8, v3;
	v8 =	vld [tilespmem:s0+$0x10]  }
0x467: {  	v12 =	vld [tilespmem:s0+$0x20];
	v6 =	vadd.f32 v9, v3;
	[tilespmem:s0+$0xFFFFFC30] =	vst v4  }
0x468: {  	v9 =	vadd.f32 v10, v3;
	[tilespmem:s0+$0xFFFFFC40] =	vst v5;
	v4 =	vld [tilespmem:s0+$0x30]  }
0x469: {  	v10 =	vadd.f32 v11, v3;
	[tilespmem:s0+$0xFFFFFC50] =	vst v6;
	v5 =	vld [tilespmem:s0+$0x40]  }
0x46a: {  	[tilespmem:s0+$0xFFFFFC60] =	vst v9;
	v6 =	vld [tilespmem:s0+$0x50];
	v11 =	vadd.f32 v7, v3  }
0x46b: {  	[tilespmem:s0+$0xFFFFFC70] =	vst v10;
	v7 =	vld [tilespmem:s0+$0x60];
	v9 =	vadd.f32 v8, v3  }
0x46c: {  	s2 =	simm.s32 $0x0;
	s6 =	simm.s32 $0x4000;
	v10 =	vadd.f32 v12, v3;
	v8 =	vld [tilespmem:s0+$0xFFFFFC00];
	[tilespmem:s0+$0x0] =	vst v11  }
.LBB2_58:
0x46d: {  	v11 =	vld [tilespmem:s6+$0x70];
	s2 =	sadd.s32 $0x100, s2;
	[tilespmem:s0+$0x10] =	vst v9;
	v4 =	vadd.f32 v4, v3  }
0x46e: {  	v9 =	vld [tilespmem:s6+$0xFFFFFC10];
	p0 =	slt.u32 s2, $0xF00;
	[tilespmem:s0+$0x20] =	vst v10;
	v5 =	vadd.f32 v5, v3  }
0x46f: {  	v10 =	vld [tilespmem:s6+$0xFFFFFC20];
	[tilespmem:s0+$0x30] =	vst v4;
	v4 =	vadd.f32 v6, v3  }
0x470: {  	v6 =	vld [tilespmem:s6+$0xFFFFFC30];
	[tilespmem:s0+$0x40] =	vst v5;
	v5 =	vadd.f32 v7, v3  }
0x471: {  	v7 =	vld [tilespmem:s6+$0xFFFFFC40];
	v8 =	vadd.f32 v8, v3;
	[tilespmem:s0+$0x50] =	vst v4  }
0x472: {  	v4 =	vld [tilespmem:s6+$0xFFFFFC50];
	v11 =	vadd.f32 v11, v3;
	[tilespmem:s0+$0x60] =	vst v5  }
0x473: {  	v5 =	vadd.f32 v9, v3;
	v9 =	vld [tilespmem:s6+$0xFFFFFC60];
	[tilespmem:s0+$0xFFFFFC00] =	vst v8;
	s0 =	smov.u32 s6  }
0x474: {  	v8 =	vadd.f32 v10, v3;
	v10 =	vld [tilespmem:s6+$0xFFFFFC70];
	[tilespmem:s6+$0x70] =	vst v11  }
0x475: {  	[tilespmem:s6+$0xFFFFFC10] =	vst v5;
	v5 =	vadd.f32 v6, v3;
	v6 =	vld [tilespmem:s6+$0x0]  }
0x476: {  	[tilespmem:s6+$0xFFFFFC20] =	vst v8;
	v7 =	vadd.f32 v7, v3;
	v8 =	vld [tilespmem:s6+$0x10]  }
0x477: {  	[tilespmem:s6+$0xFFFFFC30] =	vst v5;
	v5 =	vadd.f32 v4, v3;
	v11 =	vld [tilespmem:s6+$0x20]  }
.Ltmp28:
0x478: {  	[tilespmem:s6+$0xFFFFFC40] =	vst v7;
	v7 =	vadd.f32 v9, v3;
	v4 =	vld [tilespmem:s6+$0x30];
	(pc) =	sbr.rel @p0 .LBB2_58-.Ltmp28, $4  }
0x479: {  	[tilespmem:s6+$0xFFFFFC50] =	vst v5;
	v9 =	vadd.f32 v10, v3;
	v5 =	vld [tilespmem:s6+$0x40]  }
0x47a: {  	[tilespmem:s6+$0xFFFFFC60] =	vst v7;
	v10 =	vadd.f32 v6, v3;
	v6 =	vld [tilespmem:s6+$0x50]  }
0x47b: {  	[tilespmem:s6+$0xFFFFFC70] =	vst v9;
	v9 =	vadd.f32 v8, v3;
	v7 =	vld [tilespmem:s6+$0x60]  }
0x47c: {  	s6 =	sadd.s32 $0x800, s6;
	v8 =	vld [tilespmem:s0+$0xFFFFFC00];
	[tilespmem:s0+$0x0] =	vst v10;
	v10 =	vadd.f32 v11, v3  }
0x47d: {  	[tilespmem:s0+$0x10] =	vst v9;
	v4 =	vadd.f32 v4, v3  }
0x47e: {  	[tilespmem:s0+$0x20] =	vst v10;
	v5 =	vadd.f32 v5, v3  }
0x47f: {  	[tilespmem:s0+$0x30] =	vst v4;
	v4 =	vadd.f32 v6, v3  }
0x480: {  	[tilespmem:s0+$0x40] =	vst v5;
	v5 =	vadd.f32 v7, v3  }
0x481: {  	v3 =	vadd.f32 v8, v3;
	[tilespmem:s0+$0x50] =	vst v4  }
0x482: {  	[tilespmem:s0+$0x60] =	vst v5  }
0x483: {  	[tilespmem:s0+$0xFFFFFC00] =	vst v3;
	s0 =	simm.s32 $0x3880  }
0x484: {  	v4 =	vld [tilespmem:s0+$0x70]  }
0x485: {  	v5 =	vld [tilespmem:s0+$0xFFFFFC10]  }
0x486: {  	v6 =	vld [tilespmem:s0+$0xFFFFFC20]  }
0x487: {  	v3 =	vbroadcast v2, $0x4;
	v7 =	vld [tilespmem:s0+$0xFFFFFC30]  }
0x488: {  	v8 =	vld [tilespmem:s0+$0xFFFFFC40]  }
0x489: {  	v9 =	vld [tilespmem:s0+$0xFFFFFC50];
	v4 =	vadd.f32 v4, v3  }
0x48a: {  	v10 =	vld [tilespmem:s0+$0xFFFFFC60];
	v5 =	vadd.f32 v5, v3  }
0x48b: {  	v11 =	vld [tilespmem:s0+$0xFFFFFC70];
	v6 =	vadd.f32 v6, v3;
	[tilespmem:s0+$0x70] =	vst v4  }
0x48c: {  	[tilespmem:s0+$0xFFFFFC10] =	vst v5;
	v4 =	vadd.f32 v7, v3;
	v7 =	vld [tilespmem:s0+$0x0]  }
0x48d: {  	[tilespmem:s0+$0xFFFFFC20] =	vst v6;
	v5 =	vadd.f32 v8, v3;
	v8 =	vld [tilespmem:s0+$0x10]  }
0x48e: {  	v12 =	vld [tilespmem:s0+$0x20];
	v6 =	vadd.f32 v9, v3;
	[tilespmem:s0+$0xFFFFFC30] =	vst v4  }
0x48f: {  	v9 =	vadd.f32 v10, v3;
	[tilespmem:s0+$0xFFFFFC40] =	vst v5;
	v4 =	vld [tilespmem:s0+$0x30]  }
0x490: {  	v10 =	vadd.f32 v11, v3;
	[tilespmem:s0+$0xFFFFFC50] =	vst v6;
	v5 =	vld [tilespmem:s0+$0x40]  }
0x491: {  	[tilespmem:s0+$0xFFFFFC60] =	vst v9;
	v6 =	vld [tilespmem:s0+$0x50];
	v11 =	vadd.f32 v7, v3  }
0x492: {  	[tilespmem:s0+$0xFFFFFC70] =	vst v10;
	v7 =	vld [tilespmem:s0+$0x60];
	v9 =	vadd.f32 v8, v3  }
0x493: {  	s2 =	simm.s32 $0x0;
	s6 =	simm.s32 $0x4080;
	v10 =	vadd.f32 v12, v3;
	v8 =	vld [tilespmem:s0+$0xFFFFFC00];
	[tilespmem:s0+$0x0] =	vst v11  }
.LBB2_60:
0x494: {  	v11 =	vld [tilespmem:s6+$0x70];
	s2 =	sadd.s32 $0x100, s2;
	[tilespmem:s0+$0x10] =	vst v9;
	v4 =	vadd.f32 v4, v3  }
0x495: {  	v9 =	vld [tilespmem:s6+$0xFFFFFC10];
	p0 =	slt.u32 s2, $0xF00;
	[tilespmem:s0+$0x20] =	vst v10;
	v5 =	vadd.f32 v5, v3  }
0x496: {  	v10 =	vld [tilespmem:s6+$0xFFFFFC20];
	[tilespmem:s0+$0x30] =	vst v4;
	v4 =	vadd.f32 v6, v3  }
0x497: {  	v6 =	vld [tilespmem:s6+$0xFFFFFC30];
	[tilespmem:s0+$0x40] =	vst v5;
	v5 =	vadd.f32 v7, v3  }
0x498: {  	v7 =	vld [tilespmem:s6+$0xFFFFFC40];
	v8 =	vadd.f32 v8, v3;
	[tilespmem:s0+$0x50] =	vst v4  }
0x499: {  	v4 =	vld [tilespmem:s6+$0xFFFFFC50];
	v11 =	vadd.f32 v11, v3;
	[tilespmem:s0+$0x60] =	vst v5  }
0x49a: {  	v5 =	vadd.f32 v9, v3;
	v9 =	vld [tilespmem:s6+$0xFFFFFC60];
	[tilespmem:s0+$0xFFFFFC00] =	vst v8;
	s0 =	smov.u32 s6  }
0x49b: {  	v8 =	vadd.f32 v10, v3;
	v10 =	vld [tilespmem:s6+$0xFFFFFC70];
	[tilespmem:s6+$0x70] =	vst v11  }
0x49c: {  	[tilespmem:s6+$0xFFFFFC10] =	vst v5;
	v5 =	vadd.f32 v6, v3;
	v6 =	vld [tilespmem:s6+$0x0]  }
0x49d: {  	[tilespmem:s6+$0xFFFFFC20] =	vst v8;
	v7 =	vadd.f32 v7, v3;
	v8 =	vld [tilespmem:s6+$0x10]  }
0x49e: {  	[tilespmem:s6+$0xFFFFFC30] =	vst v5;
	v5 =	vadd.f32 v4, v3;
	v11 =	vld [tilespmem:s6+$0x20]  }
.Ltmp29:
0x49f: {  	[tilespmem:s6+$0xFFFFFC40] =	vst v7;
	v7 =	vadd.f32 v9, v3;
	v4 =	vld [tilespmem:s6+$0x30];
	(pc) =	sbr.rel @p0 .LBB2_60-.Ltmp29, $4  }
0x4a0: {  	[tilespmem:s6+$0xFFFFFC50] =	vst v5;
	v9 =	vadd.f32 v10, v3;
	v5 =	vld [tilespmem:s6+$0x40]  }
0x4a1: {  	[tilespmem:s6+$0xFFFFFC60] =	vst v7;
	v10 =	vadd.f32 v6, v3;
	v6 =	vld [tilespmem:s6+$0x50]  }
0x4a2: {  	[tilespmem:s6+$0xFFFFFC70] =	vst v9;
	v9 =	vadd.f32 v8, v3;
	v7 =	vld [tilespmem:s6+$0x60]  }
0x4a3: {  	s6 =	sadd.s32 $0x800, s6;
	v8 =	vld [tilespmem:s0+$0xFFFFFC00];
	[tilespmem:s0+$0x0] =	vst v10;
	v10 =	vadd.f32 v11, v3  }
0x4a4: {  	[tilespmem:s0+$0x10] =	vst v9;
	v4 =	vadd.f32 v4, v3  }
0x4a5: {  	[tilespmem:s0+$0x20] =	vst v10;
	v5 =	vadd.f32 v5, v3  }
0x4a6: {  	[tilespmem:s0+$0x30] =	vst v4;
	v4 =	vadd.f32 v6, v3  }
0x4a7: {  	[tilespmem:s0+$0x40] =	vst v5;
	v5 =	vadd.f32 v7, v3  }
0x4a8: {  	v3 =	vadd.f32 v8, v3;
	[tilespmem:s0+$0x50] =	vst v4  }
0x4a9: {  	[tilespmem:s0+$0x60] =	vst v5  }
0x4aa: {  	[tilespmem:s0+$0xFFFFFC00] =	vst v3;
	s0 =	simm.s32 $0x3900  }
0x4ab: {  	v4 =	vld [tilespmem:s0+$0x70]  }
0x4ac: {  	v5 =	vld [tilespmem:s0+$0xFFFFFC10]  }
0x4ad: {  	v6 =	vld [tilespmem:s0+$0xFFFFFC20]  }
0x4ae: {  	v3 =	vbroadcast v2, $0x5;
	v7 =	vld [tilespmem:s0+$0xFFFFFC30]  }
0x4af: {  	v8 =	vld [tilespmem:s0+$0xFFFFFC40]  }
0x4b0: {  	v9 =	vld [tilespmem:s0+$0xFFFFFC50];
	v4 =	vadd.f32 v4, v3  }
0x4b1: {  	v10 =	vld [tilespmem:s0+$0xFFFFFC60];
	v5 =	vadd.f32 v5, v3  }
0x4b2: {  	v11 =	vld [tilespmem:s0+$0xFFFFFC70];
	v6 =	vadd.f32 v6, v3;
	[tilespmem:s0+$0x70] =	vst v4  }
0x4b3: {  	[tilespmem:s0+$0xFFFFFC10] =	vst v5;
	v4 =	vadd.f32 v7, v3;
	v7 =	vld [tilespmem:s0+$0x0]  }
0x4b4: {  	[tilespmem:s0+$0xFFFFFC20] =	vst v6;
	v5 =	vadd.f32 v8, v3;
	v8 =	vld [tilespmem:s0+$0x10]  }
0x4b5: {  	v12 =	vld [tilespmem:s0+$0x20];
	v6 =	vadd.f32 v9, v3;
	[tilespmem:s0+$0xFFFFFC30] =	vst v4  }
0x4b6: {  	v9 =	vadd.f32 v10, v3;
	[tilespmem:s0+$0xFFFFFC40] =	vst v5;
	v4 =	vld [tilespmem:s0+$0x30]  }
0x4b7: {  	v10 =	vadd.f32 v11, v3;
	[tilespmem:s0+$0xFFFFFC50] =	vst v6;
	v5 =	vld [tilespmem:s0+$0x40]  }
0x4b8: {  	[tilespmem:s0+$0xFFFFFC60] =	vst v9;
	v6 =	vld [tilespmem:s0+$0x50];
	v11 =	vadd.f32 v7, v3  }
0x4b9: {  	[tilespmem:s0+$0xFFFFFC70] =	vst v10;
	v7 =	vld [tilespmem:s0+$0x60];
	v9 =	vadd.f32 v8, v3  }
0x4ba: {  	s2 =	simm.s32 $0x0;
	s6 =	simm.s32 $0x4100;
	v10 =	vadd.f32 v12, v3;
	v8 =	vld [tilespmem:s0+$0xFFFFFC00];
	[tilespmem:s0+$0x0] =	vst v11  }
.LBB2_62:
0x4bb: {  	v11 =	vld [tilespmem:s6+$0x70];
	s2 =	sadd.s32 $0x100, s2;
	[tilespmem:s0+$0x10] =	vst v9;
	v4 =	vadd.f32 v4, v3  }
0x4bc: {  	v9 =	vld [tilespmem:s6+$0xFFFFFC10];
	p0 =	slt.u32 s2, $0xF00;
	[tilespmem:s0+$0x20] =	vst v10;
	v5 =	vadd.f32 v5, v3  }
0x4bd: {  	v10 =	vld [tilespmem:s6+$0xFFFFFC20];
	[tilespmem:s0+$0x30] =	vst v4;
	v4 =	vadd.f32 v6, v3  }
0x4be: {  	v6 =	vld [tilespmem:s6+$0xFFFFFC30];
	[tilespmem:s0+$0x40] =	vst v5;
	v5 =	vadd.f32 v7, v3  }
0x4bf: {  	v7 =	vld [tilespmem:s6+$0xFFFFFC40];
	v8 =	vadd.f32 v8, v3;
	[tilespmem:s0+$0x50] =	vst v4  }
0x4c0: {  	v4 =	vld [tilespmem:s6+$0xFFFFFC50];
	v11 =	vadd.f32 v11, v3;
	[tilespmem:s0+$0x60] =	vst v5  }
0x4c1: {  	v5 =	vadd.f32 v9, v3;
	v9 =	vld [tilespmem:s6+$0xFFFFFC60];
	[tilespmem:s0+$0xFFFFFC00] =	vst v8;
	s0 =	smov.u32 s6  }
0x4c2: {  	v8 =	vadd.f32 v10, v3;
	v10 =	vld [tilespmem:s6+$0xFFFFFC70];
	[tilespmem:s6+$0x70] =	vst v11  }
0x4c3: {  	[tilespmem:s6+$0xFFFFFC10] =	vst v5;
	v5 =	vadd.f32 v6, v3;
	v6 =	vld [tilespmem:s6+$0x0]  }
0x4c4: {  	[tilespmem:s6+$0xFFFFFC20] =	vst v8;
	v7 =	vadd.f32 v7, v3;
	v8 =	vld [tilespmem:s6+$0x10]  }
0x4c5: {  	[tilespmem:s6+$0xFFFFFC30] =	vst v5;
	v5 =	vadd.f32 v4, v3;
	v11 =	vld [tilespmem:s6+$0x20]  }
.Ltmp30:
0x4c6: {  	[tilespmem:s6+$0xFFFFFC40] =	vst v7;
	v7 =	vadd.f32 v9, v3;
	v4 =	vld [tilespmem:s6+$0x30];
	(pc) =	sbr.rel @p0 .LBB2_62-.Ltmp30, $4  }
0x4c7: {  	[tilespmem:s6+$0xFFFFFC50] =	vst v5;
	v9 =	vadd.f32 v10, v3;
	v5 =	vld [tilespmem:s6+$0x40]  }
0x4c8: {  	[tilespmem:s6+$0xFFFFFC60] =	vst v7;
	v10 =	vadd.f32 v6, v3;
	v6 =	vld [tilespmem:s6+$0x50]  }
0x4c9: {  	[tilespmem:s6+$0xFFFFFC70] =	vst v9;
	v9 =	vadd.f32 v8, v3;
	v7 =	vld [tilespmem:s6+$0x60]  }
0x4ca: {  	s6 =	sadd.s32 $0x800, s6;
	v8 =	vld [tilespmem:s0+$0xFFFFFC00];
	[tilespmem:s0+$0x0] =	vst v10;
	v10 =	vadd.f32 v11, v3  }
0x4cb: {  	[tilespmem:s0+$0x10] =	vst v9;
	v4 =	vadd.f32 v4, v3  }
0x4cc: {  	[tilespmem:s0+$0x20] =	vst v10;
	v5 =	vadd.f32 v5, v3  }
0x4cd: {  	[tilespmem:s0+$0x30] =	vst v4;
	v4 =	vadd.f32 v6, v3  }
0x4ce: {  	[tilespmem:s0+$0x40] =	vst v5;
	v5 =	vadd.f32 v7, v3  }
0x4cf: {  	v3 =	vadd.f32 v8, v3;
	[tilespmem:s0+$0x50] =	vst v4  }
0x4d0: {  	[tilespmem:s0+$0x60] =	vst v5  }
0x4d1: {  	[tilespmem:s0+$0xFFFFFC00] =	vst v3;
	s0 =	simm.s32 $0x3980  }
0x4d2: {  	v4 =	vld [tilespmem:s0+$0x70]  }
0x4d3: {  	v5 =	vld [tilespmem:s0+$0xFFFFFC10]  }
0x4d4: {  	v6 =	vld [tilespmem:s0+$0xFFFFFC20]  }
0x4d5: {  	v3 =	vbroadcast v2, $0x6;
	v7 =	vld [tilespmem:s0+$0xFFFFFC30]  }
0x4d6: {  	v8 =	vld [tilespmem:s0+$0xFFFFFC40]  }
0x4d7: {  	v9 =	vld [tilespmem:s0+$0xFFFFFC50];
	v4 =	vadd.f32 v4, v3  }
0x4d8: {  	v10 =	vld [tilespmem:s0+$0xFFFFFC60];
	v5 =	vadd.f32 v5, v3  }
0x4d9: {  	v11 =	vld [tilespmem:s0+$0xFFFFFC70];
	v6 =	vadd.f32 v6, v3;
	[tilespmem:s0+$0x70] =	vst v4  }
0x4da: {  	[tilespmem:s0+$0xFFFFFC10] =	vst v5;
	v4 =	vadd.f32 v7, v3;
	v7 =	vld [tilespmem:s0+$0x0]  }
0x4db: {  	[tilespmem:s0+$0xFFFFFC20] =	vst v6;
	v5 =	vadd.f32 v8, v3;
	v8 =	vld [tilespmem:s0+$0x10]  }
0x4dc: {  	v12 =	vld [tilespmem:s0+$0x20];
	v6 =	vadd.f32 v9, v3;
	[tilespmem:s0+$0xFFFFFC30] =	vst v4  }
0x4dd: {  	v9 =	vadd.f32 v10, v3;
	[tilespmem:s0+$0xFFFFFC40] =	vst v5;
	v4 =	vld [tilespmem:s0+$0x30]  }
0x4de: {  	v10 =	vadd.f32 v11, v3;
	[tilespmem:s0+$0xFFFFFC50] =	vst v6;
	v5 =	vld [tilespmem:s0+$0x40]  }
0x4df: {  	[tilespmem:s0+$0xFFFFFC60] =	vst v9;
	v6 =	vld [tilespmem:s0+$0x50];
	v11 =	vadd.f32 v7, v3  }
0x4e0: {  	[tilespmem:s0+$0xFFFFFC70] =	vst v10;
	v7 =	vld [tilespmem:s0+$0x60];
	v9 =	vadd.f32 v8, v3  }
0x4e1: {  	s2 =	simm.s32 $0x0;
	s6 =	simm.s32 $0x4180;
	v10 =	vadd.f32 v12, v3;
	v8 =	vld [tilespmem:s0+$0xFFFFFC00];
	[tilespmem:s0+$0x0] =	vst v11  }
.LBB2_64:
0x4e2: {  	v11 =	vld [tilespmem:s6+$0x70];
	s2 =	sadd.s32 $0x100, s2;
	[tilespmem:s0+$0x10] =	vst v9;
	v4 =	vadd.f32 v4, v3  }
0x4e3: {  	v9 =	vld [tilespmem:s6+$0xFFFFFC10];
	p0 =	slt.u32 s2, $0xF00;
	[tilespmem:s0+$0x20] =	vst v10;
	v5 =	vadd.f32 v5, v3  }
0x4e4: {  	v10 =	vld [tilespmem:s6+$0xFFFFFC20];
	[tilespmem:s0+$0x30] =	vst v4;
	v4 =	vadd.f32 v6, v3  }
0x4e5: {  	v6 =	vld [tilespmem:s6+$0xFFFFFC30];
	[tilespmem:s0+$0x40] =	vst v5;
	v5 =	vadd.f32 v7, v3  }
0x4e6: {  	v7 =	vld [tilespmem:s6+$0xFFFFFC40];
	v8 =	vadd.f32 v8, v3;
	[tilespmem:s0+$0x50] =	vst v4  }
0x4e7: {  	v4 =	vld [tilespmem:s6+$0xFFFFFC50];
	v11 =	vadd.f32 v11, v3;
	[tilespmem:s0+$0x60] =	vst v5  }
0x4e8: {  	v5 =	vadd.f32 v9, v3;
	v9 =	vld [tilespmem:s6+$0xFFFFFC60];
	[tilespmem:s0+$0xFFFFFC00] =	vst v8;
	s0 =	smov.u32 s6  }
0x4e9: {  	v8 =	vadd.f32 v10, v3;
	v10 =	vld [tilespmem:s6+$0xFFFFFC70];
	[tilespmem:s6+$0x70] =	vst v11  }
0x4ea: {  	[tilespmem:s6+$0xFFFFFC10] =	vst v5;
	v5 =	vadd.f32 v6, v3;
	v6 =	vld [tilespmem:s6+$0x0]  }
0x4eb: {  	[tilespmem:s6+$0xFFFFFC20] =	vst v8;
	v7 =	vadd.f32 v7, v3;
	v8 =	vld [tilespmem:s6+$0x10]  }
0x4ec: {  	[tilespmem:s6+$0xFFFFFC30] =	vst v5;
	v5 =	vadd.f32 v4, v3;
	v11 =	vld [tilespmem:s6+$0x20]  }
.Ltmp31:
0x4ed: {  	[tilespmem:s6+$0xFFFFFC40] =	vst v7;
	v7 =	vadd.f32 v9, v3;
	v4 =	vld [tilespmem:s6+$0x30];
	(pc) =	sbr.rel @p0 .LBB2_64-.Ltmp31, $4  }
0x4ee: {  	[tilespmem:s6+$0xFFFFFC50] =	vst v5;
	v9 =	vadd.f32 v10, v3;
	v5 =	vld [tilespmem:s6+$0x40]  }
0x4ef: {  	[tilespmem:s6+$0xFFFFFC60] =	vst v7;
	v10 =	vadd.f32 v6, v3;
	v6 =	vld [tilespmem:s6+$0x50]  }
0x4f0: {  	[tilespmem:s6+$0xFFFFFC70] =	vst v9;
	v9 =	vadd.f32 v8, v3;
	v7 =	vld [tilespmem:s6+$0x60]  }
0x4f1: {  	s6 =	sadd.s32 $0x800, s6;
	v8 =	vld [tilespmem:s0+$0xFFFFFC00];
	[tilespmem:s0+$0x0] =	vst v10;
	v10 =	vadd.f32 v11, v3  }
0x4f2: {  	[tilespmem:s0+$0x10] =	vst v9;
	v4 =	vadd.f32 v4, v3  }
0x4f3: {  	[tilespmem:s0+$0x20] =	vst v10;
	v5 =	vadd.f32 v5, v3  }
0x4f4: {  	[tilespmem:s0+$0x30] =	vst v4;
	v4 =	vadd.f32 v6, v3  }
0x4f5: {  	[tilespmem:s0+$0x40] =	vst v5;
	v5 =	vadd.f32 v7, v3  }
0x4f6: {  	v3 =	vadd.f32 v8, v3;
	[tilespmem:s0+$0x50] =	vst v4  }
0x4f7: {  	[tilespmem:s0+$0x60] =	vst v5  }
0x4f8: {  	[tilespmem:s0+$0xFFFFFC00] =	vst v3;
	s0 =	simm.s32 $0x3A00  }
0x4f9: {  	v3 =	vld [tilespmem:s0+$0x70]  }
0x4fa: {  	v4 =	vld [tilespmem:s0+$0xFFFFFC10]  }
0x4fb: {  	v5 =	vld [tilespmem:s0+$0xFFFFFC20]  }
0x4fc: {  	v2 =	vbroadcast v2, $0x7;
	v6 =	vld [tilespmem:s0+$0xFFFFFC30]  }
0x4fd: {  	v7 =	vld [tilespmem:s0+$0xFFFFFC40]  }
0x4fe: {  	v8 =	vld [tilespmem:s0+$0xFFFFFC50];
	v3 =	vadd.f32 v3, v2  }
0x4ff: {  	v9 =	vld [tilespmem:s0+$0xFFFFFC60];
	v4 =	vadd.f32 v4, v2  }
0x500: {  	v10 =	vld [tilespmem:s0+$0xFFFFFC70];
	v5 =	vadd.f32 v5, v2;
	[tilespmem:s0+$0x70] =	vst v3  }
0x501: {  	[tilespmem:s0+$0xFFFFFC10] =	vst v4;
	v3 =	vadd.f32 v6, v2;
	v6 =	vld [tilespmem:s0+$0x0]  }
0x502: {  	[tilespmem:s0+$0xFFFFFC20] =	vst v5;
	v4 =	vadd.f32 v7, v2;
	v7 =	vld [tilespmem:s0+$0x10]  }
0x503: {  	v11 =	vld [tilespmem:s0+$0x20];
	v5 =	vadd.f32 v8, v2;
	[tilespmem:s0+$0xFFFFFC30] =	vst v3  }
0x504: {  	v8 =	vadd.f32 v9, v2;
	[tilespmem:s0+$0xFFFFFC40] =	vst v4;
	v3 =	vld [tilespmem:s0+$0x30]  }
0x505: {  	v9 =	vadd.f32 v10, v2;
	[tilespmem:s0+$0xFFFFFC50] =	vst v5;
	v4 =	vld [tilespmem:s0+$0x40]  }
0x506: {  	[tilespmem:s0+$0xFFFFFC60] =	vst v8;
	v5 =	vld [tilespmem:s0+$0x50];
	v10 =	vadd.f32 v6, v2  }
0x507: {  	[tilespmem:s0+$0xFFFFFC70] =	vst v9;
	v6 =	vld [tilespmem:s0+$0x60];
	v8 =	vadd.f32 v7, v2  }
0x508: {  	s2 =	simm.s32 $0x0;
	s6 =	simm.s32 $0x4200;
	v9 =	vadd.f32 v11, v2;
	v7 =	vld [tilespmem:s0+$0xFFFFFC00];
	[tilespmem:s0+$0x0] =	vst v10  }
.LBB2_66:
0x509: {  	v10 =	vld [tilespmem:s6+$0x70];
	s2 =	sadd.s32 $0x100, s2;
	[tilespmem:s0+$0x10] =	vst v8;
	v3 =	vadd.f32 v3, v2  }
0x50a: {  	v8 =	vld [tilespmem:s6+$0xFFFFFC10];
	p0 =	slt.u32 s2, $0xF00;
	[tilespmem:s0+$0x20] =	vst v9;
	v4 =	vadd.f32 v4, v2  }
0x50b: {  	v9 =	vld [tilespmem:s6+$0xFFFFFC20];
	[tilespmem:s0+$0x30] =	vst v3;
	v3 =	vadd.f32 v5, v2  }
0x50c: {  	v5 =	vld [tilespmem:s6+$0xFFFFFC30];
	[tilespmem:s0+$0x40] =	vst v4;
	v4 =	vadd.f32 v6, v2  }
0x50d: {  	v6 =	vld [tilespmem:s6+$0xFFFFFC40];
	v7 =	vadd.f32 v7, v2;
	[tilespmem:s0+$0x50] =	vst v3  }
0x50e: {  	v3 =	vld [tilespmem:s6+$0xFFFFFC50];
	v10 =	vadd.f32 v10, v2;
	[tilespmem:s0+$0x60] =	vst v4  }
0x50f: {  	v4 =	vadd.f32 v8, v2;
	v8 =	vld [tilespmem:s6+$0xFFFFFC60];
	[tilespmem:s0+$0xFFFFFC00] =	vst v7;
	s0 =	smov.u32 s6  }
0x510: {  	v7 =	vadd.f32 v9, v2;
	v9 =	vld [tilespmem:s6+$0xFFFFFC70];
	[tilespmem:s6+$0x70] =	vst v10  }
0x511: {  	[tilespmem:s6+$0xFFFFFC10] =	vst v4;
	v4 =	vadd.f32 v5, v2;
	v5 =	vld [tilespmem:s6+$0x0]  }
0x512: {  	[tilespmem:s6+$0xFFFFFC20] =	vst v7;
	v6 =	vadd.f32 v6, v2;
	v7 =	vld [tilespmem:s6+$0x10]  }
0x513: {  	[tilespmem:s6+$0xFFFFFC30] =	vst v4;
	v4 =	vadd.f32 v3, v2;
	v10 =	vld [tilespmem:s6+$0x20]  }
.Ltmp32:
0x514: {  	[tilespmem:s6+$0xFFFFFC40] =	vst v6;
	v6 =	vadd.f32 v8, v2;
	v3 =	vld [tilespmem:s6+$0x30];
	(pc) =	sbr.rel @p0 .LBB2_66-.Ltmp32, $4  }
0x515: {  	[tilespmem:s6+$0xFFFFFC50] =	vst v4;
	v8 =	vadd.f32 v9, v2;
	v4 =	vld [tilespmem:s6+$0x40]  }
0x516: {  	[tilespmem:s6+$0xFFFFFC60] =	vst v6;
	v9 =	vadd.f32 v5, v2;
	v5 =	vld [tilespmem:s6+$0x50]  }
0x517: {  	[tilespmem:s6+$0xFFFFFC70] =	vst v8;
	v8 =	vadd.f32 v7, v2;
	v6 =	vld [tilespmem:s6+$0x60]  }
0x518: {  	s6 =	sadd.s32 $0x800, s6;
	v7 =	vld [tilespmem:s0+$0xFFFFFC00];
	[tilespmem:s0+$0x0] =	vst v9;
	v9 =	vadd.f32 v10, v2  }
0x519: {  	[tilespmem:s0+$0x10] =	vst v8;
	v3 =	vadd.f32 v3, v2  }
0x51a: {  	[tilespmem:s0+$0x20] =	vst v9;
	v4 =	vadd.f32 v4, v2  }
0x51b: {  	[tilespmem:s0+$0x30] =	vst v3;
	v3 =	vadd.f32 v5, v2  }
0x51c: {  	[tilespmem:s0+$0x40] =	vst v4;
	v4 =	vadd.f32 v6, v2  }
0x51d: {  	v2 =	vadd.f32 v7, v2;
	[tilespmem:s0+$0x50] =	vst v3  }
0x51e: {  	[tilespmem:s0+$0x60] =	vst v4  }
0x51f: {  	[tilespmem:s0+$0xFFFFFC00] =	vst v2  }
0x520: {  	[hbm4b:s14+s4] =	stream.linear.scatter [tilespmem:s18], [sflag:$0x4], $0x8000, $0x38;
	[tilespmem:$0x1B280] =	vst v63  }
0x521: {  	_ =	swait.ge [sflag:s22], $0x8000  }
0x522: {  	[sflag:s22] =	ssyncset.done $0x0  }
0x523: {  	[sflag:s22] =	ssyncadd.s32 $0xFFFF8000  }
0x524: {  	v2 =	vld [tilespmem:s5+$0x188]  }
0x525: {  	s0 =	simm.s32 $0xB680  }
0x526: {  	v4 =	vld [tilespmem:s0+$0x70]  }
0x527: {  	v5 =	vld [tilespmem:s0+$0xFFFFFC10]  }
0x528: {  	v6 =	vld [tilespmem:s0+$0xFFFFFC20]  }
0x529: {  	v7 =	vld [tilespmem:s0+$0xFFFFFC30];
	v3 =	vbroadcast v2, $0x0  }
0x52a: {  	v8 =	vld [tilespmem:s0+$0xFFFFFC40]  }
0x52b: {  	v9 =	vld [tilespmem:s0+$0xFFFFFC50];
	v4 =	vadd.f32 v4, v3  }
0x52c: {  	v10 =	vld [tilespmem:s0+$0xFFFFFC60];
	v5 =	vadd.f32 v5, v3  }
0x52d: {  	v11 =	vld [tilespmem:s0+$0xFFFFFC70];
	v6 =	vadd.f32 v6, v3;
	[tilespmem:s0+$0x70] =	vst v4  }
0x52e: {  	[tilespmem:s0+$0xFFFFFC10] =	vst v5;
	v4 =	vadd.f32 v7, v3;
	v7 =	vld [tilespmem:s0+$0x0]  }
0x52f: {  	[tilespmem:s0+$0xFFFFFC20] =	vst v6;
	v5 =	vadd.f32 v8, v3;
	v8 =	vld [tilespmem:s0+$0x10]  }
0x530: {  	v12 =	vld [tilespmem:s0+$0x20];
	v6 =	vadd.f32 v9, v3;
	[tilespmem:s0+$0xFFFFFC30] =	vst v4  }
0x531: {  	v9 =	vadd.f32 v10, v3;
	[tilespmem:s0+$0xFFFFFC40] =	vst v5;
	v4 =	vld [tilespmem:s0+$0x30]  }
0x532: {  	v10 =	vadd.f32 v11, v3;
	[tilespmem:s0+$0xFFFFFC50] =	vst v6;
	v5 =	vld [tilespmem:s0+$0x40]  }
0x533: {  	[tilespmem:s0+$0xFFFFFC60] =	vst v9;
	v6 =	vld [tilespmem:s0+$0x50];
	v11 =	vadd.f32 v7, v3  }
0x534: {  	[tilespmem:s0+$0xFFFFFC70] =	vst v10;
	v7 =	vld [tilespmem:s0+$0x60];
	v9 =	vadd.f32 v8, v3  }
0x535: {  	s2 =	simm.s32 $0x0;
	s6 =	simm.s32 $0xBE80;
	v10 =	vadd.f32 v12, v3;
	v8 =	vld [tilespmem:s0+$0xFFFFFC00];
	[tilespmem:s0+$0x0] =	vst v11  }
.LBB2_68:
0x536: {  	v11 =	vld [tilespmem:s6+$0x70];
	s2 =	sadd.s32 $0x100, s2;
	[tilespmem:s0+$0x10] =	vst v9;
	v4 =	vadd.f32 v4, v3  }
0x537: {  	v9 =	vld [tilespmem:s6+$0xFFFFFC10];
	p0 =	slt.u32 s2, $0xF00;
	[tilespmem:s0+$0x20] =	vst v10;
	v5 =	vadd.f32 v5, v3  }
0x538: {  	v10 =	vld [tilespmem:s6+$0xFFFFFC20];
	[tilespmem:s0+$0x30] =	vst v4;
	v4 =	vadd.f32 v6, v3  }
0x539: {  	v6 =	vld [tilespmem:s6+$0xFFFFFC30];
	[tilespmem:s0+$0x40] =	vst v5;
	v5 =	vadd.f32 v7, v3  }
0x53a: {  	v7 =	vld [tilespmem:s6+$0xFFFFFC40];
	v8 =	vadd.f32 v8, v3;
	[tilespmem:s0+$0x50] =	vst v4  }
0x53b: {  	v4 =	vld [tilespmem:s6+$0xFFFFFC50];
	v11 =	vadd.f32 v11, v3;
	[tilespmem:s0+$0x60] =	vst v5  }
0x53c: {  	v5 =	vadd.f32 v9, v3;
	v9 =	vld [tilespmem:s6+$0xFFFFFC60];
	[tilespmem:s0+$0xFFFFFC00] =	vst v8;
	s0 =	smov.u32 s6  }
0x53d: {  	v8 =	vadd.f32 v10, v3;
	v10 =	vld [tilespmem:s6+$0xFFFFFC70];
	[tilespmem:s6+$0x70] =	vst v11  }
0x53e: {  	[tilespmem:s6+$0xFFFFFC10] =	vst v5;
	v5 =	vadd.f32 v6, v3;
	v6 =	vld [tilespmem:s6+$0x0]  }
0x53f: {  	[tilespmem:s6+$0xFFFFFC20] =	vst v8;
	v7 =	vadd.f32 v7, v3;
	v8 =	vld [tilespmem:s6+$0x10]  }
0x540: {  	[tilespmem:s6+$0xFFFFFC30] =	vst v5;
	v5 =	vadd.f32 v4, v3;
	v11 =	vld [tilespmem:s6+$0x20]  }
.Ltmp33:
0x541: {  	[tilespmem:s6+$0xFFFFFC40] =	vst v7;
	v7 =	vadd.f32 v9, v3;
	v4 =	vld [tilespmem:s6+$0x30];
	(pc) =	sbr.rel @p0 .LBB2_68-.Ltmp33, $4  }
0x542: {  	[tilespmem:s6+$0xFFFFFC50] =	vst v5;
	v9 =	vadd.f32 v10, v3;
	v5 =	vld [tilespmem:s6+$0x40]  }
0x543: {  	[tilespmem:s6+$0xFFFFFC60] =	vst v7;
	v10 =	vadd.f32 v6, v3;
	v6 =	vld [tilespmem:s6+$0x50]  }
0x544: {  	[tilespmem:s6+$0xFFFFFC70] =	vst v9;
	v9 =	vadd.f32 v8, v3;
	v7 =	vld [tilespmem:s6+$0x60]  }
0x545: {  	s6 =	sadd.s32 $0x800, s6;
	v8 =	vld [tilespmem:s0+$0xFFFFFC00];
	[tilespmem:s0+$0x0] =	vst v10;
	v10 =	vadd.f32 v11, v3  }
0x546: {  	[tilespmem:s0+$0x10] =	vst v9;
	v4 =	vadd.f32 v4, v3  }
0x547: {  	[tilespmem:s0+$0x20] =	vst v10;
	v5 =	vadd.f32 v5, v3  }
0x548: {  	[tilespmem:s0+$0x30] =	vst v4;
	v4 =	vadd.f32 v6, v3  }
0x549: {  	[tilespmem:s0+$0x40] =	vst v5;
	v5 =	vadd.f32 v7, v3  }
0x54a: {  	v3 =	vadd.f32 v8, v3;
	[tilespmem:s0+$0x50] =	vst v4  }
0x54b: {  	[tilespmem:s0+$0x60] =	vst v5  }
0x54c: {  	[tilespmem:s0+$0xFFFFFC00] =	vst v3;
	s0 =	simm.s32 $0xB700  }
0x54d: {  	v4 =	vld [tilespmem:s0+$0x70]  }
0x54e: {  	v5 =	vld [tilespmem:s0+$0xFFFFFC10]  }
0x54f: {  	v6 =	vld [tilespmem:s0+$0xFFFFFC20]  }
0x550: {  	v3 =	vbroadcast v2, $0x1;
	v7 =	vld [tilespmem:s0+$0xFFFFFC30]  }
0x551: {  	v8 =	vld [tilespmem:s0+$0xFFFFFC40]  }
0x552: {  	v9 =	vld [tilespmem:s0+$0xFFFFFC50];
	v4 =	vadd.f32 v4, v3  }
0x553: {  	v10 =	vld [tilespmem:s0+$0xFFFFFC60];
	v5 =	vadd.f32 v5, v3  }
0x554: {  	v11 =	vld [tilespmem:s0+$0xFFFFFC70];
	v6 =	vadd.f32 v6, v3;
	[tilespmem:s0+$0x70] =	vst v4  }
0x555: {  	[tilespmem:s0+$0xFFFFFC10] =	vst v5;
	v4 =	vadd.f32 v7, v3;
	v7 =	vld [tilespmem:s0+$0x0]  }
0x556: {  	[tilespmem:s0+$0xFFFFFC20] =	vst v6;
	v5 =	vadd.f32 v8, v3;
	v8 =	vld [tilespmem:s0+$0x10]  }
0x557: {  	v12 =	vld [tilespmem:s0+$0x20];
	v6 =	vadd.f32 v9, v3;
	[tilespmem:s0+$0xFFFFFC30] =	vst v4  }
0x558: {  	v9 =	vadd.f32 v10, v3;
	[tilespmem:s0+$0xFFFFFC40] =	vst v5;
	v4 =	vld [tilespmem:s0+$0x30]  }
0x559: {  	v10 =	vadd.f32 v11, v3;
	[tilespmem:s0+$0xFFFFFC50] =	vst v6;
	v5 =	vld [tilespmem:s0+$0x40]  }
0x55a: {  	[tilespmem:s0+$0xFFFFFC60] =	vst v9;
	v6 =	vld [tilespmem:s0+$0x50];
	v11 =	vadd.f32 v7, v3  }
0x55b: {  	[tilespmem:s0+$0xFFFFFC70] =	vst v10;
	v7 =	vld [tilespmem:s0+$0x60];
	v9 =	vadd.f32 v8, v3  }
0x55c: {  	s2 =	simm.s32 $0x0;
	s6 =	simm.s32 $0xBF00;
	v10 =	vadd.f32 v12, v3;
	v8 =	vld [tilespmem:s0+$0xFFFFFC00];
	[tilespmem:s0+$0x0] =	vst v11  }
.LBB2_70:
0x55d: {  	v11 =	vld [tilespmem:s6+$0x70];
	s2 =	sadd.s32 $0x100, s2;
	[tilespmem:s0+$0x10] =	vst v9;
	v4 =	vadd.f32 v4, v3  }
0x55e: {  	v9 =	vld [tilespmem:s6+$0xFFFFFC10];
	p0 =	slt.u32 s2, $0xF00;
	[tilespmem:s0+$0x20] =	vst v10;
	v5 =	vadd.f32 v5, v3  }
0x55f: {  	v10 =	vld [tilespmem:s6+$0xFFFFFC20];
	[tilespmem:s0+$0x30] =	vst v4;
	v4 =	vadd.f32 v6, v3  }
0x560: {  	v6 =	vld [tilespmem:s6+$0xFFFFFC30];
	[tilespmem:s0+$0x40] =	vst v5;
	v5 =	vadd.f32 v7, v3  }
0x561: {  	v7 =	vld [tilespmem:s6+$0xFFFFFC40];
	v8 =	vadd.f32 v8, v3;
	[tilespmem:s0+$0x50] =	vst v4  }
0x562: {  	v4 =	vld [tilespmem:s6+$0xFFFFFC50];
	v11 =	vadd.f32 v11, v3;
	[tilespmem:s0+$0x60] =	vst v5  }
0x563: {  	v5 =	vadd.f32 v9, v3;
	v9 =	vld [tilespmem:s6+$0xFFFFFC60];
	[tilespmem:s0+$0xFFFFFC00] =	vst v8;
	s0 =	smov.u32 s6  }
0x564: {  	v8 =	vadd.f32 v10, v3;
	v10 =	vld [tilespmem:s6+$0xFFFFFC70];
	[tilespmem:s6+$0x70] =	vst v11  }
0x565: {  	[tilespmem:s6+$0xFFFFFC10] =	vst v5;
	v5 =	vadd.f32 v6, v3;
	v6 =	vld [tilespmem:s6+$0x0]  }
0x566: {  	[tilespmem:s6+$0xFFFFFC20] =	vst v8;
	v7 =	vadd.f32 v7, v3;
	v8 =	vld [tilespmem:s6+$0x10]  }
0x567: {  	[tilespmem:s6+$0xFFFFFC30] =	vst v5;
	v5 =	vadd.f32 v4, v3;
	v11 =	vld [tilespmem:s6+$0x20]  }
.Ltmp34:
0x568: {  	[tilespmem:s6+$0xFFFFFC40] =	vst v7;
	v7 =	vadd.f32 v9, v3;
	v4 =	vld [tilespmem:s6+$0x30];
	(pc) =	sbr.rel @p0 .LBB2_70-.Ltmp34, $4  }
0x569: {  	[tilespmem:s6+$0xFFFFFC50] =	vst v5;
	v9 =	vadd.f32 v10, v3;
	v5 =	vld [tilespmem:s6+$0x40]  }
0x56a: {  	[tilespmem:s6+$0xFFFFFC60] =	vst v7;
	v10 =	vadd.f32 v6, v3;
	v6 =	vld [tilespmem:s6+$0x50]  }
0x56b: {  	[tilespmem:s6+$0xFFFFFC70] =	vst v9;
	v9 =	vadd.f32 v8, v3;
	v7 =	vld [tilespmem:s6+$0x60]  }
0x56c: {  	s6 =	sadd.s32 $0x800, s6;
	v8 =	vld [tilespmem:s0+$0xFFFFFC00];
	[tilespmem:s0+$0x0] =	vst v10;
	v10 =	vadd.f32 v11, v3  }
0x56d: {  	[tilespmem:s0+$0x10] =	vst v9;
	v4 =	vadd.f32 v4, v3  }
0x56e: {  	[tilespmem:s0+$0x20] =	vst v10;
	v5 =	vadd.f32 v5, v3  }
0x56f: {  	[tilespmem:s0+$0x30] =	vst v4;
	v4 =	vadd.f32 v6, v3  }
0x570: {  	[tilespmem:s0+$0x40] =	vst v5;
	v5 =	vadd.f32 v7, v3  }
0x571: {  	v3 =	vadd.f32 v8, v3;
	[tilespmem:s0+$0x50] =	vst v4  }
0x572: {  	[tilespmem:s0+$0x60] =	vst v5  }
0x573: {  	[tilespmem:s0+$0xFFFFFC00] =	vst v3;
	s0 =	simm.s32 $0xB780  }
0x574: {  	v4 =	vld [tilespmem:s0+$0x70]  }
0x575: {  	v5 =	vld [tilespmem:s0+$0xFFFFFC10]  }
0x576: {  	v6 =	vld [tilespmem:s0+$0xFFFFFC20]  }
0x577: {  	v3 =	vbroadcast v2, $0x2;
	v7 =	vld [tilespmem:s0+$0xFFFFFC30]  }
0x578: {  	v8 =	vld [tilespmem:s0+$0xFFFFFC40]  }
0x579: {  	v9 =	vld [tilespmem:s0+$0xFFFFFC50];
	v4 =	vadd.f32 v4, v3  }
0x57a: {  	v10 =	vld [tilespmem:s0+$0xFFFFFC60];
	v5 =	vadd.f32 v5, v3  }
0x57b: {  	v11 =	vld [tilespmem:s0+$0xFFFFFC70];
	v6 =	vadd.f32 v6, v3;
	[tilespmem:s0+$0x70] =	vst v4  }
0x57c: {  	[tilespmem:s0+$0xFFFFFC10] =	vst v5;
	v4 =	vadd.f32 v7, v3;
	v7 =	vld [tilespmem:s0+$0x0]  }
0x57d: {  	[tilespmem:s0+$0xFFFFFC20] =	vst v6;
	v5 =	vadd.f32 v8, v3;
	v8 =	vld [tilespmem:s0+$0x10]  }
0x57e: {  	v12 =	vld [tilespmem:s0+$0x20];
	v6 =	vadd.f32 v9, v3;
	[tilespmem:s0+$0xFFFFFC30] =	vst v4  }
0x57f: {  	v9 =	vadd.f32 v10, v3;
	[tilespmem:s0+$0xFFFFFC40] =	vst v5;
	v4 =	vld [tilespmem:s0+$0x30]  }
0x580: {  	v10 =	vadd.f32 v11, v3;
	[tilespmem:s0+$0xFFFFFC50] =	vst v6;
	v5 =	vld [tilespmem:s0+$0x40]  }
0x581: {  	[tilespmem:s0+$0xFFFFFC60] =	vst v9;
	v6 =	vld [tilespmem:s0+$0x50];
	v11 =	vadd.f32 v7, v3  }
0x582: {  	[tilespmem:s0+$0xFFFFFC70] =	vst v10;
	v7 =	vld [tilespmem:s0+$0x60];
	v9 =	vadd.f32 v8, v3  }
0x583: {  	s2 =	simm.s32 $0x0;
	s6 =	simm.s32 $0xBF80;
	v10 =	vadd.f32 v12, v3;
	v8 =	vld [tilespmem:s0+$0xFFFFFC00];
	[tilespmem:s0+$0x0] =	vst v11  }
.LBB2_72:
0x584: {  	v11 =	vld [tilespmem:s6+$0x70];
	s2 =	sadd.s32 $0x100, s2;
	[tilespmem:s0+$0x10] =	vst v9;
	v4 =	vadd.f32 v4, v3  }
0x585: {  	v9 =	vld [tilespmem:s6+$0xFFFFFC10];
	p0 =	slt.u32 s2, $0xF00;
	[tilespmem:s0+$0x20] =	vst v10;
	v5 =	vadd.f32 v5, v3  }
0x586: {  	v10 =	vld [tilespmem:s6+$0xFFFFFC20];
	[tilespmem:s0+$0x30] =	vst v4;
	v4 =	vadd.f32 v6, v3  }
0x587: {  	v6 =	vld [tilespmem:s6+$0xFFFFFC30];
	[tilespmem:s0+$0x40] =	vst v5;
	v5 =	vadd.f32 v7, v3  }
0x588: {  	v7 =	vld [tilespmem:s6+$0xFFFFFC40];
	v8 =	vadd.f32 v8, v3;
	[tilespmem:s0+$0x50] =	vst v4  }
0x589: {  	v4 =	vld [tilespmem:s6+$0xFFFFFC50];
	v11 =	vadd.f32 v11, v3;
	[tilespmem:s0+$0x60] =	vst v5  }
0x58a: {  	v5 =	vadd.f32 v9, v3;
	v9 =	vld [tilespmem:s6+$0xFFFFFC60];
	[tilespmem:s0+$0xFFFFFC00] =	vst v8;
	s0 =	smov.u32 s6  }
0x58b: {  	v8 =	vadd.f32 v10, v3;
	v10 =	vld [tilespmem:s6+$0xFFFFFC70];
	[tilespmem:s6+$0x70] =	vst v11  }
0x58c: {  	[tilespmem:s6+$0xFFFFFC10] =	vst v5;
	v5 =	vadd.f32 v6, v3;
	v6 =	vld [tilespmem:s6+$0x0]  }
0x58d: {  	[tilespmem:s6+$0xFFFFFC20] =	vst v8;
	v7 =	vadd.f32 v7, v3;
	v8 =	vld [tilespmem:s6+$0x10]  }
0x58e: {  	[tilespmem:s6+$0xFFFFFC30] =	vst v5;
	v5 =	vadd.f32 v4, v3;
	v11 =	vld [tilespmem:s6+$0x20]  }
.Ltmp35:
0x58f: {  	[tilespmem:s6+$0xFFFFFC40] =	vst v7;
	v7 =	vadd.f32 v9, v3;
	v4 =	vld [tilespmem:s6+$0x30];
	(pc) =	sbr.rel @p0 .LBB2_72-.Ltmp35, $4  }
0x590: {  	[tilespmem:s6+$0xFFFFFC50] =	vst v5;
	v9 =	vadd.f32 v10, v3;
	v5 =	vld [tilespmem:s6+$0x40]  }
0x591: {  	[tilespmem:s6+$0xFFFFFC60] =	vst v7;
	v10 =	vadd.f32 v6, v3;
	v6 =	vld [tilespmem:s6+$0x50]  }
0x592: {  	[tilespmem:s6+$0xFFFFFC70] =	vst v9;
	v9 =	vadd.f32 v8, v3;
	v7 =	vld [tilespmem:s6+$0x60]  }
0x593: {  	s6 =	sadd.s32 $0x800, s6;
	v8 =	vld [tilespmem:s0+$0xFFFFFC00];
	[tilespmem:s0+$0x0] =	vst v10;
	v10 =	vadd.f32 v11, v3  }
0x594: {  	[tilespmem:s0+$0x10] =	vst v9;
	v4 =	vadd.f32 v4, v3  }
0x595: {  	[tilespmem:s0+$0x20] =	vst v10;
	v5 =	vadd.f32 v5, v3  }
0x596: {  	[tilespmem:s0+$0x30] =	vst v4;
	v4 =	vadd.f32 v6, v3  }
0x597: {  	[tilespmem:s0+$0x40] =	vst v5;
	v5 =	vadd.f32 v7, v3  }
0x598: {  	v3 =	vadd.f32 v8, v3;
	[tilespmem:s0+$0x50] =	vst v4  }
0x599: {  	[tilespmem:s0+$0x60] =	vst v5  }
0x59a: {  	[tilespmem:s0+$0xFFFFFC00] =	vst v3;
	s0 =	simm.s32 $0xB800  }
0x59b: {  	v4 =	vld [tilespmem:s0+$0x70]  }
0x59c: {  	v5 =	vld [tilespmem:s0+$0xFFFFFC10]  }
0x59d: {  	v6 =	vld [tilespmem:s0+$0xFFFFFC20]  }
0x59e: {  	v3 =	vbroadcast v2, $0x3;
	v7 =	vld [tilespmem:s0+$0xFFFFFC30]  }
0x59f: {  	v8 =	vld [tilespmem:s0+$0xFFFFFC40]  }
0x5a0: {  	v9 =	vld [tilespmem:s0+$0xFFFFFC50];
	v4 =	vadd.f32 v4, v3  }
0x5a1: {  	v10 =	vld [tilespmem:s0+$0xFFFFFC60];
	v5 =	vadd.f32 v5, v3  }
0x5a2: {  	v11 =	vld [tilespmem:s0+$0xFFFFFC70];
	v6 =	vadd.f32 v6, v3;
	[tilespmem:s0+$0x70] =	vst v4  }
0x5a3: {  	[tilespmem:s0+$0xFFFFFC10] =	vst v5;
	v4 =	vadd.f32 v7, v3;
	v7 =	vld [tilespmem:s0+$0x0]  }
0x5a4: {  	[tilespmem:s0+$0xFFFFFC20] =	vst v6;
	v5 =	vadd.f32 v8, v3;
	v8 =	vld [tilespmem:s0+$0x10]  }
0x5a5: {  	v12 =	vld [tilespmem:s0+$0x20];
	v6 =	vadd.f32 v9, v3;
	[tilespmem:s0+$0xFFFFFC30] =	vst v4  }
0x5a6: {  	v9 =	vadd.f32 v10, v3;
	[tilespmem:s0+$0xFFFFFC40] =	vst v5;
	v4 =	vld [tilespmem:s0+$0x30]  }
0x5a7: {  	v10 =	vadd.f32 v11, v3;
	[tilespmem:s0+$0xFFFFFC50] =	vst v6;
	v5 =	vld [tilespmem:s0+$0x40]  }
0x5a8: {  	[tilespmem:s0+$0xFFFFFC60] =	vst v9;
	v6 =	vld [tilespmem:s0+$0x50];
	v11 =	vadd.f32 v7, v3  }
0x5a9: {  	[tilespmem:s0+$0xFFFFFC70] =	vst v10;
	v7 =	vld [tilespmem:s0+$0x60];
	v9 =	vadd.f32 v8, v3  }
0x5aa: {  	s2 =	simm.s32 $0x0;
	s6 =	simm.s32 $0xC000;
	v10 =	vadd.f32 v12, v3;
	v8 =	vld [tilespmem:s0+$0xFFFFFC00];
	[tilespmem:s0+$0x0] =	vst v11  }
.LBB2_74:
0x5ab: {  	v11 =	vld [tilespmem:s6+$0x70];
	s2 =	sadd.s32 $0x100, s2;
	[tilespmem:s0+$0x10] =	vst v9;
	v4 =	vadd.f32 v4, v3  }
0x5ac: {  	v9 =	vld [tilespmem:s6+$0xFFFFFC10];
	p0 =	slt.u32 s2, $0xF00;
	[tilespmem:s0+$0x20] =	vst v10;
	v5 =	vadd.f32 v5, v3  }
0x5ad: {  	v10 =	vld [tilespmem:s6+$0xFFFFFC20];
	[tilespmem:s0+$0x30] =	vst v4;
	v4 =	vadd.f32 v6, v3  }
0x5ae: {  	v6 =	vld [tilespmem:s6+$0xFFFFFC30];
	[tilespmem:s0+$0x40] =	vst v5;
	v5 =	vadd.f32 v7, v3  }
0x5af: {  	v7 =	vld [tilespmem:s6+$0xFFFFFC40];
	v8 =	vadd.f32 v8, v3;
	[tilespmem:s0+$0x50] =	vst v4  }
0x5b0: {  	v4 =	vld [tilespmem:s6+$0xFFFFFC50];
	v11 =	vadd.f32 v11, v3;
	[tilespmem:s0+$0x60] =	vst v5  }
0x5b1: {  	v5 =	vadd.f32 v9, v3;
	v9 =	vld [tilespmem:s6+$0xFFFFFC60];
	[tilespmem:s0+$0xFFFFFC00] =	vst v8;
	s0 =	smov.u32 s6  }
0x5b2: {  	v8 =	vadd.f32 v10, v3;
	v10 =	vld [tilespmem:s6+$0xFFFFFC70];
	[tilespmem:s6+$0x70] =	vst v11  }
0x5b3: {  	[tilespmem:s6+$0xFFFFFC10] =	vst v5;
	v5 =	vadd.f32 v6, v3;
	v6 =	vld [tilespmem:s6+$0x0]  }
0x5b4: {  	[tilespmem:s6+$0xFFFFFC20] =	vst v8;
	v7 =	vadd.f32 v7, v3;
	v8 =	vld [tilespmem:s6+$0x10]  }
0x5b5: {  	[tilespmem:s6+$0xFFFFFC30] =	vst v5;
	v5 =	vadd.f32 v4, v3;
	v11 =	vld [tilespmem:s6+$0x20]  }
.Ltmp36:
0x5b6: {  	[tilespmem:s6+$0xFFFFFC40] =	vst v7;
	v7 =	vadd.f32 v9, v3;
	v4 =	vld [tilespmem:s6+$0x30];
	(pc) =	sbr.rel @p0 .LBB2_74-.Ltmp36, $4  }
0x5b7: {  	[tilespmem:s6+$0xFFFFFC50] =	vst v5;
	v9 =	vadd.f32 v10, v3;
	v5 =	vld [tilespmem:s6+$0x40]  }
0x5b8: {  	[tilespmem:s6+$0xFFFFFC60] =	vst v7;
	v10 =	vadd.f32 v6, v3;
	v6 =	vld [tilespmem:s6+$0x50]  }
0x5b9: {  	[tilespmem:s6+$0xFFFFFC70] =	vst v9;
	v9 =	vadd.f32 v8, v3;
	v7 =	vld [tilespmem:s6+$0x60]  }
0x5ba: {  	s6 =	sadd.s32 $0x800, s6;
	v8 =	vld [tilespmem:s0+$0xFFFFFC00];
	[tilespmem:s0+$0x0] =	vst v10;
	v10 =	vadd.f32 v11, v3  }
0x5bb: {  	[tilespmem:s0+$0x10] =	vst v9;
	v4 =	vadd.f32 v4, v3  }
0x5bc: {  	[tilespmem:s0+$0x20] =	vst v10;
	v5 =	vadd.f32 v5, v3  }
0x5bd: {  	[tilespmem:s0+$0x30] =	vst v4;
	v4 =	vadd.f32 v6, v3  }
0x5be: {  	[tilespmem:s0+$0x40] =	vst v5;
	v5 =	vadd.f32 v7, v3  }
0x5bf: {  	v3 =	vadd.f32 v8, v3;
	[tilespmem:s0+$0x50] =	vst v4  }
0x5c0: {  	[tilespmem:s0+$0x60] =	vst v5  }
0x5c1: {  	[tilespmem:s0+$0xFFFFFC00] =	vst v3;
	s0 =	simm.s32 $0xB880  }
0x5c2: {  	v4 =	vld [tilespmem:s0+$0x70]  }
0x5c3: {  	v5 =	vld [tilespmem:s0+$0xFFFFFC10]  }
0x5c4: {  	v6 =	vld [tilespmem:s0+$0xFFFFFC20]  }
0x5c5: {  	v3 =	vbroadcast v2, $0x4;
	v7 =	vld [tilespmem:s0+$0xFFFFFC30]  }
0x5c6: {  	v8 =	vld [tilespmem:s0+$0xFFFFFC40]  }
0x5c7: {  	v9 =	vld [tilespmem:s0+$0xFFFFFC50];
	v4 =	vadd.f32 v4, v3  }
0x5c8: {  	v10 =	vld [tilespmem:s0+$0xFFFFFC60];
	v5 =	vadd.f32 v5, v3  }
0x5c9: {  	v11 =	vld [tilespmem:s0+$0xFFFFFC70];
	v6 =	vadd.f32 v6, v3;
	[tilespmem:s0+$0x70] =	vst v4  }
0x5ca: {  	[tilespmem:s0+$0xFFFFFC10] =	vst v5;
	v4 =	vadd.f32 v7, v3;
	v7 =	vld [tilespmem:s0+$0x0]  }
0x5cb: {  	[tilespmem:s0+$0xFFFFFC20] =	vst v6;
	v5 =	vadd.f32 v8, v3;
	v8 =	vld [tilespmem:s0+$0x10]  }
0x5cc: {  	v12 =	vld [tilespmem:s0+$0x20];
	v6 =	vadd.f32 v9, v3;
	[tilespmem:s0+$0xFFFFFC30] =	vst v4  }
0x5cd: {  	v9 =	vadd.f32 v10, v3;
	[tilespmem:s0+$0xFFFFFC40] =	vst v5;
	v4 =	vld [tilespmem:s0+$0x30]  }
0x5ce: {  	v10 =	vadd.f32 v11, v3;
	[tilespmem:s0+$0xFFFFFC50] =	vst v6;
	v5 =	vld [tilespmem:s0+$0x40]  }
0x5cf: {  	[tilespmem:s0+$0xFFFFFC60] =	vst v9;
	v6 =	vld [tilespmem:s0+$0x50];
	v11 =	vadd.f32 v7, v3  }
0x5d0: {  	[tilespmem:s0+$0xFFFFFC70] =	vst v10;
	v7 =	vld [tilespmem:s0+$0x60];
	v9 =	vadd.f32 v8, v3  }
0x5d1: {  	s2 =	simm.s32 $0x0;
	s6 =	simm.s32 $0xC080;
	v10 =	vadd.f32 v12, v3;
	v8 =	vld [tilespmem:s0+$0xFFFFFC00];
	[tilespmem:s0+$0x0] =	vst v11  }
.LBB2_76:
0x5d2: {  	v11 =	vld [tilespmem:s6+$0x70];
	s2 =	sadd.s32 $0x100, s2;
	[tilespmem:s0+$0x10] =	vst v9;
	v4 =	vadd.f32 v4, v3  }
0x5d3: {  	v9 =	vld [tilespmem:s6+$0xFFFFFC10];
	p0 =	slt.u32 s2, $0xF00;
	[tilespmem:s0+$0x20] =	vst v10;
	v5 =	vadd.f32 v5, v3  }
0x5d4: {  	v10 =	vld [tilespmem:s6+$0xFFFFFC20];
	[tilespmem:s0+$0x30] =	vst v4;
	v4 =	vadd.f32 v6, v3  }
0x5d5: {  	v6 =	vld [tilespmem:s6+$0xFFFFFC30];
	[tilespmem:s0+$0x40] =	vst v5;
	v5 =	vadd.f32 v7, v3  }
0x5d6: {  	v7 =	vld [tilespmem:s6+$0xFFFFFC40];
	v8 =	vadd.f32 v8, v3;
	[tilespmem:s0+$0x50] =	vst v4  }
0x5d7: {  	v4 =	vld [tilespmem:s6+$0xFFFFFC50];
	v11 =	vadd.f32 v11, v3;
	[tilespmem:s0+$0x60] =	vst v5  }
0x5d8: {  	v5 =	vadd.f32 v9, v3;
	v9 =	vld [tilespmem:s6+$0xFFFFFC60];
	[tilespmem:s0+$0xFFFFFC00] =	vst v8;
	s0 =	smov.u32 s6  }
0x5d9: {  	v8 =	vadd.f32 v10, v3;
	v10 =	vld [tilespmem:s6+$0xFFFFFC70];
	[tilespmem:s6+$0x70] =	vst v11  }
0x5da: {  	[tilespmem:s6+$0xFFFFFC10] =	vst v5;
	v5 =	vadd.f32 v6, v3;
	v6 =	vld [tilespmem:s6+$0x0]  }
0x5db: {  	[tilespmem:s6+$0xFFFFFC20] =	vst v8;
	v7 =	vadd.f32 v7, v3;
	v8 =	vld [tilespmem:s6+$0x10]  }
0x5dc: {  	[tilespmem:s6+$0xFFFFFC30] =	vst v5;
	v5 =	vadd.f32 v4, v3;
	v11 =	vld [tilespmem:s6+$0x20]  }
.Ltmp37:
0x5dd: {  	[tilespmem:s6+$0xFFFFFC40] =	vst v7;
	v7 =	vadd.f32 v9, v3;
	v4 =	vld [tilespmem:s6+$0x30];
	(pc) =	sbr.rel @p0 .LBB2_76-.Ltmp37, $4  }
0x5de: {  	[tilespmem:s6+$0xFFFFFC50] =	vst v5;
	v9 =	vadd.f32 v10, v3;
	v5 =	vld [tilespmem:s6+$0x40]  }
0x5df: {  	[tilespmem:s6+$0xFFFFFC60] =	vst v7;
	v10 =	vadd.f32 v6, v3;
	v6 =	vld [tilespmem:s6+$0x50]  }
0x5e0: {  	[tilespmem:s6+$0xFFFFFC70] =	vst v9;
	v9 =	vadd.f32 v8, v3;
	v7 =	vld [tilespmem:s6+$0x60]  }
0x5e1: {  	s6 =	sadd.s32 $0x800, s6;
	v8 =	vld [tilespmem:s0+$0xFFFFFC00];
	[tilespmem:s0+$0x0] =	vst v10;
	v10 =	vadd.f32 v11, v3  }
0x5e2: {  	[tilespmem:s0+$0x10] =	vst v9;
	v4 =	vadd.f32 v4, v3  }
0x5e3: {  	[tilespmem:s0+$0x20] =	vst v10;
	v5 =	vadd.f32 v5, v3  }
0x5e4: {  	[tilespmem:s0+$0x30] =	vst v4;
	v4 =	vadd.f32 v6, v3  }
0x5e5: {  	[tilespmem:s0+$0x40] =	vst v5;
	v5 =	vadd.f32 v7, v3  }
0x5e6: {  	v3 =	vadd.f32 v8, v3;
	[tilespmem:s0+$0x50] =	vst v4  }
0x5e7: {  	[tilespmem:s0+$0x60] =	vst v5  }
0x5e8: {  	[tilespmem:s0+$0xFFFFFC00] =	vst v3;
	s0 =	simm.s32 $0xB900  }
0x5e9: {  	v4 =	vld [tilespmem:s0+$0x70]  }
0x5ea: {  	v5 =	vld [tilespmem:s0+$0xFFFFFC10]  }
0x5eb: {  	v6 =	vld [tilespmem:s0+$0xFFFFFC20]  }
0x5ec: {  	v3 =	vbroadcast v2, $0x5;
	v7 =	vld [tilespmem:s0+$0xFFFFFC30]  }
0x5ed: {  	v8 =	vld [tilespmem:s0+$0xFFFFFC40]  }
0x5ee: {  	v9 =	vld [tilespmem:s0+$0xFFFFFC50];
	v4 =	vadd.f32 v4, v3  }
0x5ef: {  	v10 =	vld [tilespmem:s0+$0xFFFFFC60];
	v5 =	vadd.f32 v5, v3  }
0x5f0: {  	v11 =	vld [tilespmem:s0+$0xFFFFFC70];
	v6 =	vadd.f32 v6, v3;
	[tilespmem:s0+$0x70] =	vst v4  }
0x5f1: {  	[tilespmem:s0+$0xFFFFFC10] =	vst v5;
	v4 =	vadd.f32 v7, v3;
	v7 =	vld [tilespmem:s0+$0x0]  }
0x5f2: {  	[tilespmem:s0+$0xFFFFFC20] =	vst v6;
	v5 =	vadd.f32 v8, v3;
	v8 =	vld [tilespmem:s0+$0x10]  }
0x5f3: {  	v12 =	vld [tilespmem:s0+$0x20];
	v6 =	vadd.f32 v9, v3;
	[tilespmem:s0+$0xFFFFFC30] =	vst v4  }
0x5f4: {  	v9 =	vadd.f32 v10, v3;
	[tilespmem:s0+$0xFFFFFC40] =	vst v5;
	v4 =	vld [tilespmem:s0+$0x30]  }
0x5f5: {  	v10 =	vadd.f32 v11, v3;
	[tilespmem:s0+$0xFFFFFC50] =	vst v6;
	v5 =	vld [tilespmem:s0+$0x40]  }
0x5f6: {  	[tilespmem:s0+$0xFFFFFC60] =	vst v9;
	v6 =	vld [tilespmem:s0+$0x50];
	v11 =	vadd.f32 v7, v3  }
0x5f7: {  	[tilespmem:s0+$0xFFFFFC70] =	vst v10;
	v7 =	vld [tilespmem:s0+$0x60];
	v9 =	vadd.f32 v8, v3  }
0x5f8: {  	s2 =	simm.s32 $0x0;
	s6 =	simm.s32 $0xC100;
	v10 =	vadd.f32 v12, v3;
	v8 =	vld [tilespmem:s0+$0xFFFFFC00];
	[tilespmem:s0+$0x0] =	vst v11  }
.LBB2_78:
0x5f9: {  	v11 =	vld [tilespmem:s6+$0x70];
	s2 =	sadd.s32 $0x100, s2;
	[tilespmem:s0+$0x10] =	vst v9;
	v4 =	vadd.f32 v4, v3  }
0x5fa: {  	v9 =	vld [tilespmem:s6+$0xFFFFFC10];
	p0 =	slt.u32 s2, $0xF00;
	[tilespmem:s0+$0x20] =	vst v10;
	v5 =	vadd.f32 v5, v3  }
0x5fb: {  	v10 =	vld [tilespmem:s6+$0xFFFFFC20];
	[tilespmem:s0+$0x30] =	vst v4;
	v4 =	vadd.f32 v6, v3  }
0x5fc: {  	v6 =	vld [tilespmem:s6+$0xFFFFFC30];
	[tilespmem:s0+$0x40] =	vst v5;
	v5 =	vadd.f32 v7, v3  }
0x5fd: {  	v7 =	vld [tilespmem:s6+$0xFFFFFC40];
	v8 =	vadd.f32 v8, v3;
	[tilespmem:s0+$0x50] =	vst v4  }
0x5fe: {  	v4 =	vld [tilespmem:s6+$0xFFFFFC50];
	v11 =	vadd.f32 v11, v3;
	[tilespmem:s0+$0x60] =	vst v5  }
0x5ff: {  	v5 =	vadd.f32 v9, v3;
	v9 =	vld [tilespmem:s6+$0xFFFFFC60];
	[tilespmem:s0+$0xFFFFFC00] =	vst v8;
	s0 =	smov.u32 s6  }
0x600: {  	v8 =	vadd.f32 v10, v3;
	v10 =	vld [tilespmem:s6+$0xFFFFFC70];
	[tilespmem:s6+$0x70] =	vst v11  }
0x601: {  	[tilespmem:s6+$0xFFFFFC10] =	vst v5;
	v5 =	vadd.f32 v6, v3;
	v6 =	vld [tilespmem:s6+$0x0]  }
0x602: {  	[tilespmem:s6+$0xFFFFFC20] =	vst v8;
	v7 =	vadd.f32 v7, v3;
	v8 =	vld [tilespmem:s6+$0x10]  }
0x603: {  	[tilespmem:s6+$0xFFFFFC30] =	vst v5;
	v5 =	vadd.f32 v4, v3;
	v11 =	vld [tilespmem:s6+$0x20]  }
.Ltmp38:
0x604: {  	[tilespmem:s6+$0xFFFFFC40] =	vst v7;
	v7 =	vadd.f32 v9, v3;
	v4 =	vld [tilespmem:s6+$0x30];
	(pc) =	sbr.rel @p0 .LBB2_78-.Ltmp38, $4  }
0x605: {  	[tilespmem:s6+$0xFFFFFC50] =	vst v5;
	v9 =	vadd.f32 v10, v3;
	v5 =	vld [tilespmem:s6+$0x40]  }
0x606: {  	[tilespmem:s6+$0xFFFFFC60] =	vst v7;
	v10 =	vadd.f32 v6, v3;
	v6 =	vld [tilespmem:s6+$0x50]  }
0x607: {  	[tilespmem:s6+$0xFFFFFC70] =	vst v9;
	v9 =	vadd.f32 v8, v3;
	v7 =	vld [tilespmem:s6+$0x60]  }
0x608: {  	s6 =	sadd.s32 $0x800, s6;
	v8 =	vld [tilespmem:s0+$0xFFFFFC00];
	[tilespmem:s0+$0x0] =	vst v10;
	v10 =	vadd.f32 v11, v3  }
0x609: {  	[tilespmem:s0+$0x10] =	vst v9;
	v4 =	vadd.f32 v4, v3  }
0x60a: {  	[tilespmem:s0+$0x20] =	vst v10;
	v5 =	vadd.f32 v5, v3  }
0x60b: {  	[tilespmem:s0+$0x30] =	vst v4;
	v4 =	vadd.f32 v6, v3  }
0x60c: {  	[tilespmem:s0+$0x40] =	vst v5;
	v5 =	vadd.f32 v7, v3  }
0x60d: {  	v3 =	vadd.f32 v8, v3;
	[tilespmem:s0+$0x50] =	vst v4  }
0x60e: {  	[tilespmem:s0+$0x60] =	vst v5  }
0x60f: {  	[tilespmem:s0+$0xFFFFFC00] =	vst v3;
	s0 =	simm.s32 $0xB980  }
0x610: {  	v4 =	vld [tilespmem:s0+$0x70]  }
0x611: {  	v5 =	vld [tilespmem:s0+$0xFFFFFC10]  }
0x612: {  	v6 =	vld [tilespmem:s0+$0xFFFFFC20]  }
0x613: {  	v3 =	vbroadcast v2, $0x6;
	v7 =	vld [tilespmem:s0+$0xFFFFFC30]  }
0x614: {  	v8 =	vld [tilespmem:s0+$0xFFFFFC40]  }
0x615: {  	v9 =	vld [tilespmem:s0+$0xFFFFFC50];
	v4 =	vadd.f32 v4, v3  }
0x616: {  	v10 =	vld [tilespmem:s0+$0xFFFFFC60];
	v5 =	vadd.f32 v5, v3  }
0x617: {  	v11 =	vld [tilespmem:s0+$0xFFFFFC70];
	v6 =	vadd.f32 v6, v3;
	[tilespmem:s0+$0x70] =	vst v4  }
0x618: {  	[tilespmem:s0+$0xFFFFFC10] =	vst v5;
	v4 =	vadd.f32 v7, v3;
	v7 =	vld [tilespmem:s0+$0x0]  }
0x619: {  	[tilespmem:s0+$0xFFFFFC20] =	vst v6;
	v5 =	vadd.f32 v8, v3;
	v8 =	vld [tilespmem:s0+$0x10]  }
0x61a: {  	v12 =	vld [tilespmem:s0+$0x20];
	v6 =	vadd.f32 v9, v3;
	[tilespmem:s0+$0xFFFFFC30] =	vst v4  }
0x61b: {  	v9 =	vadd.f32 v10, v3;
	[tilespmem:s0+$0xFFFFFC40] =	vst v5;
	v4 =	vld [tilespmem:s0+$0x30]  }
0x61c: {  	v10 =	vadd.f32 v11, v3;
	[tilespmem:s0+$0xFFFFFC50] =	vst v6;
	v5 =	vld [tilespmem:s0+$0x40]  }
0x61d: {  	[tilespmem:s0+$0xFFFFFC60] =	vst v9;
	v6 =	vld [tilespmem:s0+$0x50];
	v11 =	vadd.f32 v7, v3  }
0x61e: {  	[tilespmem:s0+$0xFFFFFC70] =	vst v10;
	v7 =	vld [tilespmem:s0+$0x60];
	v9 =	vadd.f32 v8, v3  }
0x61f: {  	s2 =	simm.s32 $0x0;
	s6 =	simm.s32 $0xC180;
	v10 =	vadd.f32 v12, v3;
	v8 =	vld [tilespmem:s0+$0xFFFFFC00];
	[tilespmem:s0+$0x0] =	vst v11  }
.LBB2_80:
0x620: {  	v11 =	vld [tilespmem:s6+$0x70];
	s2 =	sadd.s32 $0x100, s2;
	[tilespmem:s0+$0x10] =	vst v9;
	v4 =	vadd.f32 v4, v3  }
0x621: {  	v9 =	vld [tilespmem:s6+$0xFFFFFC10];
	p0 =	slt.u32 s2, $0xF00;
	[tilespmem:s0+$0x20] =	vst v10;
	v5 =	vadd.f32 v5, v3  }
0x622: {  	v10 =	vld [tilespmem:s6+$0xFFFFFC20];
	[tilespmem:s0+$0x30] =	vst v4;
	v4 =	vadd.f32 v6, v3  }
0x623: {  	v6 =	vld [tilespmem:s6+$0xFFFFFC30];
	[tilespmem:s0+$0x40] =	vst v5;
	v5 =	vadd.f32 v7, v3  }
0x624: {  	v7 =	vld [tilespmem:s6+$0xFFFFFC40];
	v8 =	vadd.f32 v8, v3;
	[tilespmem:s0+$0x50] =	vst v4  }
0x625: {  	v4 =	vld [tilespmem:s6+$0xFFFFFC50];
	v11 =	vadd.f32 v11, v3;
	[tilespmem:s0+$0x60] =	vst v5  }
0x626: {  	v5 =	vadd.f32 v9, v3;
	v9 =	vld [tilespmem:s6+$0xFFFFFC60];
	[tilespmem:s0+$0xFFFFFC00] =	vst v8;
	s0 =	smov.u32 s6  }
0x627: {  	v8 =	vadd.f32 v10, v3;
	v10 =	vld [tilespmem:s6+$0xFFFFFC70];
	[tilespmem:s6+$0x70] =	vst v11  }
0x628: {  	[tilespmem:s6+$0xFFFFFC10] =	vst v5;
	v5 =	vadd.f32 v6, v3;
	v6 =	vld [tilespmem:s6+$0x0]  }
0x629: {  	[tilespmem:s6+$0xFFFFFC20] =	vst v8;
	v7 =	vadd.f32 v7, v3;
	v8 =	vld [tilespmem:s6+$0x10]  }
0x62a: {  	[tilespmem:s6+$0xFFFFFC30] =	vst v5;
	v5 =	vadd.f32 v4, v3;
	v11 =	vld [tilespmem:s6+$0x20]  }
.Ltmp39:
0x62b: {  	[tilespmem:s6+$0xFFFFFC40] =	vst v7;
	v7 =	vadd.f32 v9, v3;
	v4 =	vld [tilespmem:s6+$0x30];
	(pc) =	sbr.rel @p0 .LBB2_80-.Ltmp39, $4  }
0x62c: {  	[tilespmem:s6+$0xFFFFFC50] =	vst v5;
	v9 =	vadd.f32 v10, v3;
	v5 =	vld [tilespmem:s6+$0x40]  }
0x62d: {  	[tilespmem:s6+$0xFFFFFC60] =	vst v7;
	v10 =	vadd.f32 v6, v3;
	v6 =	vld [tilespmem:s6+$0x50]  }
0x62e: {  	[tilespmem:s6+$0xFFFFFC70] =	vst v9;
	v9 =	vadd.f32 v8, v3;
	v7 =	vld [tilespmem:s6+$0x60]  }
0x62f: {  	s6 =	sadd.s32 $0x800, s6;
	v8 =	vld [tilespmem:s0+$0xFFFFFC00];
	[tilespmem:s0+$0x0] =	vst v10;
	v10 =	vadd.f32 v11, v3  }
0x630: {  	[tilespmem:s0+$0x10] =	vst v9;
	v4 =	vadd.f32 v4, v3  }
0x631: {  	[tilespmem:s0+$0x20] =	vst v10;
	v5 =	vadd.f32 v5, v3  }
0x632: {  	[tilespmem:s0+$0x30] =	vst v4;
	v4 =	vadd.f32 v6, v3  }
0x633: {  	[tilespmem:s0+$0x40] =	vst v5;
	v5 =	vadd.f32 v7, v3  }
0x634: {  	v3 =	vadd.f32 v8, v3;
	[tilespmem:s0+$0x50] =	vst v4  }
0x635: {  	[tilespmem:s0+$0x60] =	vst v5  }
0x636: {  	[tilespmem:s0+$0xFFFFFC00] =	vst v3;
	s0 =	simm.s32 $0xBA00  }
0x637: {  	v3 =	vld [tilespmem:s0+$0x70]  }
0x638: {  	v4 =	vld [tilespmem:s0+$0xFFFFFC10]  }
0x639: {  	v5 =	vld [tilespmem:s0+$0xFFFFFC20]  }
0x63a: {  	v2 =	vbroadcast v2, $0x7;
	v6 =	vld [tilespmem:s0+$0xFFFFFC30]  }
0x63b: {  	v7 =	vld [tilespmem:s0+$0xFFFFFC40]  }
0x63c: {  	v8 =	vld [tilespmem:s0+$0xFFFFFC50];
	v3 =	vadd.f32 v3, v2  }
0x63d: {  	v9 =	vld [tilespmem:s0+$0xFFFFFC60];
	v4 =	vadd.f32 v4, v2  }
0x63e: {  	v10 =	vld [tilespmem:s0+$0xFFFFFC70];
	v5 =	vadd.f32 v5, v2;
	[tilespmem:s0+$0x70] =	vst v3  }
0x63f: {  	[tilespmem:s0+$0xFFFFFC10] =	vst v4;
	v3 =	vadd.f32 v6, v2;
	v6 =	vld [tilespmem:s0+$0x0]  }
0x640: {  	[tilespmem:s0+$0xFFFFFC20] =	vst v5;
	v4 =	vadd.f32 v7, v2;
	v7 =	vld [tilespmem:s0+$0x10]  }
0x641: {  	v11 =	vld [tilespmem:s0+$0x20];
	v5 =	vadd.f32 v8, v2;
	[tilespmem:s0+$0xFFFFFC30] =	vst v3  }
0x642: {  	v8 =	vadd.f32 v9, v2;
	[tilespmem:s0+$0xFFFFFC40] =	vst v4;
	v3 =	vld [tilespmem:s0+$0x30]  }
0x643: {  	v9 =	vadd.f32 v10, v2;
	[tilespmem:s0+$0xFFFFFC50] =	vst v5;
	v4 =	vld [tilespmem:s0+$0x40]  }
0x644: {  	[tilespmem:s0+$0xFFFFFC60] =	vst v8;
	v5 =	vld [tilespmem:s0+$0x50];
	v10 =	vadd.f32 v6, v2  }
0x645: {  	[tilespmem:s0+$0xFFFFFC70] =	vst v9;
	v6 =	vld [tilespmem:s0+$0x60];
	v8 =	vadd.f32 v7, v2  }
0x646: {  	s2 =	simm.s32 $0x0;
	s6 =	simm.s32 $0xC200;
	v9 =	vadd.f32 v11, v2;
	v7 =	vld [tilespmem:s0+$0xFFFFFC00];
	[tilespmem:s0+$0x0] =	vst v10  }
.LBB2_82:
0x647: {  	v10 =	vld [tilespmem:s6+$0x70];
	s2 =	sadd.s32 $0x100, s2;
	[tilespmem:s0+$0x10] =	vst v8;
	v3 =	vadd.f32 v3, v2  }
0x648: {  	v8 =	vld [tilespmem:s6+$0xFFFFFC10];
	p0 =	slt.u32 s2, $0xF00;
	[tilespmem:s0+$0x20] =	vst v9;
	v4 =	vadd.f32 v4, v2  }
0x649: {  	v9 =	vld [tilespmem:s6+$0xFFFFFC20];
	[tilespmem:s0+$0x30] =	vst v3;
	v3 =	vadd.f32 v5, v2  }
0x64a: {  	v5 =	vld [tilespmem:s6+$0xFFFFFC30];
	[tilespmem:s0+$0x40] =	vst v4;
	v4 =	vadd.f32 v6, v2  }
0x64b: {  	v6 =	vld [tilespmem:s6+$0xFFFFFC40];
	v7 =	vadd.f32 v7, v2;
	[tilespmem:s0+$0x50] =	vst v3  }
0x64c: {  	v3 =	vld [tilespmem:s6+$0xFFFFFC50];
	v10 =	vadd.f32 v10, v2;
	[tilespmem:s0+$0x60] =	vst v4  }
0x64d: {  	v4 =	vadd.f32 v8, v2;
	v8 =	vld [tilespmem:s6+$0xFFFFFC60];
	[tilespmem:s0+$0xFFFFFC00] =	vst v7;
	s0 =	smov.u32 s6  }
0x64e: {  	v7 =	vadd.f32 v9, v2;
	v9 =	vld [tilespmem:s6+$0xFFFFFC70];
	[tilespmem:s6+$0x70] =	vst v10  }
0x64f: {  	[tilespmem:s6+$0xFFFFFC10] =	vst v4;
	v4 =	vadd.f32 v5, v2;
	v5 =	vld [tilespmem:s6+$0x0]  }
0x650: {  	[tilespmem:s6+$0xFFFFFC20] =	vst v7;
	v6 =	vadd.f32 v6, v2;
	v7 =	vld [tilespmem:s6+$0x10]  }
0x651: {  	[tilespmem:s6+$0xFFFFFC30] =	vst v4;
	v4 =	vadd.f32 v3, v2;
	v10 =	vld [tilespmem:s6+$0x20]  }
.Ltmp40:
0x652: {  	[tilespmem:s6+$0xFFFFFC40] =	vst v6;
	v6 =	vadd.f32 v8, v2;
	v3 =	vld [tilespmem:s6+$0x30];
	(pc) =	sbr.rel @p0 .LBB2_82-.Ltmp40, $4  }
0x653: {  	[tilespmem:s6+$0xFFFFFC50] =	vst v4;
	v8 =	vadd.f32 v9, v2;
	v4 =	vld [tilespmem:s6+$0x40]  }
0x654: {  	[tilespmem:s6+$0xFFFFFC60] =	vst v6;
	v9 =	vadd.f32 v5, v2;
	v5 =	vld [tilespmem:s6+$0x50]  }
0x655: {  	[tilespmem:s6+$0xFFFFFC70] =	vst v8;
	v8 =	vadd.f32 v7, v2;
	v6 =	vld [tilespmem:s6+$0x60]  }
0x656: {  	s6 =	sadd.s32 $0x800, s6;
	v7 =	vld [tilespmem:s0+$0xFFFFFC00];
	[tilespmem:s0+$0x0] =	vst v9;
	v9 =	vadd.f32 v10, v2  }
0x657: {  	[tilespmem:s0+$0x10] =	vst v8;
	v3 =	vadd.f32 v3, v2  }
0x658: {  	[tilespmem:s0+$0x20] =	vst v9;
	v4 =	vadd.f32 v4, v2  }
0x659: {  	[tilespmem:s0+$0x30] =	vst v3;
	v3 =	vadd.f32 v5, v2  }
0x65a: {  	[tilespmem:s0+$0x40] =	vst v4;
	v63 =	vadd.f32 v6, v2  }
0x65b: {  	v2 =	vadd.f32 v7, v2;
	[tilespmem:s0+$0x50] =	vst v3  }
0x65c: {  	[tilespmem:s0+$0x60] =	vst v63  }
0x65d: {  	[tilespmem:s0+$0xFFFFFC00] =	vst v2  }
0x65e: {  	[hbm4b:s15+s4] =	stream.linear.scatter [tilespmem:s19], [sflag:$0x5], $0x8000, $0x38;
	[tilespmem:$0x1B280] =	vst v63  }
0x65f: {  	_ =	swait.ge [sflag:s26], $0x8000  }
0x660: {  	[sflag:s26] =	ssyncset.done $0x0  }
0x661: {  	s28 =	sadd.s32 $0x1, s28;
	[sflag:s26] =	ssyncadd.s32 $0xFFFF8000  }
0x662: {  	p0 =	sne.s32 s28, s16;
	_ =	swait.ge [sflag:s23], $0x8000  }
.Ltmp41:
0x663: {  	[sflag:s23] =	ssyncset.done $0x0;
	(pc) =	sbr.rel @p0 .LBB2_1-.Ltmp41, $4  }
0x664: {  	[sflag:s23] =	ssyncadd.s32 $0xFFFF8000  }
0x665: {  	_ =	swait.ge [sflag:s25], $0x8000  }
0x666: {  	[sflag:s25] =	ssyncset.done $0x0  }
0x667: {  	[sflag:s25] =	ssyncadd.s32 $0xFFFF8000  }
0x668: {  	_ =	sfence.sel $0x180000  }
0x669: {  	[bflag:$0x0] =	sbarrier.arrive $0xFFFF  }
0x66a: {  	_ =	strace $0x90000047  }
0x66b: {  	s0 =	stileid.u32;
	[bflag:$0x2] =	sbarrier.arrive $0xFFFF  }
0x66c: {  	p0 =	sne.s32 s0, $0x0;
	s0 =	rddreg [dreg:$0x3]  }
0x66d: {  	s0 =	sadd.s32 @!p0 $0x100000, s0  }
0x66e: {  	[sflag:s0] =	ssyncadd.tile.s32 @!p0 $0x1;
	_ =	shalt  }
.Lfunc_end2:
_tile_overlayer_lowered:
.L_overlay_start_2:
0x66f: {  	(tag) =	ssettag $0x2  }
0x670: {  	s0 =	rddreg [dreg:$0x0];
	s2 =	stileid.u32  }
0x671: {  	s1 =	rddreg [dreg:$0x1];
	p0 =	sne.s32 s2, $0x0  }
0x672: {  	s3 =	rddreg [dreg:$0x2];
	[bflag:$0x3] =	sbarrier.arrive $0xFFFF;
	s2 =	simm.s32 @!p0 $0x1C08  }
0x673: {  	[timem:s3], [sflag:s2] =	dma.local @!p0 [hbm:s0], s1  }
0x674: {  	s0 =	simm.s32 @!p0 $0x8  }
0x675: {  	_ =	swait.ge @!p0 [sflag:s0], s1  }
0x676: {  	s1 =	ssub.s32 @!p0 $0x0, s1;
	[sflag:s0] =	ssyncset.done @!p0 $0x0  }
0x677: {  	[sflag:s0] =	ssyncadd.s32 @!p0 s1  }
0x678: {  	[bflag:$0x3] =	sbarrier.arrive $0xFFFF  }
0x679: {  	_ =	shalt  }

</sc_bundles>
